<compile_context>
chip_gen: v7x
topology: tpu7x:2x2x1
jax: 0.10.2.dev20260603
libtpu: 0.0.44.dev20260713+nightly
codegen_flags: <defaults>
</compile_context>

<pallas_src>
import functools

import jax
import jax.numpy as jnp
from jax import lax
from jax.experimental import pallas as pl
from jax.experimental.pallas import tpu as pltpu
from jax.experimental.pallas import tpu_sc as plsc

NUM_L0, NUM_L1, NUM_L2 = 4, 16, 16
P = NUM_L0 + NUM_L1 + NUM_L2 + 1
B, T, D = 64, 256, 128
S = T * P
N = B * S

T_L0_BASE = 0
T_L1_BASE = 16
T_L2_BASE = 80
T_ACT_BASE = 144
T_ROWS = 153
T_PAD = 256
BIAS_PAD = 40

NC, NS = 2, 16
NW = NC * NS
SW = S // NW
NB = 2
NG = B // NB
H1, H2 = 152, 144


def _build_t_body(l0_ref, l1_ref, l2_ref, act_ref, lvl_ref, patch_ref,
                  t_ref, bias_ref):
    t_ref[T_L0_BASE:T_L1_BASE, :] = l0_ref[...]
    t_ref[T_L1_BASE:T_L2_BASE, :] = l1_ref[...]
    t_ref[T_L2_BASE:T_ACT_BASE, :] = l2_ref[...]
    t_ref[T_ACT_BASE:T_ROWS, :] = act_ref[...]
    t_ref[T_ROWS:T_PAD, :] = jnp.zeros((T_PAD - T_ROWS, D), jnp.float32)
    for p in range(NUM_L0):
        bias_ref[p : p + 1, :] = lvl_ref[0:1, :] + patch_ref[p : p + 1, :]
    for j in range(NUM_L1):
        bias_ref[NUM_L0 + j : NUM_L0 + j + 1, :] = (
            lvl_ref[1:2, :] + patch_ref[j : j + 1, :]
        )
    for j in range(NUM_L2):
        bias_ref[20 + j : 21 + j, :] = lvl_ref[2:3, :] + patch_ref[j : j + 1, :]
    bias_ref[36:37, :] = lvl_ref[3:4, :]
    bias_ref[37:BIAS_PAD, :] = jnp.zeros((BIAS_PAD - 37, D), jnp.float32)


def _build_idx_body(t0_ref, t1_ref, t2_ref, act_ref, out_ref):
    out_ref[:, :, 0:NUM_L0] = t0_ref[...] + T_L0_BASE
    out_ref[:, :, NUM_L0 : NUM_L0 + NUM_L1] = t1_ref[...] + T_L1_BASE
    out_ref[:, :, NUM_L0 + NUM_L1 : P - 1] = t2_ref[...] + T_L2_BASE
    out_ref[:, :, P - 1 : P] = act_ref[...] + T_ACT_BASE


def _sc_body(t_hbm, idx_hbm, pos_hbm, bias_hbm, out_hbm, t_sh,
             bias_v, pos_v, idx0, idx1, idx2, idx3, wk0, wk1,
             is0, is1, is2, is3, gsa0, gsb0, gsa1, gsb1,
             ssa0, ssb0, ssa1, ssb1):
    cid = lax.axis_index("c")
    sid = lax.axis_index("s")
    wid = sid * NC + cid
    s0 = wid * SW

    idxs = (idx0, idx1, idx2, idx3)
    works = (wk0, wk1)
    isems = (is0, is1, is2, is3)
    gsems = ((gsa0, gsb0), (gsa1, gsb1))
    ssems = ((ssa0, ssb0), (ssa1, ssb1))
    HALVES = (((0, 128), (128, 24)), ((152, 104), (256, 40)))
    HOFF = (0, H1)
    HLEN = (H1, H2)

    tr = T_PAD // NS
    st0 = pltpu.async_copy(
        t_hbm.at[pl.ds(sid * tr, tr)], t_sh.at[pl.ds(sid * tr, tr)], is0)
    st1 = pltpu.async_copy(pos_hbm.at[pl.ds(s0, SW)], pos_v, is1)
    st2 = pltpu.async_copy(bias_hbm, bias_v, gsa0)
    st0.wait()
    st1.wait()
    st2.wait()
    plsc.subcore_barrier()

    @plsc.parallel_loop(0, SW, 1, unroll=4)
    def _(i):
        m = lax.rem(i, P)
        for v in range(D // 16):
            sl = pl.ds(v * 16, 16)
            pos_v[i, sl] = pos_v[i, sl] + bias_v[m, sl]

    def issue_idx(c, j):
        pltpu.async_copy(idx_hbm.at[pl.ds(c * S + s0, SW)], idxs[j], isems[j])

    def wait_idx(j):
        pltpu.make_async_copy(
            idx_hbm.at[pl.ds(0, SW)], idxs[j], isems[j]).wait()

    def issue_gather_half(b, h, j):
        for (o, n) in HALVES[h]:
            pltpu.async_copy(
                t_sh.at[idxs[j].at[pl.ds(o, n)]],
                works[b].at[pl.ds(o, n)], gsems[b][h])

    def wait_gather_half(b, h, j):
        for (o, n) in HALVES[h]:
            pltpu.make_async_copy(
                t_sh.at[idxs[j].at[pl.ds(o, n)]],
                works[b].at[pl.ds(o, n)], gsems[b][h]).wait()

    def issue_store_half(b, h, c):
        off = c * S + s0 + HOFF[h]
        pltpu.async_copy(
            works[b].at[pl.ds(HOFF[h], HLEN[h])],
            out_hbm.at[pl.ds(off, HLEN[h])], ssems[b][h])

    def wait_store_half(b, h):
        pltpu.make_async_copy(
            works[b].at[pl.ds(HOFF[h], HLEN[h])],
            out_hbm.at[pl.ds(0, HLEN[h])], ssems[b][h]).wait()

    def add_pos(b, lo, hi):
        @plsc.parallel_loop(lo, hi, 1, unroll=4)
        def _(i):
            for v in range(D // 16):
                sl = pl.ds(v * 16, 16)
                works[b][i, sl] = works[b][i, sl] + pos_v[i, sl]

    for c in range(3):
        issue_idx(c, c)
    for b in range(2):
        wait_idx(b)
        issue_gather_half(b, 0, b)
        issue_gather_half(b, 1, b)

    def outer(gg, _):
        for par in range(2):
            g = gg * 2 + par
            c0 = g * NB
            j0 = (2 * par) % 4
            j1 = (2 * par + 1) % 4
            j2 = (2 * par + 2) % 4
            j3 = (2 * par + 3) % 4

            wait_gather_half(0, 0, j0)

            @pl.when(g > 0)
            def _():
                wait_store_half(1, 0)
                wait_idx(j1)
                issue_gather_half(1, 0, j1)

            @pl.when(c0 + 3 < B)
            def _():
                issue_idx(c0 + 3, j3)

            add_pos(0, 0, H1)
            issue_store_half(0, 0, c0)

            wait_gather_half(0, 1, j0)

            @pl.when(g > 0)
            def _():
                wait_store_half(1, 1)
                issue_gather_half(1, 1, j1)

            add_pos(0, H1, SW)
            issue_store_half(0, 1, c0)

            wait_gather_half(1, 0, j1)

            @pl.when(c0 + 2 < B)
            def _():
                wait_store_half(0, 0)
                wait_idx(j2)
                issue_gather_half(0, 0, j2)

            @pl.when(c0 + 4 < B)
            def _():
                issue_idx(c0 + 4, j0)

            add_pos(1, 0, H1)
            issue_store_half(1, 0, c0 + 1)

            wait_gather_half(1, 1, j1)

            @pl.when(c0 + 2 < B)
            def _():
                wait_store_half(0, 1)
                issue_gather_half(0, 1, j2)

            add_pos(1, H1, SW)
            issue_store_half(1, 1, c0 + 1)

        return 0

    lax.fori_loop(0, NG // 2, outer, 0)

    wait_store_half(0, 0)
    wait_store_half(0, 1)
    wait_store_half(1, 0)
    wait_store_half(1, 1)


def _make_sc_gather():
    return pl.kernel(
        _sc_body,
        out_type=jax.ShapeDtypeStruct((N, D), jnp.float32),
        mesh=plsc.VectorSubcoreMesh(
            core_axis_name="c", subcore_axis_name="s",
            num_cores=NC, num_subcores=NS,
        ),
        scratch_types=[
            pltpu.VMEM_SHARED((T_PAD, D), jnp.float32),
            pltpu.VMEM((BIAS_PAD, D), jnp.float32),
            pltpu.VMEM((SW, D), jnp.float32),
        ]
        + [pltpu.VMEM((SW,), jnp.int32) for _ in range(4)]
        + [pltpu.VMEM((SW, D), jnp.float32) for _ in range(NB)]
        + [pltpu.SemaphoreType.DMA for _ in range(12)],
    )


def kernel(tokens_l0, tokens_l1, tokens_l2, actions, l0_embed, l1_embed,
           l2_embed, act_embed, level_embed, patch_embed, pos_embed):
    t_table, bias = pl.pallas_call(
        _build_t_body,
        out_shape=[
            jax.ShapeDtypeStruct((T_PAD, D), jnp.float32),
            jax.ShapeDtypeStruct((BIAS_PAD, D), jnp.float32),
        ],
    )(l0_embed, l1_embed, l2_embed, act_embed, level_embed, patch_embed)

    bb = 8
    idx = pl.pallas_call(
        _build_idx_body,
        grid=(B // bb,),
        in_specs=[
            pl.BlockSpec((bb, T, NUM_L0), lambda i: (i, 0, 0)),
            pl.BlockSpec((bb, T, NUM_L1), lambda i: (i, 0, 0)),
            pl.BlockSpec((bb, T, NUM_L2), lambda i: (i, 0, 0)),
            pl.BlockSpec((bb, T, 1), lambda i: (i, 0, 0)),
        ],
        out_specs=pl.BlockSpec((bb, T, P), lambda i: (i, 0, 0)),
        out_shape=jax.ShapeDtypeStruct((B, T, P), jnp.int32),
    )(
        tokens_l0.astype(jnp.int32),
        tokens_l1.astype(jnp.int32),
        tokens_l2.astype(jnp.int32),
        actions.astype(jnp.int32).reshape(B, T, 1),
    )

    out = _make_sc_gather()(t_table, idx.reshape(N), pos_embed[:S], bias)
    return out.reshape(B, S, D)

# --- scband reference (transcript-rebuilt; emitter-appended) ---
"""Pipeline reference for scband-spatial-hierarchical-world-model-57724360458340 (READ-ONLY COPY).

The authoritative reference and input builder live on the scoring server;
editing this copy changes nothing except your own understanding.
"""

import jax, jax.numpy as jnp
import numpy as np

NUM_L0, NUM_L1, NUM_L2 = 4, 16, 16
P = NUM_L0 + NUM_L1 + NUM_L2 + 1  # 37
B, T, D = 64, 256, 128
MAX_SEQ = T * P  # 9472


def setup_inputs(seed: int = 0) -> dict:
    key = jax.random.key(seed)
    ks = jax.random.split(key, 11)
    s = 0.02
    return {
        "tokens_l0": jax.random.randint(ks[0], (B, T, NUM_L0), 0, 16),
        "tokens_l1": jax.random.randint(ks[1], (B, T, NUM_L1), 0, 64),
        "tokens_l2": jax.random.randint(ks[2], (B, T, NUM_L2), 0, 64),
        "actions": jax.random.randint(ks[3], (B, T), 0, 9),
        "l0_embed": jax.random.normal(ks[4], (16, D), dtype=jnp.float32) * s,
        "l1_embed": jax.random.normal(ks[5], (64, D), dtype=jnp.float32) * s,
        "l2_embed": jax.random.normal(ks[6], (64, D), dtype=jnp.float32) * s,
        "act_embed": jax.random.normal(ks[7], (9, D), dtype=jnp.float32) * s,
        "level_embed": jax.random.normal(ks[8], (4, D), dtype=jnp.float32) * s,
        "patch_embed": jax.random.normal(ks[9], (NUM_L1, D), dtype=jnp.float32) * s,
        "pos_embed": jax.random.normal(ks[10], (MAX_SEQ, D), dtype=jnp.float32) * s,
    }


def reference(tokens_l0, tokens_l1, tokens_l2, actions,
              l0_embed, l1_embed, l2_embed, act_embed,
              level_embed, patch_embed, pos_embed):
    lvl = level_embed  # (4, D)
    # per-level token embedding lookups (gathers) + level-type + patch-position embeds
    e_l0 = jnp.take(l0_embed, tokens_l0, axis=0) + lvl[0] + patch_embed[:NUM_L0]   # (B,T,4,D)
    e_l1 = jnp.take(l1_embed, tokens_l1, axis=0) + lvl[1] + patch_embed[:NUM_L1]   # (B,T,16,D)
    e_l2 = jnp.take(l2_embed, tokens_l2, axis=0) + lvl[2] + patch_embed[:NUM_L2]   # (B,T,16,D)
    e_act = (jnp.take(act_embed, actions, axis=0) + lvl[3])[:, :, None, :]          # (B,T,1,D)
    timestep = jnp.concatenate([e_l0, e_l1, e_l2, e_act], axis=2)                   # (B,T,37,D)
    seq = timestep.reshape(B, T * P, D)
    seq = seq + pos_embed[: T * P]
    return seq

if __name__ == "__main__":
    import jax
    _d = setup_inputs()
    print(jax.jit(kernel)(*tuple(_d.values())))

</pallas_src>

<mosaic_0001>
#map = affine_map<(d0, d1) -> (0, 0)>
#map1 = affine_map<(d0, d1) -> (0)>
module attributes {stable_mosaic.version = 14 : i64} {
  func.func @_sc_body(%arg0: i32, %arg1: i32, %arg2: memref<256x128xf32, #tpu.memory_space<hbm>>, %arg3: memref<606208xi32, #tpu.memory_space<hbm>>, %arg4: memref<9472x128xf32, #tpu.memory_space<hbm>>, %arg5: memref<40x128xf32, #tpu.memory_space<hbm>>, %arg6: memref<606208x128xf32, #tpu.memory_space<hbm>>, %arg7: memref<256x128xf32, #tpu.memory_space<vmem_shared>>, %arg8: memref<40x128xf32, #tpu.memory_space<vmem>>, %arg9: memref<296x128xf32, #tpu.memory_space<vmem>>, %arg10: memref<296xi32, #tpu.memory_space<vmem>>, %arg11: memref<296xi32, #tpu.memory_space<vmem>>, %arg12: memref<296xi32, #tpu.memory_space<vmem>>, %arg13: memref<296xi32, #tpu.memory_space<vmem>>, %arg14: memref<296x128xf32, #tpu.memory_space<vmem>>, %arg15: memref<296x128xf32, #tpu.memory_space<vmem>>, %arg16: memref<!tpu.dma_semaphore, #tpu.memory_space<semaphore_mem>>, %arg17: memref<!tpu.dma_semaphore, #tpu.memory_space<semaphore_mem>>, %arg18: memref<!tpu.dma_semaphore, #tpu.memory_space<semaphore_mem>>, %arg19: memref<!tpu.dma_semaphore, #tpu.memory_space<semaphore_mem>>, %arg20: memref<!tpu.dma_semaphore, #tpu.memory_space<semaphore_mem>>, %arg21: memref<!tpu.dma_semaphore, #tpu.memory_space<semaphore_mem>>, %arg22: memref<!tpu.dma_semaphore, #tpu.memory_space<semaphore_mem>>, %arg23: memref<!tpu.dma_semaphore, #tpu.memory_space<semaphore_mem>>, %arg24: memref<!tpu.dma_semaphore, #tpu.memory_space<semaphore_mem>>, %arg25: memref<!tpu.dma_semaphore, #tpu.memory_space<semaphore_mem>>, %arg26: memref<!tpu.dma_semaphore, #tpu.memory_space<semaphore_mem>>, %arg27: memref<!tpu.dma_semaphore, #tpu.memory_space<semaphore_mem>>) attributes {dimension_semantics = [#tpu.dimension_semantics<core_parallel>, #tpu.dimension_semantics<subcore_parallel>], iteration_bounds = array<i64: 2, 16>, scalar_prefetch = 0 : i64, scratch_operands = 21 : i64, tpu.core_type = #tpu.core_type<sc_vector_subcore>, window_params = [{transform_indices = #map}, {transform_indices = #map1}, {transform_indices = #map}, {transform_indices = #map}, {transform_indices = #map}]} {
    %mul3A = arith.constant 2 : i32
    %mul3A_0 = arith.muli %arg1, %mul3A : i32
    %add3A = arith.addi %mul3A_0, %arg0 : i32
    %mul3A_1 = arith.constant 296 : i32
    %mul3A_2 = arith.muli %add3A, %mul3A_1 : i32
    %mul3A_3 = arith.constant 16 : i32
    %mul3A_4 = arith.muli %arg1, %mul3A_3 : i32
    %mul3A_5 = arith.constant 16 : i32
    %mul3A_6 = arith.muli %arg1, %mul3A_5 : i32
    %dma_start3A = arith.constant 0 : i32
    %dma_start3A_7 = tpu.memref_slice %arg7[%mul3A_6, %dma_start3A] : memref<256x128xf32, #tpu.memory_space<vmem_shared>> -> memref<16x128xf32, #tpu.memory_space<vmem_shared>>
    %dma_start3A_8 = arith.constant 0 : i32
    %dma_start3A_9 = tpu.memref_slice %arg2[%mul3A_4, %dma_start3A_8] : memref<256x128xf32, #tpu.memory_space<hbm>> -> memref<16x128xf32, #tpu.memory_space<hbm>>
    tpu.enqueue_dma source(%dma_start3A_9 : memref<16x128xf32, #tpu.memory_space<hbm>>) target(%dma_start3A_7 : memref<16x128xf32, #tpu.memory_space<vmem_shared>>) target_semaphore(%arg16 : memref<!tpu.dma_semaphore, #tpu.memory_space<semaphore_mem>>)
    %dma_start3A_10 = arith.constant 0 : i32
    %dma_start3A_11 = tpu.memref_slice %arg4[%mul3A_2, %dma_start3A_10] : memref<9472x128xf32, #tpu.memory_space<hbm>> -> memref<296x128xf32, #tpu.memory_space<hbm>>
    %dma_start3A_12 = arith.constant 0 : i32
    %dma_start3A_13 = tpu.memref_slice %arg4[%mul3A_2, %dma_start3A_12] : memref<9472x128xf32, #tpu.memory_space<hbm>> -> memref<296x128xf32, #tpu.memory_space<hbm>>
    tpu.enqueue_dma source(%dma_start3A_13 : memref<296x128xf32, #tpu.memory_space<hbm>>) target(%arg9 : memref<296x128xf32, #tpu.memory_space<vmem>>) target_semaphore(%arg17 : memref<!tpu.dma_semaphore, #tpu.memory_space<semaphore_mem>>)
    tpu.enqueue_dma source(%arg5 : memref<40x128xf32, #tpu.memory_space<hbm>>) target(%arg8 : memref<40x128xf32, #tpu.memory_space<vmem>>) target_semaphore(%arg20 : memref<!tpu.dma_semaphore, #tpu.memory_space<semaphore_mem>>)
    %dma_wait3A = arith.constant 0 : i32
    %dma_wait3A_14 = tpu.memref_slice %arg7[%mul3A_6, %dma_wait3A] : memref<256x128xf32, #tpu.memory_space<vmem_shared>> -> memref<16x128xf32, #tpu.memory_space<vmem_shared>>
    %dma_wait3A_15 = arith.constant 0 : i32
    %dma_wait3A_16 = tpu.memref_slice %arg2[%mul3A_4, %dma_wait3A_15] : memref<256x128xf32, #tpu.memory_space<hbm>> -> memref<16x128xf32, #tpu.memory_space<hbm>>
    tpu.wait_dma2 semaphore(%arg16 : memref<!tpu.dma_semaphore, #tpu.memory_space<semaphore_mem>>) src(%dma_wait3A_16 : memref<16x128xf32, #tpu.memory_space<hbm>>) dst(%dma_wait3A_14 : memref<16x128xf32, #tpu.memory_space<vmem_shared>>)
    %dma_wait3A_17 = arith.constant 0 : i32
    %dma_wait3A_18 = tpu.memref_slice %arg4[%mul3A_2, %dma_wait3A_17] : memref<9472x128xf32, #tpu.memory_space<hbm>> -> memref<296x128xf32, #tpu.memory_space<hbm>>
    %dma_wait3A_19 = arith.constant 0 : i32
    %dma_wait3A_20 = tpu.memref_slice %arg4[%mul3A_2, %dma_wait3A_19] : memref<9472x128xf32, #tpu.memory_space<hbm>> -> memref<296x128xf32, #tpu.memory_space<hbm>>
    tpu.wait_dma2 semaphore(%arg17 : memref<!tpu.dma_semaphore, #tpu.memory_space<semaphore_mem>>) src(%dma_wait3A_20 : memref<296x128xf32, #tpu.memory_space<hbm>>) dst(%arg9 : memref<296x128xf32, #tpu.memory_space<vmem>>)
    tpu.wait_dma2 semaphore(%arg20 : memref<!tpu.dma_semaphore, #tpu.memory_space<semaphore_mem>>) src(%arg5 : memref<40x128xf32, #tpu.memory_space<hbm>>) dst(%arg8 : memref<40x128xf32, #tpu.memory_space<vmem>>)
    %barrier3A = arith.constant 0 : index
    tpu.barrier barrier_id(%barrier3A)
    %parallel_loop3A = arith.constant 0 : i32
    %parallel_loop3A_21 = arith.constant 296 : i32
    %parallel_loop3A_22 = arith.constant 1 : i32
    scf.for %parallel_loop3A_161 = %parallel_loop3A to %parallel_loop3A_21 step %parallel_loop3A_22  : i32 {
      %parallel_loop3A_162 = arith.constant 37 : i32
      %parallel_loop3A_163 = arith.remsi %parallel_loop3A_161, %parallel_loop3A_162 : i32
      %parallel_loop3A_164 = arith.index_cast %parallel_loop3A_161 : i32 to index
      %parallel_loop3A_165 = arith.constant 0 : index
      %parallel_loop3A_166 = tpu.vector_load %arg9[%parallel_loop3A_164, %parallel_loop3A_165] {strides = array<i32>} : memref<296x128xf32, #tpu.memory_space<vmem>>, vector<1x16xf32>,
      %parallel_loop3A_167 = vector.shape_cast %parallel_loop3A_166 : vector<1x16xf32> to vector<16xf32>
      %parallel_loop3A_168 = arith.index_cast %parallel_loop3A_163 : i32 to index
      %parallel_loop3A_169 = arith.constant 0 : index
      %parallel_loop3A_170 = tpu.vector_load %arg8[%parallel_loop3A_168, %parallel_loop3A_169] {strides = array<i32>} : memref<40x128xf32, #tpu.memory_space<vmem>>, vector<1x16xf32>,
      %parallel_loop3A_171 = vector.shape_cast %parallel_loop3A_170 : vector<1x16xf32> to vector<16xf32>
      %parallel_loop3A_172 = arith.addf %parallel_loop3A_167, %parallel_loop3A_171 : vector<16xf32>
      %parallel_loop3A_173 = arith.index_cast %parallel_loop3A_161 : i32 to index
      %parallel_loop3A_174 = arith.constant 0 : index
      %parallel_loop3A_175 = tpu.vector_load %arg9[%parallel_loop3A_173, %parallel_loop3A_174] {strides = array<i32>} : memref<296x128xf32, #tpu.memory_space<vmem>>, vector<1x16xf32>,
      %parallel_loop3A_176 = vector.shape_cast %parallel_loop3A_175 : vector<1x16xf32> to vector<16xf32>
      %parallel_loop3A_177 = vector.shape_cast %parallel_loop3A_172 : vector<16xf32> to vector<1x16xf32>
      tpu.vector_store %arg9[%parallel_loop3A_173, %parallel_loop3A_174], %parallel_loop3A_177 {strides = array<i32>} : memref<296x128xf32, #tpu.memory_space<vmem>>, vector<1x16xf32>,
      %parallel_loop3A_178 = arith.index_cast %parallel_loop3A_161 : i32 to index
      %parallel_loop3A_179 = arith.constant 16 : index
      %parallel_loop3A_180 = tpu.vector_load %arg9[%parallel_loop3A_178, %parallel_loop3A_179] {strides = array<i32>} : memref<296x128xf32, #tpu.memory_space<vmem>>, vector<1x16xf32>,
      %parallel_loop3A_181 = vector.shape_cast %parallel_loop3A_180 : vector<1x16xf32> to vector<16xf32>
      %parallel_loop3A_182 = arith.index_cast %parallel_loop3A_163 : i32 to index
      %parallel_loop3A_183 = arith.constant 16 : index
      %parallel_loop3A_184 = tpu.vector_load %arg8[%parallel_loop3A_182, %parallel_loop3A_183] {strides = array<i32>} : memref<40x128xf32, #tpu.memory_space<vmem>>, vector<1x16xf32>,
      %parallel_loop3A_185 = vector.shape_cast %parallel_loop3A_184 : vector<1x16xf32> to vector<16xf32>
      %parallel_loop3A_186 = arith.addf %parallel_loop3A_181, %parallel_loop3A_185 : vector<16xf32>
      %parallel_loop3A_187 = arith.index_cast %parallel_loop3A_161 : i32 to index
      %parallel_loop3A_188 = arith.constant 16 : index
      %parallel_loop3A_189 = tpu.vector_load %arg9[%parallel_loop3A_187, %parallel_loop3A_188] {strides = array<i32>} : memref<296x128xf32, #tpu.memory_space<vmem>>, vector<1x16xf32>,
      %parallel_loop3A_190 = vector.shape_cast %parallel_loop3A_189 : vector<1x16xf32> to vector<16xf32>
      %parallel_loop3A_191 = vector.shape_cast %parallel_loop3A_186 : vector<16xf32> to vector<1x16xf32>
      tpu.vector_store %arg9[%parallel_loop3A_187, %parallel_loop3A_188], %parallel_loop3A_191 {strides = array<i32>} : memref<296x128xf32, #tpu.memory_space<vmem>>, vector<1x16xf32>,
      %parallel_loop3A_192 = arith.index_cast %parallel_loop3A_161 : i32 to index
      %parallel_loop3A_193 = arith.constant 32 : index
      %parallel_loop3A_194 = tpu.vector_load %arg9[%parallel_loop3A_192, %parallel_loop3A_193] {strides = array<i32>} : memref<296x128xf32, #tpu.memory_space<vmem>>, vector<1x16xf32>,
      %parallel_loop3A_195 = vector.shape_cast %parallel_loop3A_194 : vector<1x16xf32> to vector<16xf32>
      %parallel_loop3A_196 = arith.index_cast %parallel_loop3A_163 : i32 to index
      %parallel_loop3A_197 = arith.constant 32 : index
      %parallel_loop3A_198 = tpu.vector_load %arg8[%parallel_loop3A_196, %parallel_loop3A_197] {strides = array<i32>} : memref<40x128xf32, #tpu.memory_space<vmem>>, vector<1x16xf32>,
      %parallel_loop3A_199 = vector.shape_cast %parallel_loop3A_198 : vector<1x16xf32> to vector<16xf32>
      %parallel_loop3A_200 = arith.addf %parallel_loop3A_195, %parallel_loop3A_199 : vector<16xf32>
      %parallel_loop3A_201 = arith.index_cast %parallel_loop3A_161 : i32 to index
      %parallel_loop3A_202 = arith.constant 32 : index
      %parallel_loop3A_203 = tpu.vector_load %arg9[%parallel_loop3A_201, %parallel_loop3A_202] {strides = array<i32>} : memref<296x128xf32, #tpu.memory_space<vmem>>, vector<1x16xf32>,
      %parallel_loop3A_204 = vector.shape_cast %parallel_loop3A_203 : vector<1x16xf32> to vector<16xf32>
      %parallel_loop3A_205 = vector.shape_cast %parallel_loop3A_200 : vector<16xf32> to vector<1x16xf32>
      tpu.vector_store %arg9[%parallel_loop3A_201, %parallel_loop3A_202], %parallel_loop3A_205 {strides = array<i32>} : memref<296x128xf32, #tpu.memory_space<vmem>>, vector<1x16xf32>,
      %parallel_loop3A_206 = arith.index_cast %parallel_loop3A_161 : i32 to index
      %parallel_loop3A_207 = arith.constant 48 : index
      %parallel_loop3A_208 = tpu.vector_load %arg9[%parallel_loop3A_206, %parallel_loop3A_207] {strides = array<i32>} : memref<296x128xf32, #tpu.memory_space<vmem>>, vector<1x16xf32>,
      %parallel_loop3A_209 = vector.shape_cast %parallel_loop3A_208 : vector<1x16xf32> to vector<16xf32>
      %parallel_loop3A_210 = arith.index_cast %parallel_loop3A_163 : i32 to index
      %parallel_loop3A_211 = arith.constant 48 : index
      %parallel_loop3A_212 = tpu.vector_load %arg8[%parallel_loop3A_210, %parallel_loop3A_211] {strides = array<i32>} : memref<40x128xf32, #tpu.memory_space<vmem>>, vector<1x16xf32>,
      %parallel_loop3A_213 = vector.shape_cast %parallel_loop3A_212 : vector<1x16xf32> to vector<16xf32>
      %parallel_loop3A_214 = arith.addf %parallel_loop3A_209, %parallel_loop3A_213 : vector<16xf32>
      %parallel_loop3A_215 = arith.index_cast %parallel_loop3A_161 : i32 to index
      %parallel_loop3A_216 = arith.constant 48 : index
      %parallel_loop3A_217 = tpu.vector_load %arg9[%parallel_loop3A_215, %parallel_loop3A_216] {strides = array<i32>} : memref<296x128xf32, #tpu.memory_space<vmem>>, vector<1x16xf32>,
      %parallel_loop3A_218 = vector.shape_cast %parallel_loop3A_217 : vector<1x16xf32> to vector<16xf32>
      %parallel_loop3A_219 = vector.shape_cast %parallel_loop3A_214 : vector<16xf32> to vector<1x16xf32>
      tpu.vector_store %arg9[%parallel_loop3A_215, %parallel_loop3A_216], %parallel_loop3A_219 {strides = array<i32>} : memref<296x128xf32, #tpu.memory_space<vmem>>, vector<1x16xf32>,
      %parallel_loop3A_220 = arith.index_cast %parallel_loop3A_161 : i32 to index
      %parallel_loop3A_221 = arith.constant 64 : index
      %parallel_loop3A_222 = tpu.vector_load %arg9[%parallel_loop3A_220, %parallel_loop3A_221] {strides = array<i32>} : memref<296x128xf32, #tpu.memory_space<vmem>>, vector<1x16xf32>,
      %parallel_loop3A_223 = vector.shape_cast %parallel_loop3A_222 : vector<1x16xf32> to vector<16xf32>
      %parallel_loop3A_224 = arith.index_cast %parallel_loop3A_163 : i32 to index
      %parallel_loop3A_225 = arith.constant 64 : index
      %parallel_loop3A_226 = tpu.vector_load %arg8[%parallel_loop3A_224, %parallel_loop3A_225] {strides = array<i32>} : memref<40x128xf32, #tpu.memory_space<vmem>>, vector<1x16xf32>,
      %parallel_loop3A_227 = vector.shape_cast %parallel_loop3A_226 : vector<1x16xf32> to vector<16xf32>
      %parallel_loop3A_228 = arith.addf %parallel_loop3A_223, %parallel_loop3A_227 : vector<16xf32>
      %parallel_loop3A_229 = arith.index_cast %parallel_loop3A_161 : i32 to index
      %parallel_loop3A_230 = arith.constant 64 : index
      %parallel_loop3A_231 = tpu.vector_load %arg9[%parallel_loop3A_229, %parallel_loop3A_230] {strides = array<i32>} : memref<296x128xf32, #tpu.memory_space<vmem>>, vector<1x16xf32>,
      %parallel_loop3A_232 = vector.shape_cast %parallel_loop3A_231 : vector<1x16xf32> to vector<16xf32>
      %parallel_loop3A_233 = vector.shape_cast %parallel_loop3A_228 : vector<16xf32> to vector<1x16xf32>
      tpu.vector_store %arg9[%parallel_loop3A_229, %parallel_loop3A_230], %parallel_loop3A_233 {strides = array<i32>} : memref<296x128xf32, #tpu.memory_space<vmem>>, vector<1x16xf32>,
      %parallel_loop3A_234 = arith.index_cast %parallel_loop3A_161 : i32 to index
      %parallel_loop3A_235 = arith.constant 80 : index
      %parallel_loop3A_236 = tpu.vector_load %arg9[%parallel_loop3A_234, %parallel_loop3A_235] {strides = array<i32>} : memref<296x128xf32, #tpu.memory_space<vmem>>, vector<1x16xf32>,
      %parallel_loop3A_237 = vector.shape_cast %parallel_loop3A_236 : vector<1x16xf32> to vector<16xf32>
      %parallel_loop3A_238 = arith.index_cast %parallel_loop3A_163 : i32 to index
      %parallel_loop3A_239 = arith.constant 80 : index
      %parallel_loop3A_240 = tpu.vector_load %arg8[%parallel_loop3A_238, %parallel_loop3A_239] {strides = array<i32>} : memref<40x128xf32, #tpu.memory_space<vmem>>, vector<1x16xf32>,
      %parallel_loop3A_241 = vector.shape_cast %parallel_loop3A_240 : vector<1x16xf32> to vector<16xf32>
      %parallel_loop3A_242 = arith.addf %parallel_loop3A_237, %parallel_loop3A_241 : vector<16xf32>
      %parallel_loop3A_243 = arith.index_cast %parallel_loop3A_161 : i32 to index
      %parallel_loop3A_244 = arith.constant 80 : index
      %parallel_loop3A_245 = tpu.vector_load %arg9[%parallel_loop3A_243, %parallel_loop3A_244] {strides = array<i32>} : memref<296x128xf32, #tpu.memory_space<vmem>>, vector<1x16xf32>,
      %parallel_loop3A_246 = vector.shape_cast %parallel_loop3A_245 : vector<1x16xf32> to vector<16xf32>
      %parallel_loop3A_247 = vector.shape_cast %parallel_loop3A_242 : vector<16xf32> to vector<1x16xf32>
      tpu.vector_store %arg9[%parallel_loop3A_243, %parallel_loop3A_244], %parallel_loop3A_247 {strides = array<i32>} : memref<296x128xf32, #tpu.memory_space<vmem>>, vector<1x16xf32>,
      %parallel_loop3A_248 = arith.index_cast %parallel_loop3A_161 : i32 to index
      %parallel_loop3A_249 = arith.constant 96 : index
      %parallel_loop3A_250 = tpu.vector_load %arg9[%parallel_loop3A_248, %parallel_loop3A_249] {strides = array<i32>} : memref<296x128xf32, #tpu.memory_space<vmem>>, vector<1x16xf32>,
      %parallel_loop3A_251 = vector.shape_cast %parallel_loop3A_250 : vector<1x16xf32> to vector<16xf32>
      %parallel_loop3A_252 = arith.index_cast %parallel_loop3A_163 : i32 to index
      %parallel_loop3A_253 = arith.constant 96 : index
      %parallel_loop3A_254 = tpu.vector_load %arg8[%parallel_loop3A_252, %parallel_loop3A_253] {strides = array<i32>} : memref<40x128xf32, #tpu.memory_space<vmem>>, vector<1x16xf32>,
      %parallel_loop3A_255 = vector.shape_cast %parallel_loop3A_254 : vector<1x16xf32> to vector<16xf32>
      %parallel_loop3A_256 = arith.addf %parallel_loop3A_251, %parallel_loop3A_255 : vector<16xf32>
      %parallel_loop3A_257 = arith.index_cast %parallel_loop3A_161 : i32 to index
      %parallel_loop3A_258 = arith.constant 96 : index
      %parallel_loop3A_259 = tpu.vector_load %arg9[%parallel_loop3A_257, %parallel_loop3A_258] {strides = array<i32>} : memref<296x128xf32, #tpu.memory_space<vmem>>, vector<1x16xf32>,
      %parallel_loop3A_260 = vector.shape_cast %parallel_loop3A_259 : vector<1x16xf32> to vector<16xf32>
      %parallel_loop3A_261 = vector.shape_cast %parallel_loop3A_256 : vector<16xf32> to vector<1x16xf32>
      tpu.vector_store %arg9[%parallel_loop3A_257, %parallel_loop3A_258], %parallel_loop3A_261 {strides = array<i32>} : memref<296x128xf32, #tpu.memory_space<vmem>>, vector<1x16xf32>,
      %parallel_loop3A_262 = arith.index_cast %parallel_loop3A_161 : i32 to index
      %parallel_loop3A_263 = arith.constant 112 : index
      %parallel_loop3A_264 = tpu.vector_load %arg9[%parallel_loop3A_262, %parallel_loop3A_263] {strides = array<i32>} : memref<296x128xf32, #tpu.memory_space<vmem>>, vector<1x16xf32>,
      %parallel_loop3A_265 = vector.shape_cast %parallel_loop3A_264 : vector<1x16xf32> to vector<16xf32>
      %parallel_loop3A_266 = arith.index_cast %parallel_loop3A_163 : i32 to index
      %parallel_loop3A_267 = arith.constant 112 : index
      %parallel_loop3A_268 = tpu.vector_load %arg8[%parallel_loop3A_266, %parallel_loop3A_267] {strides = array<i32>} : memref<40x128xf32, #tpu.memory_space<vmem>>, vector<1x16xf32>,
      %parallel_loop3A_269 = vector.shape_cast %parallel_loop3A_268 : vector<1x16xf32> to vector<16xf32>
      %parallel_loop3A_270 = arith.addf %parallel_loop3A_265, %parallel_loop3A_269 : vector<16xf32>
      %parallel_loop3A_271 = arith.index_cast %parallel_loop3A_161 : i32 to index
      %parallel_loop3A_272 = arith.constant 112 : index
      %parallel_loop3A_273 = tpu.vector_load %arg9[%parallel_loop3A_271, %parallel_loop3A_272] {strides = array<i32>} : memref<296x128xf32, #tpu.memory_space<vmem>>, vector<1x16xf32>,
      %parallel_loop3A_274 = vector.shape_cast %parallel_loop3A_273 : vector<1x16xf32> to vector<16xf32>
      %parallel_loop3A_275 = vector.shape_cast %parallel_loop3A_270 : vector<16xf32> to vector<1x16xf32>
      tpu.vector_store %arg9[%parallel_loop3A_271, %parallel_loop3A_272], %parallel_loop3A_275 {strides = array<i32>} : memref<296x128xf32, #tpu.memory_space<vmem>>, vector<1x16xf32>,
    } {sc.loop_unroll_factor = 4 : i64, sc.parallel_access}
    %add3A_23 = arith.constant 0 : i32
    %add3A_24 = arith.addi %add3A_23, %mul3A_2 : i32
    %dma_start3A_25 = tpu.memref_slice %arg3[%add3A_24] : memref<606208xi32, #tpu.memory_space<hbm>> -> memref<296xi32, #tpu.memory_space<hbm>>
    %dma_start3A_26 = tpu.memref_slice %arg3[%add3A_24] : memref<606208xi32, #tpu.memory_space<hbm>> -> memref<296xi32, #tpu.memory_space<hbm>>
    tpu.enqueue_dma source(%dma_start3A_26 : memref<296xi32, #tpu.memory_space<hbm>>) target(%arg10 : memref<296xi32, #tpu.memory_space<vmem>>) target_semaphore(%arg16 : memref<!tpu.dma_semaphore, #tpu.memory_space<semaphore_mem>>)
    %add3A_27 = arith.constant 9472 : i32
    %add3A_28 = arith.addi %add3A_27, %mul3A_2 : i32
    %dma_start3A_29 = tpu.memref_slice %arg3[%add3A_28] : memref<606208xi32, #tpu.memory_space<hbm>> -> memref<296xi32, #tpu.memory_space<hbm>>
    %dma_start3A_30 = tpu.memref_slice %arg3[%add3A_28] : memref<606208xi32, #tpu.memory_space<hbm>> -> memref<296xi32, #tpu.memory_space<hbm>>
    tpu.enqueue_dma source(%dma_start3A_30 : memref<296xi32, #tpu.memory_space<hbm>>) target(%arg11 : memref<296xi32, #tpu.memory_space<vmem>>) target_semaphore(%arg17 : memref<!tpu.dma_semaphore, #tpu.memory_space<semaphore_mem>>)
    %add3A_31 = arith.constant 18944 : i32
    %add3A_32 = arith.addi %add3A_31, %mul3A_2 : i32
    %dma_start3A_33 = tpu.memref_slice %arg3[%add3A_32] : memref<606208xi32, #tpu.memory_space<hbm>> -> memref<296xi32, #tpu.memory_space<hbm>>
    %dma_start3A_34 = tpu.memref_slice %arg3[%add3A_32] : memref<606208xi32, #tpu.memory_space<hbm>> -> memref<296xi32, #tpu.memory_space<hbm>>
    tpu.enqueue_dma source(%dma_start3A_34 : memref<296xi32, #tpu.memory_space<hbm>>) target(%arg12 : memref<296xi32, #tpu.memory_space<vmem>>) target_semaphore(%arg18 : memref<!tpu.dma_semaphore, #tpu.memory_space<semaphore_mem>>)
    %dma_wait3A_35 = arith.constant 0 : i32
    %dma_wait3A_36 = tpu.memref_slice %arg3[%dma_wait3A_35] : memref<606208xi32, #tpu.memory_space<hbm>> -> memref<296xi32, #tpu.memory_space<hbm>>
    %dma_wait3A_37 = arith.constant 0 : i32
    %dma_wait3A_38 = tpu.memref_slice %arg3[%dma_wait3A_37] : memref<606208xi32, #tpu.memory_space<hbm>> -> memref<296xi32, #tpu.memory_space<hbm>>
    tpu.wait_dma2 semaphore(%arg16 : memref<!tpu.dma_semaphore, #tpu.memory_space<semaphore_mem>>) src(%dma_wait3A_38 : memref<296xi32, #tpu.memory_space<hbm>>) dst(%arg10 : memref<296xi32, #tpu.memory_space<vmem>>)
    %dma_start3A_39 = arith.constant 0 : i32
    %dma_start3A_40 = arith.constant 0 : i32
    %dma_start3A_41 = tpu.memref_slice %arg14[%dma_start3A_39, %dma_start3A_40] : memref<296x128xf32, #tpu.memory_space<vmem>> -> memref<128x128xf32, #tpu.memory_space<vmem>>
    %dma_start3A_42 = arith.constant 0 : i32
    %dma_start3A_43 = tpu.memref_slice %arg10[%dma_start3A_42] : memref<296xi32, #tpu.memory_space<vmem>> -> memref<128xi32, #tpu.memory_space<vmem>>
    %dma_start3A_44 = arith.constant 0 : i32
    %dma_start3A_45 = arith.constant 0 : i32
    %dma_start3A_46 = tpu.memref_slice %arg7[%dma_start3A_44, %dma_start3A_45] : memref<256x128xf32, #tpu.memory_space<vmem_shared>> -> memref<256x128xf32, #tpu.memory_space<vmem_shared>>
    tpu.enqueue_indirect_dma source(%dma_start3A_46 : memref<256x128xf32, #tpu.memory_space<vmem_shared>>) target(%dma_start3A_41 : memref<128x128xf32, #tpu.memory_space<vmem>>) offsets(%dma_start3A_43 : memref<128xi32, #tpu.memory_space<vmem>>) semaphore(%arg20 : memref<!tpu.dma_semaphore, #tpu.memory_space<semaphore_mem>>)
    %dma_start3A_47 = arith.constant 128 : i32
    %dma_start3A_48 = arith.constant 0 : i32
    %dma_start3A_49 = tpu.memref_slice %arg14[%dma_start3A_47, %dma_start3A_48] : memref<296x128xf32, #tpu.memory_space<vmem>> -> memref<24x128xf32, #tpu.memory_space<vmem>>
    %dma_start3A_50 = arith.constant 128 : i32
    %dma_start3A_51 = tpu.memref_slice %arg10[%dma_start3A_50] : memref<296xi32, #tpu.memory_space<vmem>> -> memref<24xi32, #tpu.memory_space<vmem>>
    %dma_start3A_52 = arith.constant 0 : i32
    %dma_start3A_53 = arith.constant 0 : i32
    %dma_start3A_54 = tpu.memref_slice %arg7[%dma_start3A_52, %dma_start3A_53] : memref<256x128xf32, #tpu.memory_space<vmem_shared>> -> memref<256x128xf32, #tpu.memory_space<vmem_shared>>
    tpu.enqueue_indirect_dma source(%dma_start3A_54 : memref<256x128xf32, #tpu.memory_space<vmem_shared>>) target(%dma_start3A_49 : memref<24x128xf32, #tpu.memory_space<vmem>>) offsets(%dma_start3A_51 : memref<24xi32, #tpu.memory_space<vmem>>) semaphore(%arg20 : memref<!tpu.dma_semaphore, #tpu.memory_space<semaphore_mem>>)
    %dma_start3A_55 = arith.constant 152 : i32
    %dma_start3A_56 = arith.constant 0 : i32
    %dma_start3A_57 = tpu.memref_slice %arg14[%dma_start3A_55, %dma_start3A_56] : memref<296x128xf32, #tpu.memory_space<vmem>> -> memref<104x128xf32, #tpu.memory_space<vmem>>
    %dma_start3A_58 = arith.constant 152 : i32
    %dma_start3A_59 = tpu.memref_slice %arg10[%dma_start3A_58] : memref<296xi32, #tpu.memory_space<vmem>> -> memref<104xi32, #tpu.memory_space<vmem>>
    %dma_start3A_60 = arith.constant 0 : i32
    %dma_start3A_61 = arith.constant 0 : i32
    %dma_start3A_62 = tpu.memref_slice %arg7[%dma_start3A_60, %dma_start3A_61] : memref<256x128xf32, #tpu.memory_space<vmem_shared>> -> memref<256x128xf32, #tpu.memory_space<vmem_shared>>
    tpu.enqueue_indirect_dma source(%dma_start3A_62 : memref<256x128xf32, #tpu.memory_space<vmem_shared>>) target(%dma_start3A_57 : memref<104x128xf32, #tpu.memory_space<vmem>>) offsets(%dma_start3A_59 : memref<104xi32, #tpu.memory_space<vmem>>) semaphore(%arg21 : memref<!tpu.dma_semaphore, #tpu.memory_space<semaphore_mem>>)
    %dma_start3A_63 = arith.constant 256 : i32
    %dma_start3A_64 = arith.constant 0 : i32
    %dma_start3A_65 = tpu.memref_slice %arg14[%dma_start3A_63, %dma_start3A_64] : memref<296x128xf32, #tpu.memory_space<vmem>> -> memref<40x128xf32, #tpu.memory_space<vmem>>
    %dma_start3A_66 = arith.constant 256 : i32
    %dma_start3A_67 = tpu.memref_slice %arg10[%dma_start3A_66] : memref<296xi32, #tpu.memory_space<vmem>> -> memref<40xi32, #tpu.memory_space<vmem>>
    %dma_start3A_68 = arith.constant 0 : i32
    %dma_start3A_69 = arith.constant 0 : i32
    %dma_start3A_70 = tpu.memref_slice %arg7[%dma_start3A_68, %dma_start3A_69] : memref<256x128xf32, #tpu.memory_space<vmem_shared>> -> memref<256x128xf32, #tpu.memory_space<vmem_shared>>
    tpu.enqueue_indirect_dma source(%dma_start3A_70 : memref<256x128xf32, #tpu.memory_space<vmem_shared>>) target(%dma_start3A_65 : memref<40x128xf32, #tpu.memory_space<vmem>>) offsets(%dma_start3A_67 : memref<40xi32, #tpu.memory_space<vmem>>) semaphore(%arg21 : memref<!tpu.dma_semaphore, #tpu.memory_space<semaphore_mem>>)
    %dma_wait3A_71 = arith.constant 0 : i32
    %dma_wait3A_72 = tpu.memref_slice %arg3[%dma_wait3A_71] : memref<606208xi32, #tpu.memory_space<hbm>> -> memref<296xi32, #tpu.memory_space<hbm>>
    %dma_wait3A_73 = arith.constant 0 : i32
    %dma_wait3A_74 = tpu.memref_slice %arg3[%dma_wait3A_73] : memref<606208xi32, #tpu.memory_space<hbm>> -> memref<296xi32, #tpu.memory_space<hbm>>
    tpu.wait_dma2 semaphore(%arg17 : memref<!tpu.dma_semaphore, #tpu.memory_space<semaphore_mem>>) src(%dma_wait3A_74 : memref<296xi32, #tpu.memory_space<hbm>>) dst(%arg11 : memref<296xi32, #tpu.memory_space<vmem>>)
    %dma_start3A_75 = arith.constant 0 : i32
    %dma_start3A_76 = arith.constant 0 : i32
    %dma_start3A_77 = tpu.memref_slice %arg15[%dma_start3A_75, %dma_start3A_76] : memref<296x128xf32, #tpu.memory_space<vmem>> -> memref<128x128xf32, #tpu.memory_space<vmem>>
    %dma_start3A_78 = arith.constant 0 : i32
    %dma_start3A_79 = tpu.memref_slice %arg11[%dma_start3A_78] : memref<296xi32, #tpu.memory_space<vmem>> -> memref<128xi32, #tpu.memory_space<vmem>>
    %dma_start3A_80 = arith.constant 0 : i32
    %dma_start3A_81 = arith.constant 0 : i32
    %dma_start3A_82 = tpu.memref_slice %arg7[%dma_start3A_80, %dma_start3A_81] : memref<256x128xf32, #tpu.memory_space<vmem_shared>> -> memref<256x128xf32, #tpu.memory_space<vmem_shared>>
    tpu.enqueue_indirect_dma source(%dma_start3A_82 : memref<256x128xf32, #tpu.memory_space<vmem_shared>>) target(%dma_start3A_77 : memref<128x128xf32, #tpu.memory_space<vmem>>) offsets(%dma_start3A_79 : memref<128xi32, #tpu.memory_space<vmem>>) semaphore(%arg22 : memref<!tpu.dma_semaphore, #tpu.memory_space<semaphore_mem>>)
    %dma_start3A_83 = arith.constant 128 : i32
    %dma_start3A_84 = arith.constant 0 : i32
    %dma_start3A_85 = tpu.memref_slice %arg15[%dma_start3A_83, %dma_start3A_84] : memref<296x128xf32, #tpu.memory_space<vmem>> -> memref<24x128xf32, #tpu.memory_space<vmem>>
    %dma_start3A_86 = arith.constant 128 : i32
    %dma_start3A_87 = tpu.memref_slice %arg11[%dma_start3A_86] : memref<296xi32, #tpu.memory_space<vmem>> -> memref<24xi32, #tpu.memory_space<vmem>>
    %dma_start3A_88 = arith.constant 0 : i32
    %dma_start3A_89 = arith.constant 0 : i32
    %dma_start3A_90 = tpu.memref_slice %arg7[%dma_start3A_88, %dma_start3A_89] : memref<256x128xf32, #tpu.memory_space<vmem_shared>> -> memref<256x128xf32, #tpu.memory_space<vmem_shared>>
    tpu.enqueue_indirect_dma source(%dma_start3A_90 : memref<256x128xf32, #tpu.memory_space<vmem_shared>>) target(%dma_start3A_85 : memref<24x128xf32, #tpu.memory_space<vmem>>) offsets(%dma_start3A_87 : memref<24xi32, #tpu.memory_space<vmem>>) semaphore(%arg22 : memref<!tpu.dma_semaphore, #tpu.memory_space<semaphore_mem>>)
    %dma_start3A_91 = arith.constant 152 : i32
    %dma_start3A_92 = arith.constant 0 : i32
    %dma_start3A_93 = tpu.memref_slice %arg15[%dma_start3A_91, %dma_start3A_92] : memref<296x128xf32, #tpu.memory_space<vmem>> -> memref<104x128xf32, #tpu.memory_space<vmem>>
    %dma_start3A_94 = arith.constant 152 : i32
    %dma_start3A_95 = tpu.memref_slice %arg11[%dma_start3A_94] : memref<296xi32, #tpu.memory_space<vmem>> -> memref<104xi32, #tpu.memory_space<vmem>>
    %dma_start3A_96 = arith.constant 0 : i32
    %dma_start3A_97 = arith.constant 0 : i32
    %dma_start3A_98 = tpu.memref_slice %arg7[%dma_start3A_96, %dma_start3A_97] : memref<256x128xf32, #tpu.memory_space<vmem_shared>> -> memref<256x128xf32, #tpu.memory_space<vmem_shared>>
    tpu.enqueue_indirect_dma source(%dma_start3A_98 : memref<256x128xf32, #tpu.memory_space<vmem_shared>>) target(%dma_start3A_93 : memref<104x128xf32, #tpu.memory_space<vmem>>) offsets(%dma_start3A_95 : memref<104xi32, #tpu.memory_space<vmem>>) semaphore(%arg23 : memref<!tpu.dma_semaphore, #tpu.memory_space<semaphore_mem>>)
    %dma_start3A_99 = arith.constant 256 : i32
    %dma_start3A_100 = arith.constant 0 : i32
    %dma_start3A_101 = tpu.memref_slice %arg15[%dma_start3A_99, %dma_start3A_100] : memref<296x128xf32, #tpu.memory_space<vmem>> -> memref<40x128xf32, #tpu.memory_space<vmem>>
    %dma_start3A_102 = arith.constant 256 : i32
    %dma_start3A_103 = tpu.memref_slice %arg11[%dma_start3A_102] : memref<296xi32, #tpu.memory_space<vmem>> -> memref<40xi32, #tpu.memory_space<vmem>>
    %dma_start3A_104 = arith.constant 0 : i32
    %dma_start3A_105 = arith.constant 0 : i32
    %dma_start3A_106 = tpu.memref_slice %arg7[%dma_start3A_104, %dma_start3A_105] : memref<256x128xf32, #tpu.memory_space<vmem_shared>> -> memref<256x128xf32, #tpu.memory_space<vmem_shared>>
    tpu.enqueue_indirect_dma source(%dma_start3A_106 : memref<256x128xf32, #tpu.memory_space<vmem_shared>>) target(%dma_start3A_101 : memref<40x128xf32, #tpu.memory_space<vmem>>) offsets(%dma_start3A_103 : memref<40xi32, #tpu.memory_space<vmem>>) semaphore(%arg23 : memref<!tpu.dma_semaphore, #tpu.memory_space<semaphore_mem>>)
    %scan3A = arith.constant 0 : i32
    %scan3A_107 = arith.constant 0 : i32
    %scan3A_108 = arith.constant 16 : i32
    %scan3A_109 = arith.addi %scan3A_107, %scan3A_108 : i32
    %scan3A_110 = arith.constant 1 : i32
    %scan3A_111 = scf.for %scan3A_161 = %scan3A_107 to %scan3A_109 step %scan3A_110 iter_args(%scan3A_162 = %scan3A) -> (i32)  : i32 {
      %mul3A_163 = arith.constant 2 : i32
      %mul3A_164 = arith.muli %scan3A_161, %mul3A_163 : i32
      %add3A_165 = arith.constant 0 : i32
      %add3A_166 = arith.addi %mul3A_164, %add3A_165 : i32
      %mul3A_167 = arith.constant 2 : i32
      %mul3A_168 = arith.muli %add3A_166, %mul3A_167 : i32
      %dma_wait3A_169 = arith.constant 0 : i32
      %dma_wait3A_170 = arith.constant 0 : i32
      %dma_wait3A_171 = tpu.memref_slice %arg14[%dma_wait3A_169, %dma_wait3A_170] : memref<296x128xf32, #tpu.memory_space<vmem>> -> memref<128x128xf32, #tpu.memory_space<vmem>>
      %dma_wait3A_172 = arith.constant 0 : i32
      %dma_wait3A_173 = tpu.memref_slice %arg10[%dma_wait3A_172] : memref<296xi32, #tpu.memory_space<vmem>> -> memref<128xi32, #tpu.memory_space<vmem>>
      %dma_wait3A_174 = arith.constant 0 : i32
      %dma_wait3A_175 = arith.constant 0 : i32
      %dma_wait3A_176 = tpu.memref_slice %arg7[%dma_wait3A_174, %dma_wait3A_175] : memref<256x128xf32, #tpu.memory_space<vmem_shared>> -> memref<256x128xf32, #tpu.memory_space<vmem_shared>>
      tpu.wait_indirect_dma semaphore(%arg20 : memref<!tpu.dma_semaphore, #tpu.memory_space<semaphore_mem>>) src(%dma_wait3A_176 : memref<256x128xf32, #tpu.memory_space<vmem_shared>>) dst(%dma_wait3A_171 : memref<128x128xf32, #tpu.memory_space<vmem>>)
      %dma_wait3A_177 = arith.constant 128 : i32
      %dma_wait3A_178 = arith.constant 0 : i32
      %dma_wait3A_179 = tpu.memref_slice %arg14[%dma_wait3A_177, %dma_wait3A_178] : memref<296x128xf32, #tpu.memory_space<vmem>> -> memref<24x128xf32, #tpu.memory_space<vmem>>
      %dma_wait3A_180 = arith.constant 128 : i32
      %dma_wait3A_181 = tpu.memref_slice %arg10[%dma_wait3A_180] : memref<296xi32, #tpu.memory_space<vmem>> -> memref<24xi32, #tpu.memory_space<vmem>>
      %dma_wait3A_182 = arith.constant 0 : i32
      %dma_wait3A_183 = arith.constant 0 : i32
      %dma_wait3A_184 = tpu.memref_slice %arg7[%dma_wait3A_182, %dma_wait3A_183] : memref<256x128xf32, #tpu.memory_space<vmem_shared>> -> memref<256x128xf32, #tpu.memory_space<vmem_shared>>
      tpu.wait_indirect_dma semaphore(%arg20 : memref<!tpu.dma_semaphore, #tpu.memory_space<semaphore_mem>>) src(%dma_wait3A_184 : memref<256x128xf32, #tpu.memory_space<vmem_shared>>) dst(%dma_wait3A_179 : memref<24x128xf32, #tpu.memory_space<vmem>>)
      %gt3A = arith.constant 0 : i32
      %gt3A_185 = arith.cmpi sgt, %add3A_166, %gt3A : i32
      %convert_element_type3A = arith.extui %gt3A_185 : i1 to i32
      %cond3A = arith.constant 0 : i32
      %cond3A_186 = arith.cmpi ne, %convert_element_type3A, %cond3A : i32
      scf.if %cond3A_186 {
        %dma_wait3A_528 = arith.constant 0 : i32
        %dma_wait3A_529 = arith.constant 0 : i32
        %dma_wait3A_530 = tpu.memref_slice %arg15[%dma_wait3A_528, %dma_wait3A_529] : memref<296x128xf32, #tpu.memory_space<vmem>> -> memref<152x128xf32, #tpu.memory_space<vmem>>
        %dma_wait3A_531 = arith.constant 0 : i32
        %dma_wait3A_532 = arith.constant 0 : i32
        %dma_wait3A_533 = tpu.memref_slice %arg6[%dma_wait3A_531, %dma_wait3A_532] : memref<606208x128xf32, #tpu.memory_space<hbm>> -> memref<152x128xf32, #tpu.memory_space<hbm>>
        %dma_wait3A_534 = arith.constant 0 : i32
        %dma_wait3A_535 = arith.constant 0 : i32
        %dma_wait3A_536 = tpu.memref_slice %arg6[%dma_wait3A_534, %dma_wait3A_535] : memref<606208x128xf32, #tpu.memory_space<hbm>> -> memref<152x128xf32, #tpu.memory_space<hbm>>
        %dma_wait3A_537 = arith.constant 0 : i32
        %dma_wait3A_538 = arith.constant 0 : i32
        %dma_wait3A_539 = tpu.memref_slice %arg15[%dma_wait3A_537, %dma_wait3A_538] : memref<296x128xf32, #tpu.memory_space<vmem>> -> memref<152x128xf32, #tpu.memory_space<vmem>>
        tpu.wait_dma2 semaphore(%arg26 : memref<!tpu.dma_semaphore, #tpu.memory_space<semaphore_mem>>) src(%dma_wait3A_539 : memref<152x128xf32, #tpu.memory_space<vmem>>) dst(%dma_wait3A_536 : memref<152x128xf32, #tpu.memory_space<hbm>>)
        %dma_wait3A_540 = arith.constant 0 : i32
        %dma_wait3A_541 = tpu.memref_slice %arg3[%dma_wait3A_540] : memref<606208xi32, #tpu.memory_space<hbm>> -> memref<296xi32, #tpu.memory_space<hbm>>
        %dma_wait3A_542 = arith.constant 0 : i32
        %dma_wait3A_543 = tpu.memref_slice %arg3[%dma_wait3A_542] : memref<606208xi32, #tpu.memory_space<hbm>> -> memref<296xi32, #tpu.memory_space<hbm>>
        tpu.wait_dma2 semaphore(%arg17 : memref<!tpu.dma_semaphore, #tpu.memory_space<semaphore_mem>>) src(%dma_wait3A_543 : memref<296xi32, #tpu.memory_space<hbm>>) dst(%arg11 : memref<296xi32, #tpu.memory_space<vmem>>)
        %dma_start3A_544 = arith.constant 0 : i32
        %dma_start3A_545 = arith.constant 0 : i32
        %dma_start3A_546 = tpu.memref_slice %arg15[%dma_start3A_544, %dma_start3A_545] : memref<296x128xf32, #tpu.memory_space<vmem>> -> memref<128x128xf32, #tpu.memory_space<vmem>>
        %dma_start3A_547 = arith.constant 0 : i32
        %dma_start3A_548 = tpu.memref_slice %arg11[%dma_start3A_547] : memref<296xi32, #tpu.memory_space<vmem>> -> memref<128xi32, #tpu.memory_space<vmem>>
        %dma_start3A_549 = arith.constant 0 : i32
        %dma_start3A_550 = arith.constant 0 : i32
        %dma_start3A_551 = tpu.memref_slice %arg7[%dma_start3A_549, %dma_start3A_550] : memref<256x128xf32, #tpu.memory_space<vmem_shared>> -> memref<256x128xf32, #tpu.memory_space<vmem_shared>>
        tpu.enqueue_indirect_dma source(%dma_start3A_551 : memref<256x128xf32, #tpu.memory_space<vmem_shared>>) target(%dma_start3A_546 : memref<128x128xf32, #tpu.memory_space<vmem>>) offsets(%dma_start3A_548 : memref<128xi32, #tpu.memory_space<vmem>>) semaphore(%arg22 : memref<!tpu.dma_semaphore, #tpu.memory_space<semaphore_mem>>)
        %dma_start3A_552 = arith.constant 128 : i32
        %dma_start3A_553 = arith.constant 0 : i32
        %dma_start3A_554 = tpu.memref_slice %arg15[%dma_start3A_552, %dma_start3A_553] : memref<296x128xf32, #tpu.memory_space<vmem>> -> memref<24x128xf32, #tpu.memory_space<vmem>>
        %dma_start3A_555 = arith.constant 128 : i32
        %dma_start3A_556 = tpu.memref_slice %arg11[%dma_start3A_555] : memref<296xi32, #tpu.memory_space<vmem>> -> memref<24xi32, #tpu.memory_space<vmem>>
        %dma_start3A_557 = arith.constant 0 : i32
        %dma_start3A_558 = arith.constant 0 : i32
        %dma_start3A_559 = tpu.memref_slice %arg7[%dma_start3A_557, %dma_start3A_558] : memref<256x128xf32, #tpu.memory_space<vmem_shared>> -> memref<256x128xf32, #tpu.memory_space<vmem_shared>>
        tpu.enqueue_indirect_dma source(%dma_start3A_559 : memref<256x128xf32, #tpu.memory_space<vmem_shared>>) target(%dma_start3A_554 : memref<24x128xf32, #tpu.memory_space<vmem>>) offsets(%dma_start3A_556 : memref<24xi32, #tpu.memory_space<vmem>>) semaphore(%arg22 : memref<!tpu.dma_semaphore, #tpu.memory_space<semaphore_mem>>)
      } else {
      }
      %add3A_187 = arith.constant 3 : i32
      %add3A_188 = arith.addi %mul3A_168, %add3A_187 : i32
      %lt3A = arith.constant 64 : i32
      %lt3A_189 = arith.cmpi slt, %add3A_188, %lt3A : i32
      %convert_element_type3A_190 = arith.extui %lt3A_189 : i1 to i32
      %cond3A_191 = arith.constant 0 : i32
      %cond3A_192 = arith.cmpi ne, %convert_element_type3A_190, %cond3A_191 : i32
      scf.if %cond3A_192 {
        %add3A_528 = arith.constant 3 : i32
        %add3A_529 = arith.addi %mul3A_168, %add3A_528 : i32
        %mul3A_530 = arith.constant 9472 : i32
        %mul3A_531 = arith.muli %add3A_529, %mul3A_530 : i32
        %add3A_532 = arith.addi %mul3A_531, %mul3A_2 : i32
        %dma_start3A_533 = tpu.memref_slice %arg3[%add3A_532] : memref<606208xi32, #tpu.memory_space<hbm>> -> memref<296xi32, #tpu.memory_space<hbm>>
        %dma_start3A_534 = tpu.memref_slice %arg3[%add3A_532] : memref<606208xi32, #tpu.memory_space<hbm>> -> memref<296xi32, #tpu.memory_space<hbm>>
        tpu.enqueue_dma source(%dma_start3A_534 : memref<296xi32, #tpu.memory_space<hbm>>) target(%arg13 : memref<296xi32, #tpu.memory_space<vmem>>) target_semaphore(%arg19 : memref<!tpu.dma_semaphore, #tpu.memory_space<semaphore_mem>>)
      } else {
      }
      %parallel_loop3A_193 = arith.constant 0 : i32
      %parallel_loop3A_194 = arith.constant 152 : i32
      %parallel_loop3A_195 = arith.constant 1 : i32
      scf.for %parallel_loop3A_528 = %parallel_loop3A_193 to %parallel_loop3A_194 step %parallel_loop3A_195  : i32 {
        %parallel_loop3A_529 = arith.index_cast %parallel_loop3A_528 : i32 to index
        %parallel_loop3A_530 = arith.constant 0 : index
        %parallel_loop3A_531 = tpu.vector_load %arg14[%parallel_loop3A_529, %parallel_loop3A_530] {strides = array<i32>} : memref<296x128xf32, #tpu.memory_space<vmem>>, vector<1x16xf32>,
        %parallel_loop3A_532 = vector.shape_cast %parallel_loop3A_531 : vector<1x16xf32> to vector<16xf32>
        %parallel_loop3A_533 = arith.index_cast %parallel_loop3A_528 : i32 to index
        %parallel_loop3A_534 = arith.constant 0 : index
        %parallel_loop3A_535 = tpu.vector_load %arg9[%parallel_loop3A_533, %parallel_loop3A_534] {strides = array<i32>} : memref<296x128xf32, #tpu.memory_space<vmem>>, vector<1x16xf32>,
        %parallel_loop3A_536 = vector.shape_cast %parallel_loop3A_535 : vector<1x16xf32> to vector<16xf32>
        %parallel_loop3A_537 = arith.addf %parallel_loop3A_532, %parallel_loop3A_536 : vector<16xf32>
        %parallel_loop3A_538 = arith.index_cast %parallel_loop3A_528 : i32 to index
        %parallel_loop3A_539 = arith.constant 0 : index
        %parallel_loop3A_540 = tpu.vector_load %arg14[%parallel_loop3A_538, %parallel_loop3A_539] {strides = array<i32>} : memref<296x128xf32, #tpu.memory_space<vmem>>, vector<1x16xf32>,
        %parallel_loop3A_541 = vector.shape_cast %parallel_loop3A_540 : vector<1x16xf32> to vector<16xf32>
        %parallel_loop3A_542 = vector.shape_cast %parallel_loop3A_537 : vector<16xf32> to vector<1x16xf32>
        tpu.vector_store %arg14[%parallel_loop3A_538, %parallel_loop3A_539], %parallel_loop3A_542 {strides = array<i32>} : memref<296x128xf32, #tpu.memory_space<vmem>>, vector<1x16xf32>,
        %parallel_loop3A_543 = arith.index_cast %parallel_loop3A_528 : i32 to index
        %parallel_loop3A_544 = arith.constant 16 : index
        %parallel_loop3A_545 = tpu.vector_load %arg14[%parallel_loop3A_543, %parallel_loop3A_544] {strides = array<i32>} : memref<296x128xf32, #tpu.memory_space<vmem>>, vector<1x16xf32>,
        %parallel_loop3A_546 = vector.shape_cast %parallel_loop3A_545 : vector<1x16xf32> to vector<16xf32>
        %parallel_loop3A_547 = arith.index_cast %parallel_loop3A_528 : i32 to index
        %parallel_loop3A_548 = arith.constant 16 : index
        %parallel_loop3A_549 = tpu.vector_load %arg9[%parallel_loop3A_547, %parallel_loop3A_548] {strides = array<i32>} : memref<296x128xf32, #tpu.memory_space<vmem>>, vector<1x16xf32>,
        %parallel_loop3A_550 = vector.shape_cast %parallel_loop3A_549 : vector<1x16xf32> to vector<16xf32>
        %parallel_loop3A_551 = arith.addf %parallel_loop3A_546, %parallel_loop3A_550 : vector<16xf32>
        %parallel_loop3A_552 = arith.index_cast %parallel_loop3A_528 : i32 to index
        %parallel_loop3A_553 = arith.constant 16 : index
        %parallel_loop3A_554 = tpu.vector_load %arg14[%parallel_loop3A_552, %parallel_loop3A_553] {strides = array<i32>} : memref<296x128xf32, #tpu.memory_space<vmem>>, vector<1x16xf32>,
        %parallel_loop3A_555 = vector.shape_cast %parallel_loop3A_554 : vector<1x16xf32> to vector<16xf32>
        %parallel_loop3A_556 = vector.shape_cast %parallel_loop3A_551 : vector<16xf32> to vector<1x16xf32>
        tpu.vector_store %arg14[%parallel_loop3A_552, %parallel_loop3A_553], %parallel_loop3A_556 {strides = array<i32>} : memref<296x128xf32, #tpu.memory_space<vmem>>, vector<1x16xf32>,
        %parallel_loop3A_557 = arith.index_cast %parallel_loop3A_528 : i32 to index
        %parallel_loop3A_558 = arith.constant 32 : index
        %parallel_loop3A_559 = tpu.vector_load %arg14[%parallel_loop3A_557, %parallel_loop3A_558] {strides = array<i32>} : memref<296x128xf32, #tpu.memory_space<vmem>>, vector<1x16xf32>,
        %parallel_loop3A_560 = vector.shape_cast %parallel_loop3A_559 : vector<1x16xf32> to vector<16xf32>
        %parallel_loop3A_561 = arith.index_cast %parallel_loop3A_528 : i32 to index
        %parallel_loop3A_562 = arith.constant 32 : index
        %parallel_loop3A_563 = tpu.vector_load %arg9[%parallel_loop3A_561, %parallel_loop3A_562] {strides = array<i32>} : memref<296x128xf32, #tpu.memory_space<vmem>>, vector<1x16xf32>,
        %parallel_loop3A_564 = vector.shape_cast %parallel_loop3A_563 : vector<1x16xf32> to vector<16xf32>
        %parallel_loop3A_565 = arith.addf %parallel_loop3A_560, %parallel_loop3A_564 : vector<16xf32>
        %parallel_loop3A_566 = arith.index_cast %parallel_loop3A_528 : i32 to index
        %parallel_loop3A_567 = arith.constant 32 : index
        %parallel_loop3A_568 = tpu.vector_load %arg14[%parallel_loop3A_566, %parallel_loop3A_567] {strides = array<i32>} : memref<296x128xf32, #tpu.memory_space<vmem>>, vector<1x16xf32>,
        %parallel_loop3A_569 = vector.shape_cast %parallel_loop3A_568 : vector<1x16xf32> to vector<16xf32>
        %parallel_loop3A_570 = vector.shape_cast %parallel_loop3A_565 : vector<16xf32> to vector<1x16xf32>
        tpu.vector_store %arg14[%parallel_loop3A_566, %parallel_loop3A_567], %parallel_loop3A_570 {strides = array<i32>} : memref<296x128xf32, #tpu.memory_space<vmem>>, vector<1x16xf32>,
        %parallel_loop3A_571 = arith.index_cast %parallel_loop3A_528 : i32 to index
        %parallel_loop3A_572 = arith.constant 48 : index
        %parallel_loop3A_573 = tpu.vector_load %arg14[%parallel_loop3A_571, %parallel_loop3A_572] {strides = array<i32>} : memref<296x128xf32, #tpu.memory_space<vmem>>, vector<1x16xf32>,
        %parallel_loop3A_574 = vector.shape_cast %parallel_loop3A_573 : vector<1x16xf32> to vector<16xf32>
        %parallel_loop3A_575 = arith.index_cast %parallel_loop3A_528 : i32 to index
        %parallel_loop3A_576 = arith.constant 48 : index
        %parallel_loop3A_577 = tpu.vector_load %arg9[%parallel_loop3A_575, %parallel_loop3A_576] {strides = array<i32>} : memref<296x128xf32, #tpu.memory_space<vmem>>, vector<1x16xf32>,
        %parallel_loop3A_578 = vector.shape_cast %parallel_loop3A_577 : vector<1x16xf32> to vector<16xf32>
        %parallel_loop3A_579 = arith.addf %parallel_loop3A_574, %parallel_loop3A_578 : vector<16xf32>
        %parallel_loop3A_580 = arith.index_cast %parallel_loop3A_528 : i32 to index
        %parallel_loop3A_581 = arith.constant 48 : index
        %parallel_loop3A_582 = tpu.vector_load %arg14[%parallel_loop3A_580, %parallel_loop3A_581] {strides = array<i32>} : memref<296x128xf32, #tpu.memory_space<vmem>>, vector<1x16xf32>,
        %parallel_loop3A_583 = vector.shape_cast %parallel_loop3A_582 : vector<1x16xf32> to vector<16xf32>
        %parallel_loop3A_584 = vector.shape_cast %parallel_loop3A_579 : vector<16xf32> to vector<1x16xf32>
        tpu.vector_store %arg14[%parallel_loop3A_580, %parallel_loop3A_581], %parallel_loop3A_584 {strides = array<i32>} : memref<296x128xf32, #tpu.memory_space<vmem>>, vector<1x16xf32>,
        %parallel_loop3A_585 = arith.index_cast %parallel_loop3A_528 : i32 to index
        %parallel_loop3A_586 = arith.constant 64 : index
        %parallel_loop3A_587 = tpu.vector_load %arg14[%parallel_loop3A_585, %parallel_loop3A_586] {strides = array<i32>} : memref<296x128xf32, #tpu.memory_space<vmem>>, vector<1x16xf32>,
        %parallel_loop3A_588 = vector.shape_cast %parallel_loop3A_587 : vector<1x16xf32> to vector<16xf32>
        %parallel_loop3A_589 = arith.index_cast %parallel_loop3A_528 : i32 to index
        %parallel_loop3A_590 = arith.constant 64 : index
        %parallel_loop3A_591 = tpu.vector_load %arg9[%parallel_loop3A_589, %parallel_loop3A_590] {strides = array<i32>} : memref<296x128xf32, #tpu.memory_space<vmem>>, vector<1x16xf32>,
        %parallel_loop3A_592 = vector.shape_cast %parallel_loop3A_591 : vector<1x16xf32> to vector<16xf32>
        %parallel_loop3A_593 = arith.addf %parallel_loop3A_588, %parallel_loop3A_592 : vector<16xf32>
        %parallel_loop3A_594 = arith.index_cast %parallel_loop3A_528 : i32 to index
        %parallel_loop3A_595 = arith.constant 64 : index
        %parallel_loop3A_596 = tpu.vector_load %arg14[%parallel_loop3A_594, %parallel_loop3A_595] {strides = array<i32>} : memref<296x128xf32, #tpu.memory_space<vmem>>, vector<1x16xf32>,
        %parallel_loop3A_597 = vector.shape_cast %parallel_loop3A_596 : vector<1x16xf32> to vector<16xf32>
        %parallel_loop3A_598 = vector.shape_cast %parallel_loop3A_593 : vector<16xf32> to vector<1x16xf32>
        tpu.vector_store %arg14[%parallel_loop3A_594, %parallel_loop3A_595], %parallel_loop3A_598 {strides = array<i32>} : memref<296x128xf32, #tpu.memory_space<vmem>>, vector<1x16xf32>,
        %parallel_loop3A_599 = arith.index_cast %parallel_loop3A_528 : i32 to index
        %parallel_loop3A_600 = arith.constant 80 : index
        %parallel_loop3A_601 = tpu.vector_load %arg14[%parallel_loop3A_599, %parallel_loop3A_600] {strides = array<i32>} : memref<296x128xf32, #tpu.memory_space<vmem>>, vector<1x16xf32>,
        %parallel_loop3A_602 = vector.shape_cast %parallel_loop3A_601 : vector<1x16xf32> to vector<16xf32>
        %parallel_loop3A_603 = arith.index_cast %parallel_loop3A_528 : i32 to index
        %parallel_loop3A_604 = arith.constant 80 : index
        %parallel_loop3A_605 = tpu.vector_load %arg9[%parallel_loop3A_603, %parallel_loop3A_604] {strides = array<i32>} : memref<296x128xf32, #tpu.memory_space<vmem>>, vector<1x16xf32>,
        %parallel_loop3A_606 = vector.shape_cast %parallel_loop3A_605 : vector<1x16xf32> to vector<16xf32>
        %parallel_loop3A_607 = arith.addf %parallel_loop3A_602, %parallel_loop3A_606 : vector<16xf32>
        %parallel_loop3A_608 = arith.index_cast %parallel_loop3A_528 : i32 to index
        %parallel_loop3A_609 = arith.constant 80 : index
        %parallel_loop3A_610 = tpu.vector_load %arg14[%parallel_loop3A_608, %parallel_loop3A_609] {strides = array<i32>} : memref<296x128xf32, #tpu.memory_space<vmem>>, vector<1x16xf32>,
        %parallel_loop3A_611 = vector.shape_cast %parallel_loop3A_610 : vector<1x16xf32> to vector<16xf32>
        %parallel_loop3A_612 = vector.shape_cast %parallel_loop3A_607 : vector<16xf32> to vector<1x16xf32>
        tpu.vector_store %arg14[%parallel_loop3A_608, %parallel_loop3A_609], %parallel_loop3A_612 {strides = array<i32>} : memref<296x128xf32, #tpu.memory_space<vmem>>, vector<1x16xf32>,
        %parallel_loop3A_613 = arith.index_cast %parallel_loop3A_528 : i32 to index
        %parallel_loop3A_614 = arith.constant 96 : index
        %parallel_loop3A_615 = tpu.vector_load %arg14[%parallel_loop3A_613, %parallel_loop3A_614] {strides = array<i32>} : memref<296x128xf32, #tpu.memory_space<vmem>>, vector<1x16xf32>,
        %parallel_loop3A_616 = vector.shape_cast %parallel_loop3A_615 : vector<1x16xf32> to vector<16xf32>
        %parallel_loop3A_617 = arith.index_cast %parallel_loop3A_528 : i32 to index
        %parallel_loop3A_618 = arith.constant 96 : index
        %parallel_loop3A_619 = tpu.vector_load %arg9[%parallel_loop3A_617, %parallel_loop3A_618] {strides = array<i32>} : memref<296x128xf32, #tpu.memory_space<vmem>>, vector<1x16xf32>,
        %parallel_loop3A_620 = vector.shape_cast %parallel_loop3A_619 : vector<1x16xf32> to vector<16xf32>
        %parallel_loop3A_621 = arith.addf %parallel_loop3A_616, %parallel_loop3A_620 : vector<16xf32>
        %parallel_loop3A_622 = arith.index_cast %parallel_loop3A_528 : i32 to index
        %parallel_loop3A_623 = arith.constant 96 : index
        %parallel_loop3A_624 = tpu.vector_load %arg14[%parallel_loop3A_622, %parallel_loop3A_623] {strides = array<i32>} : memref<296x128xf32, #tpu.memory_space<vmem>>, vector<1x16xf32>,
        %parallel_loop3A_625 = vector.shape_cast %parallel_loop3A_624 : vector<1x16xf32> to vector<16xf32>
        %parallel_loop3A_626 = vector.shape_cast %parallel_loop3A_621 : vector<16xf32> to vector<1x16xf32>
        tpu.vector_store %arg14[%parallel_loop3A_622, %parallel_loop3A_623], %parallel_loop3A_626 {strides = array<i32>} : memref<296x128xf32, #tpu.memory_space<vmem>>, vector<1x16xf32>,
        %parallel_loop3A_627 = arith.index_cast %parallel_loop3A_528 : i32 to index
        %parallel_loop3A_628 = arith.constant 112 : index
        %parallel_loop3A_629 = tpu.vector_load %arg14[%parallel_loop3A_627, %parallel_loop3A_628] {strides = array<i32>} : memref<296x128xf32, #tpu.memory_space<vmem>>, vector<1x16xf32>,
        %parallel_loop3A_630 = vector.shape_cast %parallel_loop3A_629 : vector<1x16xf32> to vector<16xf32>
        %parallel_loop3A_631 = arith.index_cast %parallel_loop3A_528 : i32 to index
        %parallel_loop3A_632 = arith.constant 112 : index
        %parallel_loop3A_633 = tpu.vector_load %arg9[%parallel_loop3A_631, %parallel_loop3A_632] {strides = array<i32>} : memref<296x128xf32, #tpu.memory_space<vmem>>, vector<1x16xf32>,
        %parallel_loop3A_634 = vector.shape_cast %parallel_loop3A_633 : vector<1x16xf32> to vector<16xf32>
        %parallel_loop3A_635 = arith.addf %parallel_loop3A_630, %parallel_loop3A_634 : vector<16xf32>
        %parallel_loop3A_636 = arith.index_cast %parallel_loop3A_528 : i32 to index
        %parallel_loop3A_637 = arith.constant 112 : index
        %parallel_loop3A_638 = tpu.vector_load %arg14[%parallel_loop3A_636, %parallel_loop3A_637] {strides = array<i32>} : memref<296x128xf32, #tpu.memory_space<vmem>>, vector<1x16xf32>,
        %parallel_loop3A_639 = vector.shape_cast %parallel_loop3A_638 : vector<1x16xf32> to vector<16xf32>
        %parallel_loop3A_640 = vector.shape_cast %parallel_loop3A_635 : vector<16xf32> to vector<1x16xf32>
        tpu.vector_store %arg14[%parallel_loop3A_636, %parallel_loop3A_637], %parallel_loop3A_640 {strides = array<i32>} : memref<296x128xf32, #tpu.memory_space<vmem>>, vector<1x16xf32>,
      } {sc.loop_unroll_factor = 4 : i64, sc.parallel_access}
      %mul3A_196 = arith.constant 9472 : i32
      %mul3A_197 = arith.muli %mul3A_168, %mul3A_196 : i32
      %add3A_198 = arith.addi %mul3A_197, %mul3A_2 : i32
      %add3A_199 = arith.constant 0 : i32
      %add3A_200 = arith.addi %add3A_198, %add3A_199 : i32
      %dma_start3A_201 = arith.constant 0 : i32
      %dma_start3A_202 = arith.constant 0 : i32
      %dma_start3A_203 = tpu.memref_slice %arg14[%dma_start3A_201, %dma_start3A_202] : memref<296x128xf32, #tpu.memory_space<vmem>> -> memref<152x128xf32, #tpu.memory_space<vmem>>
      %dma_start3A_204 = arith.constant 0 : i32
      %dma_start3A_205 = tpu.memref_slice %arg6[%add3A_200, %dma_start3A_204] : memref<606208x128xf32, #tpu.memory_space<hbm>> -> memref<152x128xf32, #tpu.memory_space<hbm>>
      %dma_start3A_206 = arith.constant 0 : i32
      %dma_start3A_207 = tpu.memref_slice %arg6[%add3A_200, %dma_start3A_206] : memref<606208x128xf32, #tpu.memory_space<hbm>> -> memref<152x128xf32, #tpu.memory_space<hbm>>
      %dma_start3A_208 = arith.constant 0 : i32
      %dma_start3A_209 = arith.constant 0 : i32
      %dma_start3A_210 = tpu.memref_slice %arg14[%dma_start3A_208, %dma_start3A_209] : memref<296x128xf32, #tpu.memory_space<vmem>> -> memref<152x128xf32, #tpu.memory_space<vmem>>
      tpu.enqueue_dma source(%dma_start3A_210 : memref<152x128xf32, #tpu.memory_space<vmem>>) target(%dma_start3A_207 : memref<152x128xf32, #tpu.memory_space<hbm>>) target_semaphore(%arg24 : memref<!tpu.dma_semaphore, #tpu.memory_space<semaphore_mem>>)
      %dma_wait3A_211 = arith.constant 152 : i32
      %dma_wait3A_212 = arith.constant 0 : i32
      %dma_wait3A_213 = tpu.memref_slice %arg14[%dma_wait3A_211, %dma_wait3A_212] : memref<296x128xf32, #tpu.memory_space<vmem>> -> memref<104x128xf32, #tpu.memory_space<vmem>>
      %dma_wait3A_214 = arith.constant 152 : i32
      %dma_wait3A_215 = tpu.memref_slice %arg10[%dma_wait3A_214] : memref<296xi32, #tpu.memory_space<vmem>> -> memref<104xi32, #tpu.memory_space<vmem>>
      %dma_wait3A_216 = arith.constant 0 : i32
      %dma_wait3A_217 = arith.constant 0 : i32
      %dma_wait3A_218 = tpu.memref_slice %arg7[%dma_wait3A_216, %dma_wait3A_217] : memref<256x128xf32, #tpu.memory_space<vmem_shared>> -> memref<256x128xf32, #tpu.memory_space<vmem_shared>>
      tpu.wait_indirect_dma semaphore(%arg21 : memref<!tpu.dma_semaphore, #tpu.memory_space<semaphore_mem>>) src(%dma_wait3A_218 : memref<256x128xf32, #tpu.memory_space<vmem_shared>>) dst(%dma_wait3A_213 : memref<104x128xf32, #tpu.memory_space<vmem>>)
      %dma_wait3A_219 = arith.constant 256 : i32
      %dma_wait3A_220 = arith.constant 0 : i32
      %dma_wait3A_221 = tpu.memref_slice %arg14[%dma_wait3A_219, %dma_wait3A_220] : memref<296x128xf32, #tpu.memory_space<vmem>> -> memref<40x128xf32, #tpu.memory_space<vmem>>
      %dma_wait3A_222 = arith.constant 256 : i32
      %dma_wait3A_223 = tpu.memref_slice %arg10[%dma_wait3A_222] : memref<296xi32, #tpu.memory_space<vmem>> -> memref<40xi32, #tpu.memory_space<vmem>>
      %dma_wait3A_224 = arith.constant 0 : i32
      %dma_wait3A_225 = arith.constant 0 : i32
      %dma_wait3A_226 = tpu.memref_slice %arg7[%dma_wait3A_224, %dma_wait3A_225] : memref<256x128xf32, #tpu.memory_space<vmem_shared>> -> memref<256x128xf32, #tpu.memory_space<vmem_shared>>
      tpu.wait_indirect_dma semaphore(%arg21 : memref<!tpu.dma_semaphore, #tpu.memory_space<semaphore_mem>>) src(%dma_wait3A_226 : memref<256x128xf32, #tpu.memory_space<vmem_shared>>) dst(%dma_wait3A_221 : memref<40x128xf32, #tpu.memory_space<vmem>>)
      %gt3A_227 = arith.constant 0 : i32
      %gt3A_228 = arith.cmpi sgt, %add3A_166, %gt3A_227 : i32
      %convert_element_type3A_229 = arith.extui %gt3A_228 : i1 to i32
      %cond3A_230 = arith.constant 0 : i32
      %cond3A_231 = arith.cmpi ne, %convert_element_type3A_229, %cond3A_230 : i32
      scf.if %cond3A_231 {
        %dma_wait3A_528 = arith.constant 152 : i32
        %dma_wait3A_529 = arith.constant 0 : i32
        %dma_wait3A_530 = tpu.memref_slice %arg15[%dma_wait3A_528, %dma_wait3A_529] : memref<296x128xf32, #tpu.memory_space<vmem>> -> memref<144x128xf32, #tpu.memory_space<vmem>>
        %dma_wait3A_531 = arith.constant 0 : i32
        %dma_wait3A_532 = arith.constant 0 : i32
        %dma_wait3A_533 = tpu.memref_slice %arg6[%dma_wait3A_531, %dma_wait3A_532] : memref<606208x128xf32, #tpu.memory_space<hbm>> -> memref<144x128xf32, #tpu.memory_space<hbm>>
        %dma_wait3A_534 = arith.constant 0 : i32
        %dma_wait3A_535 = arith.constant 0 : i32
        %dma_wait3A_536 = tpu.memref_slice %arg6[%dma_wait3A_534, %dma_wait3A_535] : memref<606208x128xf32, #tpu.memory_space<hbm>> -> memref<144x128xf32, #tpu.memory_space<hbm>>
        %dma_wait3A_537 = arith.constant 152 : i32
        %dma_wait3A_538 = arith.constant 0 : i32
        %dma_wait3A_539 = tpu.memref_slice %arg15[%dma_wait3A_537, %dma_wait3A_538] : memref<296x128xf32, #tpu.memory_space<vmem>> -> memref<144x128xf32, #tpu.memory_space<vmem>>
        tpu.wait_dma2 semaphore(%arg27 : memref<!tpu.dma_semaphore, #tpu.memory_space<semaphore_mem>>) src(%dma_wait3A_539 : memref<144x128xf32, #tpu.memory_space<vmem>>) dst(%dma_wait3A_536 : memref<144x128xf32, #tpu.memory_space<hbm>>)
        %dma_start3A_540 = arith.constant 152 : i32
        %dma_start3A_541 = arith.constant 0 : i32
        %dma_start3A_542 = tpu.memref_slice %arg15[%dma_start3A_540, %dma_start3A_541] : memref<296x128xf32, #tpu.memory_space<vmem>> -> memref<104x128xf32, #tpu.memory_space<vmem>>
        %dma_start3A_543 = arith.constant 152 : i32
        %dma_start3A_544 = tpu.memref_slice %arg11[%dma_start3A_543] : memref<296xi32, #tpu.memory_space<vmem>> -> memref<104xi32, #tpu.memory_space<vmem>>
        %dma_start3A_545 = arith.constant 0 : i32
        %dma_start3A_546 = arith.constant 0 : i32
        %dma_start3A_547 = tpu.memref_slice %arg7[%dma_start3A_545, %dma_start3A_546] : memref<256x128xf32, #tpu.memory_space<vmem_shared>> -> memref<256x128xf32, #tpu.memory_space<vmem_shared>>
        tpu.enqueue_indirect_dma source(%dma_start3A_547 : memref<256x128xf32, #tpu.memory_space<vmem_shared>>) target(%dma_start3A_542 : memref<104x128xf32, #tpu.memory_space<vmem>>) offsets(%dma_start3A_544 : memref<104xi32, #tpu.memory_space<vmem>>) semaphore(%arg23 : memref<!tpu.dma_semaphore, #tpu.memory_space<semaphore_mem>>)
        %dma_start3A_548 = arith.constant 256 : i32
        %dma_start3A_549 = arith.constant 0 : i32
        %dma_start3A_550 = tpu.memref_slice %arg15[%dma_start3A_548, %dma_start3A_549] : memref<296x128xf32, #tpu.memory_space<vmem>> -> memref<40x128xf32, #tpu.memory_space<vmem>>
        %dma_start3A_551 = arith.constant 256 : i32
        %dma_start3A_552 = tpu.memref_slice %arg11[%dma_start3A_551] : memref<296xi32, #tpu.memory_space<vmem>> -> memref<40xi32, #tpu.memory_space<vmem>>
        %dma_start3A_553 = arith.constant 0 : i32
        %dma_start3A_554 = arith.constant 0 : i32
        %dma_start3A_555 = tpu.memref_slice %arg7[%dma_start3A_553, %dma_start3A_554] : memref<256x128xf32, #tpu.memory_space<vmem_shared>> -> memref<256x128xf32, #tpu.memory_space<vmem_shared>>
        tpu.enqueue_indirect_dma source(%dma_start3A_555 : memref<256x128xf32, #tpu.memory_space<vmem_shared>>) target(%dma_start3A_550 : memref<40x128xf32, #tpu.memory_space<vmem>>) offsets(%dma_start3A_552 : memref<40xi32, #tpu.memory_space<vmem>>) semaphore(%arg23 : memref<!tpu.dma_semaphore, #tpu.memory_space<semaphore_mem>>)
      } else {
      }
      %parallel_loop3A_232 = arith.constant 152 : i32
      %parallel_loop3A_233 = arith.constant 296 : i32
      %parallel_loop3A_234 = arith.constant 1 : i32
      scf.for %parallel_loop3A_528 = %parallel_loop3A_232 to %parallel_loop3A_233 step %parallel_loop3A_234  : i32 {
        %parallel_loop3A_529 = arith.index_cast %parallel_loop3A_528 : i32 to index
        %parallel_loop3A_530 = arith.constant 0 : index
        %parallel_loop3A_531 = tpu.vector_load %arg14[%parallel_loop3A_529, %parallel_loop3A_530] {strides = array<i32>} : memref<296x128xf32, #tpu.memory_space<vmem>>, vector<1x16xf32>,
        %parallel_loop3A_532 = vector.shape_cast %parallel_loop3A_531 : vector<1x16xf32> to vector<16xf32>
        %parallel_loop3A_533 = arith.index_cast %parallel_loop3A_528 : i32 to index
        %parallel_loop3A_534 = arith.constant 0 : index
        %parallel_loop3A_535 = tpu.vector_load %arg9[%parallel_loop3A_533, %parallel_loop3A_534] {strides = array<i32>} : memref<296x128xf32, #tpu.memory_space<vmem>>, vector<1x16xf32>,
        %parallel_loop3A_536 = vector.shape_cast %parallel_loop3A_535 : vector<1x16xf32> to vector<16xf32>
        %parallel_loop3A_537 = arith.addf %parallel_loop3A_532, %parallel_loop3A_536 : vector<16xf32>
        %parallel_loop3A_538 = arith.index_cast %parallel_loop3A_528 : i32 to index
        %parallel_loop3A_539 = arith.constant 0 : index
        %parallel_loop3A_540 = tpu.vector_load %arg14[%parallel_loop3A_538, %parallel_loop3A_539] {strides = array<i32>} : memref<296x128xf32, #tpu.memory_space<vmem>>, vector<1x16xf32>,
        %parallel_loop3A_541 = vector.shape_cast %parallel_loop3A_540 : vector<1x16xf32> to vector<16xf32>
        %parallel_loop3A_542 = vector.shape_cast %parallel_loop3A_537 : vector<16xf32> to vector<1x16xf32>
        tpu.vector_store %arg14[%parallel_loop3A_538, %parallel_loop3A_539], %parallel_loop3A_542 {strides = array<i32>} : memref<296x128xf32, #tpu.memory_space<vmem>>, vector<1x16xf32>,
        %parallel_loop3A_543 = arith.index_cast %parallel_loop3A_528 : i32 to index
        %parallel_loop3A_544 = arith.constant 16 : index
        %parallel_loop3A_545 = tpu.vector_load %arg14[%parallel_loop3A_543, %parallel_loop3A_544] {strides = array<i32>} : memref<296x128xf32, #tpu.memory_space<vmem>>, vector<1x16xf32>,
        %parallel_loop3A_546 = vector.shape_cast %parallel_loop3A_545 : vector<1x16xf32> to vector<16xf32>
        %parallel_loop3A_547 = arith.index_cast %parallel_loop3A_528 : i32 to index
        %parallel_loop3A_548 = arith.constant 16 : index
        %parallel_loop3A_549 = tpu.vector_load %arg9[%parallel_loop3A_547, %parallel_loop3A_548] {strides = array<i32>} : memref<296x128xf32, #tpu.memory_space<vmem>>, vector<1x16xf32>,
        %parallel_loop3A_550 = vector.shape_cast %parallel_loop3A_549 : vector<1x16xf32> to vector<16xf32>
        %parallel_loop3A_551 = arith.addf %parallel_loop3A_546, %parallel_loop3A_550 : vector<16xf32>
        %parallel_loop3A_552 = arith.index_cast %parallel_loop3A_528 : i32 to index
        %parallel_loop3A_553 = arith.constant 16 : index
        %parallel_loop3A_554 = tpu.vector_load %arg14[%parallel_loop3A_552, %parallel_loop3A_553] {strides = array<i32>} : memref<296x128xf32, #tpu.memory_space<vmem>>, vector<1x16xf32>,
        %parallel_loop3A_555 = vector.shape_cast %parallel_loop3A_554 : vector<1x16xf32> to vector<16xf32>
        %parallel_loop3A_556 = vector.shape_cast %parallel_loop3A_551 : vector<16xf32> to vector<1x16xf32>
        tpu.vector_store %arg14[%parallel_loop3A_552, %parallel_loop3A_553], %parallel_loop3A_556 {strides = array<i32>} : memref<296x128xf32, #tpu.memory_space<vmem>>, vector<1x16xf32>,
        %parallel_loop3A_557 = arith.index_cast %parallel_loop3A_528 : i32 to index
        %parallel_loop3A_558 = arith.constant 32 : index
        %parallel_loop3A_559 = tpu.vector_load %arg14[%parallel_loop3A_557, %parallel_loop3A_558] {strides = array<i32>} : memref<296x128xf32, #tpu.memory_space<vmem>>, vector<1x16xf32>,
        %parallel_loop3A_560 = vector.shape_cast %parallel_loop3A_559 : vector<1x16xf32> to vector<16xf32>
        %parallel_loop3A_561 = arith.index_cast %parallel_loop3A_528 : i32 to index
        %parallel_loop3A_562 = arith.constant 32 : index
        %parallel_loop3A_563 = tpu.vector_load %arg9[%parallel_loop3A_561, %parallel_loop3A_562] {strides = array<i32>} : memref<296x128xf32, #tpu.memory_space<vmem>>, vector<1x16xf32>,
        %parallel_loop3A_564 = vector.shape_cast %parallel_loop3A_563 : vector<1x16xf32> to vector<16xf32>
        %parallel_loop3A_565 = arith.addf %parallel_loop3A_560, %parallel_loop3A_564 : vector<16xf32>
        %parallel_loop3A_566 = arith.index_cast %parallel_loop3A_528 : i32 to index
        %parallel_loop3A_567 = arith.constant 32 : index
        %parallel_loop3A_568 = tpu.vector_load %arg14[%parallel_loop3A_566, %parallel_loop3A_567] {strides = array<i32>} : memref<296x128xf32, #tpu.memory_space<vmem>>, vector<1x16xf32>,
        %parallel_loop3A_569 = vector.shape_cast %parallel_loop3A_568 : vector<1x16xf32> to vector<16xf32>
        %parallel_loop3A_570 = vector.shape_cast %parallel_loop3A_565 : vector<16xf32> to vector<1x16xf32>
        tpu.vector_store %arg14[%parallel_loop3A_566, %parallel_loop3A_567], %parallel_loop3A_570 {strides = array<i32>} : memref<296x128xf32, #tpu.memory_space<vmem>>, vector<1x16xf32>,
        %parallel_loop3A_571 = arith.index_cast %parallel_loop3A_528 : i32 to index
        %parallel_loop3A_572 = arith.constant 48 : index
        %parallel_loop3A_573 = tpu.vector_load %arg14[%parallel_loop3A_571, %parallel_loop3A_572] {strides = array<i32>} : memref<296x128xf32, #tpu.memory_space<vmem>>, vector<1x16xf32>,
        %parallel_loop3A_574 = vector.shape_cast %parallel_loop3A_573 : vector<1x16xf32> to vector<16xf32>
        %parallel_loop3A_575 = arith.index_cast %parallel_loop3A_528 : i32 to index
        %parallel_loop3A_576 = arith.constant 48 : index
        %parallel_loop3A_577 = tpu.vector_load %arg9[%parallel_loop3A_575, %parallel_loop3A_576] {strides = array<i32>} : memref<296x128xf32, #tpu.memory_space<vmem>>, vector<1x16xf32>,
        %parallel_loop3A_578 = vector.shape_cast %parallel_loop3A_577 : vector<1x16xf32> to vector<16xf32>
        %parallel_loop3A_579 = arith.addf %parallel_loop3A_574, %parallel_loop3A_578 : vector<16xf32>
        %parallel_loop3A_580 = arith.index_cast %parallel_loop3A_528 : i32 to index
        %parallel_loop3A_581 = arith.constant 48 : index
        %parallel_loop3A_582 = tpu.vector_load %arg14[%parallel_loop3A_580, %parallel_loop3A_581] {strides = array<i32>} : memref<296x128xf32, #tpu.memory_space<vmem>>, vector<1x16xf32>,
        %parallel_loop3A_583 = vector.shape_cast %parallel_loop3A_582 : vector<1x16xf32> to vector<16xf32>
        %parallel_loop3A_584 = vector.shape_cast %parallel_loop3A_579 : vector<16xf32> to vector<1x16xf32>
        tpu.vector_store %arg14[%parallel_loop3A_580, %parallel_loop3A_581], %parallel_loop3A_584 {strides = array<i32>} : memref<296x128xf32, #tpu.memory_space<vmem>>, vector<1x16xf32>,
        %parallel_loop3A_585 = arith.index_cast %parallel_loop3A_528 : i32 to index
        %parallel_loop3A_586 = arith.constant 64 : index
        %parallel_loop3A_587 = tpu.vector_load %arg14[%parallel_loop3A_585, %parallel_loop3A_586] {strides = array<i32>} : memref<296x128xf32, #tpu.memory_space<vmem>>, vector<1x16xf32>,
        %parallel_loop3A_588 = vector.shape_cast %parallel_loop3A_587 : vector<1x16xf32> to vector<16xf32>
        %parallel_loop3A_589 = arith.index_cast %parallel_loop3A_528 : i32 to index
        %parallel_loop3A_590 = arith.constant 64 : index
        %parallel_loop3A_591 = tpu.vector_load %arg9[%parallel_loop3A_589, %parallel_loop3A_590] {strides = array<i32>} : memref<296x128xf32, #tpu.memory_space<vmem>>, vector<1x16xf32>,
        %parallel_loop3A_592 = vector.shape_cast %parallel_loop3A_591 : vector<1x16xf32> to vector<16xf32>
        %parallel_loop3A_593 = arith.addf %parallel_loop3A_588, %parallel_loop3A_592 : vector<16xf32>
        %parallel_loop3A_594 = arith.index_cast %parallel_loop3A_528 : i32 to index
        %parallel_loop3A_595 = arith.constant 64 : index
        %parallel_loop3A_596 = tpu.vector_load %arg14[%parallel_loop3A_594, %parallel_loop3A_595] {strides = array<i32>} : memref<296x128xf32, #tpu.memory_space<vmem>>, vector<1x16xf32>,
        %parallel_loop3A_597 = vector.shape_cast %parallel_loop3A_596 : vector<1x16xf32> to vector<16xf32>
        %parallel_loop3A_598 = vector.shape_cast %parallel_loop3A_593 : vector<16xf32> to vector<1x16xf32>
        tpu.vector_store %arg14[%parallel_loop3A_594, %parallel_loop3A_595], %parallel_loop3A_598 {strides = array<i32>} : memref<296x128xf32, #tpu.memory_space<vmem>>, vector<1x16xf32>,
        %parallel_loop3A_599 = arith.index_cast %parallel_loop3A_528 : i32 to index
        %parallel_loop3A_600 = arith.constant 80 : index
        %parallel_loop3A_601 = tpu.vector_load %arg14[%parallel_loop3A_599, %parallel_loop3A_600] {strides = array<i32>} : memref<296x128xf32, #tpu.memory_space<vmem>>, vector<1x16xf32>,
        %parallel_loop3A_602 = vector.shape_cast %parallel_loop3A_601 : vector<1x16xf32> to vector<16xf32>
        %parallel_loop3A_603 = arith.index_cast %parallel_loop3A_528 : i32 to index
        %parallel_loop3A_604 = arith.constant 80 : index
        %parallel_loop3A_605 = tpu.vector_load %arg9[%parallel_loop3A_603, %parallel_loop3A_604] {strides = array<i32>} : memref<296x128xf32, #tpu.memory_space<vmem>>, vector<1x16xf32>,
        %parallel_loop3A_606 = vector.shape_cast %parallel_loop3A_605 : vector<1x16xf32> to vector<16xf32>
        %parallel_loop3A_607 = arith.addf %parallel_loop3A_602, %parallel_loop3A_606 : vector<16xf32>
        %parallel_loop3A_608 = arith.index_cast %parallel_loop3A_528 : i32 to index
        %parallel_loop3A_609 = arith.constant 80 : index
        %parallel_loop3A_610 = tpu.vector_load %arg14[%parallel_loop3A_608, %parallel_loop3A_609] {strides = array<i32>} : memref<296x128xf32, #tpu.memory_space<vmem>>, vector<1x16xf32>,
        %parallel_loop3A_611 = vector.shape_cast %parallel_loop3A_610 : vector<1x16xf32> to vector<16xf32>
        %parallel_loop3A_612 = vector.shape_cast %parallel_loop3A_607 : vector<16xf32> to vector<1x16xf32>
        tpu.vector_store %arg14[%parallel_loop3A_608, %parallel_loop3A_609], %parallel_loop3A_612 {strides = array<i32>} : memref<296x128xf32, #tpu.memory_space<vmem>>, vector<1x16xf32>,
        %parallel_loop3A_613 = arith.index_cast %parallel_loop3A_528 : i32 to index
        %parallel_loop3A_614 = arith.constant 96 : index
        %parallel_loop3A_615 = tpu.vector_load %arg14[%parallel_loop3A_613, %parallel_loop3A_614] {strides = array<i32>} : memref<296x128xf32, #tpu.memory_space<vmem>>, vector<1x16xf32>,
        %parallel_loop3A_616 = vector.shape_cast %parallel_loop3A_615 : vector<1x16xf32> to vector<16xf32>
        %parallel_loop3A_617 = arith.index_cast %parallel_loop3A_528 : i32 to index
        %parallel_loop3A_618 = arith.constant 96 : index
        %parallel_loop3A_619 = tpu.vector_load %arg9[%parallel_loop3A_617, %parallel_loop3A_618] {strides = array<i32>} : memref<296x128xf32, #tpu.memory_space<vmem>>, vector<1x16xf32>,
        %parallel_loop3A_620 = vector.shape_cast %parallel_loop3A_619 : vector<1x16xf32> to vector<16xf32>
        %parallel_loop3A_621 = arith.addf %parallel_loop3A_616, %parallel_loop3A_620 : vector<16xf32>
        %parallel_loop3A_622 = arith.index_cast %parallel_loop3A_528 : i32 to index
        %parallel_loop3A_623 = arith.constant 96 : index
        %parallel_loop3A_624 = tpu.vector_load %arg14[%parallel_loop3A_622, %parallel_loop3A_623] {strides = array<i32>} : memref<296x128xf32, #tpu.memory_space<vmem>>, vector<1x16xf32>,
        %parallel_loop3A_625 = vector.shape_cast %parallel_loop3A_624 : vector<1x16xf32> to vector<16xf32>
        %parallel_loop3A_626 = vector.shape_cast %parallel_loop3A_621 : vector<16xf32> to vector<1x16xf32>
        tpu.vector_store %arg14[%parallel_loop3A_622, %parallel_loop3A_623], %parallel_loop3A_626 {strides = array<i32>} : memref<296x128xf32, #tpu.memory_space<vmem>>, vector<1x16xf32>,
        %parallel_loop3A_627 = arith.index_cast %parallel_loop3A_528 : i32 to index
        %parallel_loop3A_628 = arith.constant 112 : index
        %parallel_loop3A_629 = tpu.vector_load %arg14[%parallel_loop3A_627, %parallel_loop3A_628] {strides = array<i32>} : memref<296x128xf32, #tpu.memory_space<vmem>>, vector<1x16xf32>,
        %parallel_loop3A_630 = vector.shape_cast %parallel_loop3A_629 : vector<1x16xf32> to vector<16xf32>
        %parallel_loop3A_631 = arith.index_cast %parallel_loop3A_528 : i32 to index
        %parallel_loop3A_632 = arith.constant 112 : index
        %parallel_loop3A_633 = tpu.vector_load %arg9[%parallel_loop3A_631, %parallel_loop3A_632] {strides = array<i32>} : memref<296x128xf32, #tpu.memory_space<vmem>>, vector<1x16xf32>,
        %parallel_loop3A_634 = vector.shape_cast %parallel_loop3A_633 : vector<1x16xf32> to vector<16xf32>
        %parallel_loop3A_635 = arith.addf %parallel_loop3A_630, %parallel_loop3A_634 : vector<16xf32>
        %parallel_loop3A_636 = arith.index_cast %parallel_loop3A_528 : i32 to index
        %parallel_loop3A_637 = arith.constant 112 : index
        %parallel_loop3A_638 = tpu.vector_load %arg14[%parallel_loop3A_636, %parallel_loop3A_637] {strides = array<i32>} : memref<296x128xf32, #tpu.memory_space<vmem>>, vector<1x16xf32>,
        %parallel_loop3A_639 = vector.shape_cast %parallel_loop3A_638 : vector<1x16xf32> to vector<16xf32>
        %parallel_loop3A_640 = vector.shape_cast %parallel_loop3A_635 : vector<16xf32> to vector<1x16xf32>
        tpu.vector_store %arg14[%parallel_loop3A_636, %parallel_loop3A_637], %parallel_loop3A_640 {strides = array<i32>} : memref<296x128xf32, #tpu.memory_space<vmem>>, vector<1x16xf32>,
      } {sc.loop_unroll_factor = 4 : i64, sc.parallel_access}
      %mul3A_235 = arith.constant 9472 : i32
      %mul3A_236 = arith.muli %mul3A_168, %mul3A_235 : i32
      %add3A_237 = arith.addi %mul3A_236, %mul3A_2 : i32
      %add3A_238 = arith.constant 152 : i32
      %add3A_239 = arith.addi %add3A_237, %add3A_238 : i32
      %dma_start3A_240 = arith.constant 152 : i32
      %dma_start3A_241 = arith.constant 0 : i32
      %dma_start3A_242 = tpu.memref_slice %arg14[%dma_start3A_240, %dma_start3A_241] : memref<296x128xf32, #tpu.memory_space<vmem>> -> memref<144x128xf32, #tpu.memory_space<vmem>>
      %dma_start3A_243 = arith.constant 0 : i32
      %dma_start3A_244 = tpu.memref_slice %arg6[%add3A_239, %dma_start3A_243] : memref<606208x128xf32, #tpu.memory_space<hbm>> -> memref<144x128xf32, #tpu.memory_space<hbm>>
      %dma_start3A_245 = arith.constant 0 : i32
      %dma_start3A_246 = tpu.memref_slice %arg6[%add3A_239, %dma_start3A_245] : memref<606208x128xf32, #tpu.memory_space<hbm>> -> memref<144x128xf32, #tpu.memory_space<hbm>>
      %dma_start3A_247 = arith.constant 152 : i32
      %dma_start3A_248 = arith.constant 0 : i32
      %dma_start3A_249 = tpu.memref_slice %arg14[%dma_start3A_247, %dma_start3A_248] : memref<296x128xf32, #tpu.memory_space<vmem>> -> memref<144x128xf32, #tpu.memory_space<vmem>>
      tpu.enqueue_dma source(%dma_start3A_249 : memref<144x128xf32, #tpu.memory_space<vmem>>) target(%dma_start3A_246 : memref<144x128xf32, #tpu.memory_space<hbm>>) target_semaphore(%arg25 : memref<!tpu.dma_semaphore, #tpu.memory_space<semaphore_mem>>)
      %dma_wait3A_250 = arith.constant 0 : i32
      %dma_wait3A_251 = arith.constant 0 : i32
      %dma_wait3A_252 = tpu.memref_slice %arg15[%dma_wait3A_250, %dma_wait3A_251] : memref<296x128xf32, #tpu.memory_space<vmem>> -> memref<128x128xf32, #tpu.memory_space<vmem>>
      %dma_wait3A_253 = arith.constant 0 : i32
      %dma_wait3A_254 = tpu.memref_slice %arg11[%dma_wait3A_253] : memref<296xi32, #tpu.memory_space<vmem>> -> memref<128xi32, #tpu.memory_space<vmem>>
      %dma_wait3A_255 = arith.constant 0 : i32
      %dma_wait3A_256 = arith.constant 0 : i32
      %dma_wait3A_257 = tpu.memref_slice %arg7[%dma_wait3A_255, %dma_wait3A_256] : memref<256x128xf32, #tpu.memory_space<vmem_shared>> -> memref<256x128xf32, #tpu.memory_space<vmem_shared>>
      tpu.wait_indirect_dma semaphore(%arg22 : memref<!tpu.dma_semaphore, #tpu.memory_space<semaphore_mem>>) src(%dma_wait3A_257 : memref<256x128xf32, #tpu.memory_space<vmem_shared>>) dst(%dma_wait3A_252 : memref<128x128xf32, #tpu.memory_space<vmem>>)
      %dma_wait3A_258 = arith.constant 128 : i32
      %dma_wait3A_259 = arith.constant 0 : i32
      %dma_wait3A_260 = tpu.memref_slice %arg15[%dma_wait3A_258, %dma_wait3A_259] : memref<296x128xf32, #tpu.memory_space<vmem>> -> memref<24x128xf32, #tpu.memory_space<vmem>>
      %dma_wait3A_261 = arith.constant 128 : i32
      %dma_wait3A_262 = tpu.memref_slice %arg11[%dma_wait3A_261] : memref<296xi32, #tpu.memory_space<vmem>> -> memref<24xi32, #tpu.memory_space<vmem>>
      %dma_wait3A_263 = arith.constant 0 : i32
      %dma_wait3A_264 = arith.constant 0 : i32
      %dma_wait3A_265 = tpu.memref_slice %arg7[%dma_wait3A_263, %dma_wait3A_264] : memref<256x128xf32, #tpu.memory_space<vmem_shared>> -> memref<256x128xf32, #tpu.memory_space<vmem_shared>>
      tpu.wait_indirect_dma semaphore(%arg22 : memref<!tpu.dma_semaphore, #tpu.memory_space<semaphore_mem>>) src(%dma_wait3A_265 : memref<256x128xf32, #tpu.memory_space<vmem_shared>>) dst(%dma_wait3A_260 : memref<24x128xf32, #tpu.memory_space<vmem>>)
      %add3A_266 = arith.constant 2 : i32
      %add3A_267 = arith.addi %mul3A_168, %add3A_266 : i32
      %lt3A_268 = arith.constant 64 : i32
      %lt3A_269 = arith.cmpi slt, %add3A_267, %lt3A_268 : i32
      %convert_element_type3A_270 = arith.extui %lt3A_269 : i1 to i32
      %cond3A_271 = arith.constant 0 : i32
      %cond3A_272 = arith.cmpi ne, %convert_element_type3A_270, %cond3A_271 : i32
      scf.if %cond3A_272 {
        %dma_wait3A_528 = arith.constant 0 : i32
        %dma_wait3A_529 = arith.constant 0 : i32
        %dma_wait3A_530 = tpu.memref_slice %arg14[%dma_wait3A_528, %dma_wait3A_529] : memref<296x128xf32, #tpu.memory_space<vmem>> -> memref<152x128xf32, #tpu.memory_space<vmem>>
        %dma_wait3A_531 = arith.constant 0 : i32
        %dma_wait3A_532 = arith.constant 0 : i32
        %dma_wait3A_533 = tpu.memref_slice %arg6[%dma_wait3A_531, %dma_wait3A_532] : memref<606208x128xf32, #tpu.memory_space<hbm>> -> memref<152x128xf32, #tpu.memory_space<hbm>>
        %dma_wait3A_534 = arith.constant 0 : i32
        %dma_wait3A_535 = arith.constant 0 : i32
        %dma_wait3A_536 = tpu.memref_slice %arg6[%dma_wait3A_534, %dma_wait3A_535] : memref<606208x128xf32, #tpu.memory_space<hbm>> -> memref<152x128xf32, #tpu.memory_space<hbm>>
        %dma_wait3A_537 = arith.constant 0 : i32
        %dma_wait3A_538 = arith.constant 0 : i32
        %dma_wait3A_539 = tpu.memref_slice %arg14[%dma_wait3A_537, %dma_wait3A_538] : memref<296x128xf32, #tpu.memory_space<vmem>> -> memref<152x128xf32, #tpu.memory_space<vmem>>
        tpu.wait_dma2 semaphore(%arg24 : memref<!tpu.dma_semaphore, #tpu.memory_space<semaphore_mem>>) src(%dma_wait3A_539 : memref<152x128xf32, #tpu.memory_space<vmem>>) dst(%dma_wait3A_536 : memref<152x128xf32, #tpu.memory_space<hbm>>)
        %dma_wait3A_540 = arith.constant 0 : i32
        %dma_wait3A_541 = tpu.memref_slice %arg3[%dma_wait3A_540] : memref<606208xi32, #tpu.memory_space<hbm>> -> memref<296xi32, #tpu.memory_space<hbm>>
        %dma_wait3A_542 = arith.constant 0 : i32
        %dma_wait3A_543 = tpu.memref_slice %arg3[%dma_wait3A_542] : memref<606208xi32, #tpu.memory_space<hbm>> -> memref<296xi32, #tpu.memory_space<hbm>>
        tpu.wait_dma2 semaphore(%arg18 : memref<!tpu.dma_semaphore, #tpu.memory_space<semaphore_mem>>) src(%dma_wait3A_543 : memref<296xi32, #tpu.memory_space<hbm>>) dst(%arg12 : memref<296xi32, #tpu.memory_space<vmem>>)
        %dma_start3A_544 = arith.constant 0 : i32
        %dma_start3A_545 = arith.constant 0 : i32
        %dma_start3A_546 = tpu.memref_slice %arg14[%dma_start3A_544, %dma_start3A_545] : memref<296x128xf32, #tpu.memory_space<vmem>> -> memref<128x128xf32, #tpu.memory_space<vmem>>
        %dma_start3A_547 = arith.constant 0 : i32
        %dma_start3A_548 = tpu.memref_slice %arg12[%dma_start3A_547] : memref<296xi32, #tpu.memory_space<vmem>> -> memref<128xi32, #tpu.memory_space<vmem>>
        %dma_start3A_549 = arith.constant 0 : i32
        %dma_start3A_550 = arith.constant 0 : i32
        %dma_start3A_551 = tpu.memref_slice %arg7[%dma_start3A_549, %dma_start3A_550] : memref<256x128xf32, #tpu.memory_space<vmem_shared>> -> memref<256x128xf32, #tpu.memory_space<vmem_shared>>
        tpu.enqueue_indirect_dma source(%dma_start3A_551 : memref<256x128xf32, #tpu.memory_space<vmem_shared>>) target(%dma_start3A_546 : memref<128x128xf32, #tpu.memory_space<vmem>>) offsets(%dma_start3A_548 : memref<128xi32, #tpu.memory_space<vmem>>) semaphore(%arg20 : memref<!tpu.dma_semaphore, #tpu.memory_space<semaphore_mem>>)
        %dma_start3A_552 = arith.constant 128 : i32
        %dma_start3A_553 = arith.constant 0 : i32
        %dma_start3A_554 = tpu.memref_slice %arg14[%dma_start3A_552, %dma_start3A_553] : memref<296x128xf32, #tpu.memory_space<vmem>> -> memref<24x128xf32, #tpu.memory_space<vmem>>
        %dma_start3A_555 = arith.constant 128 : i32
        %dma_start3A_556 = tpu.memref_slice %arg12[%dma_start3A_555] : memref<296xi32, #tpu.memory_space<vmem>> -> memref<24xi32, #tpu.memory_space<vmem>>
        %dma_start3A_557 = arith.constant 0 : i32
        %dma_start3A_558 = arith.constant 0 : i32
        %dma_start3A_559 = tpu.memref_slice %arg7[%dma_start3A_557, %dma_start3A_558] : memref<256x128xf32, #tpu.memory_space<vmem_shared>> -> memref<256x128xf32, #tpu.memory_space<vmem_shared>>
        tpu.enqueue_indirect_dma source(%dma_start3A_559 : memref<256x128xf32, #tpu.memory_space<vmem_shared>>) target(%dma_start3A_554 : memref<24x128xf32, #tpu.memory_space<vmem>>) offsets(%dma_start3A_556 : memref<24xi32, #tpu.memory_space<vmem>>) semaphore(%arg20 : memref<!tpu.dma_semaphore, #tpu.memory_space<semaphore_mem>>)
      } else {
      }
      %add3A_273 = arith.constant 4 : i32
      %add3A_274 = arith.addi %mul3A_168, %add3A_273 : i32
      %lt3A_275 = arith.constant 64 : i32
      %lt3A_276 = arith.cmpi slt, %add3A_274, %lt3A_275 : i32
      %convert_element_type3A_277 = arith.extui %lt3A_276 : i1 to i32
      %cond3A_278 = arith.constant 0 : i32
      %cond3A_279 = arith.cmpi ne, %convert_element_type3A_277, %cond3A_278 : i32
      scf.if %cond3A_279 {
        %add3A_528 = arith.constant 4 : i32
        %add3A_529 = arith.addi %mul3A_168, %add3A_528 : i32
        %mul3A_530 = arith.constant 9472 : i32
        %mul3A_531 = arith.muli %add3A_529, %mul3A_530 : i32
        %add3A_532 = arith.addi %mul3A_531, %mul3A_2 : i32
        %dma_start3A_533 = tpu.memref_slice %arg3[%add3A_532] : memref<606208xi32, #tpu.memory_space<hbm>> -> memref<296xi32, #tpu.memory_space<hbm>>
        %dma_start3A_534 = tpu.memref_slice %arg3[%add3A_532] : memref<606208xi32, #tpu.memory_space<hbm>> -> memref<296xi32, #tpu.memory_space<hbm>>
        tpu.enqueue_dma source(%dma_start3A_534 : memref<296xi32, #tpu.memory_space<hbm>>) target(%arg10 : memref<296xi32, #tpu.memory_space<vmem>>) target_semaphore(%arg16 : memref<!tpu.dma_semaphore, #tpu.memory_space<semaphore_mem>>)
      } else {
      }
      %parallel_loop3A_280 = arith.constant 0 : i32
      %parallel_loop3A_281 = arith.constant 152 : i32
      %parallel_loop3A_282 = arith.constant 1 : i32
      scf.for %parallel_loop3A_528 = %parallel_loop3A_280 to %parallel_loop3A_281 step %parallel_loop3A_282  : i32 {
        %parallel_loop3A_529 = arith.index_cast %parallel_loop3A_528 : i32 to index
        %parallel_loop3A_530 = arith.constant 0 : index
        %parallel_loop3A_531 = tpu.vector_load %arg15[%parallel_loop3A_529, %parallel_loop3A_530] {strides = array<i32>} : memref<296x128xf32, #tpu.memory_space<vmem>>, vector<1x16xf32>,
        %parallel_loop3A_532 = vector.shape_cast %parallel_loop3A_531 : vector<1x16xf32> to vector<16xf32>
        %parallel_loop3A_533 = arith.index_cast %parallel_loop3A_528 : i32 to index
        %parallel_loop3A_534 = arith.constant 0 : index
        %parallel_loop3A_535 = tpu.vector_load %arg9[%parallel_loop3A_533, %parallel_loop3A_534] {strides = array<i32>} : memref<296x128xf32, #tpu.memory_space<vmem>>, vector<1x16xf32>,
        %parallel_loop3A_536 = vector.shape_cast %parallel_loop3A_535 : vector<1x16xf32> to vector<16xf32>
        %parallel_loop3A_537 = arith.addf %parallel_loop3A_532, %parallel_loop3A_536 : vector<16xf32>
        %parallel_loop3A_538 = arith.index_cast %parallel_loop3A_528 : i32 to index
        %parallel_loop3A_539 = arith.constant 0 : index
        %parallel_loop3A_540 = tpu.vector_load %arg15[%parallel_loop3A_538, %parallel_loop3A_539] {strides = array<i32>} : memref<296x128xf32, #tpu.memory_space<vmem>>, vector<1x16xf32>,
        %parallel_loop3A_541 = vector.shape_cast %parallel_loop3A_540 : vector<1x16xf32> to vector<16xf32>
        %parallel_loop3A_542 = vector.shape_cast %parallel_loop3A_537 : vector<16xf32> to vector<1x16xf32>
        tpu.vector_store %arg15[%parallel_loop3A_538, %parallel_loop3A_539], %parallel_loop3A_542 {strides = array<i32>} : memref<296x128xf32, #tpu.memory_space<vmem>>, vector<1x16xf32>,
        %parallel_loop3A_543 = arith.index_cast %parallel_loop3A_528 : i32 to index
        %parallel_loop3A_544 = arith.constant 16 : index
        %parallel_loop3A_545 = tpu.vector_load %arg15[%parallel_loop3A_543, %parallel_loop3A_544] {strides = array<i32>} : memref<296x128xf32, #tpu.memory_space<vmem>>, vector<1x16xf32>,
        %parallel_loop3A_546 = vector.shape_cast %parallel_loop3A_545 : vector<1x16xf32> to vector<16xf32>
        %parallel_loop3A_547 = arith.index_cast %parallel_loop3A_528 : i32 to index
        %parallel_loop3A_548 = arith.constant 16 : index
        %parallel_loop3A_549 = tpu.vector_load %arg9[%parallel_loop3A_547, %parallel_loop3A_548] {strides = array<i32>} : memref<296x128xf32, #tpu.memory_space<vmem>>, vector<1x16xf32>,
        %parallel_loop3A_550 = vector.shape_cast %parallel_loop3A_549 : vector<1x16xf32> to vector<16xf32>
        %parallel_loop3A_551 = arith.addf %parallel_loop3A_546, %parallel_loop3A_550 : vector<16xf32>
        %parallel_loop3A_552 = arith.index_cast %parallel_loop3A_528 : i32 to index
        %parallel_loop3A_553 = arith.constant 16 : index
        %parallel_loop3A_554 = tpu.vector_load %arg15[%parallel_loop3A_552, %parallel_loop3A_553] {strides = array<i32>} : memref<296x128xf32, #tpu.memory_space<vmem>>, vector<1x16xf32>,
        %parallel_loop3A_555 = vector.shape_cast %parallel_loop3A_554 : vector<1x16xf32> to vector<16xf32>
        %parallel_loop3A_556 = vector.shape_cast %parallel_loop3A_551 : vector<16xf32> to vector<1x16xf32>
        tpu.vector_store %arg15[%parallel_loop3A_552, %parallel_loop3A_553], %parallel_loop3A_556 {strides = array<i32>} : memref<296x128xf32, #tpu.memory_space<vmem>>, vector<1x16xf32>,
        %parallel_loop3A_557 = arith.index_cast %parallel_loop3A_528 : i32 to index
        %parallel_loop3A_558 = arith.constant 32 : index
        %parallel_loop3A_559 = tpu.vector_load %arg15[%parallel_loop3A_557, %parallel_loop3A_558] {strides = array<i32>} : memref<296x128xf32, #tpu.memory_space<vmem>>, vector<1x16xf32>,
        %parallel_loop3A_560 = vector.shape_cast %parallel_loop3A_559 : vector<1x16xf32> to vector<16xf32>
        %parallel_loop3A_561 = arith.index_cast %parallel_loop3A_528 : i32 to index
        %parallel_loop3A_562 = arith.constant 32 : index
        %parallel_loop3A_563 = tpu.vector_load %arg9[%parallel_loop3A_561, %parallel_loop3A_562] {strides = array<i32>} : memref<296x128xf32, #tpu.memory_space<vmem>>, vector<1x16xf32>,
        %parallel_loop3A_564 = vector.shape_cast %parallel_loop3A_563 : vector<1x16xf32> to vector<16xf32>
        %parallel_loop3A_565 = arith.addf %parallel_loop3A_560, %parallel_loop3A_564 : vector<16xf32>
        %parallel_loop3A_566 = arith.index_cast %parallel_loop3A_528 : i32 to index
        %parallel_loop3A_567 = arith.constant 32 : index
        %parallel_loop3A_568 = tpu.vector_load %arg15[%parallel_loop3A_566, %parallel_loop3A_567] {strides = array<i32>} : memref<296x128xf32, #tpu.memory_space<vmem>>, vector<1x16xf32>,
        %parallel_loop3A_569 = vector.shape_cast %parallel_loop3A_568 : vector<1x16xf32> to vector<16xf32>
        %parallel_loop3A_570 = vector.shape_cast %parallel_loop3A_565 : vector<16xf32> to vector<1x16xf32>
        tpu.vector_store %arg15[%parallel_loop3A_566, %parallel_loop3A_567], %parallel_loop3A_570 {strides = array<i32>} : memref<296x128xf32, #tpu.memory_space<vmem>>, vector<1x16xf32>,
        %parallel_loop3A_571 = arith.index_cast %parallel_loop3A_528 : i32 to index
        %parallel_loop3A_572 = arith.constant 48 : index
        %parallel_loop3A_573 = tpu.vector_load %arg15[%parallel_loop3A_571, %parallel_loop3A_572] {strides = array<i32>} : memref<296x128xf32, #tpu.memory_space<vmem>>, vector<1x16xf32>,
        %parallel_loop3A_574 = vector.shape_cast %parallel_loop3A_573 : vector<1x16xf32> to vector<16xf32>
        %parallel_loop3A_575 = arith.index_cast %parallel_loop3A_528 : i32 to index
        %parallel_loop3A_576 = arith.constant 48 : index
        %parallel_loop3A_577 = tpu.vector_load %arg9[%parallel_loop3A_575, %parallel_loop3A_576] {strides = array<i32>} : memref<296x128xf32, #tpu.memory_space<vmem>>, vector<1x16xf32>,
        %parallel_loop3A_578 = vector.shape_cast %parallel_loop3A_577 : vector<1x16xf32> to vector<16xf32>
        %parallel_loop3A_579 = arith.addf %parallel_loop3A_574, %parallel_loop3A_578 : vector<16xf32>
        %parallel_loop3A_580 = arith.index_cast %parallel_loop3A_528 : i32 to index
        %parallel_loop3A_581 = arith.constant 48 : index
        %parallel_loop3A_582 = tpu.vector_load %arg15[%parallel_loop3A_580, %parallel_loop3A_581] {strides = array<i32>} : memref<296x128xf32, #tpu.memory_space<vmem>>, vector<1x16xf32>,
        %parallel_loop3A_583 = vector.shape_cast %parallel_loop3A_582 : vector<1x16xf32> to vector<16xf32>
        %parallel_loop3A_584 = vector.shape_cast %parallel_loop3A_579 : vector<16xf32> to vector<1x16xf32>
        tpu.vector_store %arg15[%parallel_loop3A_580, %parallel_loop3A_581], %parallel_loop3A_584 {strides = array<i32>} : memref<296x128xf32, #tpu.memory_space<vmem>>, vector<1x16xf32>,
        %parallel_loop3A_585 = arith.index_cast %parallel_loop3A_528 : i32 to index
        %parallel_loop3A_586 = arith.constant 64 : index
        %parallel_loop3A_587 = tpu.vector_load %arg15[%parallel_loop3A_585, %parallel_loop3A_586] {strides = array<i32>} : memref<296x128xf32, #tpu.memory_space<vmem>>, vector<1x16xf32>,
        %parallel_loop3A_588 = vector.shape_cast %parallel_loop3A_587 : vector<1x16xf32> to vector<16xf32>
        %parallel_loop3A_589 = arith.index_cast %parallel_loop3A_528 : i32 to index
        %parallel_loop3A_590 = arith.constant 64 : index
        %parallel_loop3A_591 = tpu.vector_load %arg9[%parallel_loop3A_589, %parallel_loop3A_590] {strides = array<i32>} : memref<296x128xf32, #tpu.memory_space<vmem>>, vector<1x16xf32>,
        %parallel_loop3A_592 = vector.shape_cast %parallel_loop3A_591 : vector<1x16xf32> to vector<16xf32>
        %parallel_loop3A_593 = arith.addf %parallel_loop3A_588, %parallel_loop3A_592 : vector<16xf32>
        %parallel_loop3A_594 = arith.index_cast %parallel_loop3A_528 : i32 to index
        %parallel_loop3A_595 = arith.constant 64 : index
        %parallel_loop3A_596 = tpu.vector_load %arg15[%parallel_loop3A_594, %parallel_loop3A_595] {strides = array<i32>} : memref<296x128xf32, #tpu.memory_space<vmem>>, vector<1x16xf32>,
        %parallel_loop3A_597 = vector.shape_cast %parallel_loop3A_596 : vector<1x16xf32> to vector<16xf32>
        %parallel_loop3A_598 = vector.shape_cast %parallel_loop3A_593 : vector<16xf32> to vector<1x16xf32>
        tpu.vector_store %arg15[%parallel_loop3A_594, %parallel_loop3A_595], %parallel_loop3A_598 {strides = array<i32>} : memref<296x128xf32, #tpu.memory_space<vmem>>, vector<1x16xf32>,
        %parallel_loop3A_599 = arith.index_cast %parallel_loop3A_528 : i32 to index
        %parallel_loop3A_600 = arith.constant 80 : index
        %parallel_loop3A_601 = tpu.vector_load %arg15[%parallel_loop3A_599, %parallel_loop3A_600] {strides = array<i32>} : memref<296x128xf32, #tpu.memory_space<vmem>>, vector<1x16xf32>,
        %parallel_loop3A_602 = vector.shape_cast %parallel_loop3A_601 : vector<1x16xf32> to vector<16xf32>
        %parallel_loop3A_603 = arith.index_cast %parallel_loop3A_528 : i32 to index
        %parallel_loop3A_604 = arith.constant 80 : index
        %parallel_loop3A_605 = tpu.vector_load %arg9[%parallel_loop3A_603, %parallel_loop3A_604] {strides = array<i32>} : memref<296x128xf32, #tpu.memory_space<vmem>>, vector<1x16xf32>,
        %parallel_loop3A_606 = vector.shape_cast %parallel_loop3A_605 : vector<1x16xf32> to vector<16xf32>
        %parallel_loop3A_607 = arith.addf %parallel_loop3A_602, %parallel_loop3A_606 : vector<16xf32>
        %parallel_loop3A_608 = arith.index_cast %parallel_loop3A_528 : i32 to index
        %parallel_loop3A_609 = arith.constant 80 : index
        %parallel_loop3A_610 = tpu.vector_load %arg15[%parallel_loop3A_608, %parallel_loop3A_609] {strides = array<i32>} : memref<296x128xf32, #tpu.memory_space<vmem>>, vector<1x16xf32>,
        %parallel_loop3A_611 = vector.shape_cast %parallel_loop3A_610 : vector<1x16xf32> to vector<16xf32>
        %parallel_loop3A_612 = vector.shape_cast %parallel_loop3A_607 : vector<16xf32> to vector<1x16xf32>
        tpu.vector_store %arg15[%parallel_loop3A_608, %parallel_loop3A_609], %parallel_loop3A_612 {strides = array<i32>} : memref<296x128xf32, #tpu.memory_space<vmem>>, vector<1x16xf32>,
        %parallel_loop3A_613 = arith.index_cast %parallel_loop3A_528 : i32 to index
        %parallel_loop3A_614 = arith.constant 96 : index
        %parallel_loop3A_615 = tpu.vector_load %arg15[%parallel_loop3A_613, %parallel_loop3A_614] {strides = array<i32>} : memref<296x128xf32, #tpu.memory_space<vmem>>, vector<1x16xf32>,
        %parallel_loop3A_616 = vector.shape_cast %parallel_loop3A_615 : vector<1x16xf32> to vector<16xf32>
        %parallel_loop3A_617 = arith.index_cast %parallel_loop3A_528 : i32 to index
        %parallel_loop3A_618 = arith.constant 96 : index
        %parallel_loop3A_619 = tpu.vector_load %arg9[%parallel_loop3A_617, %parallel_loop3A_618] {strides = array<i32>} : memref<296x128xf32, #tpu.memory_space<vmem>>, vector<1x16xf32>,
        %parallel_loop3A_620 = vector.shape_cast %parallel_loop3A_619 : vector<1x16xf32> to vector<16xf32>
        %parallel_loop3A_621 = arith.addf %parallel_loop3A_616, %parallel_loop3A_620 : vector<16xf32>
        %parallel_loop3A_622 = arith.index_cast %parallel_loop3A_528 : i32 to index
        %parallel_loop3A_623 = arith.constant 96 : index
        %parallel_loop3A_624 = tpu.vector_load %arg15[%parallel_loop3A_622, %parallel_loop3A_623] {strides = array<i32>} : memref<296x128xf32, #tpu.memory_space<vmem>>, vector<1x16xf32>,
        %parallel_loop3A_625 = vector.shape_cast %parallel_loop3A_624 : vector<1x16xf32> to vector<16xf32>
        %parallel_loop3A_626 = vector.shape_cast %parallel_loop3A_621 : vector<16xf32> to vector<1x16xf32>
        tpu.vector_store %arg15[%parallel_loop3A_622, %parallel_loop3A_623], %parallel_loop3A_626 {strides = array<i32>} : memref<296x128xf32, #tpu.memory_space<vmem>>, vector<1x16xf32>,
        %parallel_loop3A_627 = arith.index_cast %parallel_loop3A_528 : i32 to index
        %parallel_loop3A_628 = arith.constant 112 : index
        %parallel_loop3A_629 = tpu.vector_load %arg15[%parallel_loop3A_627, %parallel_loop3A_628] {strides = array<i32>} : memref<296x128xf32, #tpu.memory_space<vmem>>, vector<1x16xf32>,
        %parallel_loop3A_630 = vector.shape_cast %parallel_loop3A_629 : vector<1x16xf32> to vector<16xf32>
        %parallel_loop3A_631 = arith.index_cast %parallel_loop3A_528 : i32 to index
        %parallel_loop3A_632 = arith.constant 112 : index
        %parallel_loop3A_633 = tpu.vector_load %arg9[%parallel_loop3A_631, %parallel_loop3A_632] {strides = array<i32>} : memref<296x128xf32, #tpu.memory_space<vmem>>, vector<1x16xf32>,
        %parallel_loop3A_634 = vector.shape_cast %parallel_loop3A_633 : vector<1x16xf32> to vector<16xf32>
        %parallel_loop3A_635 = arith.addf %parallel_loop3A_630, %parallel_loop3A_634 : vector<16xf32>
        %parallel_loop3A_636 = arith.index_cast %parallel_loop3A_528 : i32 to index
        %parallel_loop3A_637 = arith.constant 112 : index
        %parallel_loop3A_638 = tpu.vector_load %arg15[%parallel_loop3A_636, %parallel_loop3A_637] {strides = array<i32>} : memref<296x128xf32, #tpu.memory_space<vmem>>, vector<1x16xf32>,
        %parallel_loop3A_639 = vector.shape_cast %parallel_loop3A_638 : vector<1x16xf32> to vector<16xf32>
        %parallel_loop3A_640 = vector.shape_cast %parallel_loop3A_635 : vector<16xf32> to vector<1x16xf32>
        tpu.vector_store %arg15[%parallel_loop3A_636, %parallel_loop3A_637], %parallel_loop3A_640 {strides = array<i32>} : memref<296x128xf32, #tpu.memory_space<vmem>>, vector<1x16xf32>,
      } {sc.loop_unroll_factor = 4 : i64, sc.parallel_access}
      %add3A_283 = arith.constant 1 : i32
      %add3A_284 = arith.addi %mul3A_168, %add3A_283 : i32
      %mul3A_285 = arith.constant 9472 : i32
      %mul3A_286 = arith.muli %add3A_284, %mul3A_285 : i32
      %add3A_287 = arith.addi %mul3A_286, %mul3A_2 : i32
      %add3A_288 = arith.constant 0 : i32
      %add3A_289 = arith.addi %add3A_287, %add3A_288 : i32
      %dma_start3A_290 = arith.constant 0 : i32
      %dma_start3A_291 = arith.constant 0 : i32
      %dma_start3A_292 = tpu.memref_slice %arg15[%dma_start3A_290, %dma_start3A_291] : memref<296x128xf32, #tpu.memory_space<vmem>> -> memref<152x128xf32, #tpu.memory_space<vmem>>
      %dma_start3A_293 = arith.constant 0 : i32
      %dma_start3A_294 = tpu.memref_slice %arg6[%add3A_289, %dma_start3A_293] : memref<606208x128xf32, #tpu.memory_space<hbm>> -> memref<152x128xf32, #tpu.memory_space<hbm>>
      %dma_start3A_295 = arith.constant 0 : i32
      %dma_start3A_296 = tpu.memref_slice %arg6[%add3A_289, %dma_start3A_295] : memref<606208x128xf32, #tpu.memory_space<hbm>> -> memref<152x128xf32, #tpu.memory_space<hbm>>
      %dma_start3A_297 = arith.constant 0 : i32
      %dma_start3A_298 = arith.constant 0 : i32
      %dma_start3A_299 = tpu.memref_slice %arg15[%dma_start3A_297, %dma_start3A_298] : memref<296x128xf32, #tpu.memory_space<vmem>> -> memref<152x128xf32, #tpu.memory_space<vmem>>
      tpu.enqueue_dma source(%dma_start3A_299 : memref<152x128xf32, #tpu.memory_space<vmem>>) target(%dma_start3A_296 : memref<152x128xf32, #tpu.memory_space<hbm>>) target_semaphore(%arg26 : memref<!tpu.dma_semaphore, #tpu.memory_space<semaphore_mem>>)
      %dma_wait3A_300 = arith.constant 152 : i32
      %dma_wait3A_301 = arith.constant 0 : i32
      %dma_wait3A_302 = tpu.memref_slice %arg15[%dma_wait3A_300, %dma_wait3A_301] : memref<296x128xf32, #tpu.memory_space<vmem>> -> memref<104x128xf32, #tpu.memory_space<vmem>>
      %dma_wait3A_303 = arith.constant 152 : i32
      %dma_wait3A_304 = tpu.memref_slice %arg11[%dma_wait3A_303] : memref<296xi32, #tpu.memory_space<vmem>> -> memref<104xi32, #tpu.memory_space<vmem>>
      %dma_wait3A_305 = arith.constant 0 : i32
      %dma_wait3A_306 = arith.constant 0 : i32
      %dma_wait3A_307 = tpu.memref_slice %arg7[%dma_wait3A_305, %dma_wait3A_306] : memref<256x128xf32, #tpu.memory_space<vmem_shared>> -> memref<256x128xf32, #tpu.memory_space<vmem_shared>>
      tpu.wait_indirect_dma semaphore(%arg23 : memref<!tpu.dma_semaphore, #tpu.memory_space<semaphore_mem>>) src(%dma_wait3A_307 : memref<256x128xf32, #tpu.memory_space<vmem_shared>>) dst(%dma_wait3A_302 : memref<104x128xf32, #tpu.memory_space<vmem>>)
      %dma_wait3A_308 = arith.constant 256 : i32
      %dma_wait3A_309 = arith.constant 0 : i32
      %dma_wait3A_310 = tpu.memref_slice %arg15[%dma_wait3A_308, %dma_wait3A_309] : memref<296x128xf32, #tpu.memory_space<vmem>> -> memref<40x128xf32, #tpu.memory_space<vmem>>
      %dma_wait3A_311 = arith.constant 256 : i32
      %dma_wait3A_312 = tpu.memref_slice %arg11[%dma_wait3A_311] : memref<296xi32, #tpu.memory_space<vmem>> -> memref<40xi32, #tpu.memory_space<vmem>>
      %dma_wait3A_313 = arith.constant 0 : i32
      %dma_wait3A_314 = arith.constant 0 : i32
      %dma_wait3A_315 = tpu.memref_slice %arg7[%dma_wait3A_313, %dma_wait3A_314] : memref<256x128xf32, #tpu.memory_space<vmem_shared>> -> memref<256x128xf32, #tpu.memory_space<vmem_shared>>
      tpu.wait_indirect_dma semaphore(%arg23 : memref<!tpu.dma_semaphore, #tpu.memory_space<semaphore_mem>>) src(%dma_wait3A_315 : memref<256x128xf32, #tpu.memory_space<vmem_shared>>) dst(%dma_wait3A_310 : memref<40x128xf32, #tpu.memory_space<vmem>>)
      %add3A_316 = arith.constant 2 : i32
      %add3A_317 = arith.addi %mul3A_168, %add3A_316 : i32
      %lt3A_318 = arith.constant 64 : i32
      %lt3A_319 = arith.cmpi slt, %add3A_317, %lt3A_318 : i32
      %convert_element_type3A_320 = arith.extui %lt3A_319 : i1 to i32
      %cond3A_321 = arith.constant 0 : i32
      %cond3A_322 = arith.cmpi ne, %convert_element_type3A_320, %cond3A_321 : i32
      scf.if %cond3A_322 {
        %dma_wait3A_528 = arith.constant 152 : i32
        %dma_wait3A_529 = arith.constant 0 : i32
        %dma_wait3A_530 = tpu.memref_slice %arg14[%dma_wait3A_528, %dma_wait3A_529] : memref<296x128xf32, #tpu.memory_space<vmem>> -> memref<144x128xf32, #tpu.memory_space<vmem>>
        %dma_wait3A_531 = arith.constant 0 : i32
        %dma_wait3A_532 = arith.constant 0 : i32
        %dma_wait3A_533 = tpu.memref_slice %arg6[%dma_wait3A_531, %dma_wait3A_532] : memref<606208x128xf32, #tpu.memory_space<hbm>> -> memref<144x128xf32, #tpu.memory_space<hbm>>
        %dma_wait3A_534 = arith.constant 0 : i32
        %dma_wait3A_535 = arith.constant 0 : i32
        %dma_wait3A_536 = tpu.memref_slice %arg6[%dma_wait3A_534, %dma_wait3A_535] : memref<606208x128xf32, #tpu.memory_space<hbm>> -> memref<144x128xf32, #tpu.memory_space<hbm>>
        %dma_wait3A_537 = arith.constant 152 : i32
        %dma_wait3A_538 = arith.constant 0 : i32
        %dma_wait3A_539 = tpu.memref_slice %arg14[%dma_wait3A_537, %dma_wait3A_538] : memref<296x128xf32, #tpu.memory_space<vmem>> -> memref<144x128xf32, #tpu.memory_space<vmem>>
        tpu.wait_dma2 semaphore(%arg25 : memref<!tpu.dma_semaphore, #tpu.memory_space<semaphore_mem>>) src(%dma_wait3A_539 : memref<144x128xf32, #tpu.memory_space<vmem>>) dst(%dma_wait3A_536 : memref<144x128xf32, #tpu.memory_space<hbm>>)
        %dma_start3A_540 = arith.constant 152 : i32
        %dma_start3A_541 = arith.constant 0 : i32
        %dma_start3A_542 = tpu.memref_slice %arg14[%dma_start3A_540, %dma_start3A_541] : memref<296x128xf32, #tpu.memory_space<vmem>> -> memref<104x128xf32, #tpu.memory_space<vmem>>
        %dma_start3A_543 = arith.constant 152 : i32
        %dma_start3A_544 = tpu.memref_slice %arg12[%dma_start3A_543] : memref<296xi32, #tpu.memory_space<vmem>> -> memref<104xi32, #tpu.memory_space<vmem>>
        %dma_start3A_545 = arith.constant 0 : i32
        %dma_start3A_546 = arith.constant 0 : i32
        %dma_start3A_547 = tpu.memref_slice %arg7[%dma_start3A_545, %dma_start3A_546] : memref<256x128xf32, #tpu.memory_space<vmem_shared>> -> memref<256x128xf32, #tpu.memory_space<vmem_shared>>
        tpu.enqueue_indirect_dma source(%dma_start3A_547 : memref<256x128xf32, #tpu.memory_space<vmem_shared>>) target(%dma_start3A_542 : memref<104x128xf32, #tpu.memory_space<vmem>>) offsets(%dma_start3A_544 : memref<104xi32, #tpu.memory_space<vmem>>) semaphore(%arg21 : memref<!tpu.dma_semaphore, #tpu.memory_space<semaphore_mem>>)
        %dma_start3A_548 = arith.constant 256 : i32
        %dma_start3A_549 = arith.constant 0 : i32
        %dma_start3A_550 = tpu.memref_slice %arg14[%dma_start3A_548, %dma_start3A_549] : memref<296x128xf32, #tpu.memory_space<vmem>> -> memref<40x128xf32, #tpu.memory_space<vmem>>
        %dma_start3A_551 = arith.constant 256 : i32
        %dma_start3A_552 = tpu.memref_slice %arg12[%dma_start3A_551] : memref<296xi32, #tpu.memory_space<vmem>> -> memref<40xi32, #tpu.memory_space<vmem>>
        %dma_start3A_553 = arith.constant 0 : i32
        %dma_start3A_554 = arith.constant 0 : i32
        %dma_start3A_555 = tpu.memref_slice %arg7[%dma_start3A_553, %dma_start3A_554] : memref<256x128xf32, #tpu.memory_space<vmem_shared>> -> memref<256x128xf32, #tpu.memory_space<vmem_shared>>
        tpu.enqueue_indirect_dma source(%dma_start3A_555 : memref<256x128xf32, #tpu.memory_space<vmem_shared>>) target(%dma_start3A_550 : memref<40x128xf32, #tpu.memory_space<vmem>>) offsets(%dma_start3A_552 : memref<40xi32, #tpu.memory_space<vmem>>) semaphore(%arg21 : memref<!tpu.dma_semaphore, #tpu.memory_space<semaphore_mem>>)
      } else {
      }
      %parallel_loop3A_323 = arith.constant 152 : i32
      %parallel_loop3A_324 = arith.constant 296 : i32
      %parallel_loop3A_325 = arith.constant 1 : i32
      scf.for %parallel_loop3A_528 = %parallel_loop3A_323 to %parallel_loop3A_324 step %parallel_loop3A_325  : i32 {
        %parallel_loop3A_529 = arith.index_cast %parallel_loop3A_528 : i32 to index
        %parallel_loop3A_530 = arith.constant 0 : index
        %parallel_loop3A_531 = tpu.vector_load %arg15[%parallel_loop3A_529, %parallel_loop3A_530] {strides = array<i32>} : memref<296x128xf32, #tpu.memory_space<vmem>>, vector<1x16xf32>,
        %parallel_loop3A_532 = vector.shape_cast %parallel_loop3A_531 : vector<1x16xf32> to vector<16xf32>
        %parallel_loop3A_533 = arith.index_cast %parallel_loop3A_528 : i32 to index
        %parallel_loop3A_534 = arith.constant 0 : index
        %parallel_loop3A_535 = tpu.vector_load %arg9[%parallel_loop3A_533, %parallel_loop3A_534] {strides = array<i32>} : memref<296x128xf32, #tpu.memory_space<vmem>>, vector<1x16xf32>,
        %parallel_loop3A_536 = vector.shape_cast %parallel_loop3A_535 : vector<1x16xf32> to vector<16xf32>
        %parallel_loop3A_537 = arith.addf %parallel_loop3A_532, %parallel_loop3A_536 : vector<16xf32>
        %parallel_loop3A_538 = arith.index_cast %parallel_loop3A_528 : i32 to index
        %parallel_loop3A_539 = arith.constant 0 : index
        %parallel_loop3A_540 = tpu.vector_load %arg15[%parallel_loop3A_538, %parallel_loop3A_539] {strides = array<i32>} : memref<296x128xf32, #tpu.memory_space<vmem>>, vector<1x16xf32>,
        %parallel_loop3A_541 = vector.shape_cast %parallel_loop3A_540 : vector<1x16xf32> to vector<16xf32>
        %parallel_loop3A_542 = vector.shape_cast %parallel_loop3A_537 : vector<16xf32> to vector<1x16xf32>
        tpu.vector_store %arg15[%parallel_loop3A_538, %parallel_loop3A_539], %parallel_loop3A_542 {strides = array<i32>} : memref<296x128xf32, #tpu.memory_space<vmem>>, vector<1x16xf32>,
        %parallel_loop3A_543 = arith.index_cast %parallel_loop3A_528 : i32 to index
        %parallel_loop3A_544 = arith.constant 16 : index
        %parallel_loop3A_545 = tpu.vector_load %arg15[%parallel_loop3A_543, %parallel_loop3A_544] {strides = array<i32>} : memref<296x128xf32, #tpu.memory_space<vmem>>, vector<1x16xf32>,
        %parallel_loop3A_546 = vector.shape_cast %parallel_loop3A_545 : vector<1x16xf32> to vector<16xf32>
        %parallel_loop3A_547 = arith.index_cast %parallel_loop3A_528 : i32 to index
        %parallel_loop3A_548 = arith.constant 16 : index
        %parallel_loop3A_549 = tpu.vector_load %arg9[%parallel_loop3A_547, %parallel_loop3A_548] {strides = array<i32>} : memref<296x128xf32, #tpu.memory_space<vmem>>, vector<1x16xf32>,
        %parallel_loop3A_550 = vector.shape_cast %parallel_loop3A_549 : vector<1x16xf32> to vector<16xf32>
        %parallel_loop3A_551 = arith.addf %parallel_loop3A_546, %parallel_loop3A_550 : vector<16xf32>
        %parallel_loop3A_552 = arith.index_cast %parallel_loop3A_528 : i32 to index
        %parallel_loop3A_553 = arith.constant 16 : index
        %parallel_loop3A_554 = tpu.vector_load %arg15[%parallel_loop3A_552, %parallel_loop3A_553] {strides = array<i32>} : memref<296x128xf32, #tpu.memory_space<vmem>>, vector<1x16xf32>,
        %parallel_loop3A_555 = vector.shape_cast %parallel_loop3A_554 : vector<1x16xf32> to vector<16xf32>
        %parallel_loop3A_556 = vector.shape_cast %parallel_loop3A_551 : vector<16xf32> to vector<1x16xf32>
        tpu.vector_store %arg15[%parallel_loop3A_552, %parallel_loop3A_553], %parallel_loop3A_556 {strides = array<i32>} : memref<296x128xf32, #tpu.memory_space<vmem>>, vector<1x16xf32>,
        %parallel_loop3A_557 = arith.index_cast %parallel_loop3A_528 : i32 to index
        %parallel_loop3A_558 = arith.constant 32 : index
        %parallel_loop3A_559 = tpu.vector_load %arg15[%parallel_loop3A_557, %parallel_loop3A_558] {strides = array<i32>} : memref<296x128xf32, #tpu.memory_space<vmem>>, vector<1x16xf32>,
        %parallel_loop3A_560 = vector.shape_cast %parallel_loop3A_559 : vector<1x16xf32> to vector<16xf32>
        %parallel_loop3A_561 = arith.index_cast %parallel_loop3A_528 : i32 to index
        %parallel_loop3A_562 = arith.constant 32 : index
        %parallel_loop3A_563 = tpu.vector_load %arg9[%parallel_loop3A_561, %parallel_loop3A_562] {strides = array<i32>} : memref<296x128xf32, #tpu.memory_space<vmem>>, vector<1x16xf32>,
        %parallel_loop3A_564 = vector.shape_cast %parallel_loop3A_563 : vector<1x16xf32> to vector<16xf32>
        %parallel_loop3A_565 = arith.addf %parallel_loop3A_560, %parallel_loop3A_564 : vector<16xf32>
        %parallel_loop3A_566 = arith.index_cast %parallel_loop3A_528 : i32 to index
        %parallel_loop3A_567 = arith.constant 32 : index
        %parallel_loop3A_568 = tpu.vector_load %arg15[%parallel_loop3A_566, %parallel_loop3A_567] {strides = array<i32>} : memref<296x128xf32, #tpu.memory_space<vmem>>, vector<1x16xf32>,
        %parallel_loop3A_569 = vector.shape_cast %parallel_loop3A_568 : vector<1x16xf32> to vector<16xf32>
        %parallel_loop3A_570 = vector.shape_cast %parallel_loop3A_565 : vector<16xf32> to vector<1x16xf32>
        tpu.vector_store %arg15[%parallel_loop3A_566, %parallel_loop3A_567], %parallel_loop3A_570 {strides = array<i32>} : memref<296x128xf32, #tpu.memory_space<vmem>>, vector<1x16xf32>,
        %parallel_loop3A_571 = arith.index_cast %parallel_loop3A_528 : i32 to index
        %parallel_loop3A_572 = arith.constant 48 : index
        %parallel_loop3A_573 = tpu.vector_load %arg15[%parallel_loop3A_571, %parallel_loop3A_572] {strides = array<i32>} : memref<296x128xf32, #tpu.memory_space<vmem>>, vector<1x16xf32>,
        %parallel_loop3A_574 = vector.shape_cast %parallel_loop3A_573 : vector<1x16xf32> to vector<16xf32>
        %parallel_loop3A_575 = arith.index_cast %parallel_loop3A_528 : i32 to index
        %parallel_loop3A_576 = arith.constant 48 : index
        %parallel_loop3A_577 = tpu.vector_load %arg9[%parallel_loop3A_575, %parallel_loop3A_576] {strides = array<i32>} : memref<296x128xf32, #tpu.memory_space<vmem>>, vector<1x16xf32>,
        %parallel_loop3A_578 = vector.shape_cast %parallel_loop3A_577 : vector<1x16xf32> to vector<16xf32>
        %parallel_loop3A_579 = arith.addf %parallel_loop3A_574, %parallel_loop3A_578 : vector<16xf32>
        %parallel_loop3A_580 = arith.index_cast %parallel_loop3A_528 : i32 to index
        %parallel_loop3A_581 = arith.constant 48 : index
        %parallel_loop3A_582 = tpu.vector_load %arg15[%parallel_loop3A_580, %parallel_loop3A_581] {strides = array<i32>} : memref<296x128xf32, #tpu.memory_space<vmem>>, vector<1x16xf32>,
        %parallel_loop3A_583 = vector.shape_cast %parallel_loop3A_582 : vector<1x16xf32> to vector<16xf32>
        %parallel_loop3A_584 = vector.shape_cast %parallel_loop3A_579 : vector<16xf32> to vector<1x16xf32>
        tpu.vector_store %arg15[%parallel_loop3A_580, %parallel_loop3A_581], %parallel_loop3A_584 {strides = array<i32>} : memref<296x128xf32, #tpu.memory_space<vmem>>, vector<1x16xf32>,
        %parallel_loop3A_585 = arith.index_cast %parallel_loop3A_528 : i32 to index
        %parallel_loop3A_586 = arith.constant 64 : index
        %parallel_loop3A_587 = tpu.vector_load %arg15[%parallel_loop3A_585, %parallel_loop3A_586] {strides = array<i32>} : memref<296x128xf32, #tpu.memory_space<vmem>>, vector<1x16xf32>,
        %parallel_loop3A_588 = vector.shape_cast %parallel_loop3A_587 : vector<1x16xf32> to vector<16xf32>
        %parallel_loop3A_589 = arith.index_cast %parallel_loop3A_528 : i32 to index
        %parallel_loop3A_590 = arith.constant 64 : index
        %parallel_loop3A_591 = tpu.vector_load %arg9[%parallel_loop3A_589, %parallel_loop3A_590] {strides = array<i32>} : memref<296x128xf32, #tpu.memory_space<vmem>>, vector<1x16xf32>,
        %parallel_loop3A_592 = vector.shape_cast %parallel_loop3A_591 : vector<1x16xf32> to vector<16xf32>
        %parallel_loop3A_593 = arith.addf %parallel_loop3A_588, %parallel_loop3A_592 : vector<16xf32>
        %parallel_loop3A_594 = arith.index_cast %parallel_loop3A_528 : i32 to index
        %parallel_loop3A_595 = arith.constant 64 : index
        %parallel_loop3A_596 = tpu.vector_load %arg15[%parallel_loop3A_594, %parallel_loop3A_595] {strides = array<i32>} : memref<296x128xf32, #tpu.memory_space<vmem>>, vector<1x16xf32>,
        %parallel_loop3A_597 = vector.shape_cast %parallel_loop3A_596 : vector<1x16xf32> to vector<16xf32>
        %parallel_loop3A_598 = vector.shape_cast %parallel_loop3A_593 : vector<16xf32> to vector<1x16xf32>
        tpu.vector_store %arg15[%parallel_loop3A_594, %parallel_loop3A_595], %parallel_loop3A_598 {strides = array<i32>} : memref<296x128xf32, #tpu.memory_space<vmem>>, vector<1x16xf32>,
        %parallel_loop3A_599 = arith.index_cast %parallel_loop3A_528 : i32 to index
        %parallel_loop3A_600 = arith.constant 80 : index
        %parallel_loop3A_601 = tpu.vector_load %arg15[%parallel_loop3A_599, %parallel_loop3A_600] {strides = array<i32>} : memref<296x128xf32, #tpu.memory_space<vmem>>, vector<1x16xf32>,
        %parallel_loop3A_602 = vector.shape_cast %parallel_loop3A_601 : vector<1x16xf32> to vector<16xf32>
        %parallel_loop3A_603 = arith.index_cast %parallel_loop3A_528 : i32 to index
        %parallel_loop3A_604 = arith.constant 80 : index
        %parallel_loop3A_605 = tpu.vector_load %arg9[%parallel_loop3A_603, %parallel_loop3A_604] {strides = array<i32>} : memref<296x128xf32, #tpu.memory_space<vmem>>, vector<1x16xf32>,
        %parallel_loop3A_606 = vector.shape_cast %parallel_loop3A_605 : vector<1x16xf32> to vector<16xf32>
        %parallel_loop3A_607 = arith.addf %parallel_loop3A_602, %parallel_loop3A_606 : vector<16xf32>
        %parallel_loop3A_608 = arith.index_cast %parallel_loop3A_528 : i32 to index
        %parallel_loop3A_609 = arith.constant 80 : index
        %parallel_loop3A_610 = tpu.vector_load %arg15[%parallel_loop3A_608, %parallel_loop3A_609] {strides = array<i32>} : memref<296x128xf32, #tpu.memory_space<vmem>>, vector<1x16xf32>,
        %parallel_loop3A_611 = vector.shape_cast %parallel_loop3A_610 : vector<1x16xf32> to vector<16xf32>
        %parallel_loop3A_612 = vector.shape_cast %parallel_loop3A_607 : vector<16xf32> to vector<1x16xf32>
        tpu.vector_store %arg15[%parallel_loop3A_608, %parallel_loop3A_609], %parallel_loop3A_612 {strides = array<i32>} : memref<296x128xf32, #tpu.memory_space<vmem>>, vector<1x16xf32>,
        %parallel_loop3A_613 = arith.index_cast %parallel_loop3A_528 : i32 to index
        %parallel_loop3A_614 = arith.constant 96 : index
        %parallel_loop3A_615 = tpu.vector_load %arg15[%parallel_loop3A_613, %parallel_loop3A_614] {strides = array<i32>} : memref<296x128xf32, #tpu.memory_space<vmem>>, vector<1x16xf32>,
        %parallel_loop3A_616 = vector.shape_cast %parallel_loop3A_615 : vector<1x16xf32> to vector<16xf32>
        %parallel_loop3A_617 = arith.index_cast %parallel_loop3A_528 : i32 to index
        %parallel_loop3A_618 = arith.constant 96 : index
        %parallel_loop3A_619 = tpu.vector_load %arg9[%parallel_loop3A_617, %parallel_loop3A_618] {strides = array<i32>} : memref<296x128xf32, #tpu.memory_space<vmem>>, vector<1x16xf32>,
        %parallel_loop3A_620 = vector.shape_cast %parallel_loop3A_619 : vector<1x16xf32> to vector<16xf32>
        %parallel_loop3A_621 = arith.addf %parallel_loop3A_616, %parallel_loop3A_620 : vector<16xf32>
        %parallel_loop3A_622 = arith.index_cast %parallel_loop3A_528 : i32 to index
        %parallel_loop3A_623 = arith.constant 96 : index
        %parallel_loop3A_624 = tpu.vector_load %arg15[%parallel_loop3A_622, %parallel_loop3A_623] {strides = array<i32>} : memref<296x128xf32, #tpu.memory_space<vmem>>, vector<1x16xf32>,
        %parallel_loop3A_625 = vector.shape_cast %parallel_loop3A_624 : vector<1x16xf32> to vector<16xf32>
        %parallel_loop3A_626 = vector.shape_cast %parallel_loop3A_621 : vector<16xf32> to vector<1x16xf32>
        tpu.vector_store %arg15[%parallel_loop3A_622, %parallel_loop3A_623], %parallel_loop3A_626 {strides = array<i32>} : memref<296x128xf32, #tpu.memory_space<vmem>>, vector<1x16xf32>,
        %parallel_loop3A_627 = arith.index_cast %parallel_loop3A_528 : i32 to index
        %parallel_loop3A_628 = arith.constant 112 : index
        %parallel_loop3A_629 = tpu.vector_load %arg15[%parallel_loop3A_627, %parallel_loop3A_628] {strides = array<i32>} : memref<296x128xf32, #tpu.memory_space<vmem>>, vector<1x16xf32>,
        %parallel_loop3A_630 = vector.shape_cast %parallel_loop3A_629 : vector<1x16xf32> to vector<16xf32>
        %parallel_loop3A_631 = arith.index_cast %parallel_loop3A_528 : i32 to index
        %parallel_loop3A_632 = arith.constant 112 : index
        %parallel_loop3A_633 = tpu.vector_load %arg9[%parallel_loop3A_631, %parallel_loop3A_632] {strides = array<i32>} : memref<296x128xf32, #tpu.memory_space<vmem>>, vector<1x16xf32>,
        %parallel_loop3A_634 = vector.shape_cast %parallel_loop3A_633 : vector<1x16xf32> to vector<16xf32>
        %parallel_loop3A_635 = arith.addf %parallel_loop3A_630, %parallel_loop3A_634 : vector<16xf32>
        %parallel_loop3A_636 = arith.index_cast %parallel_loop3A_528 : i32 to index
        %parallel_loop3A_637 = arith.constant 112 : index
        %parallel_loop3A_638 = tpu.vector_load %arg15[%parallel_loop3A_636, %parallel_loop3A_637] {strides = array<i32>} : memref<296x128xf32, #tpu.memory_space<vmem>>, vector<1x16xf32>,
        %parallel_loop3A_639 = vector.shape_cast %parallel_loop3A_638 : vector<1x16xf32> to vector<16xf32>
        %parallel_loop3A_640 = vector.shape_cast %parallel_loop3A_635 : vector<16xf32> to vector<1x16xf32>
        tpu.vector_store %arg15[%parallel_loop3A_636, %parallel_loop3A_637], %parallel_loop3A_640 {strides = array<i32>} : memref<296x128xf32, #tpu.memory_space<vmem>>, vector<1x16xf32>,
      } {sc.loop_unroll_factor = 4 : i64, sc.parallel_access}
      %add3A_326 = arith.constant 1 : i32
      %add3A_327 = arith.addi %mul3A_168, %add3A_326 : i32
      %mul3A_328 = arith.constant 9472 : i32
      %mul3A_329 = arith.muli %add3A_327, %mul3A_328 : i32
      %add3A_330 = arith.addi %mul3A_329, %mul3A_2 : i32
      %add3A_331 = arith.constant 152 : i32
      %add3A_332 = arith.addi %add3A_330, %add3A_331 : i32
      %dma_start3A_333 = arith.constant 152 : i32
      %dma_start3A_334 = arith.constant 0 : i32
      %dma_start3A_335 = tpu.memref_slice %arg15[%dma_start3A_333, %dma_start3A_334] : memref<296x128xf32, #tpu.memory_space<vmem>> -> memref<144x128xf32, #tpu.memory_space<vmem>>
      %dma_start3A_336 = arith.constant 0 : i32
      %dma_start3A_337 = tpu.memref_slice %arg6[%add3A_332, %dma_start3A_336] : memref<606208x128xf32, #tpu.memory_space<hbm>> -> memref<144x128xf32, #tpu.memory_space<hbm>>
      %dma_start3A_338 = arith.constant 0 : i32
      %dma_start3A_339 = tpu.memref_slice %arg6[%add3A_332, %dma_start3A_338] : memref<606208x128xf32, #tpu.memory_space<hbm>> -> memref<144x128xf32, #tpu.memory_space<hbm>>
      %dma_start3A_340 = arith.constant 152 : i32
      %dma_start3A_341 = arith.constant 0 : i32
      %dma_start3A_342 = tpu.memref_slice %arg15[%dma_start3A_340, %dma_start3A_341] : memref<296x128xf32, #tpu.memory_space<vmem>> -> memref<144x128xf32, #tpu.memory_space<vmem>>
      tpu.enqueue_dma source(%dma_start3A_342 : memref<144x128xf32, #tpu.memory_space<vmem>>) target(%dma_start3A_339 : memref<144x128xf32, #tpu.memory_space<hbm>>) target_semaphore(%arg27 : memref<!tpu.dma_semaphore, #tpu.memory_space<semaphore_mem>>)
      %mul3A_343 = arith.constant 2 : i32
      %mul3A_344 = arith.muli %scan3A_161, %mul3A_343 : i32
      %add3A_345 = arith.constant 1 : i32
      %add3A_346 = arith.addi %mul3A_344, %add3A_345 : i32
      %mul3A_347 = arith.constant 2 : i32
      %mul3A_348 = arith.muli %add3A_346, %mul3A_347 : i32
      %dma_wait3A_349 = arith.constant 0 : i32
      %dma_wait3A_350 = arith.constant 0 : i32
      %dma_wait3A_351 = tpu.memref_slice %arg14[%dma_wait3A_349, %dma_wait3A_350] : memref<296x128xf32, #tpu.memory_space<vmem>> -> memref<128x128xf32, #tpu.memory_space<vmem>>
      %dma_wait3A_352 = arith.constant 0 : i32
      %dma_wait3A_353 = tpu.memref_slice %arg12[%dma_wait3A_352] : memref<296xi32, #tpu.memory_space<vmem>> -> memref<128xi32, #tpu.memory_space<vmem>>
      %dma_wait3A_354 = arith.constant 0 : i32
      %dma_wait3A_355 = arith.constant 0 : i32
      %dma_wait3A_356 = tpu.memref_slice %arg7[%dma_wait3A_354, %dma_wait3A_355] : memref<256x128xf32, #tpu.memory_space<vmem_shared>> -> memref<256x128xf32, #tpu.memory_space<vmem_shared>>
      tpu.wait_indirect_dma semaphore(%arg20 : memref<!tpu.dma_semaphore, #tpu.memory_space<semaphore_mem>>) src(%dma_wait3A_356 : memref<256x128xf32, #tpu.memory_space<vmem_shared>>) dst(%dma_wait3A_351 : memref<128x128xf32, #tpu.memory_space<vmem>>)
      %dma_wait3A_357 = arith.constant 128 : i32
      %dma_wait3A_358 = arith.constant 0 : i32
      %dma_wait3A_359 = tpu.memref_slice %arg14[%dma_wait3A_357, %dma_wait3A_358] : memref<296x128xf32, #tpu.memory_space<vmem>> -> memref<24x128xf32, #tpu.memory_space<vmem>>
      %dma_wait3A_360 = arith.constant 128 : i32
      %dma_wait3A_361 = tpu.memref_slice %arg12[%dma_wait3A_360] : memref<296xi32, #tpu.memory_space<vmem>> -> memref<24xi32, #tpu.memory_space<vmem>>
      %dma_wait3A_362 = arith.constant 0 : i32
      %dma_wait3A_363 = arith.constant 0 : i32
      %dma_wait3A_364 = tpu.memref_slice %arg7[%dma_wait3A_362, %dma_wait3A_363] : memref<256x128xf32, #tpu.memory_space<vmem_shared>> -> memref<256x128xf32, #tpu.memory_space<vmem_shared>>
      tpu.wait_indirect_dma semaphore(%arg20 : memref<!tpu.dma_semaphore, #tpu.memory_space<semaphore_mem>>) src(%dma_wait3A_364 : memref<256x128xf32, #tpu.memory_space<vmem_shared>>) dst(%dma_wait3A_359 : memref<24x128xf32, #tpu.memory_space<vmem>>)
      %gt3A_365 = arith.constant 0 : i32
      %gt3A_366 = arith.cmpi sgt, %add3A_346, %gt3A_365 : i32
      %convert_element_type3A_367 = arith.extui %gt3A_366 : i1 to i32
      %cond3A_368 = arith.constant 0 : i32
      %cond3A_369 = arith.cmpi ne, %convert_element_type3A_367, %cond3A_368 : i32
      scf.if %cond3A_369 {
        %dma_wait3A_528 = arith.constant 0 : i32
        %dma_wait3A_529 = arith.constant 0 : i32
        %dma_wait3A_530 = tpu.memref_slice %arg15[%dma_wait3A_528, %dma_wait3A_529] : memref<296x128xf32, #tpu.memory_space<vmem>> -> memref<152x128xf32, #tpu.memory_space<vmem>>
        %dma_wait3A_531 = arith.constant 0 : i32
        %dma_wait3A_532 = arith.constant 0 : i32
        %dma_wait3A_533 = tpu.memref_slice %arg6[%dma_wait3A_531, %dma_wait3A_532] : memref<606208x128xf32, #tpu.memory_space<hbm>> -> memref<152x128xf32, #tpu.memory_space<hbm>>
        %dma_wait3A_534 = arith.constant 0 : i32
        %dma_wait3A_535 = arith.constant 0 : i32
        %dma_wait3A_536 = tpu.memref_slice %arg6[%dma_wait3A_534, %dma_wait3A_535] : memref<606208x128xf32, #tpu.memory_space<hbm>> -> memref<152x128xf32, #tpu.memory_space<hbm>>
        %dma_wait3A_537 = arith.constant 0 : i32
        %dma_wait3A_538 = arith.constant 0 : i32
        %dma_wait3A_539 = tpu.memref_slice %arg15[%dma_wait3A_537, %dma_wait3A_538] : memref<296x128xf32, #tpu.memory_space<vmem>> -> memref<152x128xf32, #tpu.memory_space<vmem>>
        tpu.wait_dma2 semaphore(%arg26 : memref<!tpu.dma_semaphore, #tpu.memory_space<semaphore_mem>>) src(%dma_wait3A_539 : memref<152x128xf32, #tpu.memory_space<vmem>>) dst(%dma_wait3A_536 : memref<152x128xf32, #tpu.memory_space<hbm>>)
        %dma_wait3A_540 = arith.constant 0 : i32
        %dma_wait3A_541 = tpu.memref_slice %arg3[%dma_wait3A_540] : memref<606208xi32, #tpu.memory_space<hbm>> -> memref<296xi32, #tpu.memory_space<hbm>>
        %dma_wait3A_542 = arith.constant 0 : i32
        %dma_wait3A_543 = tpu.memref_slice %arg3[%dma_wait3A_542] : memref<606208xi32, #tpu.memory_space<hbm>> -> memref<296xi32, #tpu.memory_space<hbm>>
        tpu.wait_dma2 semaphore(%arg19 : memref<!tpu.dma_semaphore, #tpu.memory_space<semaphore_mem>>) src(%dma_wait3A_543 : memref<296xi32, #tpu.memory_space<hbm>>) dst(%arg13 : memref<296xi32, #tpu.memory_space<vmem>>)
        %dma_start3A_544 = arith.constant 0 : i32
        %dma_start3A_545 = arith.constant 0 : i32
        %dma_start3A_546 = tpu.memref_slice %arg15[%dma_start3A_544, %dma_start3A_545] : memref<296x128xf32, #tpu.memory_space<vmem>> -> memref<128x128xf32, #tpu.memory_space<vmem>>
        %dma_start3A_547 = arith.constant 0 : i32
        %dma_start3A_548 = tpu.memref_slice %arg13[%dma_start3A_547] : memref<296xi32, #tpu.memory_space<vmem>> -> memref<128xi32, #tpu.memory_space<vmem>>
        %dma_start3A_549 = arith.constant 0 : i32
        %dma_start3A_550 = arith.constant 0 : i32
        %dma_start3A_551 = tpu.memref_slice %arg7[%dma_start3A_549, %dma_start3A_550] : memref<256x128xf32, #tpu.memory_space<vmem_shared>> -> memref<256x128xf32, #tpu.memory_space<vmem_shared>>
        tpu.enqueue_indirect_dma source(%dma_start3A_551 : memref<256x128xf32, #tpu.memory_space<vmem_shared>>) target(%dma_start3A_546 : memref<128x128xf32, #tpu.memory_space<vmem>>) offsets(%dma_start3A_548 : memref<128xi32, #tpu.memory_space<vmem>>) semaphore(%arg22 : memref<!tpu.dma_semaphore, #tpu.memory_space<semaphore_mem>>)
        %dma_start3A_552 = arith.constant 128 : i32
        %dma_start3A_553 = arith.constant 0 : i32
        %dma_start3A_554 = tpu.memref_slice %arg15[%dma_start3A_552, %dma_start3A_553] : memref<296x128xf32, #tpu.memory_space<vmem>> -> memref<24x128xf32, #tpu.memory_space<vmem>>
        %dma_start3A_555 = arith.constant 128 : i32
        %dma_start3A_556 = tpu.memref_slice %arg13[%dma_start3A_555] : memref<296xi32, #tpu.memory_space<vmem>> -> memref<24xi32, #tpu.memory_space<vmem>>
        %dma_start3A_557 = arith.constant 0 : i32
        %dma_start3A_558 = arith.constant 0 : i32
        %dma_start3A_559 = tpu.memref_slice %arg7[%dma_start3A_557, %dma_start3A_558] : memref<256x128xf32, #tpu.memory_space<vmem_shared>> -> memref<256x128xf32, #tpu.memory_space<vmem_shared>>
        tpu.enqueue_indirect_dma source(%dma_start3A_559 : memref<256x128xf32, #tpu.memory_space<vmem_shared>>) target(%dma_start3A_554 : memref<24x128xf32, #tpu.memory_space<vmem>>) offsets(%dma_start3A_556 : memref<24xi32, #tpu.memory_space<vmem>>) semaphore(%arg22 : memref<!tpu.dma_semaphore, #tpu.memory_space<semaphore_mem>>)
      } else {
      }
      %add3A_370 = arith.constant 3 : i32
      %add3A_371 = arith.addi %mul3A_348, %add3A_370 : i32
      %lt3A_372 = arith.constant 64 : i32
      %lt3A_373 = arith.cmpi slt, %add3A_371, %lt3A_372 : i32
      %convert_element_type3A_374 = arith.extui %lt3A_373 : i1 to i32
      %cond3A_375 = arith.constant 0 : i32
      %cond3A_376 = arith.cmpi ne, %convert_element_type3A_374, %cond3A_375 : i32
      scf.if %cond3A_376 {
        %add3A_528 = arith.constant 3 : i32
        %add3A_529 = arith.addi %mul3A_348, %add3A_528 : i32
        %mul3A_530 = arith.constant 9472 : i32
        %mul3A_531 = arith.muli %add3A_529, %mul3A_530 : i32
        %add3A_532 = arith.addi %mul3A_531, %mul3A_2 : i32
        %dma_start3A_533 = tpu.memref_slice %arg3[%add3A_532] : memref<606208xi32, #tpu.memory_space<hbm>> -> memref<296xi32, #tpu.memory_space<hbm>>
        %dma_start3A_534 = tpu.memref_slice %arg3[%add3A_532] : memref<606208xi32, #tpu.memory_space<hbm>> -> memref<296xi32, #tpu.memory_space<hbm>>
        tpu.enqueue_dma source(%dma_start3A_534 : memref<296xi32, #tpu.memory_space<hbm>>) target(%arg11 : memref<296xi32, #tpu.memory_space<vmem>>) target_semaphore(%arg17 : memref<!tpu.dma_semaphore, #tpu.memory_space<semaphore_mem>>)
      } else {
      }
      %parallel_loop3A_377 = arith.constant 0 : i32
      %parallel_loop3A_378 = arith.constant 152 : i32
      %parallel_loop3A_379 = arith.constant 1 : i32
      scf.for %parallel_loop3A_528 = %parallel_loop3A_377 to %parallel_loop3A_378 step %parallel_loop3A_379  : i32 {
        %parallel_loop3A_529 = arith.index_cast %parallel_loop3A_528 : i32 to index
        %parallel_loop3A_530 = arith.constant 0 : index
        %parallel_loop3A_531 = tpu.vector_load %arg14[%parallel_loop3A_529, %parallel_loop3A_530] {strides = array<i32>} : memref<296x128xf32, #tpu.memory_space<vmem>>, vector<1x16xf32>,
        %parallel_loop3A_532 = vector.shape_cast %parallel_loop3A_531 : vector<1x16xf32> to vector<16xf32>
        %parallel_loop3A_533 = arith.index_cast %parallel_loop3A_528 : i32 to index
        %parallel_loop3A_534 = arith.constant 0 : index
        %parallel_loop3A_535 = tpu.vector_load %arg9[%parallel_loop3A_533, %parallel_loop3A_534] {strides = array<i32>} : memref<296x128xf32, #tpu.memory_space<vmem>>, vector<1x16xf32>,
        %parallel_loop3A_536 = vector.shape_cast %parallel_loop3A_535 : vector<1x16xf32> to vector<16xf32>
        %parallel_loop3A_537 = arith.addf %parallel_loop3A_532, %parallel_loop3A_536 : vector<16xf32>
        %parallel_loop3A_538 = arith.index_cast %parallel_loop3A_528 : i32 to index
        %parallel_loop3A_539 = arith.constant 0 : index
        %parallel_loop3A_540 = tpu.vector_load %arg14[%parallel_loop3A_538, %parallel_loop3A_539] {strides = array<i32>} : memref<296x128xf32, #tpu.memory_space<vmem>>, vector<1x16xf32>,
        %parallel_loop3A_541 = vector.shape_cast %parallel_loop3A_540 : vector<1x16xf32> to vector<16xf32>
        %parallel_loop3A_542 = vector.shape_cast %parallel_loop3A_537 : vector<16xf32> to vector<1x16xf32>
        tpu.vector_store %arg14[%parallel_loop3A_538, %parallel_loop3A_539], %parallel_loop3A_542 {strides = array<i32>} : memref<296x128xf32, #tpu.memory_space<vmem>>, vector<1x16xf32>,
        %parallel_loop3A_543 = arith.index_cast %parallel_loop3A_528 : i32 to index
        %parallel_loop3A_544 = arith.constant 16 : index
        %parallel_loop3A_545 = tpu.vector_load %arg14[%parallel_loop3A_543, %parallel_loop3A_544] {strides = array<i32>} : memref<296x128xf32, #tpu.memory_space<vmem>>, vector<1x16xf32>,
        %parallel_loop3A_546 = vector.shape_cast %parallel_loop3A_545 : vector<1x16xf32> to vector<16xf32>
        %parallel_loop3A_547 = arith.index_cast %parallel_loop3A_528 : i32 to index
        %parallel_loop3A_548 = arith.constant 16 : index
        %parallel_loop3A_549 = tpu.vector_load %arg9[%parallel_loop3A_547, %parallel_loop3A_548] {strides = array<i32>} : memref<296x128xf32, #tpu.memory_space<vmem>>, vector<1x16xf32>,
        %parallel_loop3A_550 = vector.shape_cast %parallel_loop3A_549 : vector<1x16xf32> to vector<16xf32>
        %parallel_loop3A_551 = arith.addf %parallel_loop3A_546, %parallel_loop3A_550 : vector<16xf32>
        %parallel_loop3A_552 = arith.index_cast %parallel_loop3A_528 : i32 to index
        %parallel_loop3A_553 = arith.constant 16 : index
        %parallel_loop3A_554 = tpu.vector_load %arg14[%parallel_loop3A_552, %parallel_loop3A_553] {strides = array<i32>} : memref<296x128xf32, #tpu.memory_space<vmem>>, vector<1x16xf32>,
        %parallel_loop3A_555 = vector.shape_cast %parallel_loop3A_554 : vector<1x16xf32> to vector<16xf32>
        %parallel_loop3A_556 = vector.shape_cast %parallel_loop3A_551 : vector<16xf32> to vector<1x16xf32>
        tpu.vector_store %arg14[%parallel_loop3A_552, %parallel_loop3A_553], %parallel_loop3A_556 {strides = array<i32>} : memref<296x128xf32, #tpu.memory_space<vmem>>, vector<1x16xf32>,
        %parallel_loop3A_557 = arith.index_cast %parallel_loop3A_528 : i32 to index
        %parallel_loop3A_558 = arith.constant 32 : index
        %parallel_loop3A_559 = tpu.vector_load %arg14[%parallel_loop3A_557, %parallel_loop3A_558] {strides = array<i32>} : memref<296x128xf32, #tpu.memory_space<vmem>>, vector<1x16xf32>,
        %parallel_loop3A_560 = vector.shape_cast %parallel_loop3A_559 : vector<1x16xf32> to vector<16xf32>
        %parallel_loop3A_561 = arith.index_cast %parallel_loop3A_528 : i32 to index
        %parallel_loop3A_562 = arith.constant 32 : index
        %parallel_loop3A_563 = tpu.vector_load %arg9[%parallel_loop3A_561, %parallel_loop3A_562] {strides = array<i32>} : memref<296x128xf32, #tpu.memory_space<vmem>>, vector<1x16xf32>,
        %parallel_loop3A_564 = vector.shape_cast %parallel_loop3A_563 : vector<1x16xf32> to vector<16xf32>
        %parallel_loop3A_565 = arith.addf %parallel_loop3A_560, %parallel_loop3A_564 : vector<16xf32>
        %parallel_loop3A_566 = arith.index_cast %parallel_loop3A_528 : i32 to index
        %parallel_loop3A_567 = arith.constant 32 : index
        %parallel_loop3A_568 = tpu.vector_load %arg14[%parallel_loop3A_566, %parallel_loop3A_567] {strides = array<i32>} : memref<296x128xf32, #tpu.memory_space<vmem>>, vector<1x16xf32>,
        %parallel_loop3A_569 = vector.shape_cast %parallel_loop3A_568 : vector<1x16xf32> to vector<16xf32>
        %parallel_loop3A_570 = vector.shape_cast %parallel_loop3A_565 : vector<16xf32> to vector<1x16xf32>
        tpu.vector_store %arg14[%parallel_loop3A_566, %parallel_loop3A_567], %parallel_loop3A_570 {strides = array<i32>} : memref<296x128xf32, #tpu.memory_space<vmem>>, vector<1x16xf32>,
        %parallel_loop3A_571 = arith.index_cast %parallel_loop3A_528 : i32 to index
        %parallel_loop3A_572 = arith.constant 48 : index
        %parallel_loop3A_573 = tpu.vector_load %arg14[%parallel_loop3A_571, %parallel_loop3A_572] {strides = array<i32>} : memref<296x128xf32, #tpu.memory_space<vmem>>, vector<1x16xf32>,
        %parallel_loop3A_574 = vector.shape_cast %parallel_loop3A_573 : vector<1x16xf32> to vector<16xf32>
        %parallel_loop3A_575 = arith.index_cast %parallel_loop3A_528 : i32 to index
        %parallel_loop3A_576 = arith.constant 48 : index
        %parallel_loop3A_577 = tpu.vector_load %arg9[%parallel_loop3A_575, %parallel_loop3A_576] {strides = array<i32>} : memref<296x128xf32, #tpu.memory_space<vmem>>, vector<1x16xf32>,
        %parallel_loop3A_578 = vector.shape_cast %parallel_loop3A_577 : vector<1x16xf32> to vector<16xf32>
        %parallel_loop3A_579 = arith.addf %parallel_loop3A_574, %parallel_loop3A_578 : vector<16xf32>
        %parallel_loop3A_580 = arith.index_cast %parallel_loop3A_528 : i32 to index
        %parallel_loop3A_581 = arith.constant 48 : index
        %parallel_loop3A_582 = tpu.vector_load %arg14[%parallel_loop3A_580, %parallel_loop3A_581] {strides = array<i32>} : memref<296x128xf32, #tpu.memory_space<vmem>>, vector<1x16xf32>,
        %parallel_loop3A_583 = vector.shape_cast %parallel_loop3A_582 : vector<1x16xf32> to vector<16xf32>
        %parallel_loop3A_584 = vector.shape_cast %parallel_loop3A_579 : vector<16xf32> to vector<1x16xf32>
        tpu.vector_store %arg14[%parallel_loop3A_580, %parallel_loop3A_581], %parallel_loop3A_584 {strides = array<i32>} : memref<296x128xf32, #tpu.memory_space<vmem>>, vector<1x16xf32>,
        %parallel_loop3A_585 = arith.index_cast %parallel_loop3A_528 : i32 to index
        %parallel_loop3A_586 = arith.constant 64 : index
        %parallel_loop3A_587 = tpu.vector_load %arg14[%parallel_loop3A_585, %parallel_loop3A_586] {strides = array<i32>} : memref<296x128xf32, #tpu.memory_space<vmem>>, vector<1x16xf32>,
        %parallel_loop3A_588 = vector.shape_cast %parallel_loop3A_587 : vector<1x16xf32> to vector<16xf32>
        %parallel_loop3A_589 = arith.index_cast %parallel_loop3A_528 : i32 to index
        %parallel_loop3A_590 = arith.constant 64 : index
        %parallel_loop3A_591 = tpu.vector_load %arg9[%parallel_loop3A_589, %parallel_loop3A_590] {strides = array<i32>} : memref<296x128xf32, #tpu.memory_space<vmem>>, vector<1x16xf32>,
        %parallel_loop3A_592 = vector.shape_cast %parallel_loop3A_591 : vector<1x16xf32> to vector<16xf32>
        %parallel_loop3A_593 = arith.addf %parallel_loop3A_588, %parallel_loop3A_592 : vector<16xf32>
        %parallel_loop3A_594 = arith.index_cast %parallel_loop3A_528 : i32 to index
        %parallel_loop3A_595 = arith.constant 64 : index
        %parallel_loop3A_596 = tpu.vector_load %arg14[%parallel_loop3A_594, %parallel_loop3A_595] {strides = array<i32>} : memref<296x128xf32, #tpu.memory_space<vmem>>, vector<1x16xf32>,
        %parallel_loop3A_597 = vector.shape_cast %parallel_loop3A_596 : vector<1x16xf32> to vector<16xf32>
        %parallel_loop3A_598 = vector.shape_cast %parallel_loop3A_593 : vector<16xf32> to vector<1x16xf32>
        tpu.vector_store %arg14[%parallel_loop3A_594, %parallel_loop3A_595], %parallel_loop3A_598 {strides = array<i32>} : memref<296x128xf32, #tpu.memory_space<vmem>>, vector<1x16xf32>,
        %parallel_loop3A_599 = arith.index_cast %parallel_loop3A_528 : i32 to index
        %parallel_loop3A_600 = arith.constant 80 : index
        %parallel_loop3A_601 = tpu.vector_load %arg14[%parallel_loop3A_599, %parallel_loop3A_600] {strides = array<i32>} : memref<296x128xf32, #tpu.memory_space<vmem>>, vector<1x16xf32>,
        %parallel_loop3A_602 = vector.shape_cast %parallel_loop3A_601 : vector<1x16xf32> to vector<16xf32>
        %parallel_loop3A_603 = arith.index_cast %parallel_loop3A_528 : i32 to index
        %parallel_loop3A_604 = arith.constant 80 : index
        %parallel_loop3A_605 = tpu.vector_load %arg9[%parallel_loop3A_603, %parallel_loop3A_604] {strides = array<i32>} : memref<296x128xf32, #tpu.memory_space<vmem>>, vector<1x16xf32>,
        %parallel_loop3A_606 = vector.shape_cast %parallel_loop3A_605 : vector<1x16xf32> to vector<16xf32>
        %parallel_loop3A_607 = arith.addf %parallel_loop3A_602, %parallel_loop3A_606 : vector<16xf32>
        %parallel_loop3A_608 = arith.index_cast %parallel_loop3A_528 : i32 to index
        %parallel_loop3A_609 = arith.constant 80 : index
        %parallel_loop3A_610 = tpu.vector_load %arg14[%parallel_loop3A_608, %parallel_loop3A_609] {strides = array<i32>} : memref<296x128xf32, #tpu.memory_space<vmem>>, vector<1x16xf32>,
        %parallel_loop3A_611 = vector.shape_cast %parallel_loop3A_610 : vector<1x16xf32> to vector<16xf32>
        %parallel_loop3A_612 = vector.shape_cast %parallel_loop3A_607 : vector<16xf32> to vector<1x16xf32>
        tpu.vector_store %arg14[%parallel_loop3A_608, %parallel_loop3A_609], %parallel_loop3A_612 {strides = array<i32>} : memref<296x128xf32, #tpu.memory_space<vmem>>, vector<1x16xf32>,
        %parallel_loop3A_613 = arith.index_cast %parallel_loop3A_528 : i32 to index
        %parallel_loop3A_614 = arith.constant 96 : index
        %parallel_loop3A_615 = tpu.vector_load %arg14[%parallel_loop3A_613, %parallel_loop3A_614] {strides = array<i32>} : memref<296x128xf32, #tpu.memory_space<vmem>>, vector<1x16xf32>,
        %parallel_loop3A_616 = vector.shape_cast %parallel_loop3A_615 : vector<1x16xf32> to vector<16xf32>
        %parallel_loop3A_617 = arith.index_cast %parallel_loop3A_528 : i32 to index
        %parallel_loop3A_618 = arith.constant 96 : index
        %parallel_loop3A_619 = tpu.vector_load %arg9[%parallel_loop3A_617, %parallel_loop3A_618] {strides = array<i32>} : memref<296x128xf32, #tpu.memory_space<vmem>>, vector<1x16xf32>,
        %parallel_loop3A_620 = vector.shape_cast %parallel_loop3A_619 : vector<1x16xf32> to vector<16xf32>
        %parallel_loop3A_621 = arith.addf %parallel_loop3A_616, %parallel_loop3A_620 : vector<16xf32>
        %parallel_loop3A_622 = arith.index_cast %parallel_loop3A_528 : i32 to index
        %parallel_loop3A_623 = arith.constant 96 : index
        %parallel_loop3A_624 = tpu.vector_load %arg14[%parallel_loop3A_622, %parallel_loop3A_623] {strides = array<i32>} : memref<296x128xf32, #tpu.memory_space<vmem>>, vector<1x16xf32>,
        %parallel_loop3A_625 = vector.shape_cast %parallel_loop3A_624 : vector<1x16xf32> to vector<16xf32>
        %parallel_loop3A_626 = vector.shape_cast %parallel_loop3A_621 : vector<16xf32> to vector<1x16xf32>
        tpu.vector_store %arg14[%parallel_loop3A_622, %parallel_loop3A_623], %parallel_loop3A_626 {strides = array<i32>} : memref<296x128xf32, #tpu.memory_space<vmem>>, vector<1x16xf32>,
        %parallel_loop3A_627 = arith.index_cast %parallel_loop3A_528 : i32 to index
        %parallel_loop3A_628 = arith.constant 112 : index
        %parallel_loop3A_629 = tpu.vector_load %arg14[%parallel_loop3A_627, %parallel_loop3A_628] {strides = array<i32>} : memref<296x128xf32, #tpu.memory_space<vmem>>, vector<1x16xf32>,
        %parallel_loop3A_630 = vector.shape_cast %parallel_loop3A_629 : vector<1x16xf32> to vector<16xf32>
        %parallel_loop3A_631 = arith.index_cast %parallel_loop3A_528 : i32 to index
        %parallel_loop3A_632 = arith.constant 112 : index
        %parallel_loop3A_633 = tpu.vector_load %arg9[%parallel_loop3A_631, %parallel_loop3A_632] {strides = array<i32>} : memref<296x128xf32, #tpu.memory_space<vmem>>, vector<1x16xf32>,
        %parallel_loop3A_634 = vector.shape_cast %parallel_loop3A_633 : vector<1x16xf32> to vector<16xf32>
        %parallel_loop3A_635 = arith.addf %parallel_loop3A_630, %parallel_loop3A_634 : vector<16xf32>
        %parallel_loop3A_636 = arith.index_cast %parallel_loop3A_528 : i32 to index
        %parallel_loop3A_637 = arith.constant 112 : index
        %parallel_loop3A_638 = tpu.vector_load %arg14[%parallel_loop3A_636, %parallel_loop3A_637] {strides = array<i32>} : memref<296x128xf32, #tpu.memory_space<vmem>>, vector<1x16xf32>,
        %parallel_loop3A_639 = vector.shape_cast %parallel_loop3A_638 : vector<1x16xf32> to vector<16xf32>
        %parallel_loop3A_640 = vector.shape_cast %parallel_loop3A_635 : vector<16xf32> to vector<1x16xf32>
        tpu.vector_store %arg14[%parallel_loop3A_636, %parallel_loop3A_637], %parallel_loop3A_640 {strides = array<i32>} : memref<296x128xf32, #tpu.memory_space<vmem>>, vector<1x16xf32>,
      } {sc.loop_unroll_factor = 4 : i64, sc.parallel_access}
      %mul3A_380 = arith.constant 9472 : i32
      %mul3A_381 = arith.muli %mul3A_348, %mul3A_380 : i32
      %add3A_382 = arith.addi %mul3A_381, %mul3A_2 : i32
      %add3A_383 = arith.constant 0 : i32
      %add3A_384 = arith.addi %add3A_382, %add3A_383 : i32
      %dma_start3A_385 = arith.constant 0 : i32
      %dma_start3A_386 = arith.constant 0 : i32
      %dma_start3A_387 = tpu.memref_slice %arg14[%dma_start3A_385, %dma_start3A_386] : memref<296x128xf32, #tpu.memory_space<vmem>> -> memref<152x128xf32, #tpu.memory_space<vmem>>
      %dma_start3A_388 = arith.constant 0 : i32
      %dma_start3A_389 = tpu.memref_slice %arg6[%add3A_384, %dma_start3A_388] : memref<606208x128xf32, #tpu.memory_space<hbm>> -> memref<152x128xf32, #tpu.memory_space<hbm>>
      %dma_start3A_390 = arith.constant 0 : i32
      %dma_start3A_391 = tpu.memref_slice %arg6[%add3A_384, %dma_start3A_390] : memref<606208x128xf32, #tpu.memory_space<hbm>> -> memref<152x128xf32, #tpu.memory_space<hbm>>
      %dma_start3A_392 = arith.constant 0 : i32
      %dma_start3A_393 = arith.constant 0 : i32
      %dma_start3A_394 = tpu.memref_slice %arg14[%dma_start3A_392, %dma_start3A_393] : memref<296x128xf32, #tpu.memory_space<vmem>> -> memref<152x128xf32, #tpu.memory_space<vmem>>
      tpu.enqueue_dma source(%dma_start3A_394 : memref<152x128xf32, #tpu.memory_space<vmem>>) target(%dma_start3A_391 : memref<152x128xf32, #tpu.memory_space<hbm>>) target_semaphore(%arg24 : memref<!tpu.dma_semaphore, #tpu.memory_space<semaphore_mem>>)
      %dma_wait3A_395 = arith.constant 152 : i32
      %dma_wait3A_396 = arith.constant 0 : i32
      %dma_wait3A_397 = tpu.memref_slice %arg14[%dma_wait3A_395, %dma_wait3A_396] : memref<296x128xf32, #tpu.memory_space<vmem>> -> memref<104x128xf32, #tpu.memory_space<vmem>>
      %dma_wait3A_398 = arith.constant 152 : i32
      %dma_wait3A_399 = tpu.memref_slice %arg12[%dma_wait3A_398] : memref<296xi32, #tpu.memory_space<vmem>> -> memref<104xi32, #tpu.memory_space<vmem>>
      %dma_wait3A_400 = arith.constant 0 : i32
      %dma_wait3A_401 = arith.constant 0 : i32
      %dma_wait3A_402 = tpu.memref_slice %arg7[%dma_wait3A_400, %dma_wait3A_401] : memref<256x128xf32, #tpu.memory_space<vmem_shared>> -> memref<256x128xf32, #tpu.memory_space<vmem_shared>>
      tpu.wait_indirect_dma semaphore(%arg21 : memref<!tpu.dma_semaphore, #tpu.memory_space<semaphore_mem>>) src(%dma_wait3A_402 : memref<256x128xf32, #tpu.memory_space<vmem_shared>>) dst(%dma_wait3A_397 : memref<104x128xf32, #tpu.memory_space<vmem>>)
      %dma_wait3A_403 = arith.constant 256 : i32
      %dma_wait3A_404 = arith.constant 0 : i32
      %dma_wait3A_405 = tpu.memref_slice %arg14[%dma_wait3A_403, %dma_wait3A_404] : memref<296x128xf32, #tpu.memory_space<vmem>> -> memref<40x128xf32, #tpu.memory_space<vmem>>
      %dma_wait3A_406 = arith.constant 256 : i32
      %dma_wait3A_407 = tpu.memref_slice %arg12[%dma_wait3A_406] : memref<296xi32, #tpu.memory_space<vmem>> -> memref<40xi32, #tpu.memory_space<vmem>>
      %dma_wait3A_408 = arith.constant 0 : i32
      %dma_wait3A_409 = arith.constant 0 : i32
      %dma_wait3A_410 = tpu.memref_slice %arg7[%dma_wait3A_408, %dma_wait3A_409] : memref<256x128xf32, #tpu.memory_space<vmem_shared>> -> memref<256x128xf32, #tpu.memory_space<vmem_shared>>
      tpu.wait_indirect_dma semaphore(%arg21 : memref<!tpu.dma_semaphore, #tpu.memory_space<semaphore_mem>>) src(%dma_wait3A_410 : memref<256x128xf32, #tpu.memory_space<vmem_shared>>) dst(%dma_wait3A_405 : memref<40x128xf32, #tpu.memory_space<vmem>>)
      %gt3A_411 = arith.constant 0 : i32
      %gt3A_412 = arith.cmpi sgt, %add3A_346, %gt3A_411 : i32
      %convert_element_type3A_413 = arith.extui %gt3A_412 : i1 to i32
      %cond3A_414 = arith.constant 0 : i32
      %cond3A_415 = arith.cmpi ne, %convert_element_type3A_413, %cond3A_414 : i32
      scf.if %cond3A_415 {
        %dma_wait3A_528 = arith.constant 152 : i32
        %dma_wait3A_529 = arith.constant 0 : i32
        %dma_wait3A_530 = tpu.memref_slice %arg15[%dma_wait3A_528, %dma_wait3A_529] : memref<296x128xf32, #tpu.memory_space<vmem>> -> memref<144x128xf32, #tpu.memory_space<vmem>>
        %dma_wait3A_531 = arith.constant 0 : i32
        %dma_wait3A_532 = arith.constant 0 : i32
        %dma_wait3A_533 = tpu.memref_slice %arg6[%dma_wait3A_531, %dma_wait3A_532] : memref<606208x128xf32, #tpu.memory_space<hbm>> -> memref<144x128xf32, #tpu.memory_space<hbm>>
        %dma_wait3A_534 = arith.constant 0 : i32
        %dma_wait3A_535 = arith.constant 0 : i32
        %dma_wait3A_536 = tpu.memref_slice %arg6[%dma_wait3A_534, %dma_wait3A_535] : memref<606208x128xf32, #tpu.memory_space<hbm>> -> memref<144x128xf32, #tpu.memory_space<hbm>>
        %dma_wait3A_537 = arith.constant 152 : i32
        %dma_wait3A_538 = arith.constant 0 : i32
        %dma_wait3A_539 = tpu.memref_slice %arg15[%dma_wait3A_537, %dma_wait3A_538] : memref<296x128xf32, #tpu.memory_space<vmem>> -> memref<144x128xf32, #tpu.memory_space<vmem>>
        tpu.wait_dma2 semaphore(%arg27 : memref<!tpu.dma_semaphore, #tpu.memory_space<semaphore_mem>>) src(%dma_wait3A_539 : memref<144x128xf32, #tpu.memory_space<vmem>>) dst(%dma_wait3A_536 : memref<144x128xf32, #tpu.memory_space<hbm>>)
        %dma_start3A_540 = arith.constant 152 : i32
        %dma_start3A_541 = arith.constant 0 : i32
        %dma_start3A_542 = tpu.memref_slice %arg15[%dma_start3A_540, %dma_start3A_541] : memref<296x128xf32, #tpu.memory_space<vmem>> -> memref<104x128xf32, #tpu.memory_space<vmem>>
        %dma_start3A_543 = arith.constant 152 : i32
        %dma_start3A_544 = tpu.memref_slice %arg13[%dma_start3A_543] : memref<296xi32, #tpu.memory_space<vmem>> -> memref<104xi32, #tpu.memory_space<vmem>>
        %dma_start3A_545 = arith.constant 0 : i32
        %dma_start3A_546 = arith.constant 0 : i32
        %dma_start3A_547 = tpu.memref_slice %arg7[%dma_start3A_545, %dma_start3A_546] : memref<256x128xf32, #tpu.memory_space<vmem_shared>> -> memref<256x128xf32, #tpu.memory_space<vmem_shared>>
        tpu.enqueue_indirect_dma source(%dma_start3A_547 : memref<256x128xf32, #tpu.memory_space<vmem_shared>>) target(%dma_start3A_542 : memref<104x128xf32, #tpu.memory_space<vmem>>) offsets(%dma_start3A_544 : memref<104xi32, #tpu.memory_space<vmem>>) semaphore(%arg23 : memref<!tpu.dma_semaphore, #tpu.memory_space<semaphore_mem>>)
        %dma_start3A_548 = arith.constant 256 : i32
        %dma_start3A_549 = arith.constant 0 : i32
        %dma_start3A_550 = tpu.memref_slice %arg15[%dma_start3A_548, %dma_start3A_549] : memref<296x128xf32, #tpu.memory_space<vmem>> -> memref<40x128xf32, #tpu.memory_space<vmem>>
        %dma_start3A_551 = arith.constant 256 : i32
        %dma_start3A_552 = tpu.memref_slice %arg13[%dma_start3A_551] : memref<296xi32, #tpu.memory_space<vmem>> -> memref<40xi32, #tpu.memory_space<vmem>>
        %dma_start3A_553 = arith.constant 0 : i32
        %dma_start3A_554 = arith.constant 0 : i32
        %dma_start3A_555 = tpu.memref_slice %arg7[%dma_start3A_553, %dma_start3A_554] : memref<256x128xf32, #tpu.memory_space<vmem_shared>> -> memref<256x128xf32, #tpu.memory_space<vmem_shared>>
        tpu.enqueue_indirect_dma source(%dma_start3A_555 : memref<256x128xf32, #tpu.memory_space<vmem_shared>>) target(%dma_start3A_550 : memref<40x128xf32, #tpu.memory_space<vmem>>) offsets(%dma_start3A_552 : memref<40xi32, #tpu.memory_space<vmem>>) semaphore(%arg23 : memref<!tpu.dma_semaphore, #tpu.memory_space<semaphore_mem>>)
      } else {
      }
      %parallel_loop3A_416 = arith.constant 152 : i32
      %parallel_loop3A_417 = arith.constant 296 : i32
      %parallel_loop3A_418 = arith.constant 1 : i32
      scf.for %parallel_loop3A_528 = %parallel_loop3A_416 to %parallel_loop3A_417 step %parallel_loop3A_418  : i32 {
        %parallel_loop3A_529 = arith.index_cast %parallel_loop3A_528 : i32 to index
        %parallel_loop3A_530 = arith.constant 0 : index
        %parallel_loop3A_531 = tpu.vector_load %arg14[%parallel_loop3A_529, %parallel_loop3A_530] {strides = array<i32>} : memref<296x128xf32, #tpu.memory_space<vmem>>, vector<1x16xf32>,
        %parallel_loop3A_532 = vector.shape_cast %parallel_loop3A_531 : vector<1x16xf32> to vector<16xf32>
        %parallel_loop3A_533 = arith.index_cast %parallel_loop3A_528 : i32 to index
        %parallel_loop3A_534 = arith.constant 0 : index
        %parallel_loop3A_535 = tpu.vector_load %arg9[%parallel_loop3A_533, %parallel_loop3A_534] {strides = array<i32>} : memref<296x128xf32, #tpu.memory_space<vmem>>, vector<1x16xf32>,
        %parallel_loop3A_536 = vector.shape_cast %parallel_loop3A_535 : vector<1x16xf32> to vector<16xf32>
        %parallel_loop3A_537 = arith.addf %parallel_loop3A_532, %parallel_loop3A_536 : vector<16xf32>
        %parallel_loop3A_538 = arith.index_cast %parallel_loop3A_528 : i32 to index
        %parallel_loop3A_539 = arith.constant 0 : index
        %parallel_loop3A_540 = tpu.vector_load %arg14[%parallel_loop3A_538, %parallel_loop3A_539] {strides = array<i32>} : memref<296x128xf32, #tpu.memory_space<vmem>>, vector<1x16xf32>,
        %parallel_loop3A_541 = vector.shape_cast %parallel_loop3A_540 : vector<1x16xf32> to vector<16xf32>
        %parallel_loop3A_542 = vector.shape_cast %parallel_loop3A_537 : vector<16xf32> to vector<1x16xf32>
        tpu.vector_store %arg14[%parallel_loop3A_538, %parallel_loop3A_539], %parallel_loop3A_542 {strides = array<i32>} : memref<296x128xf32, #tpu.memory_space<vmem>>, vector<1x16xf32>,
        %parallel_loop3A_543 = arith.index_cast %parallel_loop3A_528 : i32 to index
        %parallel_loop3A_544 = arith.constant 16 : index
        %parallel_loop3A_545 = tpu.vector_load %arg14[%parallel_loop3A_543, %parallel_loop3A_544] {strides = array<i32>} : memref<296x128xf32, #tpu.memory_space<vmem>>, vector<1x16xf32>,
        %parallel_loop3A_546 = vector.shape_cast %parallel_loop3A_545 : vector<1x16xf32> to vector<16xf32>
        %parallel_loop3A_547 = arith.index_cast %parallel_loop3A_528 : i32 to index
        %parallel_loop3A_548 = arith.constant 16 : index
        %parallel_loop3A_549 = tpu.vector_load %arg9[%parallel_loop3A_547, %parallel_loop3A_548] {strides = array<i32>} : memref<296x128xf32, #tpu.memory_space<vmem>>, vector<1x16xf32>,
        %parallel_loop3A_550 = vector.shape_cast %parallel_loop3A_549 : vector<1x16xf32> to vector<16xf32>
        %parallel_loop3A_551 = arith.addf %parallel_loop3A_546, %parallel_loop3A_550 : vector<16xf32>
        %parallel_loop3A_552 = arith.index_cast %parallel_loop3A_528 : i32 to index
        %parallel_loop3A_553 = arith.constant 16 : index
        %parallel_loop3A_554 = tpu.vector_load %arg14[%parallel_loop3A_552, %parallel_loop3A_553] {strides = array<i32>} : memref<296x128xf32, #tpu.memory_space<vmem>>, vector<1x16xf32>,
        %parallel_loop3A_555 = vector.shape_cast %parallel_loop3A_554 : vector<1x16xf32> to vector<16xf32>
        %parallel_loop3A_556 = vector.shape_cast %parallel_loop3A_551 : vector<16xf32> to vector<1x16xf32>
        tpu.vector_store %arg14[%parallel_loop3A_552, %parallel_loop3A_553], %parallel_loop3A_556 {strides = array<i32>} : memref<296x128xf32, #tpu.memory_space<vmem>>, vector<1x16xf32>,
        %parallel_loop3A_557 = arith.index_cast %parallel_loop3A_528 : i32 to index
        %parallel_loop3A_558 = arith.constant 32 : index
        %parallel_loop3A_559 = tpu.vector_load %arg14[%parallel_loop3A_557, %parallel_loop3A_558] {strides = array<i32>} : memref<296x128xf32, #tpu.memory_space<vmem>>, vector<1x16xf32>,
        %parallel_loop3A_560 = vector.shape_cast %parallel_loop3A_559 : vector<1x16xf32> to vector<16xf32>
        %parallel_loop3A_561 = arith.index_cast %parallel_loop3A_528 : i32 to index
        %parallel_loop3A_562 = arith.constant 32 : index
        %parallel_loop3A_563 = tpu.vector_load %arg9[%parallel_loop3A_561, %parallel_loop3A_562] {strides = array<i32>} : memref<296x128xf32, #tpu.memory_space<vmem>>, vector<1x16xf32>,
        %parallel_loop3A_564 = vector.shape_cast %parallel_loop3A_563 : vector<1x16xf32> to vector<16xf32>
        %parallel_loop3A_565 = arith.addf %parallel_loop3A_560, %parallel_loop3A_564 : vector<16xf32>
        %parallel_loop3A_566 = arith.index_cast %parallel_loop3A_528 : i32 to index
        %parallel_loop3A_567 = arith.constant 32 : index
        %parallel_loop3A_568 = tpu.vector_load %arg14[%parallel_loop3A_566, %parallel_loop3A_567] {strides = array<i32>} : memref<296x128xf32, #tpu.memory_space<vmem>>, vector<1x16xf32>,
        %parallel_loop3A_569 = vector.shape_cast %parallel_loop3A_568 : vector<1x16xf32> to vector<16xf32>
        %parallel_loop3A_570 = vector.shape_cast %parallel_loop3A_565 : vector<16xf32> to vector<1x16xf32>
        tpu.vector_store %arg14[%parallel_loop3A_566, %parallel_loop3A_567], %parallel_loop3A_570 {strides = array<i32>} : memref<296x128xf32, #tpu.memory_space<vmem>>, vector<1x16xf32>,
        %parallel_loop3A_571 = arith.index_cast %parallel_loop3A_528 : i32 to index
        %parallel_loop3A_572 = arith.constant 48 : index
        %parallel_loop3A_573 = tpu.vector_load %arg14[%parallel_loop3A_571, %parallel_loop3A_572] {strides = array<i32>} : memref<296x128xf32, #tpu.memory_space<vmem>>, vector<1x16xf32>,
        %parallel_loop3A_574 = vector.shape_cast %parallel_loop3A_573 : vector<1x16xf32> to vector<16xf32>
        %parallel_loop3A_575 = arith.index_cast %parallel_loop3A_528 : i32 to index
        %parallel_loop3A_576 = arith.constant 48 : index
        %parallel_loop3A_577 = tpu.vector_load %arg9[%parallel_loop3A_575, %parallel_loop3A_576] {strides = array<i32>} : memref<296x128xf32, #tpu.memory_space<vmem>>, vector<1x16xf32>,
        %parallel_loop3A_578 = vector.shape_cast %parallel_loop3A_577 : vector<1x16xf32> to vector<16xf32>
        %parallel_loop3A_579 = arith.addf %parallel_loop3A_574, %parallel_loop3A_578 : vector<16xf32>
        %parallel_loop3A_580 = arith.index_cast %parallel_loop3A_528 : i32 to index
        %parallel_loop3A_581 = arith.constant 48 : index
        %parallel_loop3A_582 = tpu.vector_load %arg14[%parallel_loop3A_580, %parallel_loop3A_581] {strides = array<i32>} : memref<296x128xf32, #tpu.memory_space<vmem>>, vector<1x16xf32>,
        %parallel_loop3A_583 = vector.shape_cast %parallel_loop3A_582 : vector<1x16xf32> to vector<16xf32>
        %parallel_loop3A_584 = vector.shape_cast %parallel_loop3A_579 : vector<16xf32> to vector<1x16xf32>
        tpu.vector_store %arg14[%parallel_loop3A_580, %parallel_loop3A_581], %parallel_loop3A_584 {strides = array<i32>} : memref<296x128xf32, #tpu.memory_space<vmem>>, vector<1x16xf32>,
        %parallel_loop3A_585 = arith.index_cast %parallel_loop3A_528 : i32 to index
        %parallel_loop3A_586 = arith.constant 64 : index
        %parallel_loop3A_587 = tpu.vector_load %arg14[%parallel_loop3A_585, %parallel_loop3A_586] {strides = array<i32>} : memref<296x128xf32, #tpu.memory_space<vmem>>, vector<1x16xf32>,
        %parallel_loop3A_588 = vector.shape_cast %parallel_loop3A_587 : vector<1x16xf32> to vector<16xf32>
        %parallel_loop3A_589 = arith.index_cast %parallel_loop3A_528 : i32 to index
        %parallel_loop3A_590 = arith.constant 64 : index
        %parallel_loop3A_591 = tpu.vector_load %arg9[%parallel_loop3A_589, %parallel_loop3A_590] {strides = array<i32>} : memref<296x128xf32, #tpu.memory_space<vmem>>, vector<1x16xf32>,
        %parallel_loop3A_592 = vector.shape_cast %parallel_loop3A_591 : vector<1x16xf32> to vector<16xf32>
        %parallel_loop3A_593 = arith.addf %parallel_loop3A_588, %parallel_loop3A_592 : vector<16xf32>
        %parallel_loop3A_594 = arith.index_cast %parallel_loop3A_528 : i32 to index
        %parallel_loop3A_595 = arith.constant 64 : index
        %parallel_loop3A_596 = tpu.vector_load %arg14[%parallel_loop3A_594, %parallel_loop3A_595] {strides = array<i32>} : memref<296x128xf32, #tpu.memory_space<vmem>>, vector<1x16xf32>,
        %parallel_loop3A_597 = vector.shape_cast %parallel_loop3A_596 : vector<1x16xf32> to vector<16xf32>
        %parallel_loop3A_598 = vector.shape_cast %parallel_loop3A_593 : vector<16xf32> to vector<1x16xf32>
        tpu.vector_store %arg14[%parallel_loop3A_594, %parallel_loop3A_595], %parallel_loop3A_598 {strides = array<i32>} : memref<296x128xf32, #tpu.memory_space<vmem>>, vector<1x16xf32>,
        %parallel_loop3A_599 = arith.index_cast %parallel_loop3A_528 : i32 to index
        %parallel_loop3A_600 = arith.constant 80 : index
        %parallel_loop3A_601 = tpu.vector_load %arg14[%parallel_loop3A_599, %parallel_loop3A_600] {strides = array<i32>} : memref<296x128xf32, #tpu.memory_space<vmem>>, vector<1x16xf32>,
        %parallel_loop3A_602 = vector.shape_cast %parallel_loop3A_601 : vector<1x16xf32> to vector<16xf32>
        %parallel_loop3A_603 = arith.index_cast %parallel_loop3A_528 : i32 to index
        %parallel_loop3A_604 = arith.constant 80 : index
        %parallel_loop3A_605 = tpu.vector_load %arg9[%parallel_loop3A_603, %parallel_loop3A_604] {strides = array<i32>} : memref<296x128xf32, #tpu.memory_space<vmem>>, vector<1x16xf32>,
        %parallel_loop3A_606 = vector.shape_cast %parallel_loop3A_605 : vector<1x16xf32> to vector<16xf32>
        %parallel_loop3A_607 = arith.addf %parallel_loop3A_602, %parallel_loop3A_606 : vector<16xf32>
        %parallel_loop3A_608 = arith.index_cast %parallel_loop3A_528 : i32 to index
        %parallel_loop3A_609 = arith.constant 80 : index
        %parallel_loop3A_610 = tpu.vector_load %arg14[%parallel_loop3A_608, %parallel_loop3A_609] {strides = array<i32>} : memref<296x128xf32, #tpu.memory_space<vmem>>, vector<1x16xf32>,
        %parallel_loop3A_611 = vector.shape_cast %parallel_loop3A_610 : vector<1x16xf32> to vector<16xf32>
        %parallel_loop3A_612 = vector.shape_cast %parallel_loop3A_607 : vector<16xf32> to vector<1x16xf32>
        tpu.vector_store %arg14[%parallel_loop3A_608, %parallel_loop3A_609], %parallel_loop3A_612 {strides = array<i32>} : memref<296x128xf32, #tpu.memory_space<vmem>>, vector<1x16xf32>,
        %parallel_loop3A_613 = arith.index_cast %parallel_loop3A_528 : i32 to index
        %parallel_loop3A_614 = arith.constant 96 : index
        %parallel_loop3A_615 = tpu.vector_load %arg14[%parallel_loop3A_613, %parallel_loop3A_614] {strides = array<i32>} : memref<296x128xf32, #tpu.memory_space<vmem>>, vector<1x16xf32>,
        %parallel_loop3A_616 = vector.shape_cast %parallel_loop3A_615 : vector<1x16xf32> to vector<16xf32>
        %parallel_loop3A_617 = arith.index_cast %parallel_loop3A_528 : i32 to index
        %parallel_loop3A_618 = arith.constant 96 : index
        %parallel_loop3A_619 = tpu.vector_load %arg9[%parallel_loop3A_617, %parallel_loop3A_618] {strides = array<i32>} : memref<296x128xf32, #tpu.memory_space<vmem>>, vector<1x16xf32>,
        %parallel_loop3A_620 = vector.shape_cast %parallel_loop3A_619 : vector<1x16xf32> to vector<16xf32>
        %parallel_loop3A_621 = arith.addf %parallel_loop3A_616, %parallel_loop3A_620 : vector<16xf32>
        %parallel_loop3A_622 = arith.index_cast %parallel_loop3A_528 : i32 to index
        %parallel_loop3A_623 = arith.constant 96 : index
        %parallel_loop3A_624 = tpu.vector_load %arg14[%parallel_loop3A_622, %parallel_loop3A_623] {strides = array<i32>} : memref<296x128xf32, #tpu.memory_space<vmem>>, vector<1x16xf32>,
        %parallel_loop3A_625 = vector.shape_cast %parallel_loop3A_624 : vector<1x16xf32> to vector<16xf32>
        %parallel_loop3A_626 = vector.shape_cast %parallel_loop3A_621 : vector<16xf32> to vector<1x16xf32>
        tpu.vector_store %arg14[%parallel_loop3A_622, %parallel_loop3A_623], %parallel_loop3A_626 {strides = array<i32>} : memref<296x128xf32, #tpu.memory_space<vmem>>, vector<1x16xf32>,
        %parallel_loop3A_627 = arith.index_cast %parallel_loop3A_528 : i32 to index
        %parallel_loop3A_628 = arith.constant 112 : index
        %parallel_loop3A_629 = tpu.vector_load %arg14[%parallel_loop3A_627, %parallel_loop3A_628] {strides = array<i32>} : memref<296x128xf32, #tpu.memory_space<vmem>>, vector<1x16xf32>,
        %parallel_loop3A_630 = vector.shape_cast %parallel_loop3A_629 : vector<1x16xf32> to vector<16xf32>
        %parallel_loop3A_631 = arith.index_cast %parallel_loop3A_528 : i32 to index
        %parallel_loop3A_632 = arith.constant 112 : index
        %parallel_loop3A_633 = tpu.vector_load %arg9[%parallel_loop3A_631, %parallel_loop3A_632] {strides = array<i32>} : memref<296x128xf32, #tpu.memory_space<vmem>>, vector<1x16xf32>,
        %parallel_loop3A_634 = vector.shape_cast %parallel_loop3A_633 : vector<1x16xf32> to vector<16xf32>
        %parallel_loop3A_635 = arith.addf %parallel_loop3A_630, %parallel_loop3A_634 : vector<16xf32>
        %parallel_loop3A_636 = arith.index_cast %parallel_loop3A_528 : i32 to index
        %parallel_loop3A_637 = arith.constant 112 : index
        %parallel_loop3A_638 = tpu.vector_load %arg14[%parallel_loop3A_636, %parallel_loop3A_637] {strides = array<i32>} : memref<296x128xf32, #tpu.memory_space<vmem>>, vector<1x16xf32>,
        %parallel_loop3A_639 = vector.shape_cast %parallel_loop3A_638 : vector<1x16xf32> to vector<16xf32>
        %parallel_loop3A_640 = vector.shape_cast %parallel_loop3A_635 : vector<16xf32> to vector<1x16xf32>
        tpu.vector_store %arg14[%parallel_loop3A_636, %parallel_loop3A_637], %parallel_loop3A_640 {strides = array<i32>} : memref<296x128xf32, #tpu.memory_space<vmem>>, vector<1x16xf32>,
      } {sc.loop_unroll_factor = 4 : i64, sc.parallel_access}
      %mul3A_419 = arith.constant 9472 : i32
      %mul3A_420 = arith.muli %mul3A_348, %mul3A_419 : i32
      %add3A_421 = arith.addi %mul3A_420, %mul3A_2 : i32
      %add3A_422 = arith.constant 152 : i32
      %add3A_423 = arith.addi %add3A_421, %add3A_422 : i32
      %dma_start3A_424 = arith.constant 152 : i32
      %dma_start3A_425 = arith.constant 0 : i32
      %dma_start3A_426 = tpu.memref_slice %arg14[%dma_start3A_424, %dma_start3A_425] : memref<296x128xf32, #tpu.memory_space<vmem>> -> memref<144x128xf32, #tpu.memory_space<vmem>>
      %dma_start3A_427 = arith.constant 0 : i32
      %dma_start3A_428 = tpu.memref_slice %arg6[%add3A_423, %dma_start3A_427] : memref<606208x128xf32, #tpu.memory_space<hbm>> -> memref<144x128xf32, #tpu.memory_space<hbm>>
      %dma_start3A_429 = arith.constant 0 : i32
      %dma_start3A_430 = tpu.memref_slice %arg6[%add3A_423, %dma_start3A_429] : memref<606208x128xf32, #tpu.memory_space<hbm>> -> memref<144x128xf32, #tpu.memory_space<hbm>>
      %dma_start3A_431 = arith.constant 152 : i32
      %dma_start3A_432 = arith.constant 0 : i32
      %dma_start3A_433 = tpu.memref_slice %arg14[%dma_start3A_431, %dma_start3A_432] : memref<296x128xf32, #tpu.memory_space<vmem>> -> memref<144x128xf32, #tpu.memory_space<vmem>>
      tpu.enqueue_dma source(%dma_start3A_433 : memref<144x128xf32, #tpu.memory_space<vmem>>) target(%dma_start3A_430 : memref<144x128xf32, #tpu.memory_space<hbm>>) target_semaphore(%arg25 : memref<!tpu.dma_semaphore, #tpu.memory_space<semaphore_mem>>)
      %dma_wait3A_434 = arith.constant 0 : i32
      %dma_wait3A_435 = arith.constant 0 : i32
      %dma_wait3A_436 = tpu.memref_slice %arg15[%dma_wait3A_434, %dma_wait3A_435] : memref<296x128xf32, #tpu.memory_space<vmem>> -> memref<128x128xf32, #tpu.memory_space<vmem>>
      %dma_wait3A_437 = arith.constant 0 : i32
      %dma_wait3A_438 = tpu.memref_slice %arg13[%dma_wait3A_437] : memref<296xi32, #tpu.memory_space<vmem>> -> memref<128xi32, #tpu.memory_space<vmem>>
      %dma_wait3A_439 = arith.constant 0 : i32
      %dma_wait3A_440 = arith.constant 0 : i32
      %dma_wait3A_441 = tpu.memref_slice %arg7[%dma_wait3A_439, %dma_wait3A_440] : memref<256x128xf32, #tpu.memory_space<vmem_shared>> -> memref<256x128xf32, #tpu.memory_space<vmem_shared>>
      tpu.wait_indirect_dma semaphore(%arg22 : memref<!tpu.dma_semaphore, #tpu.memory_space<semaphore_mem>>) src(%dma_wait3A_441 : memref<256x128xf32, #tpu.memory_space<vmem_shared>>) dst(%dma_wait3A_436 : memref<128x128xf32, #tpu.memory_space<vmem>>)
      %dma_wait3A_442 = arith.constant 128 : i32
      %dma_wait3A_443 = arith.constant 0 : i32
      %dma_wait3A_444 = tpu.memref_slice %arg15[%dma_wait3A_442, %dma_wait3A_443] : memref<296x128xf32, #tpu.memory_space<vmem>> -> memref<24x128xf32, #tpu.memory_space<vmem>>
      %dma_wait3A_445 = arith.constant 128 : i32
      %dma_wait3A_446 = tpu.memref_slice %arg13[%dma_wait3A_445] : memref<296xi32, #tpu.memory_space<vmem>> -> memref<24xi32, #tpu.memory_space<vmem>>
      %dma_wait3A_447 = arith.constant 0 : i32
      %dma_wait3A_448 = arith.constant 0 : i32
      %dma_wait3A_449 = tpu.memref_slice %arg7[%dma_wait3A_447, %dma_wait3A_448] : memref<256x128xf32, #tpu.memory_space<vmem_shared>> -> memref<256x128xf32, #tpu.memory_space<vmem_shared>>
      tpu.wait_indirect_dma semaphore(%arg22 : memref<!tpu.dma_semaphore, #tpu.memory_space<semaphore_mem>>) src(%dma_wait3A_449 : memref<256x128xf32, #tpu.memory_space<vmem_shared>>) dst(%dma_wait3A_444 : memref<24x128xf32, #tpu.memory_space<vmem>>)
      %add3A_450 = arith.constant 2 : i32
      %add3A_451 = arith.addi %mul3A_348, %add3A_450 : i32
      %lt3A_452 = arith.constant 64 : i32
      %lt3A_453 = arith.cmpi slt, %add3A_451, %lt3A_452 : i32
      %convert_element_type3A_454 = arith.extui %lt3A_453 : i1 to i32
      %cond3A_455 = arith.constant 0 : i32
      %cond3A_456 = arith.cmpi ne, %convert_element_type3A_454, %cond3A_455 : i32
      scf.if %cond3A_456 {
        %dma_wait3A_528 = arith.constant 0 : i32
        %dma_wait3A_529 = arith.constant 0 : i32
        %dma_wait3A_530 = tpu.memref_slice %arg14[%dma_wait3A_528, %dma_wait3A_529] : memref<296x128xf32, #tpu.memory_space<vmem>> -> memref<152x128xf32, #tpu.memory_space<vmem>>
        %dma_wait3A_531 = arith.constant 0 : i32
        %dma_wait3A_532 = arith.constant 0 : i32
        %dma_wait3A_533 = tpu.memref_slice %arg6[%dma_wait3A_531, %dma_wait3A_532] : memref<606208x128xf32, #tpu.memory_space<hbm>> -> memref<152x128xf32, #tpu.memory_space<hbm>>
        %dma_wait3A_534 = arith.constant 0 : i32
        %dma_wait3A_535 = arith.constant 0 : i32
        %dma_wait3A_536 = tpu.memref_slice %arg6[%dma_wait3A_534, %dma_wait3A_535] : memref<606208x128xf32, #tpu.memory_space<hbm>> -> memref<152x128xf32, #tpu.memory_space<hbm>>
        %dma_wait3A_537 = arith.constant 0 : i32
        %dma_wait3A_538 = arith.constant 0 : i32
        %dma_wait3A_539 = tpu.memref_slice %arg14[%dma_wait3A_537, %dma_wait3A_538] : memref<296x128xf32, #tpu.memory_space<vmem>> -> memref<152x128xf32, #tpu.memory_space<vmem>>
        tpu.wait_dma2 semaphore(%arg24 : memref<!tpu.dma_semaphore, #tpu.memory_space<semaphore_mem>>) src(%dma_wait3A_539 : memref<152x128xf32, #tpu.memory_space<vmem>>) dst(%dma_wait3A_536 : memref<152x128xf32, #tpu.memory_space<hbm>>)
        %dma_wait3A_540 = arith.constant 0 : i32
        %dma_wait3A_541 = tpu.memref_slice %arg3[%dma_wait3A_540] : memref<606208xi32, #tpu.memory_space<hbm>> -> memref<296xi32, #tpu.memory_space<hbm>>
        %dma_wait3A_542 = arith.constant 0 : i32
        %dma_wait3A_543 = tpu.memref_slice %arg3[%dma_wait3A_542] : memref<606208xi32, #tpu.memory_space<hbm>> -> memref<296xi32, #tpu.memory_space<hbm>>
        tpu.wait_dma2 semaphore(%arg16 : memref<!tpu.dma_semaphore, #tpu.memory_space<semaphore_mem>>) src(%dma_wait3A_543 : memref<296xi32, #tpu.memory_space<hbm>>) dst(%arg10 : memref<296xi32, #tpu.memory_space<vmem>>)
        %dma_start3A_544 = arith.constant 0 : i32
        %dma_start3A_545 = arith.constant 0 : i32
        %dma_start3A_546 = tpu.memref_slice %arg14[%dma_start3A_544, %dma_start3A_545] : memref<296x128xf32, #tpu.memory_space<vmem>> -> memref<128x128xf32, #tpu.memory_space<vmem>>
        %dma_start3A_547 = arith.constant 0 : i32
        %dma_start3A_548 = tpu.memref_slice %arg10[%dma_start3A_547] : memref<296xi32, #tpu.memory_space<vmem>> -> memref<128xi32, #tpu.memory_space<vmem>>
        %dma_start3A_549 = arith.constant 0 : i32
        %dma_start3A_550 = arith.constant 0 : i32
        %dma_start3A_551 = tpu.memref_slice %arg7[%dma_start3A_549, %dma_start3A_550] : memref<256x128xf32, #tpu.memory_space<vmem_shared>> -> memref<256x128xf32, #tpu.memory_space<vmem_shared>>
        tpu.enqueue_indirect_dma source(%dma_start3A_551 : memref<256x128xf32, #tpu.memory_space<vmem_shared>>) target(%dma_start3A_546 : memref<128x128xf32, #tpu.memory_space<vmem>>) offsets(%dma_start3A_548 : memref<128xi32, #tpu.memory_space<vmem>>) semaphore(%arg20 : memref<!tpu.dma_semaphore, #tpu.memory_space<semaphore_mem>>)
        %dma_start3A_552 = arith.constant 128 : i32
        %dma_start3A_553 = arith.constant 0 : i32
        %dma_start3A_554 = tpu.memref_slice %arg14[%dma_start3A_552, %dma_start3A_553] : memref<296x128xf32, #tpu.memory_space<vmem>> -> memref<24x128xf32, #tpu.memory_space<vmem>>
        %dma_start3A_555 = arith.constant 128 : i32
        %dma_start3A_556 = tpu.memref_slice %arg10[%dma_start3A_555] : memref<296xi32, #tpu.memory_space<vmem>> -> memref<24xi32, #tpu.memory_space<vmem>>
        %dma_start3A_557 = arith.constant 0 : i32
        %dma_start3A_558 = arith.constant 0 : i32
        %dma_start3A_559 = tpu.memref_slice %arg7[%dma_start3A_557, %dma_start3A_558] : memref<256x128xf32, #tpu.memory_space<vmem_shared>> -> memref<256x128xf32, #tpu.memory_space<vmem_shared>>
        tpu.enqueue_indirect_dma source(%dma_start3A_559 : memref<256x128xf32, #tpu.memory_space<vmem_shared>>) target(%dma_start3A_554 : memref<24x128xf32, #tpu.memory_space<vmem>>) offsets(%dma_start3A_556 : memref<24xi32, #tpu.memory_space<vmem>>) semaphore(%arg20 : memref<!tpu.dma_semaphore, #tpu.memory_space<semaphore_mem>>)
      } else {
      }
      %add3A_457 = arith.constant 4 : i32
      %add3A_458 = arith.addi %mul3A_348, %add3A_457 : i32
      %lt3A_459 = arith.constant 64 : i32
      %lt3A_460 = arith.cmpi slt, %add3A_458, %lt3A_459 : i32
      %convert_element_type3A_461 = arith.extui %lt3A_460 : i1 to i32
      %cond3A_462 = arith.constant 0 : i32
      %cond3A_463 = arith.cmpi ne, %convert_element_type3A_461, %cond3A_462 : i32
      scf.if %cond3A_463 {
        %add3A_528 = arith.constant 4 : i32
        %add3A_529 = arith.addi %mul3A_348, %add3A_528 : i32
        %mul3A_530 = arith.constant 9472 : i32
        %mul3A_531 = arith.muli %add3A_529, %mul3A_530 : i32
        %add3A_532 = arith.addi %mul3A_531, %mul3A_2 : i32
        %dma_start3A_533 = tpu.memref_slice %arg3[%add3A_532] : memref<606208xi32, #tpu.memory_space<hbm>> -> memref<296xi32, #tpu.memory_space<hbm>>
        %dma_start3A_534 = tpu.memref_slice %arg3[%add3A_532] : memref<606208xi32, #tpu.memory_space<hbm>> -> memref<296xi32, #tpu.memory_space<hbm>>
        tpu.enqueue_dma source(%dma_start3A_534 : memref<296xi32, #tpu.memory_space<hbm>>) target(%arg12 : memref<296xi32, #tpu.memory_space<vmem>>) target_semaphore(%arg18 : memref<!tpu.dma_semaphore, #tpu.memory_space<semaphore_mem>>)
      } else {
      }
      %parallel_loop3A_464 = arith.constant 0 : i32
      %parallel_loop3A_465 = arith.constant 152 : i32
      %parallel_loop3A_466 = arith.constant 1 : i32
      scf.for %parallel_loop3A_528 = %parallel_loop3A_464 to %parallel_loop3A_465 step %parallel_loop3A_466  : i32 {
        %parallel_loop3A_529 = arith.index_cast %parallel_loop3A_528 : i32 to index
        %parallel_loop3A_530 = arith.constant 0 : index
        %parallel_loop3A_531 = tpu.vector_load %arg15[%parallel_loop3A_529, %parallel_loop3A_530] {strides = array<i32>} : memref<296x128xf32, #tpu.memory_space<vmem>>, vector<1x16xf32>,
        %parallel_loop3A_532 = vector.shape_cast %parallel_loop3A_531 : vector<1x16xf32> to vector<16xf32>
        %parallel_loop3A_533 = arith.index_cast %parallel_loop3A_528 : i32 to index
        %parallel_loop3A_534 = arith.constant 0 : index
        %parallel_loop3A_535 = tpu.vector_load %arg9[%parallel_loop3A_533, %parallel_loop3A_534] {strides = array<i32>} : memref<296x128xf32, #tpu.memory_space<vmem>>, vector<1x16xf32>,
        %parallel_loop3A_536 = vector.shape_cast %parallel_loop3A_535 : vector<1x16xf32> to vector<16xf32>
        %parallel_loop3A_537 = arith.addf %parallel_loop3A_532, %parallel_loop3A_536 : vector<16xf32>
        %parallel_loop3A_538 = arith.index_cast %parallel_loop3A_528 : i32 to index
        %parallel_loop3A_539 = arith.constant 0 : index
        %parallel_loop3A_540 = tpu.vector_load %arg15[%parallel_loop3A_538, %parallel_loop3A_539] {strides = array<i32>} : memref<296x128xf32, #tpu.memory_space<vmem>>, vector<1x16xf32>,
        %parallel_loop3A_541 = vector.shape_cast %parallel_loop3A_540 : vector<1x16xf32> to vector<16xf32>
        %parallel_loop3A_542 = vector.shape_cast %parallel_loop3A_537 : vector<16xf32> to vector<1x16xf32>
        tpu.vector_store %arg15[%parallel_loop3A_538, %parallel_loop3A_539], %parallel_loop3A_542 {strides = array<i32>} : memref<296x128xf32, #tpu.memory_space<vmem>>, vector<1x16xf32>,
        %parallel_loop3A_543 = arith.index_cast %parallel_loop3A_528 : i32 to index
        %parallel_loop3A_544 = arith.constant 16 : index
        %parallel_loop3A_545 = tpu.vector_load %arg15[%parallel_loop3A_543, %parallel_loop3A_544] {strides = array<i32>} : memref<296x128xf32, #tpu.memory_space<vmem>>, vector<1x16xf32>,
        %parallel_loop3A_546 = vector.shape_cast %parallel_loop3A_545 : vector<1x16xf32> to vector<16xf32>
        %parallel_loop3A_547 = arith.index_cast %parallel_loop3A_528 : i32 to index
        %parallel_loop3A_548 = arith.constant 16 : index
        %parallel_loop3A_549 = tpu.vector_load %arg9[%parallel_loop3A_547, %parallel_loop3A_548] {strides = array<i32>} : memref<296x128xf32, #tpu.memory_space<vmem>>, vector<1x16xf32>,
        %parallel_loop3A_550 = vector.shape_cast %parallel_loop3A_549 : vector<1x16xf32> to vector<16xf32>
        %parallel_loop3A_551 = arith.addf %parallel_loop3A_546, %parallel_loop3A_550 : vector<16xf32>
        %parallel_loop3A_552 = arith.index_cast %parallel_loop3A_528 : i32 to index
        %parallel_loop3A_553 = arith.constant 16 : index
        %parallel_loop3A_554 = tpu.vector_load %arg15[%parallel_loop3A_552, %parallel_loop3A_553] {strides = array<i32>} : memref<296x128xf32, #tpu.memory_space<vmem>>, vector<1x16xf32>,
        %parallel_loop3A_555 = vector.shape_cast %parallel_loop3A_554 : vector<1x16xf32> to vector<16xf32>
        %parallel_loop3A_556 = vector.shape_cast %parallel_loop3A_551 : vector<16xf32> to vector<1x16xf32>
        tpu.vector_store %arg15[%parallel_loop3A_552, %parallel_loop3A_553], %parallel_loop3A_556 {strides = array<i32>} : memref<296x128xf32, #tpu.memory_space<vmem>>, vector<1x16xf32>,
        %parallel_loop3A_557 = arith.index_cast %parallel_loop3A_528 : i32 to index
        %parallel_loop3A_558 = arith.constant 32 : index
        %parallel_loop3A_559 = tpu.vector_load %arg15[%parallel_loop3A_557, %parallel_loop3A_558] {strides = array<i32>} : memref<296x128xf32, #tpu.memory_space<vmem>>, vector<1x16xf32>,
        %parallel_loop3A_560 = vector.shape_cast %parallel_loop3A_559 : vector<1x16xf32> to vector<16xf32>
        %parallel_loop3A_561 = arith.index_cast %parallel_loop3A_528 : i32 to index
        %parallel_loop3A_562 = arith.constant 32 : index
        %parallel_loop3A_563 = tpu.vector_load %arg9[%parallel_loop3A_561, %parallel_loop3A_562] {strides = array<i32>} : memref<296x128xf32, #tpu.memory_space<vmem>>, vector<1x16xf32>,
        %parallel_loop3A_564 = vector.shape_cast %parallel_loop3A_563 : vector<1x16xf32> to vector<16xf32>
        %parallel_loop3A_565 = arith.addf %parallel_loop3A_560, %parallel_loop3A_564 : vector<16xf32>
        %parallel_loop3A_566 = arith.index_cast %parallel_loop3A_528 : i32 to index
        %parallel_loop3A_567 = arith.constant 32 : index
        %parallel_loop3A_568 = tpu.vector_load %arg15[%parallel_loop3A_566, %parallel_loop3A_567] {strides = array<i32>} : memref<296x128xf32, #tpu.memory_space<vmem>>, vector<1x16xf32>,
        %parallel_loop3A_569 = vector.shape_cast %parallel_loop3A_568 : vector<1x16xf32> to vector<16xf32>
        %parallel_loop3A_570 = vector.shape_cast %parallel_loop3A_565 : vector<16xf32> to vector<1x16xf32>
        tpu.vector_store %arg15[%parallel_loop3A_566, %parallel_loop3A_567], %parallel_loop3A_570 {strides = array<i32>} : memref<296x128xf32, #tpu.memory_space<vmem>>, vector<1x16xf32>,
        %parallel_loop3A_571 = arith.index_cast %parallel_loop3A_528 : i32 to index
        %parallel_loop3A_572 = arith.constant 48 : index
        %parallel_loop3A_573 = tpu.vector_load %arg15[%parallel_loop3A_571, %parallel_loop3A_572] {strides = array<i32>} : memref<296x128xf32, #tpu.memory_space<vmem>>, vector<1x16xf32>,
        %parallel_loop3A_574 = vector.shape_cast %parallel_loop3A_573 : vector<1x16xf32> to vector<16xf32>
        %parallel_loop3A_575 = arith.index_cast %parallel_loop3A_528 : i32 to index
        %parallel_loop3A_576 = arith.constant 48 : index
        %parallel_loop3A_577 = tpu.vector_load %arg9[%parallel_loop3A_575, %parallel_loop3A_576] {strides = array<i32>} : memref<296x128xf32, #tpu.memory_space<vmem>>, vector<1x16xf32>,
        %parallel_loop3A_578 = vector.shape_cast %parallel_loop3A_577 : vector<1x16xf32> to vector<16xf32>
        %parallel_loop3A_579 = arith.addf %parallel_loop3A_574, %parallel_loop3A_578 : vector<16xf32>
        %parallel_loop3A_580 = arith.index_cast %parallel_loop3A_528 : i32 to index
        %parallel_loop3A_581 = arith.constant 48 : index
        %parallel_loop3A_582 = tpu.vector_load %arg15[%parallel_loop3A_580, %parallel_loop3A_581] {strides = array<i32>} : memref<296x128xf32, #tpu.memory_space<vmem>>, vector<1x16xf32>,
        %parallel_loop3A_583 = vector.shape_cast %parallel_loop3A_582 : vector<1x16xf32> to vector<16xf32>
        %parallel_loop3A_584 = vector.shape_cast %parallel_loop3A_579 : vector<16xf32> to vector<1x16xf32>
        tpu.vector_store %arg15[%parallel_loop3A_580, %parallel_loop3A_581], %parallel_loop3A_584 {strides = array<i32>} : memref<296x128xf32, #tpu.memory_space<vmem>>, vector<1x16xf32>,
        %parallel_loop3A_585 = arith.index_cast %parallel_loop3A_528 : i32 to index
        %parallel_loop3A_586 = arith.constant 64 : index
        %parallel_loop3A_587 = tpu.vector_load %arg15[%parallel_loop3A_585, %parallel_loop3A_586] {strides = array<i32>} : memref<296x128xf32, #tpu.memory_space<vmem>>, vector<1x16xf32>,
        %parallel_loop3A_588 = vector.shape_cast %parallel_loop3A_587 : vector<1x16xf32> to vector<16xf32>
        %parallel_loop3A_589 = arith.index_cast %parallel_loop3A_528 : i32 to index
        %parallel_loop3A_590 = arith.constant 64 : index
        %parallel_loop3A_591 = tpu.vector_load %arg9[%parallel_loop3A_589, %parallel_loop3A_590] {strides = array<i32>} : memref<296x128xf32, #tpu.memory_space<vmem>>, vector<1x16xf32>,
        %parallel_loop3A_592 = vector.shape_cast %parallel_loop3A_591 : vector<1x16xf32> to vector<16xf32>
        %parallel_loop3A_593 = arith.addf %parallel_loop3A_588, %parallel_loop3A_592 : vector<16xf32>
        %parallel_loop3A_594 = arith.index_cast %parallel_loop3A_528 : i32 to index
        %parallel_loop3A_595 = arith.constant 64 : index
        %parallel_loop3A_596 = tpu.vector_load %arg15[%parallel_loop3A_594, %parallel_loop3A_595] {strides = array<i32>} : memref<296x128xf32, #tpu.memory_space<vmem>>, vector<1x16xf32>,
        %parallel_loop3A_597 = vector.shape_cast %parallel_loop3A_596 : vector<1x16xf32> to vector<16xf32>
        %parallel_loop3A_598 = vector.shape_cast %parallel_loop3A_593 : vector<16xf32> to vector<1x16xf32>
        tpu.vector_store %arg15[%parallel_loop3A_594, %parallel_loop3A_595], %parallel_loop3A_598 {strides = array<i32>} : memref<296x128xf32, #tpu.memory_space<vmem>>, vector<1x16xf32>,
        %parallel_loop3A_599 = arith.index_cast %parallel_loop3A_528 : i32 to index
        %parallel_loop3A_600 = arith.constant 80 : index
        %parallel_loop3A_601 = tpu.vector_load %arg15[%parallel_loop3A_599, %parallel_loop3A_600] {strides = array<i32>} : memref<296x128xf32, #tpu.memory_space<vmem>>, vector<1x16xf32>,
        %parallel_loop3A_602 = vector.shape_cast %parallel_loop3A_601 : vector<1x16xf32> to vector<16xf32>
        %parallel_loop3A_603 = arith.index_cast %parallel_loop3A_528 : i32 to index
        %parallel_loop3A_604 = arith.constant 80 : index
        %parallel_loop3A_605 = tpu.vector_load %arg9[%parallel_loop3A_603, %parallel_loop3A_604] {strides = array<i32>} : memref<296x128xf32, #tpu.memory_space<vmem>>, vector<1x16xf32>,
        %parallel_loop3A_606 = vector.shape_cast %parallel_loop3A_605 : vector<1x16xf32> to vector<16xf32>
        %parallel_loop3A_607 = arith.addf %parallel_loop3A_602, %parallel_loop3A_606 : vector<16xf32>
        %parallel_loop3A_608 = arith.index_cast %parallel_loop3A_528 : i32 to index
        %parallel_loop3A_609 = arith.constant 80 : index
        %parallel_loop3A_610 = tpu.vector_load %arg15[%parallel_loop3A_608, %parallel_loop3A_609] {strides = array<i32>} : memref<296x128xf32, #tpu.memory_space<vmem>>, vector<1x16xf32>,
        %parallel_loop3A_611 = vector.shape_cast %parallel_loop3A_610 : vector<1x16xf32> to vector<16xf32>
        %parallel_loop3A_612 = vector.shape_cast %parallel_loop3A_607 : vector<16xf32> to vector<1x16xf32>
        tpu.vector_store %arg15[%parallel_loop3A_608, %parallel_loop3A_609], %parallel_loop3A_612 {strides = array<i32>} : memref<296x128xf32, #tpu.memory_space<vmem>>, vector<1x16xf32>,
        %parallel_loop3A_613 = arith.index_cast %parallel_loop3A_528 : i32 to index
        %parallel_loop3A_614 = arith.constant 96 : index
        %parallel_loop3A_615 = tpu.vector_load %arg15[%parallel_loop3A_613, %parallel_loop3A_614] {strides = array<i32>} : memref<296x128xf32, #tpu.memory_space<vmem>>, vector<1x16xf32>,
        %parallel_loop3A_616 = vector.shape_cast %parallel_loop3A_615 : vector<1x16xf32> to vector<16xf32>
        %parallel_loop3A_617 = arith.index_cast %parallel_loop3A_528 : i32 to index
        %parallel_loop3A_618 = arith.constant 96 : index
        %parallel_loop3A_619 = tpu.vector_load %arg9[%parallel_loop3A_617, %parallel_loop3A_618] {strides = array<i32>} : memref<296x128xf32, #tpu.memory_space<vmem>>, vector<1x16xf32>,
        %parallel_loop3A_620 = vector.shape_cast %parallel_loop3A_619 : vector<1x16xf32> to vector<16xf32>
        %parallel_loop3A_621 = arith.addf %parallel_loop3A_616, %parallel_loop3A_620 : vector<16xf32>
        %parallel_loop3A_622 = arith.index_cast %parallel_loop3A_528 : i32 to index
        %parallel_loop3A_623 = arith.constant 96 : index
        %parallel_loop3A_624 = tpu.vector_load %arg15[%parallel_loop3A_622, %parallel_loop3A_623] {strides = array<i32>} : memref<296x128xf32, #tpu.memory_space<vmem>>, vector<1x16xf32>,
        %parallel_loop3A_625 = vector.shape_cast %parallel_loop3A_624 : vector<1x16xf32> to vector<16xf32>
        %parallel_loop3A_626 = vector.shape_cast %parallel_loop3A_621 : vector<16xf32> to vector<1x16xf32>
        tpu.vector_store %arg15[%parallel_loop3A_622, %parallel_loop3A_623], %parallel_loop3A_626 {strides = array<i32>} : memref<296x128xf32, #tpu.memory_space<vmem>>, vector<1x16xf32>,
        %parallel_loop3A_627 = arith.index_cast %parallel_loop3A_528 : i32 to index
        %parallel_loop3A_628 = arith.constant 112 : index
        %parallel_loop3A_629 = tpu.vector_load %arg15[%parallel_loop3A_627, %parallel_loop3A_628] {strides = array<i32>} : memref<296x128xf32, #tpu.memory_space<vmem>>, vector<1x16xf32>,
        %parallel_loop3A_630 = vector.shape_cast %parallel_loop3A_629 : vector<1x16xf32> to vector<16xf32>
        %parallel_loop3A_631 = arith.index_cast %parallel_loop3A_528 : i32 to index
        %parallel_loop3A_632 = arith.constant 112 : index
        %parallel_loop3A_633 = tpu.vector_load %arg9[%parallel_loop3A_631, %parallel_loop3A_632] {strides = array<i32>} : memref<296x128xf32, #tpu.memory_space<vmem>>, vector<1x16xf32>,
        %parallel_loop3A_634 = vector.shape_cast %parallel_loop3A_633 : vector<1x16xf32> to vector<16xf32>
        %parallel_loop3A_635 = arith.addf %parallel_loop3A_630, %parallel_loop3A_634 : vector<16xf32>
        %parallel_loop3A_636 = arith.index_cast %parallel_loop3A_528 : i32 to index
        %parallel_loop3A_637 = arith.constant 112 : index
        %parallel_loop3A_638 = tpu.vector_load %arg15[%parallel_loop3A_636, %parallel_loop3A_637] {strides = array<i32>} : memref<296x128xf32, #tpu.memory_space<vmem>>, vector<1x16xf32>,
        %parallel_loop3A_639 = vector.shape_cast %parallel_loop3A_638 : vector<1x16xf32> to vector<16xf32>
        %parallel_loop3A_640 = vector.shape_cast %parallel_loop3A_635 : vector<16xf32> to vector<1x16xf32>
        tpu.vector_store %arg15[%parallel_loop3A_636, %parallel_loop3A_637], %parallel_loop3A_640 {strides = array<i32>} : memref<296x128xf32, #tpu.memory_space<vmem>>, vector<1x16xf32>,
      } {sc.loop_unroll_factor = 4 : i64, sc.parallel_access}
      %add3A_467 = arith.constant 1 : i32
      %add3A_468 = arith.addi %mul3A_348, %add3A_467 : i32
      %mul3A_469 = arith.constant 9472 : i32
      %mul3A_470 = arith.muli %add3A_468, %mul3A_469 : i32
      %add3A_471 = arith.addi %mul3A_470, %mul3A_2 : i32
      %add3A_472 = arith.constant 0 : i32
      %add3A_473 = arith.addi %add3A_471, %add3A_472 : i32
      %dma_start3A_474 = arith.constant 0 : i32
      %dma_start3A_475 = arith.constant 0 : i32
      %dma_start3A_476 = tpu.memref_slice %arg15[%dma_start3A_474, %dma_start3A_475] : memref<296x128xf32, #tpu.memory_space<vmem>> -> memref<152x128xf32, #tpu.memory_space<vmem>>
      %dma_start3A_477 = arith.constant 0 : i32
      %dma_start3A_478 = tpu.memref_slice %arg6[%add3A_473, %dma_start3A_477] : memref<606208x128xf32, #tpu.memory_space<hbm>> -> memref<152x128xf32, #tpu.memory_space<hbm>>
      %dma_start3A_479 = arith.constant 0 : i32
      %dma_start3A_480 = tpu.memref_slice %arg6[%add3A_473, %dma_start3A_479] : memref<606208x128xf32, #tpu.memory_space<hbm>> -> memref<152x128xf32, #tpu.memory_space<hbm>>
      %dma_start3A_481 = arith.constant 0 : i32
      %dma_start3A_482 = arith.constant 0 : i32
      %dma_start3A_483 = tpu.memref_slice %arg15[%dma_start3A_481, %dma_start3A_482] : memref<296x128xf32, #tpu.memory_space<vmem>> -> memref<152x128xf32, #tpu.memory_space<vmem>>
      tpu.enqueue_dma source(%dma_start3A_483 : memref<152x128xf32, #tpu.memory_space<vmem>>) target(%dma_start3A_480 : memref<152x128xf32, #tpu.memory_space<hbm>>) target_semaphore(%arg26 : memref<!tpu.dma_semaphore, #tpu.memory_space<semaphore_mem>>)
      %dma_wait3A_484 = arith.constant 152 : i32
      %dma_wait3A_485 = arith.constant 0 : i32
      %dma_wait3A_486 = tpu.memref_slice %arg15[%dma_wait3A_484, %dma_wait3A_485] : memref<296x128xf32, #tpu.memory_space<vmem>> -> memref<104x128xf32, #tpu.memory_space<vmem>>
      %dma_wait3A_487 = arith.constant 152 : i32
      %dma_wait3A_488 = tpu.memref_slice %arg13[%dma_wait3A_487] : memref<296xi32, #tpu.memory_space<vmem>> -> memref<104xi32, #tpu.memory_space<vmem>>
      %dma_wait3A_489 = arith.constant 0 : i32
      %dma_wait3A_490 = arith.constant 0 : i32
      %dma_wait3A_491 = tpu.memref_slice %arg7[%dma_wait3A_489, %dma_wait3A_490] : memref<256x128xf32, #tpu.memory_space<vmem_shared>> -> memref<256x128xf32, #tpu.memory_space<vmem_shared>>
      tpu.wait_indirect_dma semaphore(%arg23 : memref<!tpu.dma_semaphore, #tpu.memory_space<semaphore_mem>>) src(%dma_wait3A_491 : memref<256x128xf32, #tpu.memory_space<vmem_shared>>) dst(%dma_wait3A_486 : memref<104x128xf32, #tpu.memory_space<vmem>>)
      %dma_wait3A_492 = arith.constant 256 : i32
      %dma_wait3A_493 = arith.constant 0 : i32
      %dma_wait3A_494 = tpu.memref_slice %arg15[%dma_wait3A_492, %dma_wait3A_493] : memref<296x128xf32, #tpu.memory_space<vmem>> -> memref<40x128xf32, #tpu.memory_space<vmem>>
      %dma_wait3A_495 = arith.constant 256 : i32
      %dma_wait3A_496 = tpu.memref_slice %arg13[%dma_wait3A_495] : memref<296xi32, #tpu.memory_space<vmem>> -> memref<40xi32, #tpu.memory_space<vmem>>
      %dma_wait3A_497 = arith.constant 0 : i32
      %dma_wait3A_498 = arith.constant 0 : i32
      %dma_wait3A_499 = tpu.memref_slice %arg7[%dma_wait3A_497, %dma_wait3A_498] : memref<256x128xf32, #tpu.memory_space<vmem_shared>> -> memref<256x128xf32, #tpu.memory_space<vmem_shared>>
      tpu.wait_indirect_dma semaphore(%arg23 : memref<!tpu.dma_semaphore, #tpu.memory_space<semaphore_mem>>) src(%dma_wait3A_499 : memref<256x128xf32, #tpu.memory_space<vmem_shared>>) dst(%dma_wait3A_494 : memref<40x128xf32, #tpu.memory_space<vmem>>)
      %add3A_500 = arith.constant 2 : i32
      %add3A_501 = arith.addi %mul3A_348, %add3A_500 : i32
      %lt3A_502 = arith.constant 64 : i32
      %lt3A_503 = arith.cmpi slt, %add3A_501, %lt3A_502 : i32
      %convert_element_type3A_504 = arith.extui %lt3A_503 : i1 to i32
      %cond3A_505 = arith.constant 0 : i32
      %cond3A_506 = arith.cmpi ne, %convert_element_type3A_504, %cond3A_505 : i32
      scf.if %cond3A_506 {
        %dma_wait3A_528 = arith.constant 152 : i32
        %dma_wait3A_529 = arith.constant 0 : i32
        %dma_wait3A_530 = tpu.memref_slice %arg14[%dma_wait3A_528, %dma_wait3A_529] : memref<296x128xf32, #tpu.memory_space<vmem>> -> memref<144x128xf32, #tpu.memory_space<vmem>>
        %dma_wait3A_531 = arith.constant 0 : i32
        %dma_wait3A_532 = arith.constant 0 : i32
        %dma_wait3A_533 = tpu.memref_slice %arg6[%dma_wait3A_531, %dma_wait3A_532] : memref<606208x128xf32, #tpu.memory_space<hbm>> -> memref<144x128xf32, #tpu.memory_space<hbm>>
        %dma_wait3A_534 = arith.constant 0 : i32
        %dma_wait3A_535 = arith.constant 0 : i32
        %dma_wait3A_536 = tpu.memref_slice %arg6[%dma_wait3A_534, %dma_wait3A_535] : memref<606208x128xf32, #tpu.memory_space<hbm>> -> memref<144x128xf32, #tpu.memory_space<hbm>>
        %dma_wait3A_537 = arith.constant 152 : i32
        %dma_wait3A_538 = arith.constant 0 : i32
        %dma_wait3A_539 = tpu.memref_slice %arg14[%dma_wait3A_537, %dma_wait3A_538] : memref<296x128xf32, #tpu.memory_space<vmem>> -> memref<144x128xf32, #tpu.memory_space<vmem>>
        tpu.wait_dma2 semaphore(%arg25 : memref<!tpu.dma_semaphore, #tpu.memory_space<semaphore_mem>>) src(%dma_wait3A_539 : memref<144x128xf32, #tpu.memory_space<vmem>>) dst(%dma_wait3A_536 : memref<144x128xf32, #tpu.memory_space<hbm>>)
        %dma_start3A_540 = arith.constant 152 : i32
        %dma_start3A_541 = arith.constant 0 : i32
        %dma_start3A_542 = tpu.memref_slice %arg14[%dma_start3A_540, %dma_start3A_541] : memref<296x128xf32, #tpu.memory_space<vmem>> -> memref<104x128xf32, #tpu.memory_space<vmem>>
        %dma_start3A_543 = arith.constant 152 : i32
        %dma_start3A_544 = tpu.memref_slice %arg10[%dma_start3A_543] : memref<296xi32, #tpu.memory_space<vmem>> -> memref<104xi32, #tpu.memory_space<vmem>>
        %dma_start3A_545 = arith.constant 0 : i32
        %dma_start3A_546 = arith.constant 0 : i32
        %dma_start3A_547 = tpu.memref_slice %arg7[%dma_start3A_545, %dma_start3A_546] : memref<256x128xf32, #tpu.memory_space<vmem_shared>> -> memref<256x128xf32, #tpu.memory_space<vmem_shared>>
        tpu.enqueue_indirect_dma source(%dma_start3A_547 : memref<256x128xf32, #tpu.memory_space<vmem_shared>>) target(%dma_start3A_542 : memref<104x128xf32, #tpu.memory_space<vmem>>) offsets(%dma_start3A_544 : memref<104xi32, #tpu.memory_space<vmem>>) semaphore(%arg21 : memref<!tpu.dma_semaphore, #tpu.memory_space<semaphore_mem>>)
        %dma_start3A_548 = arith.constant 256 : i32
        %dma_start3A_549 = arith.constant 0 : i32
        %dma_start3A_550 = tpu.memref_slice %arg14[%dma_start3A_548, %dma_start3A_549] : memref<296x128xf32, #tpu.memory_space<vmem>> -> memref<40x128xf32, #tpu.memory_space<vmem>>
        %dma_start3A_551 = arith.constant 256 : i32
        %dma_start3A_552 = tpu.memref_slice %arg10[%dma_start3A_551] : memref<296xi32, #tpu.memory_space<vmem>> -> memref<40xi32, #tpu.memory_space<vmem>>
        %dma_start3A_553 = arith.constant 0 : i32
        %dma_start3A_554 = arith.constant 0 : i32
        %dma_start3A_555 = tpu.memref_slice %arg7[%dma_start3A_553, %dma_start3A_554] : memref<256x128xf32, #tpu.memory_space<vmem_shared>> -> memref<256x128xf32, #tpu.memory_space<vmem_shared>>
        tpu.enqueue_indirect_dma source(%dma_start3A_555 : memref<256x128xf32, #tpu.memory_space<vmem_shared>>) target(%dma_start3A_550 : memref<40x128xf32, #tpu.memory_space<vmem>>) offsets(%dma_start3A_552 : memref<40xi32, #tpu.memory_space<vmem>>) semaphore(%arg21 : memref<!tpu.dma_semaphore, #tpu.memory_space<semaphore_mem>>)
      } else {
      }
      %parallel_loop3A_507 = arith.constant 152 : i32
      %parallel_loop3A_508 = arith.constant 296 : i32
      %parallel_loop3A_509 = arith.constant 1 : i32
      scf.for %parallel_loop3A_528 = %parallel_loop3A_507 to %parallel_loop3A_508 step %parallel_loop3A_509  : i32 {
        %parallel_loop3A_529 = arith.index_cast %parallel_loop3A_528 : i32 to index
        %parallel_loop3A_530 = arith.constant 0 : index
        %parallel_loop3A_531 = tpu.vector_load %arg15[%parallel_loop3A_529, %parallel_loop3A_530] {strides = array<i32>} : memref<296x128xf32, #tpu.memory_space<vmem>>, vector<1x16xf32>,
        %parallel_loop3A_532 = vector.shape_cast %parallel_loop3A_531 : vector<1x16xf32> to vector<16xf32>
        %parallel_loop3A_533 = arith.index_cast %parallel_loop3A_528 : i32 to index
        %parallel_loop3A_534 = arith.constant 0 : index
        %parallel_loop3A_535 = tpu.vector_load %arg9[%parallel_loop3A_533, %parallel_loop3A_534] {strides = array<i32>} : memref<296x128xf32, #tpu.memory_space<vmem>>, vector<1x16xf32>,
        %parallel_loop3A_536 = vector.shape_cast %parallel_loop3A_535 : vector<1x16xf32> to vector<16xf32>
        %parallel_loop3A_537 = arith.addf %parallel_loop3A_532, %parallel_loop3A_536 : vector<16xf32>
        %parallel_loop3A_538 = arith.index_cast %parallel_loop3A_528 : i32 to index
        %parallel_loop3A_539 = arith.constant 0 : index
        %parallel_loop3A_540 = tpu.vector_load %arg15[%parallel_loop3A_538, %parallel_loop3A_539] {strides = array<i32>} : memref<296x128xf32, #tpu.memory_space<vmem>>, vector<1x16xf32>,
        %parallel_loop3A_541 = vector.shape_cast %parallel_loop3A_540 : vector<1x16xf32> to vector<16xf32>
        %parallel_loop3A_542 = vector.shape_cast %parallel_loop3A_537 : vector<16xf32> to vector<1x16xf32>
        tpu.vector_store %arg15[%parallel_loop3A_538, %parallel_loop3A_539], %parallel_loop3A_542 {strides = array<i32>} : memref<296x128xf32, #tpu.memory_space<vmem>>, vector<1x16xf32>,
        %parallel_loop3A_543 = arith.index_cast %parallel_loop3A_528 : i32 to index
        %parallel_loop3A_544 = arith.constant 16 : index
        %parallel_loop3A_545 = tpu.vector_load %arg15[%parallel_loop3A_543, %parallel_loop3A_544] {strides = array<i32>} : memref<296x128xf32, #tpu.memory_space<vmem>>, vector<1x16xf32>,
        %parallel_loop3A_546 = vector.shape_cast %parallel_loop3A_545 : vector<1x16xf32> to vector<16xf32>
        %parallel_loop3A_547 = arith.index_cast %parallel_loop3A_528 : i32 to index
        %parallel_loop3A_548 = arith.constant 16 : index
        %parallel_loop3A_549 = tpu.vector_load %arg9[%parallel_loop3A_547, %parallel_loop3A_548] {strides = array<i32>} : memref<296x128xf32, #tpu.memory_space<vmem>>, vector<1x16xf32>,
        %parallel_loop3A_550 = vector.shape_cast %parallel_loop3A_549 : vector<1x16xf32> to vector<16xf32>
        %parallel_loop3A_551 = arith.addf %parallel_loop3A_546, %parallel_loop3A_550 : vector<16xf32>
        %parallel_loop3A_552 = arith.index_cast %parallel_loop3A_528 : i32 to index
        %parallel_loop3A_553 = arith.constant 16 : index
        %parallel_loop3A_554 = tpu.vector_load %arg15[%parallel_loop3A_552, %parallel_loop3A_553] {strides = array<i32>} : memref<296x128xf32, #tpu.memory_space<vmem>>, vector<1x16xf32>,
        %parallel_loop3A_555 = vector.shape_cast %parallel_loop3A_554 : vector<1x16xf32> to vector<16xf32>
        %parallel_loop3A_556 = vector.shape_cast %parallel_loop3A_551 : vector<16xf32> to vector<1x16xf32>
        tpu.vector_store %arg15[%parallel_loop3A_552, %parallel_loop3A_553], %parallel_loop3A_556 {strides = array<i32>} : memref<296x128xf32, #tpu.memory_space<vmem>>, vector<1x16xf32>,
        %parallel_loop3A_557 = arith.index_cast %parallel_loop3A_528 : i32 to index
        %parallel_loop3A_558 = arith.constant 32 : index
        %parallel_loop3A_559 = tpu.vector_load %arg15[%parallel_loop3A_557, %parallel_loop3A_558] {strides = array<i32>} : memref<296x128xf32, #tpu.memory_space<vmem>>, vector<1x16xf32>,
        %parallel_loop3A_560 = vector.shape_cast %parallel_loop3A_559 : vector<1x16xf32> to vector<16xf32>
        %parallel_loop3A_561 = arith.index_cast %parallel_loop3A_528 : i32 to index
        %parallel_loop3A_562 = arith.constant 32 : index
        %parallel_loop3A_563 = tpu.vector_load %arg9[%parallel_loop3A_561, %parallel_loop3A_562] {strides = array<i32>} : memref<296x128xf32, #tpu.memory_space<vmem>>, vector<1x16xf32>,
        %parallel_loop3A_564 = vector.shape_cast %parallel_loop3A_563 : vector<1x16xf32> to vector<16xf32>
        %parallel_loop3A_565 = arith.addf %parallel_loop3A_560, %parallel_loop3A_564 : vector<16xf32>
        %parallel_loop3A_566 = arith.index_cast %parallel_loop3A_528 : i32 to index
        %parallel_loop3A_567 = arith.constant 32 : index
        %parallel_loop3A_568 = tpu.vector_load %arg15[%parallel_loop3A_566, %parallel_loop3A_567] {strides = array<i32>} : memref<296x128xf32, #tpu.memory_space<vmem>>, vector<1x16xf32>,
        %parallel_loop3A_569 = vector.shape_cast %parallel_loop3A_568 : vector<1x16xf32> to vector<16xf32>
        %parallel_loop3A_570 = vector.shape_cast %parallel_loop3A_565 : vector<16xf32> to vector<1x16xf32>
        tpu.vector_store %arg15[%parallel_loop3A_566, %parallel_loop3A_567], %parallel_loop3A_570 {strides = array<i32>} : memref<296x128xf32, #tpu.memory_space<vmem>>, vector<1x16xf32>,
        %parallel_loop3A_571 = arith.index_cast %parallel_loop3A_528 : i32 to index
        %parallel_loop3A_572 = arith.constant 48 : index
        %parallel_loop3A_573 = tpu.vector_load %arg15[%parallel_loop3A_571, %parallel_loop3A_572] {strides = array<i32>} : memref<296x128xf32, #tpu.memory_space<vmem>>, vector<1x16xf32>,
        %parallel_loop3A_574 = vector.shape_cast %parallel_loop3A_573 : vector<1x16xf32> to vector<16xf32>
        %parallel_loop3A_575 = arith.index_cast %parallel_loop3A_528 : i32 to index
        %parallel_loop3A_576 = arith.constant 48 : index
        %parallel_loop3A_577 = tpu.vector_load %arg9[%parallel_loop3A_575, %parallel_loop3A_576] {strides = array<i32>} : memref<296x128xf32, #tpu.memory_space<vmem>>, vector<1x16xf32>,
        %parallel_loop3A_578 = vector.shape_cast %parallel_loop3A_577 : vector<1x16xf32> to vector<16xf32>
        %parallel_loop3A_579 = arith.addf %parallel_loop3A_574, %parallel_loop3A_578 : vector<16xf32>
        %parallel_loop3A_580 = arith.index_cast %parallel_loop3A_528 : i32 to index
        %parallel_loop3A_581 = arith.constant 48 : index
        %parallel_loop3A_582 = tpu.vector_load %arg15[%parallel_loop3A_580, %parallel_loop3A_581] {strides = array<i32>} : memref<296x128xf32, #tpu.memory_space<vmem>>, vector<1x16xf32>,
        %parallel_loop3A_583 = vector.shape_cast %parallel_loop3A_582 : vector<1x16xf32> to vector<16xf32>
        %parallel_loop3A_584 = vector.shape_cast %parallel_loop3A_579 : vector<16xf32> to vector<1x16xf32>
        tpu.vector_store %arg15[%parallel_loop3A_580, %parallel_loop3A_581], %parallel_loop3A_584 {strides = array<i32>} : memref<296x128xf32, #tpu.memory_space<vmem>>, vector<1x16xf32>,
        %parallel_loop3A_585 = arith.index_cast %parallel_loop3A_528 : i32 to index
        %parallel_loop3A_586 = arith.constant 64 : index
        %parallel_loop3A_587 = tpu.vector_load %arg15[%parallel_loop3A_585, %parallel_loop3A_586] {strides = array<i32>} : memref<296x128xf32, #tpu.memory_space<vmem>>, vector<1x16xf32>,
        %parallel_loop3A_588 = vector.shape_cast %parallel_loop3A_587 : vector<1x16xf32> to vector<16xf32>
        %parallel_loop3A_589 = arith.index_cast %parallel_loop3A_528 : i32 to index
        %parallel_loop3A_590 = arith.constant 64 : index
        %parallel_loop3A_591 = tpu.vector_load %arg9[%parallel_loop3A_589, %parallel_loop3A_590] {strides = array<i32>} : memref<296x128xf32, #tpu.memory_space<vmem>>, vector<1x16xf32>,
        %parallel_loop3A_592 = vector.shape_cast %parallel_loop3A_591 : vector<1x16xf32> to vector<16xf32>
        %parallel_loop3A_593 = arith.addf %parallel_loop3A_588, %parallel_loop3A_592 : vector<16xf32>
        %parallel_loop3A_594 = arith.index_cast %parallel_loop3A_528 : i32 to index
        %parallel_loop3A_595 = arith.constant 64 : index
        %parallel_loop3A_596 = tpu.vector_load %arg15[%parallel_loop3A_594, %parallel_loop3A_595] {strides = array<i32>} : memref<296x128xf32, #tpu.memory_space<vmem>>, vector<1x16xf32>,
        %parallel_loop3A_597 = vector.shape_cast %parallel_loop3A_596 : vector<1x16xf32> to vector<16xf32>
        %parallel_loop3A_598 = vector.shape_cast %parallel_loop3A_593 : vector<16xf32> to vector<1x16xf32>
        tpu.vector_store %arg15[%parallel_loop3A_594, %parallel_loop3A_595], %parallel_loop3A_598 {strides = array<i32>} : memref<296x128xf32, #tpu.memory_space<vmem>>, vector<1x16xf32>,
        %parallel_loop3A_599 = arith.index_cast %parallel_loop3A_528 : i32 to index
        %parallel_loop3A_600 = arith.constant 80 : index
        %parallel_loop3A_601 = tpu.vector_load %arg15[%parallel_loop3A_599, %parallel_loop3A_600] {strides = array<i32>} : memref<296x128xf32, #tpu.memory_space<vmem>>, vector<1x16xf32>,
        %parallel_loop3A_602 = vector.shape_cast %parallel_loop3A_601 : vector<1x16xf32> to vector<16xf32>
        %parallel_loop3A_603 = arith.index_cast %parallel_loop3A_528 : i32 to index
        %parallel_loop3A_604 = arith.constant 80 : index
        %parallel_loop3A_605 = tpu.vector_load %arg9[%parallel_loop3A_603, %parallel_loop3A_604] {strides = array<i32>} : memref<296x128xf32, #tpu.memory_space<vmem>>, vector<1x16xf32>,
        %parallel_loop3A_606 = vector.shape_cast %parallel_loop3A_605 : vector<1x16xf32> to vector<16xf32>
        %parallel_loop3A_607 = arith.addf %parallel_loop3A_602, %parallel_loop3A_606 : vector<16xf32>
        %parallel_loop3A_608 = arith.index_cast %parallel_loop3A_528 : i32 to index
        %parallel_loop3A_609 = arith.constant 80 : index
        %parallel_loop3A_610 = tpu.vector_load %arg15[%parallel_loop3A_608, %parallel_loop3A_609] {strides = array<i32>} : memref<296x128xf32, #tpu.memory_space<vmem>>, vector<1x16xf32>,
        %parallel_loop3A_611 = vector.shape_cast %parallel_loop3A_610 : vector<1x16xf32> to vector<16xf32>
        %parallel_loop3A_612 = vector.shape_cast %parallel_loop3A_607 : vector<16xf32> to vector<1x16xf32>
        tpu.vector_store %arg15[%parallel_loop3A_608, %parallel_loop3A_609], %parallel_loop3A_612 {strides = array<i32>} : memref<296x128xf32, #tpu.memory_space<vmem>>, vector<1x16xf32>,
        %parallel_loop3A_613 = arith.index_cast %parallel_loop3A_528 : i32 to index
        %parallel_loop3A_614 = arith.constant 96 : index
        %parallel_loop3A_615 = tpu.vector_load %arg15[%parallel_loop3A_613, %parallel_loop3A_614] {strides = array<i32>} : memref<296x128xf32, #tpu.memory_space<vmem>>, vector<1x16xf32>,
        %parallel_loop3A_616 = vector.shape_cast %parallel_loop3A_615 : vector<1x16xf32> to vector<16xf32>
        %parallel_loop3A_617 = arith.index_cast %parallel_loop3A_528 : i32 to index
        %parallel_loop3A_618 = arith.constant 96 : index
        %parallel_loop3A_619 = tpu.vector_load %arg9[%parallel_loop3A_617, %parallel_loop3A_618] {strides = array<i32>} : memref<296x128xf32, #tpu.memory_space<vmem>>, vector<1x16xf32>,
        %parallel_loop3A_620 = vector.shape_cast %parallel_loop3A_619 : vector<1x16xf32> to vector<16xf32>
        %parallel_loop3A_621 = arith.addf %parallel_loop3A_616, %parallel_loop3A_620 : vector<16xf32>
        %parallel_loop3A_622 = arith.index_cast %parallel_loop3A_528 : i32 to index
        %parallel_loop3A_623 = arith.constant 96 : index
        %parallel_loop3A_624 = tpu.vector_load %arg15[%parallel_loop3A_622, %parallel_loop3A_623] {strides = array<i32>} : memref<296x128xf32, #tpu.memory_space<vmem>>, vector<1x16xf32>,
        %parallel_loop3A_625 = vector.shape_cast %parallel_loop3A_624 : vector<1x16xf32> to vector<16xf32>
        %parallel_loop3A_626 = vector.shape_cast %parallel_loop3A_621 : vector<16xf32> to vector<1x16xf32>
        tpu.vector_store %arg15[%parallel_loop3A_622, %parallel_loop3A_623], %parallel_loop3A_626 {strides = array<i32>} : memref<296x128xf32, #tpu.memory_space<vmem>>, vector<1x16xf32>,
        %parallel_loop3A_627 = arith.index_cast %parallel_loop3A_528 : i32 to index
        %parallel_loop3A_628 = arith.constant 112 : index
        %parallel_loop3A_629 = tpu.vector_load %arg15[%parallel_loop3A_627, %parallel_loop3A_628] {strides = array<i32>} : memref<296x128xf32, #tpu.memory_space<vmem>>, vector<1x16xf32>,
        %parallel_loop3A_630 = vector.shape_cast %parallel_loop3A_629 : vector<1x16xf32> to vector<16xf32>
        %parallel_loop3A_631 = arith.index_cast %parallel_loop3A_528 : i32 to index
        %parallel_loop3A_632 = arith.constant 112 : index
        %parallel_loop3A_633 = tpu.vector_load %arg9[%parallel_loop3A_631, %parallel_loop3A_632] {strides = array<i32>} : memref<296x128xf32, #tpu.memory_space<vmem>>, vector<1x16xf32>,
        %parallel_loop3A_634 = vector.shape_cast %parallel_loop3A_633 : vector<1x16xf32> to vector<16xf32>
        %parallel_loop3A_635 = arith.addf %parallel_loop3A_630, %parallel_loop3A_634 : vector<16xf32>
        %parallel_loop3A_636 = arith.index_cast %parallel_loop3A_528 : i32 to index
        %parallel_loop3A_637 = arith.constant 112 : index
        %parallel_loop3A_638 = tpu.vector_load %arg15[%parallel_loop3A_636, %parallel_loop3A_637] {strides = array<i32>} : memref<296x128xf32, #tpu.memory_space<vmem>>, vector<1x16xf32>,
        %parallel_loop3A_639 = vector.shape_cast %parallel_loop3A_638 : vector<1x16xf32> to vector<16xf32>
        %parallel_loop3A_640 = vector.shape_cast %parallel_loop3A_635 : vector<16xf32> to vector<1x16xf32>
        tpu.vector_store %arg15[%parallel_loop3A_636, %parallel_loop3A_637], %parallel_loop3A_640 {strides = array<i32>} : memref<296x128xf32, #tpu.memory_space<vmem>>, vector<1x16xf32>,
      } {sc.loop_unroll_factor = 4 : i64, sc.parallel_access}
      %add3A_510 = arith.constant 1 : i32
      %add3A_511 = arith.addi %mul3A_348, %add3A_510 : i32
      %mul3A_512 = arith.constant 9472 : i32
      %mul3A_513 = arith.muli %add3A_511, %mul3A_512 : i32
      %add3A_514 = arith.addi %mul3A_513, %mul3A_2 : i32
      %add3A_515 = arith.constant 152 : i32
      %add3A_516 = arith.addi %add3A_514, %add3A_515 : i32
      %dma_start3A_517 = arith.constant 152 : i32
      %dma_start3A_518 = arith.constant 0 : i32
      %dma_start3A_519 = tpu.memref_slice %arg15[%dma_start3A_517, %dma_start3A_518] : memref<296x128xf32, #tpu.memory_space<vmem>> -> memref<144x128xf32, #tpu.memory_space<vmem>>
      %dma_start3A_520 = arith.constant 0 : i32
      %dma_start3A_521 = tpu.memref_slice %arg6[%add3A_516, %dma_start3A_520] : memref<606208x128xf32, #tpu.memory_space<hbm>> -> memref<144x128xf32, #tpu.memory_space<hbm>>
      %dma_start3A_522 = arith.constant 0 : i32
      %dma_start3A_523 = tpu.memref_slice %arg6[%add3A_516, %dma_start3A_522] : memref<606208x128xf32, #tpu.memory_space<hbm>> -> memref<144x128xf32, #tpu.memory_space<hbm>>
      %dma_start3A_524 = arith.constant 152 : i32
      %dma_start3A_525 = arith.constant 0 : i32
      %dma_start3A_526 = tpu.memref_slice %arg15[%dma_start3A_524, %dma_start3A_525] : memref<296x128xf32, #tpu.memory_space<vmem>> -> memref<144x128xf32, #tpu.memory_space<vmem>>
      tpu.enqueue_dma source(%dma_start3A_526 : memref<144x128xf32, #tpu.memory_space<vmem>>) target(%dma_start3A_523 : memref<144x128xf32, #tpu.memory_space<hbm>>) target_semaphore(%arg27 : memref<!tpu.dma_semaphore, #tpu.memory_space<semaphore_mem>>)
      %scan3A_527 = arith.constant 0 : i32
      scf.yield %scan3A_527 : i32
    }
    %scan3A_112 = arith.constant 16 : i32
    %dma_wait3A_113 = arith.constant 0 : i32
    %dma_wait3A_114 = arith.constant 0 : i32
    %dma_wait3A_115 = tpu.memref_slice %arg14[%dma_wait3A_113, %dma_wait3A_114] : memref<296x128xf32, #tpu.memory_space<vmem>> -> memref<152x128xf32, #tpu.memory_space<vmem>>
    %dma_wait3A_116 = arith.constant 0 : i32
    %dma_wait3A_117 = arith.constant 0 : i32
    %dma_wait3A_118 = tpu.memref_slice %arg6[%dma_wait3A_116, %dma_wait3A_117] : memref<606208x128xf32, #tpu.memory_space<hbm>> -> memref<152x128xf32, #tpu.memory_space<hbm>>
    %dma_wait3A_119 = arith.constant 0 : i32
    %dma_wait3A_120 = arith.constant 0 : i32
    %dma_wait3A_121 = tpu.memref_slice %arg6[%dma_wait3A_119, %dma_wait3A_120] : memref<606208x128xf32, #tpu.memory_space<hbm>> -> memref<152x128xf32, #tpu.memory_space<hbm>>
    %dma_wait3A_122 = arith.constant 0 : i32
    %dma_wait3A_123 = arith.constant 0 : i32
    %dma_wait3A_124 = tpu.memref_slice %arg14[%dma_wait3A_122, %dma_wait3A_123] : memref<296x128xf32, #tpu.memory_space<vmem>> -> memref<152x128xf32, #tpu.memory_space<vmem>>
    tpu.wait_dma2 semaphore(%arg24 : memref<!tpu.dma_semaphore, #tpu.memory_space<semaphore_mem>>) src(%dma_wait3A_124 : memref<152x128xf32, #tpu.memory_space<vmem>>) dst(%dma_wait3A_121 : memref<152x128xf32, #tpu.memory_space<hbm>>)
    %dma_wait3A_125 = arith.constant 152 : i32
    %dma_wait3A_126 = arith.constant 0 : i32
    %dma_wait3A_127 = tpu.memref_slice %arg14[%dma_wait3A_125, %dma_wait3A_126] : memref<296x128xf32, #tpu.memory_space<vmem>> -> memref<144x128xf32, #tpu.memory_space<vmem>>
    %dma_wait3A_128 = arith.constant 0 : i32
    %dma_wait3A_129 = arith.constant 0 : i32
    %dma_wait3A_130 = tpu.memref_slice %arg6[%dma_wait3A_128, %dma_wait3A_129] : memref<606208x128xf32, #tpu.memory_space<hbm>> -> memref<144x128xf32, #tpu.memory_space<hbm>>
    %dma_wait3A_131 = arith.constant 0 : i32
    %dma_wait3A_132 = arith.constant 0 : i32
    %dma_wait3A_133 = tpu.memref_slice %arg6[%dma_wait3A_131, %dma_wait3A_132] : memref<606208x128xf32, #tpu.memory_space<hbm>> -> memref<144x128xf32, #tpu.memory_space<hbm>>
    %dma_wait3A_134 = arith.constant 152 : i32
    %dma_wait3A_135 = arith.constant 0 : i32
    %dma_wait3A_136 = tpu.memref_slice %arg14[%dma_wait3A_134, %dma_wait3A_135] : memref<296x128xf32, #tpu.memory_space<vmem>> -> memref<144x128xf32, #tpu.memory_space<vmem>>
    tpu.wait_dma2 semaphore(%arg25 : memref<!tpu.dma_semaphore, #tpu.memory_space<semaphore_mem>>) src(%dma_wait3A_136 : memref<144x128xf32, #tpu.memory_space<vmem>>) dst(%dma_wait3A_133 : memref<144x128xf32, #tpu.memory_space<hbm>>)
    %dma_wait3A_137 = arith.constant 0 : i32
    %dma_wait3A_138 = arith.constant 0 : i32
    %dma_wait3A_139 = tpu.memref_slice %arg15[%dma_wait3A_137, %dma_wait3A_138] : memref<296x128xf32, #tpu.memory_space<vmem>> -> memref<152x128xf32, #tpu.memory_space<vmem>>
    %dma_wait3A_140 = arith.constant 0 : i32
    %dma_wait3A_141 = arith.constant 0 : i32
    %dma_wait3A_142 = tpu.memref_slice %arg6[%dma_wait3A_140, %dma_wait3A_141] : memref<606208x128xf32, #tpu.memory_space<hbm>> -> memref<152x128xf32, #tpu.memory_space<hbm>>
    %dma_wait3A_143 = arith.constant 0 : i32
    %dma_wait3A_144 = arith.constant 0 : i32
    %dma_wait3A_145 = tpu.memref_slice %arg6[%dma_wait3A_143, %dma_wait3A_144] : memref<606208x128xf32, #tpu.memory_space<hbm>> -> memref<152x128xf32, #tpu.memory_space<hbm>>
    %dma_wait3A_146 = arith.constant 0 : i32
    %dma_wait3A_147 = arith.constant 0 : i32
    %dma_wait3A_148 = tpu.memref_slice %arg15[%dma_wait3A_146, %dma_wait3A_147] : memref<296x128xf32, #tpu.memory_space<vmem>> -> memref<152x128xf32, #tpu.memory_space<vmem>>
    tpu.wait_dma2 semaphore(%arg26 : memref<!tpu.dma_semaphore, #tpu.memory_space<semaphore_mem>>) src(%dma_wait3A_148 : memref<152x128xf32, #tpu.memory_space<vmem>>) dst(%dma_wait3A_145 : memref<152x128xf32, #tpu.memory_space<hbm>>)
    %dma_wait3A_149 = arith.constant 152 : i32
    %dma_wait3A_150 = arith.constant 0 : i32
    %dma_wait3A_151 = tpu.memref_slice %arg15[%dma_wait3A_149, %dma_wait3A_150] : memref<296x128xf32, #tpu.memory_space<vmem>> -> memref<144x128xf32, #tpu.memory_space<vmem>>
    %dma_wait3A_152 = arith.constant 0 : i32
    %dma_wait3A_153 = arith.constant 0 : i32
    %dma_wait3A_154 = tpu.memref_slice %arg6[%dma_wait3A_152, %dma_wait3A_153] : memref<606208x128xf32, #tpu.memory_space<hbm>> -> memref<144x128xf32, #tpu.memory_space<hbm>>
    %dma_wait3A_155 = arith.constant 0 : i32
    %dma_wait3A_156 = arith.constant 0 : i32
    %dma_wait3A_157 = tpu.memref_slice %arg6[%dma_wait3A_155, %dma_wait3A_156] : memref<606208x128xf32, #tpu.memory_space<hbm>> -> memref<144x128xf32, #tpu.memory_space<hbm>>
    %dma_wait3A_158 = arith.constant 152 : i32
    %dma_wait3A_159 = arith.constant 0 : i32
    %dma_wait3A_160 = tpu.memref_slice %arg15[%dma_wait3A_158, %dma_wait3A_159] : memref<296x128xf32, #tpu.memory_space<vmem>> -> memref<144x128xf32, #tpu.memory_space<vmem>>
    tpu.wait_dma2 semaphore(%arg27 : memref<!tpu.dma_semaphore, #tpu.memory_space<semaphore_mem>>) src(%dma_wait3A_160 : memref<144x128xf32, #tpu.memory_space<vmem>>) dst(%dma_wait3A_157 : memref<144x128xf32, #tpu.memory_space<hbm>>)
    return
  }
}

module attributes {stable_mosaic.version = 14 : i64} {
  func.func @_build_idx_body(%arg0: i32, %arg1: memref<8x256x4xi32, #tpu.memory_space<vmem>>, %arg2: memref<8x256x16xi32, #tpu.memory_space<vmem>>, %arg3: memref<8x256x16xi32, #tpu.memory_space<vmem>>, %arg4: memref<8x256x1xi32, #tpu.memory_space<vmem>>, %arg5: memref<8x256x37xi32, #tpu.memory_space<vmem>>) attributes {dimension_semantics = [#tpu.dimension_semantics<arbitrary>], iteration_bounds = array<i64: 8>, scalar_prefetch = 0 : i64, scratch_operands = 0 : i64, tpu.core_type = #tpu.core_type<tc>, window_params = [{transform_indices = @transform_0, window_bounds = array<i64: 8, 256, 4>}, {transform_indices = @transform_1, window_bounds = array<i64: 8, 256, 16>}, {transform_indices = @transform_2, window_bounds = array<i64: 8, 256, 16>}, {transform_indices = @transform_3, window_bounds = array<i64: 8, 256, 1>}, {transform_indices = @transform_4, window_bounds = array<i64: 8, 256, 37>}]} {
    %get3A = arith.constant 0 : index
    %get3A_0 = arith.constant 0 : index
    %get3A_1 = arith.constant 0 : index
    %get3A_2 = vector.load %arg1[%get3A, %get3A_0, %get3A_1] : memref<8x256x4xi32, #tpu.memory_space<vmem>>, vector<8x256x4xi32>
    %add3A = arith.constant 0 : i32
    %add3A_3 = vector.broadcast %add3A : i32 to vector<8x256x4xi32>
    %add3A_4 = arith.addi %get3A_2, %add3A_3 : vector<8x256x4xi32>
    %swap3A = arith.constant 0 : index
    %swap3A_5 = arith.constant 0 : index
    %swap3A_6 = arith.constant 0 : index
    %swap3A_7 = vector.load %arg5[%swap3A, %swap3A_5, %swap3A_6] : memref<8x256x37xi32, #tpu.memory_space<vmem>>, vector<8x256x4xi32>
    tpu.vector_store %arg5[%swap3A, %swap3A_5, %swap3A_6], %add3A_4 {strides = array<i32>} : memref<8x256x37xi32, #tpu.memory_space<vmem>>, vector<8x256x4xi32>,
    %get3A_8 = arith.constant 0 : index
    %get3A_9 = arith.constant 0 : index
    %get3A_10 = arith.constant 0 : index
    %get3A_11 = vector.load %arg2[%get3A_8, %get3A_9, %get3A_10] : memref<8x256x16xi32, #tpu.memory_space<vmem>>, vector<8x256x16xi32>
    %add3A_12 = arith.constant 16 : i32
    %add3A_13 = vector.broadcast %add3A_12 : i32 to vector<8x256x16xi32>
    %add3A_14 = arith.addi %get3A_11, %add3A_13 : vector<8x256x16xi32>
    %swap3A_15 = arith.constant 0 : index
    %swap3A_16 = arith.constant 0 : index
    %swap3A_17 = arith.constant 4 : index
    %swap3A_18 = vector.load %arg5[%swap3A_15, %swap3A_16, %swap3A_17] : memref<8x256x37xi32, #tpu.memory_space<vmem>>, vector<8x256x16xi32>
    tpu.vector_store %arg5[%swap3A_15, %swap3A_16, %swap3A_17], %add3A_14 {strides = array<i32>} : memref<8x256x37xi32, #tpu.memory_space<vmem>>, vector<8x256x16xi32>,
    %get3A_19 = arith.constant 0 : index
    %get3A_20 = arith.constant 0 : index
    %get3A_21 = arith.constant 0 : index
    %get3A_22 = vector.load %arg3[%get3A_19, %get3A_20, %get3A_21] : memref<8x256x16xi32, #tpu.memory_space<vmem>>, vector<8x256x16xi32>
    %add3A_23 = arith.constant 80 : i32
    %add3A_24 = vector.broadcast %add3A_23 : i32 to vector<8x256x16xi32>
    %add3A_25 = arith.addi %get3A_22, %add3A_24 : vector<8x256x16xi32>
    %swap3A_26 = arith.constant 0 : index
    %swap3A_27 = arith.constant 0 : index
    %swap3A_28 = arith.constant 20 : index
    %swap3A_29 = vector.load %arg5[%swap3A_26, %swap3A_27, %swap3A_28] : memref<8x256x37xi32, #tpu.memory_space<vmem>>, vector<8x256x16xi32>
    tpu.vector_store %arg5[%swap3A_26, %swap3A_27, %swap3A_28], %add3A_25 {strides = array<i32>} : memref<8x256x37xi32, #tpu.memory_space<vmem>>, vector<8x256x16xi32>,
    %get3A_30 = arith.constant 0 : index
    %get3A_31 = arith.constant 0 : index
    %get3A_32 = arith.constant 0 : index
    %get3A_33 = vector.load %arg4[%get3A_30, %get3A_31, %get3A_32] : memref<8x256x1xi32, #tpu.memory_space<vmem>>, vector<8x256x1xi32>
    %add3A_34 = arith.constant 144 : i32
    %add3A_35 = vector.broadcast %add3A_34 : i32 to vector<8x256x1xi32>
    %add3A_36 = arith.addi %get3A_33, %add3A_35 : vector<8x256x1xi32>
    %swap3A_37 = arith.constant 0 : index
    %swap3A_38 = arith.constant 0 : index
    %swap3A_39 = arith.constant 36 : index
    %swap3A_40 = vector.load %arg5[%swap3A_37, %swap3A_38, %swap3A_39] : memref<8x256x37xi32, #tpu.memory_space<vmem>>, vector<8x256x1xi32>
    tpu.vector_store %arg5[%swap3A_37, %swap3A_38, %swap3A_39], %add3A_36 {strides = array<i32>} : memref<8x256x37xi32, #tpu.memory_space<vmem>>, vector<8x256x1xi32>,
    return
  }
  func.func @transform_0(%arg0: i32) -> (i32, i32, i32) {
    %c0_i32 = arith.constant 0 : i32
    %c0_i32_0 = arith.constant 0 : i32
    %c0_i32_1 = arith.constant 0 : i32
    return %arg0, %c0_i32, %c0_i32_0 : i32, i32, i32
  }
  func.func @transform_1(%arg0: i32) -> (i32, i32, i32) {
    %c0_i32 = arith.constant 0 : i32
    %c0_i32_0 = arith.constant 0 : i32
    %c0_i32_1 = arith.constant 0 : i32
    return %arg0, %c0_i32, %c0_i32_0 : i32, i32, i32
  }
  func.func @transform_2(%arg0: i32) -> (i32, i32, i32) {
    %c0_i32 = arith.constant 0 : i32
    %c0_i32_0 = arith.constant 0 : i32
    %c0_i32_1 = arith.constant 0 : i32
    return %arg0, %c0_i32, %c0_i32_0 : i32, i32, i32
  }
  func.func @transform_3(%arg0: i32) -> (i32, i32, i32) {
    %c0_i32 = arith.constant 0 : i32
    %c0_i32_0 = arith.constant 0 : i32
    %c0_i32_1 = arith.constant 0 : i32
    return %arg0, %c0_i32, %c0_i32_0 : i32, i32, i32
  }
  func.func @transform_4(%arg0: i32) -> (i32, i32, i32) {
    %c0_i32 = arith.constant 0 : i32
    %c0_i32_0 = arith.constant 0 : i32
    %c0_i32_1 = arith.constant 0 : i32
    return %arg0, %c0_i32, %c0_i32_0 : i32, i32, i32
  }
}

module attributes {stable_mosaic.version = 14 : i64} {
  func.func @_build_t_body(%arg0: memref<16x128xf32, #tpu.memory_space<vmem>>, %arg1: memref<64x128xf32, #tpu.memory_space<vmem>>, %arg2: memref<64x128xf32, #tpu.memory_space<vmem>>, %arg3: memref<9x128xf32, #tpu.memory_space<vmem>>, %arg4: memref<4x128xf32, #tpu.memory_space<vmem>>, %arg5: memref<16x128xf32, #tpu.memory_space<vmem>>, %arg6: memref<256x128xf32, #tpu.memory_space<vmem>>, %arg7: memref<40x128xf32, #tpu.memory_space<vmem>>) attributes {dimension_semantics = [], scalar_prefetch = 0 : i64, scratch_operands = 0 : i64, tpu.core_type = #tpu.core_type<tc>} {
    %get3A = arith.constant 0 : index
    %get3A_0 = arith.constant 0 : index
    %get3A_1 = vector.load %arg0[%get3A, %get3A_0] : memref<16x128xf32, #tpu.memory_space<vmem>>, vector<16x128xf32>
    %swap3A = arith.constant 0 : index
    %swap3A_2 = arith.constant 0 : index
    %swap3A_3 = vector.load %arg6[%swap3A, %swap3A_2] : memref<256x128xf32, #tpu.memory_space<vmem>>, vector<16x128xf32>
    tpu.vector_store %arg6[%swap3A, %swap3A_2], %get3A_1 {strides = array<i32>} : memref<256x128xf32, #tpu.memory_space<vmem>>, vector<16x128xf32>,
    %get3A_4 = arith.constant 0 : index
    %get3A_5 = arith.constant 0 : index
    %get3A_6 = vector.load %arg1[%get3A_4, %get3A_5] : memref<64x128xf32, #tpu.memory_space<vmem>>, vector<64x128xf32>
    %swap3A_7 = arith.constant 16 : index
    %swap3A_8 = arith.constant 0 : index
    %swap3A_9 = vector.load %arg6[%swap3A_7, %swap3A_8] : memref<256x128xf32, #tpu.memory_space<vmem>>, vector<64x128xf32>
    tpu.vector_store %arg6[%swap3A_7, %swap3A_8], %get3A_6 {strides = array<i32>} : memref<256x128xf32, #tpu.memory_space<vmem>>, vector<64x128xf32>,
    %get3A_10 = arith.constant 0 : index
    %get3A_11 = arith.constant 0 : index
    %get3A_12 = vector.load %arg2[%get3A_10, %get3A_11] : memref<64x128xf32, #tpu.memory_space<vmem>>, vector<64x128xf32>
    %swap3A_13 = arith.constant 80 : index
    %swap3A_14 = arith.constant 0 : index
    %swap3A_15 = vector.load %arg6[%swap3A_13, %swap3A_14] : memref<256x128xf32, #tpu.memory_space<vmem>>, vector<64x128xf32>
    tpu.vector_store %arg6[%swap3A_13, %swap3A_14], %get3A_12 {strides = array<i32>} : memref<256x128xf32, #tpu.memory_space<vmem>>, vector<64x128xf32>,
    %get3A_16 = arith.constant 0 : index
    %get3A_17 = arith.constant 0 : index
    %get3A_18 = vector.load %arg3[%get3A_16, %get3A_17] : memref<9x128xf32, #tpu.memory_space<vmem>>, vector<9x128xf32>
    %swap3A_19 = arith.constant 144 : index
    %swap3A_20 = arith.constant 0 : index
    %swap3A_21 = vector.load %arg6[%swap3A_19, %swap3A_20] : memref<256x128xf32, #tpu.memory_space<vmem>>, vector<9x128xf32>
    tpu.vector_store %arg6[%swap3A_19, %swap3A_20], %get3A_18 {strides = array<i32>} : memref<256x128xf32, #tpu.memory_space<vmem>>, vector<9x128xf32>,
    %broadcast_in_dim3A = arith.constant 0.000000e+00 : f32
    %broadcast_in_dim3A_22 = vector.broadcast %broadcast_in_dim3A : f32 to vector<103x128xf32>
    %swap3A_23 = arith.constant 153 : index
    %swap3A_24 = arith.constant 0 : index
    %swap3A_25 = vector.load %arg6[%swap3A_23, %swap3A_24] : memref<256x128xf32, #tpu.memory_space<vmem>>, vector<103x128xf32>
    tpu.vector_store %arg6[%swap3A_23, %swap3A_24], %broadcast_in_dim3A_22 {strides = array<i32>} : memref<256x128xf32, #tpu.memory_space<vmem>>, vector<103x128xf32>,
    %get3A_26 = arith.constant 0 : index
    %get3A_27 = arith.constant 0 : index
    %get3A_28 = vector.load %arg4[%get3A_26, %get3A_27] : memref<4x128xf32, #tpu.memory_space<vmem>>, vector<1x128xf32>
    %get3A_29 = arith.constant 0 : index
    %get3A_30 = arith.constant 0 : index
    %get3A_31 = vector.load %arg5[%get3A_29, %get3A_30] : memref<16x128xf32, #tpu.memory_space<vmem>>, vector<1x128xf32>
    %add3A = arith.addf %get3A_28, %get3A_31 : vector<1x128xf32>
    %swap3A_32 = arith.constant 0 : index
    %swap3A_33 = arith.constant 0 : index
    %swap3A_34 = vector.load %arg7[%swap3A_32, %swap3A_33] : memref<40x128xf32, #tpu.memory_space<vmem>>, vector<1x128xf32>
    tpu.vector_store %arg7[%swap3A_32, %swap3A_33], %add3A {strides = array<i32>} : memref<40x128xf32, #tpu.memory_space<vmem>>, vector<1x128xf32>,
    %get3A_35 = arith.constant 0 : index
    %get3A_36 = arith.constant 0 : index
    %get3A_37 = vector.load %arg4[%get3A_35, %get3A_36] : memref<4x128xf32, #tpu.memory_space<vmem>>, vector<1x128xf32>
    %get3A_38 = arith.constant 1 : index
    %get3A_39 = arith.constant 0 : index
    %get3A_40 = vector.load %arg5[%get3A_38, %get3A_39] : memref<16x128xf32, #tpu.memory_space<vmem>>, vector<1x128xf32>
    %add3A_41 = arith.addf %get3A_37, %get3A_40 : vector<1x128xf32>
    %swap3A_42 = arith.constant 1 : index
    %swap3A_43 = arith.constant 0 : index
    %swap3A_44 = vector.load %arg7[%swap3A_42, %swap3A_43] : memref<40x128xf32, #tpu.memory_space<vmem>>, vector<1x128xf32>
    tpu.vector_store %arg7[%swap3A_42, %swap3A_43], %add3A_41 {strides = array<i32>} : memref<40x128xf32, #tpu.memory_space<vmem>>, vector<1x128xf32>,
    %get3A_45 = arith.constant 0 : index
    %get3A_46 = arith.constant 0 : index
    %get3A_47 = vector.load %arg4[%get3A_45, %get3A_46] : memref<4x128xf32, #tpu.memory_space<vmem>>, vector<1x128xf32>
    %get3A_48 = arith.constant 2 : index
    %get3A_49 = arith.constant 0 : index
    %get3A_50 = vector.load %arg5[%get3A_48, %get3A_49] : memref<16x128xf32, #tpu.memory_space<vmem>>, vector<1x128xf32>
    %add3A_51 = arith.addf %get3A_47, %get3A_50 : vector<1x128xf32>
    %swap3A_52 = arith.constant 2 : index
    %swap3A_53 = arith.constant 0 : index
    %swap3A_54 = vector.load %arg7[%swap3A_52, %swap3A_53] : memref<40x128xf32, #tpu.memory_space<vmem>>, vector<1x128xf32>
    tpu.vector_store %arg7[%swap3A_52, %swap3A_53], %add3A_51 {strides = array<i32>} : memref<40x128xf32, #tpu.memory_space<vmem>>, vector<1x128xf32>,
    %get3A_55 = arith.constant 0 : index
    %get3A_56 = arith.constant 0 : index
    %get3A_57 = vector.load %arg4[%get3A_55, %get3A_56] : memref<4x128xf32, #tpu.memory_space<vmem>>, vector<1x128xf32>
    %get3A_58 = arith.constant 3 : index
    %get3A_59 = arith.constant 0 : index
    %get3A_60 = vector.load %arg5[%get3A_58, %get3A_59] : memref<16x128xf32, #tpu.memory_space<vmem>>, vector<1x128xf32>
    %add3A_61 = arith.addf %get3A_57, %get3A_60 : vector<1x128xf32>
    %swap3A_62 = arith.constant 3 : index
    %swap3A_63 = arith.constant 0 : index
    %swap3A_64 = vector.load %arg7[%swap3A_62, %swap3A_63] : memref<40x128xf32, #tpu.memory_space<vmem>>, vector<1x128xf32>
    tpu.vector_store %arg7[%swap3A_62, %swap3A_63], %add3A_61 {strides = array<i32>} : memref<40x128xf32, #tpu.memory_space<vmem>>, vector<1x128xf32>,
    %get3A_65 = arith.constant 1 : index
    %get3A_66 = arith.constant 0 : index
    %get3A_67 = vector.load %arg4[%get3A_65, %get3A_66] : memref<4x128xf32, #tpu.memory_space<vmem>>, vector<1x128xf32>
    %get3A_68 = arith.constant 0 : index
    %get3A_69 = arith.constant 0 : index
    %get3A_70 = vector.load %arg5[%get3A_68, %get3A_69] : memref<16x128xf32, #tpu.memory_space<vmem>>, vector<1x128xf32>
    %add3A_71 = arith.addf %get3A_67, %get3A_70 : vector<1x128xf32>
    %swap3A_72 = arith.constant 4 : index
    %swap3A_73 = arith.constant 0 : index
    %swap3A_74 = vector.load %arg7[%swap3A_72, %swap3A_73] : memref<40x128xf32, #tpu.memory_space<vmem>>, vector<1x128xf32>
    tpu.vector_store %arg7[%swap3A_72, %swap3A_73], %add3A_71 {strides = array<i32>} : memref<40x128xf32, #tpu.memory_space<vmem>>, vector<1x128xf32>,
    %get3A_75 = arith.constant 1 : index
    %get3A_76 = arith.constant 0 : index
    %get3A_77 = vector.load %arg4[%get3A_75, %get3A_76] : memref<4x128xf32, #tpu.memory_space<vmem>>, vector<1x128xf32>
    %get3A_78 = arith.constant 1 : index
    %get3A_79 = arith.constant 0 : index
    %get3A_80 = vector.load %arg5[%get3A_78, %get3A_79] : memref<16x128xf32, #tpu.memory_space<vmem>>, vector<1x128xf32>
    %add3A_81 = arith.addf %get3A_77, %get3A_80 : vector<1x128xf32>
    %swap3A_82 = arith.constant 5 : index
    %swap3A_83 = arith.constant 0 : index
    %swap3A_84 = vector.load %arg7[%swap3A_82, %swap3A_83] : memref<40x128xf32, #tpu.memory_space<vmem>>, vector<1x128xf32>
    tpu.vector_store %arg7[%swap3A_82, %swap3A_83], %add3A_81 {strides = array<i32>} : memref<40x128xf32, #tpu.memory_space<vmem>>, vector<1x128xf32>,
    %get3A_85 = arith.constant 1 : index
    %get3A_86 = arith.constant 0 : index
    %get3A_87 = vector.load %arg4[%get3A_85, %get3A_86] : memref<4x128xf32, #tpu.memory_space<vmem>>, vector<1x128xf32>
    %get3A_88 = arith.constant 2 : index
    %get3A_89 = arith.constant 0 : index
    %get3A_90 = vector.load %arg5[%get3A_88, %get3A_89] : memref<16x128xf32, #tpu.memory_space<vmem>>, vector<1x128xf32>
    %add3A_91 = arith.addf %get3A_87, %get3A_90 : vector<1x128xf32>
    %swap3A_92 = arith.constant 6 : index
    %swap3A_93 = arith.constant 0 : index
    %swap3A_94 = vector.load %arg7[%swap3A_92, %swap3A_93] : memref<40x128xf32, #tpu.memory_space<vmem>>, vector<1x128xf32>
    tpu.vector_store %arg7[%swap3A_92, %swap3A_93], %add3A_91 {strides = array<i32>} : memref<40x128xf32, #tpu.memory_space<vmem>>, vector<1x128xf32>,
    %get3A_95 = arith.constant 1 : index
    %get3A_96 = arith.constant 0 : index
    %get3A_97 = vector.load %arg4[%get3A_95, %get3A_96] : memref<4x128xf32, #tpu.memory_space<vmem>>, vector<1x128xf32>
    %get3A_98 = arith.constant 3 : index
    %get3A_99 = arith.constant 0 : index
    %get3A_100 = vector.load %arg5[%get3A_98, %get3A_99] : memref<16x128xf32, #tpu.memory_space<vmem>>, vector<1x128xf32>
    %add3A_101 = arith.addf %get3A_97, %get3A_100 : vector<1x128xf32>
    %swap3A_102 = arith.constant 7 : index
    %swap3A_103 = arith.constant 0 : index
    %swap3A_104 = vector.load %arg7[%swap3A_102, %swap3A_103] : memref<40x128xf32, #tpu.memory_space<vmem>>, vector<1x128xf32>
    tpu.vector_store %arg7[%swap3A_102, %swap3A_103], %add3A_101 {strides = array<i32>} : memref<40x128xf32, #tpu.memory_space<vmem>>, vector<1x128xf32>,
    %get3A_105 = arith.constant 1 : index
    %get3A_106 = arith.constant 0 : index
    %get3A_107 = vector.load %arg4[%get3A_105, %get3A_106] : memref<4x128xf32, #tpu.memory_space<vmem>>, vector<1x128xf32>
    %get3A_108 = arith.constant 4 : index
    %get3A_109 = arith.constant 0 : index
    %get3A_110 = vector.load %arg5[%get3A_108, %get3A_109] : memref<16x128xf32, #tpu.memory_space<vmem>>, vector<1x128xf32>
    %add3A_111 = arith.addf %get3A_107, %get3A_110 : vector<1x128xf32>
    %swap3A_112 = arith.constant 8 : index
    %swap3A_113 = arith.constant 0 : index
    %swap3A_114 = vector.load %arg7[%swap3A_112, %swap3A_113] : memref<40x128xf32, #tpu.memory_space<vmem>>, vector<1x128xf32>
    tpu.vector_store %arg7[%swap3A_112, %swap3A_113], %add3A_111 {strides = array<i32>} : memref<40x128xf32, #tpu.memory_space<vmem>>, vector<1x128xf32>,
    %get3A_115 = arith.constant 1 : index
    %get3A_116 = arith.constant 0 : index
    %get3A_117 = vector.load %arg4[%get3A_115, %get3A_116] : memref<4x128xf32, #tpu.memory_space<vmem>>, vector<1x128xf32>
    %get3A_118 = arith.constant 5 : index
    %get3A_119 = arith.constant 0 : index
    %get3A_120 = vector.load %arg5[%get3A_118, %get3A_119] : memref<16x128xf32, #tpu.memory_space<vmem>>, vector<1x128xf32>
    %add3A_121 = arith.addf %get3A_117, %get3A_120 : vector<1x128xf32>
    %swap3A_122 = arith.constant 9 : index
    %swap3A_123 = arith.constant 0 : index
    %swap3A_124 = vector.load %arg7[%swap3A_122, %swap3A_123] : memref<40x128xf32, #tpu.memory_space<vmem>>, vector<1x128xf32>
    tpu.vector_store %arg7[%swap3A_122, %swap3A_123], %add3A_121 {strides = array<i32>} : memref<40x128xf32, #tpu.memory_space<vmem>>, vector<1x128xf32>,
    %get3A_125 = arith.constant 1 : index
    %get3A_126 = arith.constant 0 : index
    %get3A_127 = vector.load %arg4[%get3A_125, %get3A_126] : memref<4x128xf32, #tpu.memory_space<vmem>>, vector<1x128xf32>
    %get3A_128 = arith.constant 6 : index
    %get3A_129 = arith.constant 0 : index
    %get3A_130 = vector.load %arg5[%get3A_128, %get3A_129] : memref<16x128xf32, #tpu.memory_space<vmem>>, vector<1x128xf32>
    %add3A_131 = arith.addf %get3A_127, %get3A_130 : vector<1x128xf32>
    %swap3A_132 = arith.constant 10 : index
    %swap3A_133 = arith.constant 0 : index
    %swap3A_134 = vector.load %arg7[%swap3A_132, %swap3A_133] : memref<40x128xf32, #tpu.memory_space<vmem>>, vector<1x128xf32>
    tpu.vector_store %arg7[%swap3A_132, %swap3A_133], %add3A_131 {strides = array<i32>} : memref<40x128xf32, #tpu.memory_space<vmem>>, vector<1x128xf32>,
    %get3A_135 = arith.constant 1 : index
    %get3A_136 = arith.constant 0 : index
    %get3A_137 = vector.load %arg4[%get3A_135, %get3A_136] : memref<4x128xf32, #tpu.memory_space<vmem>>, vector<1x128xf32>
    %get3A_138 = arith.constant 7 : index
    %get3A_139 = arith.constant 0 : index
    %get3A_140 = vector.load %arg5[%get3A_138, %get3A_139] : memref<16x128xf32, #tpu.memory_space<vmem>>, vector<1x128xf32>
    %add3A_141 = arith.addf %get3A_137, %get3A_140 : vector<1x128xf32>
    %swap3A_142 = arith.constant 11 : index
    %swap3A_143 = arith.constant 0 : index
    %swap3A_144 = vector.load %arg7[%swap3A_142, %swap3A_143] : memref<40x128xf32, #tpu.memory_space<vmem>>, vector<1x128xf32>
    tpu.vector_store %arg7[%swap3A_142, %swap3A_143], %add3A_141 {strides = array<i32>} : memref<40x128xf32, #tpu.memory_space<vmem>>, vector<1x128xf32>,
    %get3A_145 = arith.constant 1 : index
    %get3A_146 = arith.constant 0 : index
    %get3A_147 = vector.load %arg4[%get3A_145, %get3A_146] : memref<4x128xf32, #tpu.memory_space<vmem>>, vector<1x128xf32>
    %get3A_148 = arith.constant 8 : index
    %get3A_149 = arith.constant 0 : index
    %get3A_150 = vector.load %arg5[%get3A_148, %get3A_149] : memref<16x128xf32, #tpu.memory_space<vmem>>, vector<1x128xf32>
    %add3A_151 = arith.addf %get3A_147, %get3A_150 : vector<1x128xf32>
    %swap3A_152 = arith.constant 12 : index
    %swap3A_153 = arith.constant 0 : index
    %swap3A_154 = vector.load %arg7[%swap3A_152, %swap3A_153] : memref<40x128xf32, #tpu.memory_space<vmem>>, vector<1x128xf32>
    tpu.vector_store %arg7[%swap3A_152, %swap3A_153], %add3A_151 {strides = array<i32>} : memref<40x128xf32, #tpu.memory_space<vmem>>, vector<1x128xf32>,
    %get3A_155 = arith.constant 1 : index
    %get3A_156 = arith.constant 0 : index
    %get3A_157 = vector.load %arg4[%get3A_155, %get3A_156] : memref<4x128xf32, #tpu.memory_space<vmem>>, vector<1x128xf32>
    %get3A_158 = arith.constant 9 : index
    %get3A_159 = arith.constant 0 : index
    %get3A_160 = vector.load %arg5[%get3A_158, %get3A_159] : memref<16x128xf32, #tpu.memory_space<vmem>>, vector<1x128xf32>
    %add3A_161 = arith.addf %get3A_157, %get3A_160 : vector<1x128xf32>
    %swap3A_162 = arith.constant 13 : index
    %swap3A_163 = arith.constant 0 : index
    %swap3A_164 = vector.load %arg7[%swap3A_162, %swap3A_163] : memref<40x128xf32, #tpu.memory_space<vmem>>, vector<1x128xf32>
    tpu.vector_store %arg7[%swap3A_162, %swap3A_163], %add3A_161 {strides = array<i32>} : memref<40x128xf32, #tpu.memory_space<vmem>>, vector<1x128xf32>,
    %get3A_165 = arith.constant 1 : index
    %get3A_166 = arith.constant 0 : index
    %get3A_167 = vector.load %arg4[%get3A_165, %get3A_166] : memref<4x128xf32, #tpu.memory_space<vmem>>, vector<1x128xf32>
    %get3A_168 = arith.constant 10 : index
    %get3A_169 = arith.constant 0 : index
    %get3A_170 = vector.load %arg5[%get3A_168, %get3A_169] : memref<16x128xf32, #tpu.memory_space<vmem>>, vector<1x128xf32>
    %add3A_171 = arith.addf %get3A_167, %get3A_170 : vector<1x128xf32>
    %swap3A_172 = arith.constant 14 : index
    %swap3A_173 = arith.constant 0 : index
    %swap3A_174 = vector.load %arg7[%swap3A_172, %swap3A_173] : memref<40x128xf32, #tpu.memory_space<vmem>>, vector<1x128xf32>
    tpu.vector_store %arg7[%swap3A_172, %swap3A_173], %add3A_171 {strides = array<i32>} : memref<40x128xf32, #tpu.memory_space<vmem>>, vector<1x128xf32>,
    %get3A_175 = arith.constant 1 : index
    %get3A_176 = arith.constant 0 : index
    %get3A_177 = vector.load %arg4[%get3A_175, %get3A_176] : memref<4x128xf32, #tpu.memory_space<vmem>>, vector<1x128xf32>
    %get3A_178 = arith.constant 11 : index
    %get3A_179 = arith.constant 0 : index
    %get3A_180 = vector.load %arg5[%get3A_178, %get3A_179] : memref<16x128xf32, #tpu.memory_space<vmem>>, vector<1x128xf32>
    %add3A_181 = arith.addf %get3A_177, %get3A_180 : vector<1x128xf32>
    %swap3A_182 = arith.constant 15 : index
    %swap3A_183 = arith.constant 0 : index
    %swap3A_184 = vector.load %arg7[%swap3A_182, %swap3A_183] : memref<40x128xf32, #tpu.memory_space<vmem>>, vector<1x128xf32>
    tpu.vector_store %arg7[%swap3A_182, %swap3A_183], %add3A_181 {strides = array<i32>} : memref<40x128xf32, #tpu.memory_space<vmem>>, vector<1x128xf32>,
    %get3A_185 = arith.constant 1 : index
    %get3A_186 = arith.constant 0 : index
    %get3A_187 = vector.load %arg4[%get3A_185, %get3A_186] : memref<4x128xf32, #tpu.memory_space<vmem>>, vector<1x128xf32>
    %get3A_188 = arith.constant 12 : index
    %get3A_189 = arith.constant 0 : index
    %get3A_190 = vector.load %arg5[%get3A_188, %get3A_189] : memref<16x128xf32, #tpu.memory_space<vmem>>, vector<1x128xf32>
    %add3A_191 = arith.addf %get3A_187, %get3A_190 : vector<1x128xf32>
    %swap3A_192 = arith.constant 16 : index
    %swap3A_193 = arith.constant 0 : index
    %swap3A_194 = vector.load %arg7[%swap3A_192, %swap3A_193] : memref<40x128xf32, #tpu.memory_space<vmem>>, vector<1x128xf32>
    tpu.vector_store %arg7[%swap3A_192, %swap3A_193], %add3A_191 {strides = array<i32>} : memref<40x128xf32, #tpu.memory_space<vmem>>, vector<1x128xf32>,
    %get3A_195 = arith.constant 1 : index
    %get3A_196 = arith.constant 0 : index
    %get3A_197 = vector.load %arg4[%get3A_195, %get3A_196] : memref<4x128xf32, #tpu.memory_space<vmem>>, vector<1x128xf32>
    %get3A_198 = arith.constant 13 : index
    %get3A_199 = arith.constant 0 : index
    %get3A_200 = vector.load %arg5[%get3A_198, %get3A_199] : memref<16x128xf32, #tpu.memory_space<vmem>>, vector<1x128xf32>
    %add3A_201 = arith.addf %get3A_197, %get3A_200 : vector<1x128xf32>
    %swap3A_202 = arith.constant 17 : index
    %swap3A_203 = arith.constant 0 : index
    %swap3A_204 = vector.load %arg7[%swap3A_202, %swap3A_203] : memref<40x128xf32, #tpu.memory_space<vmem>>, vector<1x128xf32>
    tpu.vector_store %arg7[%swap3A_202, %swap3A_203], %add3A_201 {strides = array<i32>} : memref<40x128xf32, #tpu.memory_space<vmem>>, vector<1x128xf32>,
    %get3A_205 = arith.constant 1 : index
    %get3A_206 = arith.constant 0 : index
    %get3A_207 = vector.load %arg4[%get3A_205, %get3A_206] : memref<4x128xf32, #tpu.memory_space<vmem>>, vector<1x128xf32>
    %get3A_208 = arith.constant 14 : index
    %get3A_209 = arith.constant 0 : index
    %get3A_210 = vector.load %arg5[%get3A_208, %get3A_209] : memref<16x128xf32, #tpu.memory_space<vmem>>, vector<1x128xf32>
    %add3A_211 = arith.addf %get3A_207, %get3A_210 : vector<1x128xf32>
    %swap3A_212 = arith.constant 18 : index
    %swap3A_213 = arith.constant 0 : index
    %swap3A_214 = vector.load %arg7[%swap3A_212, %swap3A_213] : memref<40x128xf32, #tpu.memory_space<vmem>>, vector<1x128xf32>
    tpu.vector_store %arg7[%swap3A_212, %swap3A_213], %add3A_211 {strides = array<i32>} : memref<40x128xf32, #tpu.memory_space<vmem>>, vector<1x128xf32>,
    %get3A_215 = arith.constant 1 : index
    %get3A_216 = arith.constant 0 : index
    %get3A_217 = vector.load %arg4[%get3A_215, %get3A_216] : memref<4x128xf32, #tpu.memory_space<vmem>>, vector<1x128xf32>
    %get3A_218 = arith.constant 15 : index
    %get3A_219 = arith.constant 0 : index
    %get3A_220 = vector.load %arg5[%get3A_218, %get3A_219] : memref<16x128xf32, #tpu.memory_space<vmem>>, vector<1x128xf32>
    %add3A_221 = arith.addf %get3A_217, %get3A_220 : vector<1x128xf32>
    %swap3A_222 = arith.constant 19 : index
    %swap3A_223 = arith.constant 0 : index
    %swap3A_224 = vector.load %arg7[%swap3A_222, %swap3A_223] : memref<40x128xf32, #tpu.memory_space<vmem>>, vector<1x128xf32>
    tpu.vector_store %arg7[%swap3A_222, %swap3A_223], %add3A_221 {strides = array<i32>} : memref<40x128xf32, #tpu.memory_space<vmem>>, vector<1x128xf32>,
    %get3A_225 = arith.constant 2 : index
    %get3A_226 = arith.constant 0 : index
    %get3A_227 = vector.load %arg4[%get3A_225, %get3A_226] : memref<4x128xf32, #tpu.memory_space<vmem>>, vector<1x128xf32>
    %get3A_228 = arith.constant 0 : index
    %get3A_229 = arith.constant 0 : index
    %get3A_230 = vector.load %arg5[%get3A_228, %get3A_229] : memref<16x128xf32, #tpu.memory_space<vmem>>, vector<1x128xf32>
    %add3A_231 = arith.addf %get3A_227, %get3A_230 : vector<1x128xf32>
    %swap3A_232 = arith.constant 20 : index
    %swap3A_233 = arith.constant 0 : index
    %swap3A_234 = vector.load %arg7[%swap3A_232, %swap3A_233] : memref<40x128xf32, #tpu.memory_space<vmem>>, vector<1x128xf32>
    tpu.vector_store %arg7[%swap3A_232, %swap3A_233], %add3A_231 {strides = array<i32>} : memref<40x128xf32, #tpu.memory_space<vmem>>, vector<1x128xf32>,
    %get3A_235 = arith.constant 2 : index
    %get3A_236 = arith.constant 0 : index
    %get3A_237 = vector.load %arg4[%get3A_235, %get3A_236] : memref<4x128xf32, #tpu.memory_space<vmem>>, vector<1x128xf32>
    %get3A_238 = arith.constant 1 : index
    %get3A_239 = arith.constant 0 : index
    %get3A_240 = vector.load %arg5[%get3A_238, %get3A_239] : memref<16x128xf32, #tpu.memory_space<vmem>>, vector<1x128xf32>
    %add3A_241 = arith.addf %get3A_237, %get3A_240 : vector<1x128xf32>
    %swap3A_242 = arith.constant 21 : index
    %swap3A_243 = arith.constant 0 : index
    %swap3A_244 = vector.load %arg7[%swap3A_242, %swap3A_243] : memref<40x128xf32, #tpu.memory_space<vmem>>, vector<1x128xf32>
    tpu.vector_store %arg7[%swap3A_242, %swap3A_243], %add3A_241 {strides = array<i32>} : memref<40x128xf32, #tpu.memory_space<vmem>>, vector<1x128xf32>,
    %get3A_245 = arith.constant 2 : index
    %get3A_246 = arith.constant 0 : index
    %get3A_247 = vector.load %arg4[%get3A_245, %get3A_246] : memref<4x128xf32, #tpu.memory_space<vmem>>, vector<1x128xf32>
    %get3A_248 = arith.constant 2 : index
    %get3A_249 = arith.constant 0 : index
    %get3A_250 = vector.load %arg5[%get3A_248, %get3A_249] : memref<16x128xf32, #tpu.memory_space<vmem>>, vector<1x128xf32>
    %add3A_251 = arith.addf %get3A_247, %get3A_250 : vector<1x128xf32>
    %swap3A_252 = arith.constant 22 : index
    %swap3A_253 = arith.constant 0 : index
    %swap3A_254 = vector.load %arg7[%swap3A_252, %swap3A_253] : memref<40x128xf32, #tpu.memory_space<vmem>>, vector<1x128xf32>
    tpu.vector_store %arg7[%swap3A_252, %swap3A_253], %add3A_251 {strides = array<i32>} : memref<40x128xf32, #tpu.memory_space<vmem>>, vector<1x128xf32>,
    %get3A_255 = arith.constant 2 : index
    %get3A_256 = arith.constant 0 : index
    %get3A_257 = vector.load %arg4[%get3A_255, %get3A_256] : memref<4x128xf32, #tpu.memory_space<vmem>>, vector<1x128xf32>
    %get3A_258 = arith.constant 3 : index
    %get3A_259 = arith.constant 0 : index
    %get3A_260 = vector.load %arg5[%get3A_258, %get3A_259] : memref<16x128xf32, #tpu.memory_space<vmem>>, vector<1x128xf32>
    %add3A_261 = arith.addf %get3A_257, %get3A_260 : vector<1x128xf32>
    %swap3A_262 = arith.constant 23 : index
    %swap3A_263 = arith.constant 0 : index
    %swap3A_264 = vector.load %arg7[%swap3A_262, %swap3A_263] : memref<40x128xf32, #tpu.memory_space<vmem>>, vector<1x128xf32>
    tpu.vector_store %arg7[%swap3A_262, %swap3A_263], %add3A_261 {strides = array<i32>} : memref<40x128xf32, #tpu.memory_space<vmem>>, vector<1x128xf32>,
    %get3A_265 = arith.constant 2 : index
    %get3A_266 = arith.constant 0 : index
    %get3A_267 = vector.load %arg4[%get3A_265, %get3A_266] : memref<4x128xf32, #tpu.memory_space<vmem>>, vector<1x128xf32>
    %get3A_268 = arith.constant 4 : index
    %get3A_269 = arith.constant 0 : index
    %get3A_270 = vector.load %arg5[%get3A_268, %get3A_269] : memref<16x128xf32, #tpu.memory_space<vmem>>, vector<1x128xf32>
    %add3A_271 = arith.addf %get3A_267, %get3A_270 : vector<1x128xf32>
    %swap3A_272 = arith.constant 24 : index
    %swap3A_273 = arith.constant 0 : index
    %swap3A_274 = vector.load %arg7[%swap3A_272, %swap3A_273] : memref<40x128xf32, #tpu.memory_space<vmem>>, vector<1x128xf32>
    tpu.vector_store %arg7[%swap3A_272, %swap3A_273], %add3A_271 {strides = array<i32>} : memref<40x128xf32, #tpu.memory_space<vmem>>, vector<1x128xf32>,
    %get3A_275 = arith.constant 2 : index
    %get3A_276 = arith.constant 0 : index
    %get3A_277 = vector.load %arg4[%get3A_275, %get3A_276] : memref<4x128xf32, #tpu.memory_space<vmem>>, vector<1x128xf32>
    %get3A_278 = arith.constant 5 : index
    %get3A_279 = arith.constant 0 : index
    %get3A_280 = vector.load %arg5[%get3A_278, %get3A_279] : memref<16x128xf32, #tpu.memory_space<vmem>>, vector<1x128xf32>
    %add3A_281 = arith.addf %get3A_277, %get3A_280 : vector<1x128xf32>
    %swap3A_282 = arith.constant 25 : index
    %swap3A_283 = arith.constant 0 : index
    %swap3A_284 = vector.load %arg7[%swap3A_282, %swap3A_283] : memref<40x128xf32, #tpu.memory_space<vmem>>, vector<1x128xf32>
    tpu.vector_store %arg7[%swap3A_282, %swap3A_283], %add3A_281 {strides = array<i32>} : memref<40x128xf32, #tpu.memory_space<vmem>>, vector<1x128xf32>,
    %get3A_285 = arith.constant 2 : index
    %get3A_286 = arith.constant 0 : index
    %get3A_287 = vector.load %arg4[%get3A_285, %get3A_286] : memref<4x128xf32, #tpu.memory_space<vmem>>, vector<1x128xf32>
    %get3A_288 = arith.constant 6 : index
    %get3A_289 = arith.constant 0 : index
    %get3A_290 = vector.load %arg5[%get3A_288, %get3A_289] : memref<16x128xf32, #tpu.memory_space<vmem>>, vector<1x128xf32>
    %add3A_291 = arith.addf %get3A_287, %get3A_290 : vector<1x128xf32>
    %swap3A_292 = arith.constant 26 : index
    %swap3A_293 = arith.constant 0 : index
    %swap3A_294 = vector.load %arg7[%swap3A_292, %swap3A_293] : memref<40x128xf32, #tpu.memory_space<vmem>>, vector<1x128xf32>
    tpu.vector_store %arg7[%swap3A_292, %swap3A_293], %add3A_291 {strides = array<i32>} : memref<40x128xf32, #tpu.memory_space<vmem>>, vector<1x128xf32>,
    %get3A_295 = arith.constant 2 : index
    %get3A_296 = arith.constant 0 : index
    %get3A_297 = vector.load %arg4[%get3A_295, %get3A_296] : memref<4x128xf32, #tpu.memory_space<vmem>>, vector<1x128xf32>
    %get3A_298 = arith.constant 7 : index
    %get3A_299 = arith.constant 0 : index
    %get3A_300 = vector.load %arg5[%get3A_298, %get3A_299] : memref<16x128xf32, #tpu.memory_space<vmem>>, vector<1x128xf32>
    %add3A_301 = arith.addf %get3A_297, %get3A_300 : vector<1x128xf32>
    %swap3A_302 = arith.constant 27 : index
    %swap3A_303 = arith.constant 0 : index
    %swap3A_304 = vector.load %arg7[%swap3A_302, %swap3A_303] : memref<40x128xf32, #tpu.memory_space<vmem>>, vector<1x128xf32>
    tpu.vector_store %arg7[%swap3A_302, %swap3A_303], %add3A_301 {strides = array<i32>} : memref<40x128xf32, #tpu.memory_space<vmem>>, vector<1x128xf32>,
    %get3A_305 = arith.constant 2 : index
    %get3A_306 = arith.constant 0 : index
    %get3A_307 = vector.load %arg4[%get3A_305, %get3A_306] : memref<4x128xf32, #tpu.memory_space<vmem>>, vector<1x128xf32>
    %get3A_308 = arith.constant 8 : index
    %get3A_309 = arith.constant 0 : index
    %get3A_310 = vector.load %arg5[%get3A_308, %get3A_309] : memref<16x128xf32, #tpu.memory_space<vmem>>, vector<1x128xf32>
    %add3A_311 = arith.addf %get3A_307, %get3A_310 : vector<1x128xf32>
    %swap3A_312 = arith.constant 28 : index
    %swap3A_313 = arith.constant 0 : index
    %swap3A_314 = vector.load %arg7[%swap3A_312, %swap3A_313] : memref<40x128xf32, #tpu.memory_space<vmem>>, vector<1x128xf32>
    tpu.vector_store %arg7[%swap3A_312, %swap3A_313], %add3A_311 {strides = array<i32>} : memref<40x128xf32, #tpu.memory_space<vmem>>, vector<1x128xf32>,
    %get3A_315 = arith.constant 2 : index
    %get3A_316 = arith.constant 0 : index
    %get3A_317 = vector.load %arg4[%get3A_315, %get3A_316] : memref<4x128xf32, #tpu.memory_space<vmem>>, vector<1x128xf32>
    %get3A_318 = arith.constant 9 : index
    %get3A_319 = arith.constant 0 : index
    %get3A_320 = vector.load %arg5[%get3A_318, %get3A_319] : memref<16x128xf32, #tpu.memory_space<vmem>>, vector<1x128xf32>
    %add3A_321 = arith.addf %get3A_317, %get3A_320 : vector<1x128xf32>
    %swap3A_322 = arith.constant 29 : index
    %swap3A_323 = arith.constant 0 : index
    %swap3A_324 = vector.load %arg7[%swap3A_322, %swap3A_323] : memref<40x128xf32, #tpu.memory_space<vmem>>, vector<1x128xf32>
    tpu.vector_store %arg7[%swap3A_322, %swap3A_323], %add3A_321 {strides = array<i32>} : memref<40x128xf32, #tpu.memory_space<vmem>>, vector<1x128xf32>,
    %get3A_325 = arith.constant 2 : index
    %get3A_326 = arith.constant 0 : index
    %get3A_327 = vector.load %arg4[%get3A_325, %get3A_326] : memref<4x128xf32, #tpu.memory_space<vmem>>, vector<1x128xf32>
    %get3A_328 = arith.constant 10 : index
    %get3A_329 = arith.constant 0 : index
    %get3A_330 = vector.load %arg5[%get3A_328, %get3A_329] : memref<16x128xf32, #tpu.memory_space<vmem>>, vector<1x128xf32>
    %add3A_331 = arith.addf %get3A_327, %get3A_330 : vector<1x128xf32>
    %swap3A_332 = arith.constant 30 : index
    %swap3A_333 = arith.constant 0 : index
    %swap3A_334 = vector.load %arg7[%swap3A_332, %swap3A_333] : memref<40x128xf32, #tpu.memory_space<vmem>>, vector<1x128xf32>
    tpu.vector_store %arg7[%swap3A_332, %swap3A_333], %add3A_331 {strides = array<i32>} : memref<40x128xf32, #tpu.memory_space<vmem>>, vector<1x128xf32>,
    %get3A_335 = arith.constant 2 : index
    %get3A_336 = arith.constant 0 : index
    %get3A_337 = vector.load %arg4[%get3A_335, %get3A_336] : memref<4x128xf32, #tpu.memory_space<vmem>>, vector<1x128xf32>
    %get3A_338 = arith.constant 11 : index
    %get3A_339 = arith.constant 0 : index
    %get3A_340 = vector.load %arg5[%get3A_338, %get3A_339] : memref<16x128xf32, #tpu.memory_space<vmem>>, vector<1x128xf32>
    %add3A_341 = arith.addf %get3A_337, %get3A_340 : vector<1x128xf32>
    %swap3A_342 = arith.constant 31 : index
    %swap3A_343 = arith.constant 0 : index
    %swap3A_344 = vector.load %arg7[%swap3A_342, %swap3A_343] : memref<40x128xf32, #tpu.memory_space<vmem>>, vector<1x128xf32>
    tpu.vector_store %arg7[%swap3A_342, %swap3A_343], %add3A_341 {strides = array<i32>} : memref<40x128xf32, #tpu.memory_space<vmem>>, vector<1x128xf32>,
    %get3A_345 = arith.constant 2 : index
    %get3A_346 = arith.constant 0 : index
    %get3A_347 = vector.load %arg4[%get3A_345, %get3A_346] : memref<4x128xf32, #tpu.memory_space<vmem>>, vector<1x128xf32>
    %get3A_348 = arith.constant 12 : index
    %get3A_349 = arith.constant 0 : index
    %get3A_350 = vector.load %arg5[%get3A_348, %get3A_349] : memref<16x128xf32, #tpu.memory_space<vmem>>, vector<1x128xf32>
    %add3A_351 = arith.addf %get3A_347, %get3A_350 : vector<1x128xf32>
    %swap3A_352 = arith.constant 32 : index
    %swap3A_353 = arith.constant 0 : index
    %swap3A_354 = vector.load %arg7[%swap3A_352, %swap3A_353] : memref<40x128xf32, #tpu.memory_space<vmem>>, vector<1x128xf32>
    tpu.vector_store %arg7[%swap3A_352, %swap3A_353], %add3A_351 {strides = array<i32>} : memref<40x128xf32, #tpu.memory_space<vmem>>, vector<1x128xf32>,
    %get3A_355 = arith.constant 2 : index
    %get3A_356 = arith.constant 0 : index
    %get3A_357 = vector.load %arg4[%get3A_355, %get3A_356] : memref<4x128xf32, #tpu.memory_space<vmem>>, vector<1x128xf32>
    %get3A_358 = arith.constant 13 : index
    %get3A_359 = arith.constant 0 : index
    %get3A_360 = vector.load %arg5[%get3A_358, %get3A_359] : memref<16x128xf32, #tpu.memory_space<vmem>>, vector<1x128xf32>
    %add3A_361 = arith.addf %get3A_357, %get3A_360 : vector<1x128xf32>
    %swap3A_362 = arith.constant 33 : index
    %swap3A_363 = arith.constant 0 : index
    %swap3A_364 = vector.load %arg7[%swap3A_362, %swap3A_363] : memref<40x128xf32, #tpu.memory_space<vmem>>, vector<1x128xf32>
    tpu.vector_store %arg7[%swap3A_362, %swap3A_363], %add3A_361 {strides = array<i32>} : memref<40x128xf32, #tpu.memory_space<vmem>>, vector<1x128xf32>,
    %get3A_365 = arith.constant 2 : index
    %get3A_366 = arith.constant 0 : index
    %get3A_367 = vector.load %arg4[%get3A_365, %get3A_366] : memref<4x128xf32, #tpu.memory_space<vmem>>, vector<1x128xf32>
    %get3A_368 = arith.constant 14 : index
    %get3A_369 = arith.constant 0 : index
    %get3A_370 = vector.load %arg5[%get3A_368, %get3A_369] : memref<16x128xf32, #tpu.memory_space<vmem>>, vector<1x128xf32>
    %add3A_371 = arith.addf %get3A_367, %get3A_370 : vector<1x128xf32>
    %swap3A_372 = arith.constant 34 : index
    %swap3A_373 = arith.constant 0 : index
    %swap3A_374 = vector.load %arg7[%swap3A_372, %swap3A_373] : memref<40x128xf32, #tpu.memory_space<vmem>>, vector<1x128xf32>
    tpu.vector_store %arg7[%swap3A_372, %swap3A_373], %add3A_371 {strides = array<i32>} : memref<40x128xf32, #tpu.memory_space<vmem>>, vector<1x128xf32>,
    %get3A_375 = arith.constant 2 : index
    %get3A_376 = arith.constant 0 : index
    %get3A_377 = vector.load %arg4[%get3A_375, %get3A_376] : memref<4x128xf32, #tpu.memory_space<vmem>>, vector<1x128xf32>
    %get3A_378 = arith.constant 15 : index
    %get3A_379 = arith.constant 0 : index
    %get3A_380 = vector.load %arg5[%get3A_378, %get3A_379] : memref<16x128xf32, #tpu.memory_space<vmem>>, vector<1x128xf32>
    %add3A_381 = arith.addf %get3A_377, %get3A_380 : vector<1x128xf32>
    %swap3A_382 = arith.constant 35 : index
    %swap3A_383 = arith.constant 0 : index
    %swap3A_384 = vector.load %arg7[%swap3A_382, %swap3A_383] : memref<40x128xf32, #tpu.memory_space<vmem>>, vector<1x128xf32>
    tpu.vector_store %arg7[%swap3A_382, %swap3A_383], %add3A_381 {strides = array<i32>} : memref<40x128xf32, #tpu.memory_space<vmem>>, vector<1x128xf32>,
    %get3A_385 = arith.constant 3 : index
    %get3A_386 = arith.constant 0 : index
    %get3A_387 = vector.load %arg4[%get3A_385, %get3A_386] : memref<4x128xf32, #tpu.memory_space<vmem>>, vector<1x128xf32>
    %swap3A_388 = arith.constant 36 : index
    %swap3A_389 = arith.constant 0 : index
    %swap3A_390 = vector.load %arg7[%swap3A_388, %swap3A_389] : memref<40x128xf32, #tpu.memory_space<vmem>>, vector<1x128xf32>
    tpu.vector_store %arg7[%swap3A_388, %swap3A_389], %get3A_387 {strides = array<i32>} : memref<40x128xf32, #tpu.memory_space<vmem>>, vector<1x128xf32>,
    %broadcast_in_dim3A_391 = arith.constant 0.000000e+00 : f32
    %broadcast_in_dim3A_392 = vector.broadcast %broadcast_in_dim3A_391 : f32 to vector<3x128xf32>
    %swap3A_393 = arith.constant 37 : index
    %swap3A_394 = arith.constant 0 : index
    %swap3A_395 = vector.load %arg7[%swap3A_393, %swap3A_394] : memref<40x128xf32, #tpu.memory_space<vmem>>, vector<3x128xf32>
    tpu.vector_store %arg7[%swap3A_393, %swap3A_394], %broadcast_in_dim3A_392 {strides = array<i32>} : memref<40x128xf32, #tpu.memory_space<vmem>>, vector<3x128xf32>,
    return
  }
}

</mosaic_0001>

<sc_bundles>
// kernel: kernel.5.cloned.1.call-start
scs
__scs_entry_jumppad:
0x0: {  	(pc) =	sbr.rel $0x88, $3  }
0x1: {  	(tag) =	ssettag $0x0;
	lr =	simm.s32 $0x1  }
0x2: {  	[smem:$0x3F96] =	sst lr;
	_ =	strace $0xD0000000  }
0x3: {  	_ = 	snop  }
0x4: {  	_ = 	snop  }
0x5: {  	_ = 	snop  }
0x6: {  	_ = 	snop  }
0x7: {  	_ = 	snop  }
__scs_overlays_trampoline_lowered:
0x8: {  	[smem:$0x3FA5] =	sst s0  }
0x9: {  	[smem:$0x3FA6] =	sst s1  }
0xa: {  	[smem:$0x3FA7] =	sst s2  }
0xb: {  	[smem:$0x3FA8] =	sst s3  }
0xc: {  	[smem:$0x3FA9] =	sst s4  }
0xd: {  	[smem:$0x3FAA] =	sst s5  }
0xe: {  	[smem:$0x3FAB] =	sst s6  }
0xf: {  	[smem:$0x3FAC] =	sst s7  }
0x10: {  	[smem:$0x3FAD] =	sst s8  }
0x11: {  	[smem:$0x3FAE] =	sst s9;
	s0 =	simm.s32 @!p0 $0x0  }
0x12: {  	s1 =	sld [smem:$0x3F94];
	s0 =	simm.s32 @p0 $0x1  }
0x13: {  	[smem:$0x3FAF] =	sst s0;
	s0 =	simm.s32 @!p1 $0x0  }
0x14: {  	s2 =	sld [smem:$0x3F93];
	s0 =	simm.s32 @p1 $0x1  }
0x15: {  	[smem:$0x3FB0] =	sst s0;
	s0 =	simm.s32 @!p2 $0x0  }
0x16: {  	s3 =	sld [smem:$0x3FDB];
	s0 =	simm.s32 @p2 $0x1  }
0x17: {  	s4 =	simm.s32 $0x1BF5;
	[smem:$0x3FB2] =	sst s0  }
0x18: {  	s0 =	sld [smem:$0x3F95];
	_ =	swait.ge [sflag:s4], $0x0  }
0x19: {  	s7 =	sld [smem:$0x3F96]  }
0x1a: {  	s8 =	sadd.s32 $0xFFFFE003, lr  }
0x1b: {  	s9 =	sadd.s32 $0xFFFFFEF7, lr;
	s5 =	simm.s32 $0xFFFFFFFF;
	p2 =	slt.u32 s8, $0xFFFFF086  }
0x1c: {  	p1 =	slt.u32 s9, $0xF7A;
	s5 =	simm.s32 @!p2 $0x0  }
0x1d: {  	s5 =	simm.s32 @p1 $0x1;
	p0 =	seq.s32 s7, s2  }
0x1e: {  	s7 =	smul.u32 @!p0 $0xF7A, s2;
	p2 =	seq.s32 @!p0 s5, $0x0  }
0x1f: {  	s9 =	smul.u32 $0xF7A, s1;
	s8 =	simm.s32 @!p0 $0x1BF5;
	p2 =	por !p2, p0  }
0x20: {  	[sflag:s8] =	ssyncset.s32 @!p0 $0xFFFFF086;
	s6 =	sadd.s32 @!p0 s3, s7;
	s7 =	simm.s32 @!p0 $0x108  }
0x21: {  	s3 =	sadd.s32 s3, s9;
	s6 =	sadd.s32 @!p0 $0x88, s6;
	s7 =	simm.s32 @p2 $0x1082  }
0x22: {  	[simem:s7], [sflag:s8] =	dma.local @!p0 [hbm:s6], $0xF7A  }
0x23: {  	s9 =	sor.u32 $0xD0000000, s2;
	s6 =	simm.s32 $0x108;
	_ =	swait.ge @!p0 [sflag:s8], $0x0  }
0x24: {  	s3 =	sadd.s32 $0x88, s3;
	s6 =	simm.s32 @!p1 $0x1082;
	[sflag:s4] =	ssyncset.s32 $0xFFFFF086  }
0x25: {  	[simem:s6], [sflag:s4] =	dma.local [hbm:s3], $0xF7A  }
0x26: {  	[smem:$0x3F96] =	sst s1;
	(tag) =	ssettag s2;
	_ =	strace s9  }
0x27: {  	s1 =	sld [smem:$0x3FA6]  }
0x28: {  	s2 =	sld [smem:$0x3FA7]  }
0x29: {  	s4 =	sld [smem:$0x3FA9]  }
0x2a: {  	p0 =	seq.s32 s5, $0x0;
	s5 =	sld [smem:$0x3FAA]  }
0x2b: {  	s6 =	sld [smem:$0x3FAB]  }
0x2c: {  	s7 =	sld [smem:$0x3FAC]  }
0x2d: {  	s3 =	simm.s32 $0x108;
	s8 =	sld [smem:$0x3FAD]  }
0x2e: {  	s3 =	simm.s32 @!p0 $0x1082;
	s9 =	sld [smem:$0x3FAE]  }
0x2f: {  	lr =	sadd.s32 s0, s3;
	s0 =	sld [smem:$0x3FA5]  }
0x30: {  	s3 =	sld [smem:$0x3FA8]  }
0x31: {  	[smem:$0x3FB1] =	sst s10  }
0x32: {  	s10 =	sld [smem:$0x3FAF];
	_ =	sdelay $0x3  }
0x33: {  	p0 =	seq.s32 s10, $0x1;
	s10 =	sld [smem:$0x3FB1];
	_ =	sdelay $0x3  }
0x34: {  	[smem:$0x3FB1] =	sst s10  }
0x35: {  	s10 =	sld [smem:$0x3FB0];
	_ =	sdelay $0x3  }
0x36: {  	p1 =	seq.s32 s10, $0x1;
	s10 =	sld [smem:$0x3FB1];
	_ =	sdelay $0x3  }
0x37: {  	[smem:$0x3FB1] =	sst s10  }
0x38: {  	s10 =	sld [smem:$0x3FB2]  }
0x39: {  	_ = 	snop;
	(pc) =	sbr.ind lr, $3  }
0x3a: {  	_ = 	snop  }
0x3b: {  	_ = 	snop  }
0x3c: {  	p2 =	seq.s32 s10, $0x1;
	s10 =	sld [smem:$0x3FB1]  }
0x3d: {  	_ =	shalt  }
0x3e: {  	_ =	shalt  }
0x3f: {  	_ =	shalt  }
0x40: {  	_ =	shalt  }
0x41: {  	_ =	shalt  }
0x42: {  	_ =	shalt  }
0x43: {  	_ =	shalt  }
0x44: {  	_ =	shalt  }
0x45: {  	_ =	shalt  }
0x46: {  	_ =	shalt  }
0x47: {  	_ =	shalt  }
0x48: {  	_ =	shalt  }
0x49: {  	_ =	shalt  }
0x4a: {  	_ =	shalt  }
0x4b: {  	_ =	shalt  }
0x4c: {  	_ =	shalt  }
0x4d: {  	_ =	shalt  }
0x4e: {  	_ =	shalt  }
0x4f: {  	_ =	shalt  }
0x50: {  	_ =	shalt  }
0x51: {  	_ =	shalt  }
0x52: {  	_ =	shalt  }
0x53: {  	_ =	shalt  }
0x54: {  	_ =	shalt  }
0x55: {  	_ =	shalt  }
0x56: {  	_ =	shalt  }
0x57: {  	_ =	shalt  }
0x58: {  	_ =	shalt  }
0x59: {  	_ =	shalt  }
0x5a: {  	_ =	shalt  }
0x5b: {  	_ =	shalt  }
0x5c: {  	_ =	shalt  }
0x5d: {  	_ =	shalt  }
0x5e: {  	_ =	shalt  }
0x5f: {  	_ =	shalt  }
0x60: {  	_ =	shalt  }
0x61: {  	_ =	shalt  }
0x62: {  	_ =	shalt  }
0x63: {  	_ =	shalt  }
0x64: {  	_ =	shalt  }
0x65: {  	_ =	shalt  }
0x66: {  	_ =	shalt  }
0x67: {  	_ =	shalt  }
0x68: {  	_ =	shalt  }
0x69: {  	_ =	shalt  }
0x6a: {  	_ =	shalt  }
0x6b: {  	_ =	shalt  }
0x6c: {  	_ =	shalt  }
0x6d: {  	_ =	shalt  }
0x6e: {  	_ =	shalt  }
0x6f: {  	_ =	shalt  }
0x70: {  	_ =	shalt  }
0x71: {  	_ =	shalt  }
0x72: {  	_ =	shalt  }
0x73: {  	_ =	shalt  }
0x74: {  	_ =	shalt  }
0x75: {  	_ =	shalt  }
0x76: {  	_ =	shalt  }
0x77: {  	_ =	shalt  }
0x78: {  	_ =	shalt  }
0x79: {  	_ =	shalt  }
0x7a: {  	_ =	shalt  }
0x7b: {  	_ =	shalt  }
0x7c: {  	_ =	shalt  }
0x7d: {  	_ =	shalt  }
0x7e: {  	_ =	shalt  }
0x7f: {  	_ =	shalt  }
0x80: {  	_ =	shalt  }
0x81: {  	_ =	shalt  }
0x82: {  	_ =	shalt  }
0x83: {  	_ =	shalt  }
0x84: {  	_ =	shalt  }
0x85: {  	_ =	shalt  }
0x86: {  	_ =	shalt  }
0x87: {  	_ =	shalt  }
.Lfunc_end0:
.L_simem_size_0:
called_computation_lowered:
.L_overlay_start_0:
0x88: {  	s2 =	sld [smem:$0x3FD9]  }
0x89: {  	s3 =	sld [smem:$0x3FFE];
	_ =	sdelay $0x1  }
0x8a: {  	s1 =	srdreg.scid  }
0x8b: {  	s0 =	sand.u32 $0x1, s1  }
0x8c: {  	s17 =	sshll.u32 s0, $0xA;
	s2 =	sadd.s32 s3, s2  }
0x8d: {  	s2 =	sadd.s32 s2, s17  }
0x8e: {  	[smem:$0x3FBD] =	sst s2  }
0x8f: {  	_ = 	snop  }
0x90: {  	s2 =	sld [smem:$0x3FBF]  }
0x91: {  	s18 =	sld [smem:$0x3FD0];
	(tm) =	ssettm $0x1  }
0x92: {  	s4 =	sld [smem:$0x3FFB];
	_ =	sdelay $0x3  }
0x93: {  	_ =	strace s4  }
0x94: {  	s4 =	sld [smem:$0x3FFC];
	_ =	sdelay $0x3  }
0x95: {  	_ =	strace s4  }
0x96: {  	s4 =	sld [smem:$0x3FFD];
	_ =	sdelay $0x3  }
0x97: {  	_ =	strace s4  }
0x98: {  	_ =	strace $0x8FFFFFFF  }
0x99: {  	s19 =	sld [smem:$0x3FDB];
	_ =	sdelay $0x1  }
0x9a: {  	s5 =	simm.s32 $_scs_section_size  }
0x9b: {  	s6 =	simm.s32 $_size__tile_overlayer_lowered;
	s7 =	simm.s32 $_tile_overlayer_lowered  }
0x9c: {  	s22 =	simm.s32 $0x1BFF;
	s21 =	sshll.u32 s7, $0x1;
	s4 =	sadd.s32 s5, s19  }
0x9d: {  	s8 =	simm.s32 $0x0;
	s20 =	sshll.u32 s6, $0x1;
	s6 =	sadd.s32 s21, s4  }
0x9e: {  	[timem:s8], [sflag:s22] =	dma.local [hbm:s6], s20  }
0x9f: {  	_ =	swait.ge [sflag:s22], s20  }
0xa0: {  	s5 =	ssub.s32 $0x0, s20;
	[sflag:s22] =	ssyncset.done $0x0  }
0xa1: {  	[sflag:s22] =	ssyncadd.s32 s5;
	_ =	sdelay $0x1  }
0xa2: {  	s23 =	simm.s32 $0x1B8B  }
0xa3: {  	_ =	swait.ge [sflag:s23], $0x1  }
0xa4: {  	[sflag:s23] =	ssyncset.done $0x0  }
0xa5: {  	s25 =	simm.s32 $0x1B8E;
	s24 =	sld [smem:$0x3FFE];
	[sflag:s23] =	ssyncadd.s32 $0xFFFFFFFF  }
0xa6: {  	s26 =	simm.s32 $execute0_lowered;
	[smem:$0x3FD2] =	sst s25  }
0xa7: {  	s6 =	sshll.u32 s26, $0x1;
	_ =	strace $0x80000046;
	[dreg:$0x1] =	wrdreg $0xFFFFFFFF  }
0xa8: {  	s28 =	simm.s32 $_size_execute0_lowered;
	s4 =	sadd.s32 s4, s6;
	[dreg:$0x0] =	wrdreg $0x0  }
0xa9: {  	s6 =	sshll.u32 s28, $0x1;
	[dreg:$0x2] =	wrdreg s4  }
0xaa: {  	[dreg:$0x3] =	wrdreg s6  }
0xab: {  	[dreg:$0x4] =	wrdreg $0xC0  }
0xac: {  	_ =	task [dreg:s8], $0x5FFFF  }
0xad: {  	[dreg:$0x1] =	wrdreg $0xFFFFFFFF  }
0xae: {  	[dreg:$0x0] =	wrdreg $0x60  }
0xaf: {  	[dreg:$0x2] =	wrdreg s24  }
0xb0: {  	[dreg:$0x3] =	wrdreg s2  }
0xb1: {  	[dreg:$0x4] =	wrdreg s18  }
0xb2: {  	[dreg:$0x5] =	wrdreg $0x0  }
0xb3: {  	[dreg:$0x6] =	wrdreg $0x9  }
0xb4: {  	_ =	task.clear_ibuf [dreg:s8], $0x7FFFF;
	_ =	strace $0x90000046  }
0xb5: {  	s29 =	simm.s32 $0x9;
	_ =	strace $0x80000048  }
0xb6: {  	_ =	swait.ge [sflag:s29], $0x1  }
0xb7: {  	[sflag:s29] =	ssyncadd.s32 $0xFFFFFFFF  }
0xb8: {  	_ =	strace $0x90000048  }
0xb9: {  	_ =	sfence  }
0xba: {  	s30 =	sld [smem:$0x0];
	_ =	sdelay $0x2  }
0xbb: {  	s31 =	sshll.u32 s1, $0xD;
	s1 =	sshrl.u32 s1, $0x2  }
0xbc: {  	s3 =	sand.u32 $0x4000, s31;
	s1 =	sadd.s32 s1, s30  }
0xbd: {  	s0 =	sor.u32 s3, s0;
	s1 =	sshll.u32 s1, $0x11  }
0xbe: {  	s0 =	sor.u32 s1, s0  }
0xbf: {  	s0 =	sadd.s32 $0x8F2B, s0  }
0xc0: {  	[sflag:s0] =	ssyncadd.remote.s32 $0x1  }
0xc1: {  	_ =	sfence.sel $0xFFFF  }
0xc2: {  	[dreg:$0x0] =	wrdreg $0xFFFFFFFF;
	(pc) =	sbr.abs _section_cstart, $3  }
0xc3: {  	[dreg:$0x1] =	wrdreg $0xFFFFFFFF  }
0xc4: {  	_ =	task.clear_ibuf [dreg:s8], $0x2FFFF;
	_ =	strace $0x9FFFFFFF  }
0xc5: {  	(tm) =	ssettm $0x7FFFFFFF  }
tec
execute0_lowered:
.L_overlay_start_1:
0x0: {  	(tag) =	ssettag $0x1  }
0x1: {  	s0 =	rddreg [dreg:$0x0]  }
0x2: {  	s1 =	rddreg [dreg:$0x1]  }
0x3: {  	s2 =	rddreg [dreg:$0x2]  }
0x4: {  	s3 =	rddreg [dreg:$0x3];
	s4 =	simm.s32 $0x0;
	s11 =	stileid.u32  }
0x5: {  	s6 =	srdreg.scid;
	s12 =	simm.s32 $0x1;
	s19 =	simm.s32 $0x2  }
0x6: {  	s13 =	simm.s32 $0x6;
	s14 =	simm.s32 $0x7;
	s18 =	simm.s32 $0x9  }
0x7: {  	s22 =	simm.s32 $0x8;
	[smem:$0x7FF] =	sst s4;
	s5 =	sshll.u32 s11, $0x8  }
0x8: {  	s6 =	sand.u32 $0x1, s6;
	s9 =	sshll.u32 s11, $0x1;
	s24 =	sshll.u32 s11, $0xB  }
0x9: {  	s25 =	sshll.u32 s11, $0x6;
	s16 =	sadd.s32 $0x980, s2;
	_ =	strace $0x80000047  }
0xa: {  	s8 =	sadd.s32 s5, s0;
	s5 =	sadd.s32 $0x1C00, s0;
	s7 =	ssub.s32 $0x2, s6  }
0xb: {  	s0 =	sadd.s32 $0x15400, s0;
	s6 =	sor.u32 s6, s9;
	s10 =	sadd.s32 s24, s3  }
0xc: {  	s24 =	simm.s32 $0x5;
	[dreg:$0x5] =	wrdreg s0;
	s23 =	sshrl.u32 s7, $0x1  }
0xd: {  	s8 =	sadd.s32 $0x14400, s8;
	s0 =	ssub.s32 s7, s23;
	s7 =	smul.u32 $0x128, s6  }
0xe: {  	s31 =	sshrl.u32 s10, $0x3;
	[dreg:$0x6] =	wrdreg s8;
	s6 =	smul.u32 $0x1280, s6  }
0xf: {  	s8 =	sor.u32 $0x1C01, s25;
	[dreg:$0xd] =	wrdreg s31;
	s23 =	simm.s32 $0xA  }
0x10: {  	[dreg:$0x7] =	wrdreg s8;
	s0 =	smax.u32 s0, $0x1;
	s8 =	simm.s32 $0x19600  }
0x11: {  	s26 =	sshrl.u32 s7, $0x3;
	s9 =	sadd.s32 $0x2500, s7;
	s1 =	sadd.s32 s1, s6  }
0x12: {  	s15 =	sadd.s32 $0x6F00, s7;
	s17 =	sadd.s32 $0x9400, s7;
	[dreg:$0xc] =	wrdreg s0  }
0x13: {  	s11 =	sadd.s32 s5, s26;
	s28 =	sshrl.u32 s9, $0x3;
	[dreg:$0x9] =	wrdreg s1  }
0x14: {  	s6 =	simm.s32 $0x0;
	s29 =	sadd.s32 s5, s28;
	[dreg:$0x8] =	wrdreg s11  }
0x15: {  	s26 =	simm.s32 $0x14A00;
	s30 =	sadd.s32 $0x940, s11;
	[dreg:$0xa] =	wrdreg s29  }
0x16: {  	s1 =	simm.s32 $0xC;
	s11 =	simm.s32 $0xB;
	[dreg:$0xb] =	wrdreg s30  }
.LBB2_1:
0x17: {  	[dreg:$0xe] =	wrdreg s6  }
0x18: {  	s0 =	rddreg [dreg:$0x6]  }
0x19: {  	s20 =	rddreg [dreg:$0x7]  }
0x1a: {  	s10 =	rddreg [dreg:$0xd]  }
0x1b: {  	[spmem:s10], [sflag:s20] =	dma.local [hbm:s0], $0x100  }
0x1c: {  	s21 =	simm.s32 $0x1C00;
	s30 =	simm.s32 $0xFFFFFFFC;
	s0 =	rddreg [dreg:$0x9]  }
0x1d: {  	[tilespmem:s21], [sflag:$0x2] =	stream.linear.gather [hbm4b:s0+s4], $0x9400, $0x38;
	[tilespmem:$0x1DE00] =	vst v63  }
0x1e: {  	s28 =	simm.s32 $0x800;
	s25 =	rddreg [dreg:$0x5];
	s0 =	smul.u32 $0x1BAD, s30  }
0x1f: {  	[tilespmem:s28], [sflag:$0x5] =	stream.linear.gather [hbm4b:s25+s4], $0x1400, $0x38;
	[tilespmem:$0x1DE00] =	vst v63  }
0x20: {  	_ =	swait.ge [sflag:s12], $0x100  }
0x21: {  	s6 =	sadd.s32 $0xC1BB, s0;
	s20 =	sadd.s32 $0x8A61, s0;
	[sflag:s12] =	ssyncset.done $0x0  }
0x22: {  	s25 =	sadd.s32 $0xA60E, s0;
	s10 =	sadd.s32 $0x6EB4, s0;
	[sflag:s12] =	ssyncadd.s32 $0xFFFFFF00  }
0x23: {  	s6 =	sshrl.u32 s6, $0x12;
	s20 =	sshrl.u32 s20, $0x12;
	_ =	swait.ge [sflag:s19], $0x9400  }
0x24: {  	s25 =	sshrl.u32 s25, $0x12;
	s21 =	smul.u32 $0x25, s6;
	[sflag:s19] =	ssyncset.done $0x0  }
0x25: {  	s10 =	sshrl.u32 s10, $0x12;
	s20 =	smul.u32 $0x25, s20;
	[sflag:s19] =	ssyncadd.s32 $0xFFFF6C00  }
0x26: {  	s6 =	simm.s32 $0x1D00;
	s29 =	smul.u32 $0x25, s25;
	_ =	swait.ge [sflag:s24], $0x1400  }
0x27: {  	s10 =	smul.u32 $0x25, s10;
	s12 =	ssub.s32 $0xFFFFFFFC, s21;
	[sflag:s24] =	ssyncset.done $0x0  }
0x28: {  	s20 =	ssub.s32 $0xFFFFFFFC, s20;
	s12 =	sshll.u32 s12, $0x7;
	[sflag:s24] =	ssyncadd.s32 $0xFFFFEC00  }
0x29: {  	s28 =	ssub.s32 $0xFFFFFFFC, s29;
	s12 =	sadd.s32 $0x380, s12;
	[bflag:$0x0] =	sbarrier.arrive $0xFFFF  }
0x2a: {  	s10 =	ssub.s32 $0x0, s10;
	s25 =	sand.u32 $0xFF80, s12;
	s12 =	sshll.u32 s28, $0x7;
	v0 =	vld [tilespmem:s6+$0x80]  }
0x2b: {  	s20 =	sshll.u32 s20, $0x7;
	s30 =	sshll.u32 s10, $0x7;
	s29 =	sadd.s32 $0x300, s12;
	v1 =	vld [tilespmem:s25+$0x800]  }
0x2c: {  	s20 =	sadd.s32 $0x280, s20;
	s10 =	sand.u32 $0xFF80, s29;
	s29 =	sand.u32 $0xFF80, s30;
	v2 =	vld [tilespmem:s6+$0xFFFFFF00]  }
0x2d: {  	s12 =	sand.u32 $0xFF80, s20;
	v5 =	vld [tilespmem:s29+$0x800]  }
0x2e: {  	v3 =	vld [tilespmem:s12+$0x800]  }
0x2f: {  	v4 =	vld [tilespmem:s10+$0x800]  }
0x30: {  	v6 =	vld [tilespmem:s6+$0x0]  }
0x31: {  	v0 =	vadd.f32 v1, v0;
	v1 =	vld [tilespmem:s6+$0xFFFFFF80]  }
0x32: {  	v2 =	vadd.f32 v5, v2;
	v5 =	vld [tilespmem:s6+$0xFFFFFF10]  }
0x33: {  	[tilespmem:s6+$0x80] =	vst v0;
	v0 =	vld [tilespmem:s6+$0x90]  }
0x34: {  	[tilespmem:s6+$0xFFFFFF00] =	vst v2;
	v7 =	vld [tilespmem:s25+$0x810]  }
0x35: {  	v2 =	vadd.f32 v4, v6;
	v6 =	vld [tilespmem:s29+$0x810]  }
0x36: {  	v4 =	vld [tilespmem:s6+$0x10];
	v1 =	vadd.f32 v3, v1  }
0x37: {  	[tilespmem:s6+$0x0] =	vst v2;
	v3 =	vld [tilespmem:s6+$0xFFFFFF90]  }
0x38: {  	v2 =	vld [tilespmem:s10+$0x810];
	[tilespmem:s6+$0xFFFFFF80] =	vst v1  }
0x39: {  	v0 =	vadd.f32 v7, v0;
	v1 =	vld [tilespmem:s12+$0x810]  }
0x3a: {  	v5 =	vadd.f32 v6, v5;
	v6 =	vld [tilespmem:s6+$0xFFFFFF20]  }
0x3b: {  	[tilespmem:s6+$0x90] =	vst v0;
	v0 =	vld [tilespmem:s6+$0xA0]  }
0x3c: {  	[tilespmem:s6+$0xFFFFFF10] =	vst v5;
	v7 =	vld [tilespmem:s25+$0x820]  }
0x3d: {  	v2 =	vadd.f32 v2, v4;
	v5 =	vld [tilespmem:s29+$0x820]  }
0x3e: {  	v4 =	vld [tilespmem:s6+$0x20];
	v1 =	vadd.f32 v1, v3  }
0x3f: {  	[tilespmem:s6+$0x10] =	vst v2;
	v3 =	vld [tilespmem:s6+$0xFFFFFFA0]  }
0x40: {  	v2 =	vld [tilespmem:s10+$0x820];
	[tilespmem:s6+$0xFFFFFF90] =	vst v1  }
0x41: {  	v0 =	vadd.f32 v7, v0;
	v1 =	vld [tilespmem:s12+$0x820]  }
0x42: {  	v5 =	vadd.f32 v5, v6;
	v6 =	vld [tilespmem:s6+$0xFFFFFF30]  }
0x43: {  	[tilespmem:s6+$0xA0] =	vst v0;
	v0 =	vld [tilespmem:s6+$0xB0]  }
0x44: {  	[tilespmem:s6+$0xFFFFFF20] =	vst v5;
	v7 =	vld [tilespmem:s25+$0x830]  }
0x45: {  	v2 =	vadd.f32 v2, v4;
	v5 =	vld [tilespmem:s29+$0x830]  }
0x46: {  	v4 =	vld [tilespmem:s6+$0x30];
	v1 =	vadd.f32 v1, v3  }
0x47: {  	[tilespmem:s6+$0x20] =	vst v2;
	v3 =	vld [tilespmem:s6+$0xFFFFFFB0]  }
0x48: {  	v2 =	vld [tilespmem:s10+$0x830];
	[tilespmem:s6+$0xFFFFFFA0] =	vst v1  }
0x49: {  	v0 =	vadd.f32 v7, v0;
	v1 =	vld [tilespmem:s12+$0x830]  }
0x4a: {  	v5 =	vadd.f32 v5, v6;
	v6 =	vld [tilespmem:s6+$0xFFFFFF40]  }
0x4b: {  	[tilespmem:s6+$0xB0] =	vst v0;
	v0 =	vld [tilespmem:s6+$0xC0]  }
0x4c: {  	v7 =	vld [tilespmem:s25+$0x840]  }
0x4d: {  	[tilespmem:s6+$0xFFFFFF30] =	vst v5;
	v2 =	vadd.f32 v2, v4;
	v4 =	vld [tilespmem:s6+$0x40]  }
0x4e: {  	v5 =	vld [tilespmem:s29+$0x840];
	v1 =	vadd.f32 v1, v3  }
0x4f: {  	[tilespmem:s6+$0x30] =	vst v2;
	v3 =	vld [tilespmem:s6+$0xFFFFFFC0]  }
0x50: {  	v2 =	vld [tilespmem:s10+$0x840];
	[tilespmem:s6+$0xFFFFFFB0] =	vst v1  }
0x51: {  	v0 =	vadd.f32 v7, v0;
	v1 =	vld [tilespmem:s12+$0x840];
	_ =	sdelay $0x1  }
0x52: {  	[tilespmem:s6+$0xC0] =	vst v0;
	v0 =	vld [tilespmem:s6+$0xD0]  }
0x53: {  	v5 =	vadd.f32 v5, v6;
	v7 =	vld [tilespmem:s25+$0x850]  }
0x54: {  	v6 =	vld [tilespmem:s6+$0xFFFFFF50]  }
0x55: {  	[tilespmem:s6+$0xFFFFFF40] =	vst v5;
	v2 =	vadd.f32 v2, v4;
	v4 =	vld [tilespmem:s6+$0x50];
	v1 =	vadd.f32 v1, v3  }
0x56: {  	v5 =	vld [tilespmem:s29+$0x850]  }
0x57: {  	v3 =	vld [tilespmem:s6+$0xFFFFFFD0];
	[tilespmem:s6+$0xFFFFFFC0] =	vst v1  }
0x58: {  	[tilespmem:s6+$0x40] =	vst v2;
	v0 =	vadd.f32 v7, v0;
	v1 =	vld [tilespmem:s12+$0x850]  }
0x59: {  	v7 =	vld [tilespmem:s10+$0x850]  }
0x5a: {  	v8 =	vld [tilespmem:s6+$0xE0];
	[tilespmem:s6+$0xD0] =	vst v0  }
0x5b: {  	v0 =	vadd.f32 v5, v6;
	v9 =	vld [tilespmem:s25+$0x860]  }
0x5c: {  	v2 =	vld [tilespmem:s6+$0xFFFFFF60]  }
0x5d: {  	[tilespmem:s6+$0xFFFFFF50] =	vst v0;
	v0 =	vld [tilespmem:s6+$0x60];
	v3 =	vadd.f32 v1, v3  }
0x5e: {  	v1 =	vld [tilespmem:s6+$0xFFFFFFE0];
	v5 =	vadd.f32 v7, v4  }
0x5f: {  	v4 =	vld [tilespmem:s29+$0x860];
	[tilespmem:s6+$0xFFFFFFD0] =	vst v3  }
0x60: {  	s31 =	simm.s32 $0x1D00;
	s20 =	simm.s32 $0x0;
	[tilespmem:s6+$0x50] =	vst v5;
	v3 =	vld [tilespmem:s12+$0x860];
	v5 =	vadd.f32 v9, v8  }
.LBB2_2:
0x61: {  	s21 =	smul.u32 $0x1BAD, s20;
	v6 =	vld [tilespmem:s10+$0x860];
	s19 =	smov.u32 s20  }
0x62: {  	[tilespmem:s6+$0xE0] =	vst v5;
	v5 =	vld [tilespmem:s6+$0xF0]  }
0x63: {  	s28 =	sadd.s32 $0x8A61, s21;
	s30 =	sadd.s32 $0xA60E, s21;
	s0 =	sadd.s32 $0xC1BB, s21;
	v7 =	vld [tilespmem:s25+$0x870]  }
0x64: {  	s25 =	sshrl.u32 s28, $0x12;
	s28 =	sshrl.u32 s30, $0x12;
	s0 =	sshrl.u32 s0, $0x12;
	v2 =	vadd.f32 v4, v2;
	v4 =	vld [tilespmem:s6+$0xFFFFFF70]  }
0x65: {  	s21 =	sadd.s32 $0x6EB4, s21;
	s0 =	smul.u32 $0x25, s0;
	v1 =	vadd.f32 v3, v1;
	v3 =	vld [tilespmem:s6+$0xFFFFFFF0]  }
0x66: {  	s21 =	sshrl.u32 s21, $0x12;
	s25 =	smul.u32 $0x25, s25;
	[tilespmem:s6+$0xFFFFFF60] =	vst v2;
	v0 =	vadd.f32 v6, v0;
	v2 =	vld [tilespmem:s6+$0x70]  }
0x67: {  	s20 =	sadd.s32 $0x4, s20;
	s28 =	smul.u32 $0x25, s28;
	s0 =	ssub.s32 s19, s0;
	v6 =	vld [tilespmem:s29+$0x870];
	[tilespmem:s6+$0xFFFFFFE0] =	vst v1  }
0x68: {  	s21 =	smul.u32 $0x25, s21;
	s25 =	ssub.s32 s19, s25;
	s0 =	sshll.u32 s0, $0x7;
	v1 =	vld [tilespmem:s12+$0x870];
	[tilespmem:s6+$0x60] =	vst v0;
	v0 =	vadd.f32 v7, v5  }
0x69: {  	s12 =	ssub.s32 s19, s28;
	s6 =	sadd.s32 $0x200, s6;
	s0 =	sadd.s32 $0x380, s0;
	v5 =	vld [tilespmem:s10+$0x870]  }
0x6a: {  	s10 =	sshll.u32 s25, $0x7;
	s12 =	sshll.u32 s12, $0x7;
	v7 =	vld [tilespmem:s6+$0x80];
	s25 =	sand.u32 $0xFF80, s0;
	[tilespmem:s31+$0xF0] =	vst v0  }
0x6b: {  	s0 =	ssub.s32 s20, s21;
	s10 =	sadd.s32 $0x280, s10;
	s19 =	sadd.s32 $0x300, s12;
	v0 =	vld [tilespmem:s25+$0x800]  }
0x6c: {  	s0 =	sshll.u32 s0, $0x7;
	s12 =	sand.u32 $0xFF80, s10;
	s10 =	sand.u32 $0xFF80, s19;
	v8 =	vld [tilespmem:s6+$0xFFFFFF00];
	v4 =	vadd.f32 v6, v4  }
0x6d: {  	p0 =	slt.u32 s20, $0x124;
	s29 =	sand.u32 $0xFF80, s0;
	v6 =	vld [tilespmem:s12+$0x800];
	v1 =	vadd.f32 v1, v3  }
0x6e: {  	v3 =	vld [tilespmem:s10+$0x800];
	[tilespmem:s31+$0xFFFFFF70] =	vst v4;
	v2 =	vadd.f32 v5, v2  }
0x6f: {  	v4 =	vld [tilespmem:s29+$0x800];
	[tilespmem:s31+$0xFFFFFFF0] =	vst v1  }
0x70: {  	v1 =	vld [tilespmem:s6+$0xFFFFFF80];
	v0 =	vadd.f32 v0, v7;
	[tilespmem:s31+$0x70] =	vst v2;
	s31 =	smov.u32 s6  }
0x71: {  	v2 =	vld [tilespmem:s6+$0x0]  }
0x72: {  	[tilespmem:s6+$0x80] =	vst v0;
	v0 =	vld [tilespmem:s6+$0x90]  }
0x73: {  	v5 =	vld [tilespmem:s25+$0x810]  }
0x74: {  	v4 =	vadd.f32 v4, v8;
	v7 =	vld [tilespmem:s6+$0xFFFFFF10]  }
0x75: {  	v1 =	vadd.f32 v6, v1;
	v6 =	vld [tilespmem:s6+$0xFFFFFF90]  }
0x76: {  	[tilespmem:s6+$0xFFFFFF00] =	vst v4;
	v2 =	vadd.f32 v3, v2;
	v3 =	vld [tilespmem:s6+$0x10]  }
0x77: {  	v4 =	vld [tilespmem:s29+$0x810];
	[tilespmem:s6+$0xFFFFFF80] =	vst v1  }
0x78: {  	v1 =	vld [tilespmem:s12+$0x810];
	[tilespmem:s6+$0x0] =	vst v2;
	v0 =	vadd.f32 v5, v0  }
0x79: {  	v2 =	vld [tilespmem:s10+$0x810]  }
0x7a: {  	[tilespmem:s6+$0x90] =	vst v0;
	v0 =	vld [tilespmem:s6+$0xA0]  }
0x7b: {  	v5 =	vld [tilespmem:s25+$0x820]  }
0x7c: {  	v4 =	vadd.f32 v4, v7;
	v7 =	vld [tilespmem:s6+$0xFFFFFF20]  }
0x7d: {  	v1 =	vadd.f32 v1, v6;
	v6 =	vld [tilespmem:s6+$0xFFFFFFA0]  }
0x7e: {  	[tilespmem:s6+$0xFFFFFF10] =	vst v4;
	v2 =	vadd.f32 v2, v3;
	v3 =	vld [tilespmem:s6+$0x20]  }
0x7f: {  	v4 =	vld [tilespmem:s29+$0x820];
	[tilespmem:s6+$0xFFFFFF90] =	vst v1  }
0x80: {  	v1 =	vld [tilespmem:s12+$0x820];
	[tilespmem:s6+$0x10] =	vst v2;
	v0 =	vadd.f32 v5, v0  }
0x81: {  	v2 =	vld [tilespmem:s10+$0x820]  }
0x82: {  	[tilespmem:s6+$0xA0] =	vst v0;
	v0 =	vld [tilespmem:s6+$0xB0]  }
0x83: {  	v5 =	vld [tilespmem:s25+$0x830]  }
0x84: {  	v4 =	vadd.f32 v4, v7;
	v7 =	vld [tilespmem:s6+$0xFFFFFF30]  }
0x85: {  	v1 =	vadd.f32 v1, v6;
	v6 =	vld [tilespmem:s6+$0xFFFFFFB0]  }
0x86: {  	[tilespmem:s6+$0xFFFFFF20] =	vst v4;
	v2 =	vadd.f32 v2, v3;
	v3 =	vld [tilespmem:s6+$0x30]  }
0x87: {  	v4 =	vld [tilespmem:s29+$0x830];
	[tilespmem:s6+$0xFFFFFFA0] =	vst v1  }
0x88: {  	v1 =	vld [tilespmem:s12+$0x830];
	[tilespmem:s6+$0x20] =	vst v2;
	v0 =	vadd.f32 v5, v0  }
0x89: {  	v2 =	vld [tilespmem:s10+$0x830]  }
0x8a: {  	[tilespmem:s6+$0xB0] =	vst v0;
	v0 =	vld [tilespmem:s6+$0xC0]  }
0x8b: {  	v5 =	vld [tilespmem:s25+$0x840]  }
0x8c: {  	v4 =	vadd.f32 v4, v7;
	v7 =	vld [tilespmem:s6+$0xFFFFFF40]  }
0x8d: {  	v1 =	vadd.f32 v1, v6;
	v6 =	vld [tilespmem:s6+$0xFFFFFFC0]  }
0x8e: {  	[tilespmem:s6+$0xFFFFFF30] =	vst v4;
	v2 =	vadd.f32 v2, v3;
	v3 =	vld [tilespmem:s6+$0x40]  }
0x8f: {  	v4 =	vld [tilespmem:s29+$0x840];
	[tilespmem:s6+$0xFFFFFFB0] =	vst v1  }
0x90: {  	v1 =	vld [tilespmem:s12+$0x840];
	[tilespmem:s6+$0x30] =	vst v2;
	v0 =	vadd.f32 v5, v0  }
0x91: {  	v2 =	vld [tilespmem:s10+$0x840]  }
0x92: {  	[tilespmem:s6+$0xC0] =	vst v0;
	v0 =	vld [tilespmem:s6+$0xD0]  }
0x93: {  	v5 =	vld [tilespmem:s25+$0x850]  }
0x94: {  	v4 =	vadd.f32 v4, v7;
	v7 =	vld [tilespmem:s6+$0xFFFFFF50]  }
0x95: {  	v1 =	vadd.f32 v1, v6;
	v6 =	vld [tilespmem:s6+$0xFFFFFFD0]  }
0x96: {  	[tilespmem:s6+$0xFFFFFF40] =	vst v4;
	v2 =	vadd.f32 v2, v3;
	v3 =	vld [tilespmem:s6+$0x50]  }
0x97: {  	v4 =	vld [tilespmem:s29+$0x850];
	[tilespmem:s6+$0xFFFFFFC0] =	vst v1  }
0x98: {  	v1 =	vld [tilespmem:s12+$0x850];
	[tilespmem:s6+$0x40] =	vst v2;
	v0 =	vadd.f32 v5, v0  }
0x99: {  	v5 =	vld [tilespmem:s10+$0x850]  }
0x9a: {  	[tilespmem:s6+$0xD0] =	vst v0;
	v8 =	vld [tilespmem:s6+$0xE0]  }
0x9b: {  	v9 =	vld [tilespmem:s25+$0x860]  }
.Ltmp0:
0x9c: {  	v0 =	vadd.f32 v4, v7;
	v2 =	vld [tilespmem:s6+$0xFFFFFF60];
	(pc) =	sbr.rel @p0 .LBB2_2-.Ltmp0, $4  }
0x9d: {  	v6 =	vadd.f32 v1, v6;
	v1 =	vld [tilespmem:s6+$0xFFFFFFE0]  }
0x9e: {  	[tilespmem:s6+$0xFFFFFF50] =	vst v0;
	v5 =	vadd.f32 v5, v3;
	v0 =	vld [tilespmem:s6+$0x60]  }
0x9f: {  	v4 =	vld [tilespmem:s29+$0x860];
	[tilespmem:s6+$0xFFFFFFD0] =	vst v6  }
0xa0: {  	v3 =	vld [tilespmem:s12+$0x860];
	[tilespmem:s6+$0x50] =	vst v5;
	v5 =	vadd.f32 v9, v8  }
0xa1: {  	v6 =	vld [tilespmem:s10+$0x860]  }
0xa2: {  	v61 =	vld [tilespmem:s6+$0xFFFFFF70]  }
0xa3: {  	v7 =	vld [tilespmem:s6+$0xF0]  }
0xa4: {  	v62 =	vld [tilespmem:s6+$0xFFFFFFF0];
	v2 =	vadd.f32 v4, v2  }
0xa5: {  	v63 =	vld [tilespmem:s6+$0x70];
	[tilespmem:s6+$0xE0] =	vst v5;
	v1 =	vadd.f32 v3, v1  }
0xa6: {  	v5 =	vld [tilespmem:s25+$0x870];
	[tilespmem:s6+$0xFFFFFF60] =	vst v2;
	v0 =	vadd.f32 v6, v0  }
0xa7: {  	v2 =	vld [tilespmem:s29+$0x870];
	[tilespmem:s6+$0xFFFFFFE0] =	vst v1  }
0xa8: {  	v1 =	vld [tilespmem:s12+$0x870];
	[tilespmem:s6+$0x60] =	vst v0  }
0xa9: {  	v0 =	vld [tilespmem:s10+$0x870];
	_ =	sdelay $0x1  }
0xaa: {  	v5 =	vadd.f32 v5, v7  }
0xab: {  	v2 =	vadd.f32 v2, v61  }
0xac: {  	[tilespmem:s31+$0xF0] =	vst v5;
	v1 =	vadd.f32 v1, v62  }
0xad: {  	[tilespmem:s31+$0xFFFFFF70] =	vst v2;
	v0 =	vadd.f32 v0, v63  }
0xae: {  	[tilespmem:s31+$0xFFFFFFF0] =	vst v1  }
0xaf: {  	[tilespmem:s31+$0x70] =	vst v0  }
0xb0: {  	s20 =	simm.s32 $0xB000;
	s25 =	simm.s32 $0x0;
	s0 =	rddreg [dreg:$0x8]  }
0xb1: {  	[tilespmem:s20], [sflag:$0x1] =	stream.linear.gather [hbm4b:s0+s25], $0x128, $0x38;
	[tilespmem:$0x1DE00] =	vst v63  }
0xb2: {  	s10 =	simm.s32 $0xB180;
	s21 =	rddreg [dreg:$0xa]  }
0xb3: {  	[tilespmem:s10], [sflag:$0x2] =	stream.linear.gather [hbm4b:s21+s25], $0x128, $0x38;
	[tilespmem:$0x1DE00] =	vst v63  }
0xb4: {  	s12 =	simm.s32 $0x1;
	s31 =	simm.s32 $0xB300;
	s29 =	rddreg [dreg:$0xb]  }
0xb5: {  	[tilespmem:s31], [sflag:$0x3] =	stream.linear.gather [hbm4b:s29+s25], $0x128, $0x38;
	[tilespmem:$0x1DE00] =	vst v63  }
0xb6: {  	_ =	swait.ge [sflag:s12], $0x128  }
0xb7: {  	s19 =	simm.s32 $0xB600;
	[sflag:s12] =	ssyncset.done $0x0  }
0xb8: {  	s6 =	simm.s32 $0x18;
	s0 =	simm.s32 $0x80;
	[sflag:s12] =	ssyncadd.s32 $0xFFFFFED8  }
0xb9: {  	[tilespmem:s19], [sflag:$0x5] =	stream.indirect.gather [spmem:s3], $0x80, s20, s0, $0xb8;
	[tilespmem:$0x1DE00] =	vst v63  }
0xba: {  	s21 =	simm.s32 $0xB098;
	s20 =	simm.s32 $0xB080;
	s19 =	simm.s32 $0xF600  }
0xbb: {  	[tilespmem:s19], [sflag:$0x5] =	stream.indirect.gather [spmem:s3], $0x80, s20, s6, $0xb8;
	[tilespmem:$0x1DE00] =	vst v63  }
0xbc: {  	s29 =	simm.s32 $0xB100;
	s12 =	simm.s32 $0x68;
	s20 =	simm.s32 $0x10200  }
0xbd: {  	[tilespmem:s20], [sflag:$0x6] =	stream.indirect.gather [spmem:s3], $0x80, s21, s12, $0xb8;
	[tilespmem:$0x1DE00] =	vst v63  }
0xbe: {  	s31 =	simm.s32 $0x2;
	s19 =	simm.s32 $0x28;
	s21 =	simm.s32 $0x13600  }
0xbf: {  	[tilespmem:s21], [sflag:$0x6] =	stream.indirect.gather [spmem:s3], $0x80, s29, s19, $0xb8;
	[tilespmem:$0x1DE00] =	vst v63  }
0xc0: {  	_ =	swait.ge [sflag:s31], $0x128  }
0xc1: {  	[sflag:s31] =	ssyncset.done $0x0  }
0xc2: {  	[sflag:s31] =	ssyncadd.s32 $0xFFFFFED8  }
0xc3: {  	[tilespmem:s26], [sflag:$0x7] =	stream.indirect.gather [spmem:s3], $0x80, s10, s0, $0xb8;
	[tilespmem:$0x1DE00] =	vst v63  }
0xc4: {  	s20 =	simm.s32 $0x18A00;
	s10 =	simm.s32 $0xB200  }
0xc5: {  	[tilespmem:s20], [sflag:$0x7] =	stream.indirect.gather [spmem:s3], $0x80, s10, s6, $0xb8;
	[tilespmem:$0x1DE00] =	vst v63  }
0xc6: {  	s28 =	simm.s32 $0x18;
	s30 =	simm.s32 $0x68;
	s21 =	simm.s32 $0xB218  }
0xc7: {  	[tilespmem:s8], [sflag:$0x8] =	stream.indirect.gather [spmem:s3], $0x80, s21, s12, $0xb8;
	[tilespmem:$0x1DE00] =	vst v63  }
0xc8: {  	s29 =	simm.s32 $0xB280;
	s31 =	simm.s32 $0x1CA00;
	s21 =	simm.s32 $0x28  }
0xc9: {  	[tilespmem:s31], [sflag:$0x8] =	stream.indirect.gather [spmem:s3], $0x80, s29, s19, $0xb8;
	[tilespmem:$0x1DE00] =	vst v63  }
.LBB2_4:
0xca: {  	_ =	swait.ge [sflag:s24], $0x4000  }
0xcb: {  	[sflag:s24] =	ssyncset.done $0x0  }
0xcc: {  	[sflag:s24] =	ssyncadd.s32 $0xFFFFC000  }
0xcd: {  	_ =	swait.ge [sflag:s24], $0xC00  }
0xce: {  	p0 =	seq.s32 s25, $0x0;
	[sflag:s24] =	ssyncset.done $0x0  }
0xcf: {  	s0 =	simm.s32 @!p0 $0xB;
	[sflag:s24] =	ssyncadd.s32 $0xFFFFF400  }
0xd0: {  	_ =	swait.ge @!p0 [sflag:s0], $0x4C00  }
0xd1: {  	[sflag:s0] =	ssyncset.done @!p0 $0x0  }
0xd2: {  	[sflag:s0] =	ssyncadd.s32 @!p0 $0xFFFFB400;
	s0 =	simm.s32 @!p0 $0x2  }
0xd3: {  	_ =	swait.ge @!p0 [sflag:s0], $0x128  }
0xd4: {  	s6 =	simm.s32 @!p0 $0xB180;
	s10 =	simm.s32 @!p0 $0x14A00;
	[sflag:s0] =	ssyncset.done @!p0 $0x0  }
0xd5: {  	s12 =	simm.s32 @!p0 $0x18A00;
	[sflag:s0] =	ssyncadd.s32 @!p0 $0xFFFFFED8;
	s0 =	simm.s32 @!p0 $0x80  }
0xd6: {  	[tilespmem:s10], [sflag:$0x7] =	stream.indirect.gather @!p0 [spmem:s3], $0x80, s6, s0, $0xb8;
	[tilespmem:$0x1DE00] =	vst v63  }
0xd7: {  	s0 =	simm.s32 @!p0 $0x18;
	s6 =	simm.s32 @!p0 $0xB200;
	s10 =	smul.u32 $0x9400, s25  }
0xd8: {  	[tilespmem:s12], [sflag:$0x7] =	stream.indirect.gather @!p0 [spmem:s3], $0x80, s6, s0, $0xb8;
	[tilespmem:$0x1DE00] =	vst v63  }
0xd9: {  	s19 =	sadd.s32 s10, s15  }
0xda: {  	s0 =	sshrl.u32 s19, $0x3  }
0xdb: {  	s20 =	simm.s32 $0xB480;
	s29 =	simm.s32 $0xB700;
	s0 =	sadd.s32 s5, s0  }
0xdc: {  	[tilespmem:s20], [sflag:$0x4] =	stream.linear.gather [hbm4b:s0+s4], $0x128, $0x38;
	[tilespmem:$0x1DE00] =	vst v63  }
0xdd: {  	s12 =	simm.s32 $0x1D00;
	v0 =	vld [tilespmem:s29+$0x80]  }
0xde: {  	v1 =	vld [tilespmem:s12+$0x80]  }
0xdf: {  	v2 =	vld [tilespmem:s29+$0xFFFFFF80]  }
0xe0: {  	v3 =	vld [tilespmem:s12+$0xFFFFFF80]  }
0xe1: {  	v4 =	vld [tilespmem:s29+$0x0]  }
0xe2: {  	v5 =	vld [tilespmem:s12+$0x0]  }
0xe3: {  	v6 =	vld [tilespmem:s29+$0xFFFFFF00];
	v0 =	vadd.f32 v1, v0  }
0xe4: {  	v1 =	vld [tilespmem:s12+$0xFFFFFF00]  }
0xe5: {  	[tilespmem:s29+$0x80] =	vst v0;
	v0 =	vld [tilespmem:s29+$0x90]  }
0xe6: {  	v2 =	vadd.f32 v3, v2;
	v3 =	vld [tilespmem:s12+$0x90]  }
0xe7: {  	v7 =	vld [tilespmem:s29+$0xFFFFFF10]  }
0xe8: {  	[tilespmem:s29+$0xFFFFFF80] =	vst v2;
	v2 =	vadd.f32 v5, v4;
	v4 =	vld [tilespmem:s29+$0xFFFFFF90]  }
0xe9: {  	v5 =	vld [tilespmem:s12+$0xFFFFFF90];
	v1 =	vadd.f32 v1, v6  }
0xea: {  	[tilespmem:s29+$0x0] =	vst v2;
	v2 =	vld [tilespmem:s29+$0x10]  }
0xeb: {  	v6 =	vld [tilespmem:s12+$0x10];
	[tilespmem:s29+$0xFFFFFF00] =	vst v1;
	v0 =	vadd.f32 v3, v0  }
0xec: {  	v1 =	vld [tilespmem:s12+$0xFFFFFF10]  }
0xed: {  	[tilespmem:s29+$0x90] =	vst v0;
	v0 =	vld [tilespmem:s29+$0xA0]  }
0xee: {  	v3 =	vadd.f32 v5, v4;
	v4 =	vld [tilespmem:s12+$0xA0]  }
0xef: {  	v5 =	vld [tilespmem:s29+$0xFFFFFF20]  }
0xf0: {  	[tilespmem:s29+$0xFFFFFF90] =	vst v3;
	v2 =	vadd.f32 v6, v2;
	v3 =	vld [tilespmem:s29+$0xFFFFFFA0]  }
0xf1: {  	v6 =	vld [tilespmem:s12+$0xFFFFFFA0];
	v1 =	vadd.f32 v1, v7  }
0xf2: {  	[tilespmem:s29+$0x10] =	vst v2;
	v2 =	vld [tilespmem:s29+$0x20]  }
0xf3: {  	v7 =	vld [tilespmem:s12+$0x20];
	[tilespmem:s29+$0xFFFFFF10] =	vst v1;
	v0 =	vadd.f32 v4, v0  }
0xf4: {  	v1 =	vld [tilespmem:s12+$0xFFFFFF20]  }
0xf5: {  	[tilespmem:s29+$0xA0] =	vst v0;
	v0 =	vld [tilespmem:s29+$0xB0]  }
0xf6: {  	v3 =	vadd.f32 v6, v3;
	v4 =	vld [tilespmem:s12+$0xB0]  }
0xf7: {  	v6 =	vld [tilespmem:s29+$0xFFFFFF30]  }
0xf8: {  	[tilespmem:s29+$0xFFFFFFA0] =	vst v3;
	v2 =	vadd.f32 v7, v2;
	v3 =	vld [tilespmem:s29+$0xFFFFFFB0]  }
0xf9: {  	v7 =	vld [tilespmem:s12+$0xFFFFFFB0];
	v1 =	vadd.f32 v1, v5  }
0xfa: {  	[tilespmem:s29+$0x20] =	vst v2;
	v2 =	vld [tilespmem:s29+$0x30]  }
0xfb: {  	v5 =	vld [tilespmem:s12+$0x30];
	[tilespmem:s29+$0xFFFFFF20] =	vst v1;
	v0 =	vadd.f32 v4, v0  }
0xfc: {  	v1 =	vld [tilespmem:s12+$0xFFFFFF30]  }
0xfd: {  	[tilespmem:s29+$0xB0] =	vst v0;
	v0 =	vld [tilespmem:s29+$0xC0]  }
0xfe: {  	v3 =	vadd.f32 v7, v3;
	v4 =	vld [tilespmem:s12+$0xC0]  }
0xff: {  	v7 =	vld [tilespmem:s29+$0xFFFFFF40]  }
0x100: {  	[tilespmem:s29+$0xFFFFFFB0] =	vst v3;
	v2 =	vadd.f32 v5, v2;
	v3 =	vld [tilespmem:s29+$0xFFFFFFC0]  }
0x101: {  	v5 =	vld [tilespmem:s12+$0xFFFFFFC0];
	v1 =	vadd.f32 v1, v6  }
0x102: {  	[tilespmem:s29+$0x30] =	vst v2;
	v2 =	vld [tilespmem:s29+$0x40]  }
0x103: {  	v6 =	vld [tilespmem:s12+$0x40];
	[tilespmem:s29+$0xFFFFFF30] =	vst v1;
	v0 =	vadd.f32 v4, v0  }
0x104: {  	v1 =	vld [tilespmem:s12+$0xFFFFFF40]  }
0x105: {  	[tilespmem:s29+$0xC0] =	vst v0;
	v0 =	vld [tilespmem:s29+$0xD0]  }
0x106: {  	v3 =	vadd.f32 v5, v3;
	v4 =	vld [tilespmem:s12+$0xD0]  }
0x107: {  	v5 =	vld [tilespmem:s29+$0xFFFFFF50]  }
0x108: {  	[tilespmem:s29+$0xFFFFFFC0] =	vst v3;
	v2 =	vadd.f32 v6, v2;
	v3 =	vld [tilespmem:s29+$0xFFFFFFD0]  }
0x109: {  	v6 =	vld [tilespmem:s12+$0xFFFFFFD0];
	v1 =	vadd.f32 v1, v7  }
0x10a: {  	[tilespmem:s29+$0x40] =	vst v2;
	v2 =	vld [tilespmem:s29+$0x50]  }
0x10b: {  	v7 =	vld [tilespmem:s12+$0x50];
	[tilespmem:s29+$0xFFFFFF40] =	vst v1;
	v0 =	vadd.f32 v4, v0  }
0x10c: {  	v1 =	vld [tilespmem:s12+$0xFFFFFF50]  }
0x10d: {  	[tilespmem:s29+$0xD0] =	vst v0;
	v0 =	vld [tilespmem:s29+$0xE0]  }
0x10e: {  	v3 =	vadd.f32 v6, v3;
	v4 =	vld [tilespmem:s12+$0xE0]  }
0x10f: {  	v6 =	vld [tilespmem:s29+$0xFFFFFF60]  }
0x110: {  	[tilespmem:s29+$0xFFFFFFD0] =	vst v3;
	v2 =	vadd.f32 v7, v2;
	v3 =	vld [tilespmem:s29+$0xFFFFFFE0]  }
0x111: {  	v7 =	vld [tilespmem:s12+$0xFFFFFFE0];
	v1 =	vadd.f32 v1, v5  }
0x112: {  	[tilespmem:s29+$0x50] =	vst v2;
	v2 =	vld [tilespmem:s29+$0x60]  }
0x113: {  	v5 =	vld [tilespmem:s12+$0x60];
	[tilespmem:s29+$0xFFFFFF50] =	vst v1;
	v0 =	vadd.f32 v4, v0  }
0x114: {  	v4 =	vld [tilespmem:s12+$0xFFFFFF60]  }
0x115: {  	v8 =	vld [tilespmem:s29+$0xF0];
	[tilespmem:s29+$0xE0] =	vst v0  }
0x116: {  	v1 =	vadd.f32 v7, v3;
	v7 =	vld [tilespmem:s12+$0xF0]  }
0x117: {  	v0 =	vld [tilespmem:s29+$0xFFFFFF70]  }
0x118: {  	[tilespmem:s29+$0xFFFFFFE0] =	vst v1;
	v2 =	vadd.f32 v5, v2;
	v1 =	vld [tilespmem:s29+$0xFFFFFFF0]  }
0x119: {  	v3 =	vld [tilespmem:s12+$0xFFFFFFF0];
	v4 =	vadd.f32 v4, v6  }
0x11a: {  	[tilespmem:s29+$0x60] =	vst v2;
	v2 =	vld [tilespmem:s29+$0x70]  }
0x11b: {  	[tilespmem:s29+$0xFFFFFF60] =	vst v4;
	v4 =	vld [tilespmem:s12+$0x70];
	v6 =	vadd.f32 v7, v8  }
0x11c: {  	s31 =	simm.s32 $0xB900;
	s6 =	sshll.u32 s25, $0x1;
	s20 =	simm.s32 $0x0;
	v5 =	vld [tilespmem:s12+$0xFFFFFF70]  }
.LBB2_5:
0x11d: {  	v7 =	vld [tilespmem:s31+$0x80];
	[tilespmem:s29+$0xF0] =	vst v6;
	s12 =	sadd.s32 $0x200, s12  }
0x11e: {  	s20 =	sadd.s32 $0x4, s20;
	v6 =	vld [tilespmem:s12+$0x80];
	v1 =	vadd.f32 v3, v1  }
0x11f: {  	p1 =	slt.u32 s20, $0x94;
	v3 =	vld [tilespmem:s12+$0xFFFFFF00]  }
0x120: {  	v8 =	vld [tilespmem:s31+$0xFFFFFF80];
	[tilespmem:s29+$0xFFFFFFF0] =	vst v1;
	v1 =	vadd.f32 v4, v2  }
0x121: {  	v2 =	vld [tilespmem:s12+$0xFFFFFF80];
	v0 =	vadd.f32 v5, v0  }
0x122: {  	v4 =	vld [tilespmem:s31+$0x0];
	[tilespmem:s29+$0x70] =	vst v1  }
0x123: {  	v1 =	vld [tilespmem:s12+$0x0];
	v5 =	vadd.f32 v6, v7;
	[tilespmem:s29+$0xFFFFFF70] =	vst v0;
	s29 =	smov.u32 s31  }
0x124: {  	v0 =	vld [tilespmem:s31+$0xFFFFFF00]  }
0x125: {  	[tilespmem:s31+$0x80] =	vst v5;
	v5 =	vld [tilespmem:s31+$0x90]  }
0x126: {  	v2 =	vadd.f32 v2, v8;
	v6 =	vld [tilespmem:s12+$0x90]  }
0x127: {  	v7 =	vld [tilespmem:s31+$0xFFFFFF10]  }
0x128: {  	[tilespmem:s31+$0xFFFFFF80] =	vst v2;
	v2 =	vld [tilespmem:s31+$0xFFFFFF90];
	v1 =	vadd.f32 v1, v4  }
0x129: {  	v0 =	vadd.f32 v3, v0;
	v3 =	vld [tilespmem:s12+$0xFFFFFF90]  }
0x12a: {  	[tilespmem:s31+$0x0] =	vst v1;
	v1 =	vld [tilespmem:s31+$0x10]  }
0x12b: {  	[tilespmem:s31+$0xFFFFFF00] =	vst v0;
	v0 =	vld [tilespmem:s12+$0x10];
	v4 =	vadd.f32 v6, v5  }
0x12c: {  	v5 =	vld [tilespmem:s12+$0xFFFFFF10]  }
0x12d: {  	[tilespmem:s31+$0x90] =	vst v4;
	v4 =	vld [tilespmem:s31+$0xA0]  }
0x12e: {  	v2 =	vadd.f32 v3, v2;
	v3 =	vld [tilespmem:s12+$0xA0]  }
0x12f: {  	v6 =	vld [tilespmem:s31+$0xFFFFFF20]  }
0x130: {  	[tilespmem:s31+$0xFFFFFF90] =	vst v2;
	v2 =	vld [tilespmem:s31+$0xFFFFFFA0];
	v0 =	vadd.f32 v0, v1  }
0x131: {  	v1 =	vadd.f32 v5, v7;
	v5 =	vld [tilespmem:s12+$0xFFFFFFA0]  }
0x132: {  	[tilespmem:s31+$0x10] =	vst v0;
	v0 =	vld [tilespmem:s31+$0x20]  }
0x133: {  	[tilespmem:s31+$0xFFFFFF10] =	vst v1;
	v1 =	vld [tilespmem:s12+$0x20];
	v3 =	vadd.f32 v3, v4  }
0x134: {  	v4 =	vld [tilespmem:s12+$0xFFFFFF20]  }
0x135: {  	[tilespmem:s31+$0xA0] =	vst v3;
	v3 =	vld [tilespmem:s31+$0xB0]  }
0x136: {  	v2 =	vadd.f32 v5, v2;
	v5 =	vld [tilespmem:s12+$0xB0]  }
0x137: {  	v7 =	vld [tilespmem:s31+$0xFFFFFF30]  }
0x138: {  	[tilespmem:s31+$0xFFFFFFA0] =	vst v2;
	v2 =	vld [tilespmem:s31+$0xFFFFFFB0];
	v0 =	vadd.f32 v1, v0  }
0x139: {  	v1 =	vadd.f32 v4, v6;
	v4 =	vld [tilespmem:s12+$0xFFFFFFB0]  }
0x13a: {  	[tilespmem:s31+$0x20] =	vst v0;
	v0 =	vld [tilespmem:s31+$0x30]  }
0x13b: {  	[tilespmem:s31+$0xFFFFFF20] =	vst v1;
	v1 =	vld [tilespmem:s12+$0x30];
	v3 =	vadd.f32 v5, v3  }
0x13c: {  	v5 =	vld [tilespmem:s12+$0xFFFFFF30]  }
0x13d: {  	[tilespmem:s31+$0xB0] =	vst v3;
	v3 =	vld [tilespmem:s31+$0xC0]  }
0x13e: {  	v2 =	vadd.f32 v4, v2;
	v4 =	vld [tilespmem:s12+$0xC0]  }
0x13f: {  	v6 =	vld [tilespmem:s31+$0xFFFFFF40]  }
0x140: {  	[tilespmem:s31+$0xFFFFFFB0] =	vst v2;
	v2 =	vld [tilespmem:s31+$0xFFFFFFC0];
	v0 =	vadd.f32 v1, v0  }
0x141: {  	v1 =	vadd.f32 v5, v7;
	v5 =	vld [tilespmem:s12+$0xFFFFFFC0]  }
0x142: {  	[tilespmem:s31+$0x30] =	vst v0;
	v0 =	vld [tilespmem:s31+$0x40]  }
0x143: {  	[tilespmem:s31+$0xFFFFFF30] =	vst v1;
	v1 =	vld [tilespmem:s12+$0x40];
	v3 =	vadd.f32 v4, v3  }
0x144: {  	v4 =	vld [tilespmem:s12+$0xFFFFFF40]  }
0x145: {  	[tilespmem:s31+$0xC0] =	vst v3;
	v3 =	vld [tilespmem:s31+$0xD0]  }
0x146: {  	v2 =	vadd.f32 v5, v2;
	v5 =	vld [tilespmem:s12+$0xD0]  }
0x147: {  	v7 =	vld [tilespmem:s31+$0xFFFFFF50]  }
0x148: {  	[tilespmem:s31+$0xFFFFFFC0] =	vst v2;
	v2 =	vld [tilespmem:s31+$0xFFFFFFD0];
	v0 =	vadd.f32 v1, v0  }
0x149: {  	v1 =	vadd.f32 v4, v6;
	v4 =	vld [tilespmem:s12+$0xFFFFFFD0]  }
0x14a: {  	[tilespmem:s31+$0x40] =	vst v0;
	v0 =	vld [tilespmem:s31+$0x50]  }
0x14b: {  	[tilespmem:s31+$0xFFFFFF40] =	vst v1;
	v1 =	vld [tilespmem:s12+$0x50];
	v3 =	vadd.f32 v5, v3  }
0x14c: {  	v5 =	vld [tilespmem:s12+$0xFFFFFF50]  }
0x14d: {  	[tilespmem:s31+$0xD0] =	vst v3;
	v3 =	vld [tilespmem:s31+$0xE0]  }
0x14e: {  	v2 =	vadd.f32 v4, v2;
	v4 =	vld [tilespmem:s12+$0xE0]  }
0x14f: {  	v6 =	vld [tilespmem:s31+$0xFFFFFF60]  }
0x150: {  	[tilespmem:s31+$0xFFFFFFD0] =	vst v2;
	v2 =	vld [tilespmem:s31+$0xFFFFFFE0];
	v0 =	vadd.f32 v1, v0  }
0x151: {  	v1 =	vadd.f32 v5, v7;
	v5 =	vld [tilespmem:s12+$0xFFFFFFE0]  }
0x152: {  	[tilespmem:s31+$0x50] =	vst v0;
	v7 =	vld [tilespmem:s31+$0x60]  }
0x153: {  	[tilespmem:s31+$0xFFFFFF50] =	vst v1;
	v8 =	vld [tilespmem:s12+$0x60];
	v0 =	vadd.f32 v4, v3  }
0x154: {  	v3 =	vld [tilespmem:s12+$0xFFFFFF60]  }
0x155: {  	[tilespmem:s31+$0xE0] =	vst v0;
	v9 =	vld [tilespmem:s31+$0xF0]  }
0x156: {  	v1 =	vadd.f32 v5, v2;
	v5 =	vld [tilespmem:s12+$0xF0]  }
0x157: {  	v0 =	vld [tilespmem:s31+$0xFFFFFF70]  }
.Ltmp1:
0x158: {  	[tilespmem:s31+$0xFFFFFFE0] =	vst v1;
	v1 =	vld [tilespmem:s31+$0xFFFFFFF0];
	v2 =	vadd.f32 v8, v7;
	(pc) =	sbr.rel @p1 .LBB2_5-.Ltmp1, $4  }
0x159: {  	v4 =	vadd.f32 v3, v6;
	v3 =	vld [tilespmem:s12+$0xFFFFFFF0]  }
0x15a: {  	[tilespmem:s31+$0x60] =	vst v2;
	v2 =	vld [tilespmem:s31+$0x70]  }
0x15b: {  	[tilespmem:s31+$0xFFFFFF60] =	vst v4;
	v4 =	vld [tilespmem:s12+$0x70];
	v6 =	vadd.f32 v5, v9  }
0x15c: {  	s31 =	sadd.s32 $0x200, s31;
	v5 =	vld [tilespmem:s12+$0xFFFFFF70]  }
0x15d: {  	_ =	sdelay $0x1  }
0x15e: {  	v1 =	vadd.f32 v3, v1  }
0x15f: {  	[tilespmem:s29+$0xF0] =	vst v6;
	v2 =	vadd.f32 v4, v2  }
0x160: {  	s0 =	sadd.s32 s7, s10;
	[tilespmem:s29+$0xFFFFFFF0] =	vst v1;
	v0 =	vadd.f32 v5, v0  }
0x161: {  	s12 =	sshll.u32 s0, $0x4;
	[tilespmem:s29+$0x70] =	vst v2  }
0x162: {  	s19 =	simm.s32 $0xB600;
	s0 =	sadd.s32 s2, s12;
	[tilespmem:s29+$0xFFFFFF70] =	vst v0  }
0x163: {  	[hbm4b:s0+s4] =	stream.linear.scatter [tilespmem:s19], [sflag:$0x9], $0x4C00, $0x38;
	[tilespmem:$0x1DE00] =	vst v63  }
0x164: {  	_ =	swait.ge [sflag:s13], $0x3400  }
0x165: {  	[sflag:s13] =	ssyncset.done $0x0  }
0x166: {  	[sflag:s13] =	ssyncadd.s32 $0xFFFFCC00  }
0x167: {  	_ =	swait.ge [sflag:s13], $0x1400  }
0x168: {  	[sflag:s13] =	ssyncset.done $0x0  }
0x169: {  	s0 =	simm.s32 @!p0 $0xC;
	[sflag:s13] =	ssyncadd.s32 $0xFFFFEC00  }
0x16a: {  	_ =	swait.ge @!p0 [sflag:s0], $0x4800  }
0x16b: {  	s20 =	simm.s32 @!p0 $0x19600;
	s29 =	simm.s32 $0x0;
	[sflag:s0] =	ssyncset.done @!p0 $0x0  }
0x16c: {  	s19 =	simm.s32 @!p0 $0xB218;
	[sflag:s0] =	ssyncadd.s32 @!p0 $0xFFFFB800;
	s0 =	simm.s32 @!p0 $0x68  }
0x16d: {  	[tilespmem:s20], [sflag:$0x8] =	stream.indirect.gather @!p0 [spmem:s3], $0x80, s19, s0, $0xb8;
	[tilespmem:$0x1DE00] =	vst v63  }
0x16e: {  	s0 =	simm.s32 @!p0 $0x28;
	s19 =	simm.s32 @!p0 $0xB280;
	s20 =	simm.s32 @!p0 $0x1CA00  }
0x16f: {  	[tilespmem:s20], [sflag:$0x8] =	stream.indirect.gather @!p0 [spmem:s3], $0x80, s19, s0, $0xb8;
	[tilespmem:$0x1DE00] =	vst v63  }
0x170: {  	v0 =	vld [tilespmem:s29+$0x10200]  }
0x171: {  	v1 =	vld [tilespmem:s29+$0x6800]  }
0x172: {  	v2 =	vld [tilespmem:s29+$0x10210]  }
0x173: {  	v3 =	vld [tilespmem:s29+$0x6810]  }
0x174: {  	v4 =	vld [tilespmem:s29+$0x10220]  }
0x175: {  	v5 =	vld [tilespmem:s29+$0x6820]  }
0x176: {  	v6 =	vld [tilespmem:s29+$0x6830]  }
0x177: {  	v7 =	vld [tilespmem:s29+$0x103F0]  }
0x178: {  	v8 =	vld [tilespmem:s29+$0x69F0]  }
0x179: {  	v9 =	vld [tilespmem:s29+$0x6860]  }
0x17a: {  	v10 =	vld [tilespmem:s29+$0x10280]  }
0x17b: {  	v11 =	vld [tilespmem:s29+$0x6880]  }
0x17c: {  	v12 =	vld [tilespmem:s29+$0x10290]  }
0x17d: {  	v13 =	vld [tilespmem:s29+$0x6890]  }
0x17e: {  	v14 =	vld [tilespmem:s29+$0x102A0]  }
0x17f: {  	v45 =	vld [tilespmem:s29+$0x102B0]  }
0x180: {  	v15 =	vld [tilespmem:s29+$0x10270]  }
0x181: {  	v47 =	vld [tilespmem:s29+$0x102C0]  }
0x182: {  	v48 =	vld [tilespmem:s29+$0x68C0]  }
0x183: {  	v16 =	vld [tilespmem:s29+$0x6870]  }
0x184: {  	v49 =	vld [tilespmem:s29+$0x102D0]  }
0x185: {  	v17 =	vld [tilespmem:s29+$0x68D0]  }
0x186: {  	v18 =	vld [tilespmem:s29+$0x10300]  }
0x187: {  	v19 =	vld [tilespmem:s29+$0x6900]  }
0x188: {  	v20 =	vld [tilespmem:s29+$0x10310]  }
0x189: {  	v21 =	vld [tilespmem:s29+$0x6910]  }
0x18a: {  	v22 =	vld [tilespmem:s29+$0x10320]  }
0x18b: {  	v50 =	vld [tilespmem:s29+$0x6920]  }
0x18c: {  	v51 =	vld [tilespmem:s29+$0x10330]  }
0x18d: {  	v23 =	vld [tilespmem:s29+$0x102E0]  }
0x18e: {  	v53 =	vld [tilespmem:s29+$0x10340]  }
0x18f: {  	v0 =	vadd.f32 v1, v0;
	v1 =	vld [tilespmem:s29+$0x10230]  }
0x190: {  	v54 =	vld [tilespmem:s29+$0x6940]  }
0x191: {  	v55 =	vld [tilespmem:s29+$0x68E0]  }
0x192: {  	v56 =	vld [tilespmem:s29+$0x10350];
	v10 =	vadd.f32 v11, v10  }
0x193: {  	v46 =	vadd.f32 v13, v12;
	[tilespmem:s29+$0x10200] =	vst v0;
	v0 =	vadd.f32 v3, v2;
	v2 =	vld [tilespmem:s29+$0x10240]  }
0x194: {  	[tilespmem:s29+$0x10280] =	vst v10;
	v1 =	vadd.f32 v6, v1;
	v6 =	vld [tilespmem:s29+$0x68A0]  }
0x195: {  	v18 =	vadd.f32 v19, v18;
	v3 =	vld [tilespmem:s29+$0x6840];
	[tilespmem:s29+$0x10290] =	vst v46  }
0x196: {  	v52 =	vadd.f32 v21, v20;
	[tilespmem:s29+$0x10210] =	vst v0;
	v0 =	vadd.f32 v5, v4;
	v4 =	vld [tilespmem:s29+$0x10250]  }
0x197: {  	[tilespmem:s29+$0x10300] =	vst v18;
	v5 =	vld [tilespmem:s29+$0x6850]  }
0x198: {  	v57 =	vld [tilespmem:s29+$0x102F0];
	v7 =	vadd.f32 v8, v7;
	[tilespmem:s29+$0x10310] =	vst v52  }
0x199: {  	[tilespmem:s29+$0x10220] =	vst v0;
	v0 =	vld [tilespmem:s29+$0x10260];
	v6 =	vadd.f32 v6, v14  }
0x19a: {  	v58 =	vld [tilespmem:s29+$0x10360];
	[tilespmem:s29+$0x103F0] =	vst v7  }
0x19b: {  	v2 =	vadd.f32 v3, v2;
	[tilespmem:s29+$0x102A0] =	vst v6;
	v6 =	vld [tilespmem:s29+$0x6930]  }
0x19c: {  	[tilespmem:s29+$0x10230] =	vst v1;
	v1 =	vld [tilespmem:s29+$0x68B0];
	v4 =	vadd.f32 v5, v4  }
0x19d: {  	v59 =	vld [tilespmem:s29+$0x6960];
	[tilespmem:s29+$0x10240] =	vst v2;
	v14 =	vadd.f32 v50, v22  }
0x19e: {  	v5 =	vld [tilespmem:s29+$0x10380];
	v0 =	vadd.f32 v9, v0;
	[tilespmem:s29+$0x10250] =	vst v4  }
0x19f: {  	v2 =	vld [tilespmem:s29+$0x6980];
	v4 =	vadd.f32 v16, v15;
	[tilespmem:s29+$0x10320] =	vst v14  }
0x1a0: {  	v60 =	vld [tilespmem:s29+$0x6990];
	[tilespmem:s29+$0x10260] =	vst v0;
	v6 =	vadd.f32 v6, v51  }
0x1a1: {  	v7 =	vld [tilespmem:s29+$0x10390];
	v1 =	vadd.f32 v1, v45;
	[tilespmem:s29+$0x10270] =	vst v4  }
0x1a2: {  	v0 =	vadd.f32 v48, v47;
	[tilespmem:s29+$0x10330] =	vst v6;
	v6 =	vld [tilespmem:s29+$0x68F0]  }
0x1a3: {  	v61 =	vld [tilespmem:s29+$0x103A0];
	v4 =	vadd.f32 v17, v49;
	[tilespmem:s29+$0x102B0] =	vst v1  }
0x1a4: {  	v63 =	vld [tilespmem:s29+$0x6970];
	v2 =	vadd.f32 v2, v5;
	[tilespmem:s29+$0x102C0] =	vst v0  }
0x1a5: {  	v1 =	vld [tilespmem:s29+$0x6950];
	v0 =	vadd.f32 v55, v23;
	[tilespmem:s29+$0x102D0] =	vst v4  }
0x1a6: {  	v3 =	vld [tilespmem:s29+$0x10370];
	[tilespmem:s29+$0x10380] =	vst v2;
	v2 =	vadd.f32 v60, v7  }
0x1a7: {  	v62 =	vld [tilespmem:s29+$0x69A0];
	[tilespmem:s29+$0x102E0] =	vst v0;
	v0 =	vadd.f32 v6, v57  }
0x1a8: {  	v5 =	vld [tilespmem:s29+$0x69B0];
	[tilespmem:s29+$0x10390] =	vst v2;
	v6 =	vadd.f32 v54, v53  }
0x1a9: {  	v4 =	vld [tilespmem:s29+$0x103B0];
	v7 =	vadd.f32 v59, v58;
	[tilespmem:s29+$0x102F0] =	vst v0  }
0x1aa: {  	v0 =	vld [tilespmem:s29+$0x103C0];
	[tilespmem:s29+$0x10340] =	vst v6;
	v6 =	vadd.f32 v1, v56  }
0x1ab: {  	[tilespmem:s29+$0x10360] =	vst v7;
	v7 =	vadd.f32 v63, v3;
	v1 =	vld [tilespmem:s29+$0x69C0]  }
0x1ac: {  	v2 =	vld [tilespmem:s29+$0x103D0];
	[tilespmem:s29+$0x10350] =	vst v6;
	v6 =	vadd.f32 v62, v61  }
0x1ad: {  	v3 =	vld [tilespmem:s29+$0x69D0];
	[tilespmem:s29+$0x10370] =	vst v7  }
0x1ae: {  	s31 =	simm.s32 $0x800;
	s20 =	simm.s32 $0x98;
	v5 =	vadd.f32 v5, v4;
	v4 =	vld [tilespmem:s29+$0x103E0];
	[tilespmem:s29+$0x103A0] =	vst v6  }
.LBB2_7:
0x1af: {  	s0 =	sshra.s32 s31, $0x2;
	v6 =	vld [tilespmem:s29+$0x69E0]  }
0x1b0: {  	s20 =	sadd.s32 $0x4, s20;
	v7 =	vld [tilespmem:s0+$0x103F0];
	[tilespmem:s29+$0x103B0] =	vst v5;
	v0 =	vadd.f32 v1, v0  }
0x1b1: {  	p0 =	slt.u32 s20, $0x124;
	v1 =	vld [tilespmem:s0+$0x69F0]  }
0x1b2: {  	v5 =	vld [tilespmem:s0+$0x10200];
	[tilespmem:s29+$0x103C0] =	vst v0;
	v0 =	vadd.f32 v3, v2  }
0x1b3: {  	v2 =	vld [tilespmem:s0+$0x6800]  }
0x1b4: {  	v3 =	vld [tilespmem:s0+$0x10210];
	[tilespmem:s29+$0x103D0] =	vst v0;
	v0 =	vadd.f32 v6, v4  }
0x1b5: {  	v4 =	vld [tilespmem:s0+$0x6810]  }
0x1b6: {  	v6 =	vld [tilespmem:s0+$0x10220];
	v1 =	vadd.f32 v1, v7;
	[tilespmem:s29+$0x103E0] =	vst v0;
	s29 =	smov.u32 s0  }
0x1b7: {  	v0 =	vld [tilespmem:s29+$0x6820]  }
0x1b8: {  	v2 =	vadd.f32 v2, v5;
	v5 =	vld [tilespmem:s29+$0x10230];
	[tilespmem:s29+$0x103F0] =	vst v1  }
0x1b9: {  	v1 =	vld [tilespmem:s29+$0x6830]  }
0x1ba: {  	[tilespmem:s29+$0x10200] =	vst v2;
	v2 =	vadd.f32 v4, v3;
	v3 =	vld [tilespmem:s29+$0x10240]  }
0x1bb: {  	v4 =	vld [tilespmem:s29+$0x6840]  }
0x1bc: {  	[tilespmem:s29+$0x10210] =	vst v2;
	v0 =	vadd.f32 v0, v6;
	v2 =	vld [tilespmem:s29+$0x10250]  }
0x1bd: {  	v6 =	vld [tilespmem:s29+$0x6850]  }
0x1be: {  	[tilespmem:s29+$0x10220] =	vst v0;
	v0 =	vadd.f32 v1, v5;
	v1 =	vld [tilespmem:s29+$0x10260]  }
0x1bf: {  	v5 =	vld [tilespmem:s29+$0x6860]  }
0x1c0: {  	[tilespmem:s29+$0x10230] =	vst v0;
	v0 =	vadd.f32 v4, v3;
	v3 =	vld [tilespmem:s29+$0x10270]  }
0x1c1: {  	v4 =	vld [tilespmem:s29+$0x6870]  }
0x1c2: {  	[tilespmem:s29+$0x10240] =	vst v0;
	v0 =	vadd.f32 v6, v2;
	v2 =	vld [tilespmem:s29+$0x10280]  }
0x1c3: {  	v6 =	vld [tilespmem:s29+$0x6880]  }
0x1c4: {  	[tilespmem:s29+$0x10250] =	vst v0;
	v0 =	vadd.f32 v5, v1;
	v1 =	vld [tilespmem:s29+$0x10290]  }
0x1c5: {  	v5 =	vld [tilespmem:s29+$0x6890]  }
0x1c6: {  	[tilespmem:s29+$0x10260] =	vst v0;
	v0 =	vadd.f32 v4, v3;
	v3 =	vld [tilespmem:s29+$0x102A0]  }
0x1c7: {  	v4 =	vld [tilespmem:s29+$0x68A0]  }
0x1c8: {  	[tilespmem:s29+$0x10270] =	vst v0;
	v0 =	vadd.f32 v6, v2;
	v2 =	vld [tilespmem:s29+$0x102B0]  }
0x1c9: {  	v6 =	vld [tilespmem:s29+$0x68B0]  }
0x1ca: {  	[tilespmem:s29+$0x10280] =	vst v0;
	v0 =	vadd.f32 v5, v1;
	v1 =	vld [tilespmem:s29+$0x102C0]  }
0x1cb: {  	v5 =	vld [tilespmem:s29+$0x68C0]  }
0x1cc: {  	[tilespmem:s29+$0x10290] =	vst v0;
	v0 =	vadd.f32 v4, v3;
	v3 =	vld [tilespmem:s29+$0x102D0]  }
0x1cd: {  	v4 =	vld [tilespmem:s29+$0x68D0]  }
0x1ce: {  	[tilespmem:s29+$0x102A0] =	vst v0;
	v0 =	vadd.f32 v6, v2;
	v2 =	vld [tilespmem:s29+$0x102E0]  }
0x1cf: {  	v6 =	vld [tilespmem:s29+$0x68E0]  }
0x1d0: {  	[tilespmem:s29+$0x102B0] =	vst v0;
	v0 =	vadd.f32 v5, v1;
	v1 =	vld [tilespmem:s29+$0x102F0]  }
0x1d1: {  	v5 =	vld [tilespmem:s29+$0x68F0]  }
0x1d2: {  	[tilespmem:s29+$0x102C0] =	vst v0;
	v0 =	vadd.f32 v4, v3;
	v3 =	vld [tilespmem:s29+$0x10300]  }
0x1d3: {  	v4 =	vld [tilespmem:s29+$0x6900]  }
0x1d4: {  	[tilespmem:s29+$0x102D0] =	vst v0;
	v0 =	vadd.f32 v6, v2;
	v2 =	vld [tilespmem:s29+$0x10310]  }
0x1d5: {  	v6 =	vld [tilespmem:s29+$0x6910]  }
0x1d6: {  	[tilespmem:s29+$0x102E0] =	vst v0;
	v0 =	vadd.f32 v5, v1;
	v1 =	vld [tilespmem:s29+$0x10320]  }
0x1d7: {  	v5 =	vld [tilespmem:s29+$0x6920]  }
0x1d8: {  	[tilespmem:s29+$0x102F0] =	vst v0;
	v0 =	vadd.f32 v4, v3;
	v3 =	vld [tilespmem:s29+$0x10330]  }
0x1d9: {  	v4 =	vld [tilespmem:s29+$0x6930]  }
0x1da: {  	[tilespmem:s29+$0x10300] =	vst v0;
	v0 =	vadd.f32 v6, v2;
	v2 =	vld [tilespmem:s29+$0x10340]  }
0x1db: {  	v6 =	vld [tilespmem:s29+$0x6940]  }
0x1dc: {  	[tilespmem:s29+$0x10310] =	vst v0;
	v0 =	vadd.f32 v5, v1;
	v1 =	vld [tilespmem:s29+$0x10350]  }
0x1dd: {  	v5 =	vld [tilespmem:s29+$0x6950]  }
0x1de: {  	[tilespmem:s29+$0x10320] =	vst v0;
	v0 =	vadd.f32 v4, v3;
	v3 =	vld [tilespmem:s29+$0x10360]  }
0x1df: {  	v4 =	vld [tilespmem:s29+$0x6960]  }
0x1e0: {  	[tilespmem:s29+$0x10330] =	vst v0;
	v0 =	vadd.f32 v6, v2;
	v2 =	vld [tilespmem:s29+$0x10370]  }
0x1e1: {  	v6 =	vld [tilespmem:s29+$0x6970]  }
0x1e2: {  	[tilespmem:s29+$0x10340] =	vst v0;
	v0 =	vadd.f32 v5, v1;
	v1 =	vld [tilespmem:s29+$0x10380]  }
0x1e3: {  	v5 =	vld [tilespmem:s29+$0x6980]  }
0x1e4: {  	[tilespmem:s29+$0x10350] =	vst v0;
	v0 =	vadd.f32 v4, v3;
	v3 =	vld [tilespmem:s29+$0x10390]  }
0x1e5: {  	v4 =	vld [tilespmem:s29+$0x6990]  }
0x1e6: {  	[tilespmem:s29+$0x10360] =	vst v0;
	v0 =	vadd.f32 v6, v2;
	v2 =	vld [tilespmem:s29+$0x103A0]  }
0x1e7: {  	v6 =	vld [tilespmem:s29+$0x69A0]  }
0x1e8: {  	[tilespmem:s29+$0x10370] =	vst v0;
	v0 =	vadd.f32 v5, v1;
	v5 =	vld [tilespmem:s29+$0x103B0]  }
0x1e9: {  	v7 =	vld [tilespmem:s29+$0x69B0]  }
.Ltmp2:
0x1ea: {  	[tilespmem:s29+$0x10380] =	vst v0;
	v3 =	vadd.f32 v4, v3;
	v0 =	vld [tilespmem:s29+$0x103C0];
	(pc) =	sbr.rel @p0 .LBB2_7-.Ltmp2, $4  }
0x1eb: {  	v1 =	vld [tilespmem:s29+$0x69C0]  }
0x1ec: {  	[tilespmem:s29+$0x10390] =	vst v3;
	v4 =	vadd.f32 v6, v2;
	v2 =	vld [tilespmem:s29+$0x103D0]  }
0x1ed: {  	v3 =	vld [tilespmem:s29+$0x69D0]  }
0x1ee: {  	s31 =	sadd.s32 $0x800, s31;
	[tilespmem:s29+$0x103A0] =	vst v4;
	v5 =	vadd.f32 v7, v5;
	v4 =	vld [tilespmem:s29+$0x103E0]  }
0x1ef: {  	v6 =	vld [tilespmem:s29+$0x69E0];
	_ =	sdelay $0x2  }
0x1f0: {  	v0 =	vadd.f32 v1, v0  }
0x1f1: {  	[tilespmem:s29+$0x103B0] =	vst v5;
	v1 =	vadd.f32 v3, v2  }
0x1f2: {  	[tilespmem:s29+$0x103C0] =	vst v0;
	v0 =	vadd.f32 v6, v4  }
0x1f3: {  	[tilespmem:s29+$0x103D0] =	vst v1  }
0x1f4: {  	s0 =	sadd.s32 s12, s16;
	s19 =	simm.s32 $0x10200;
	[tilespmem:s29+$0x103E0] =	vst v0  }
0x1f5: {  	[hbm4b:s0+s4] =	stream.linear.scatter [tilespmem:s19], [sflag:$0xA], $0x4800, $0x38;
	[tilespmem:$0x1DE00] =	vst v63  }
0x1f6: {  	_ =	swait.ge [sflag:s14], $0x4000  }
0x1f7: {  	[sflag:s14] =	ssyncset.done $0x0  }
0x1f8: {  	[sflag:s14] =	ssyncadd.s32 $0xFFFFC000  }
0x1f9: {  	_ =	swait.ge [sflag:s14], $0xC00  }
0x1fa: {  	[sflag:s14] =	ssyncset.done $0x0  }
0x1fb: {  	[sflag:s14] =	ssyncadd.s32 $0xFFFFF400  }
0x1fc: {  	_ =	swait.ge [sflag:s18], $0x4C00  }
0x1fd: {  	[sflag:s18] =	ssyncset.done $0x0  }
0x1fe: {  	s20 =	simm.s32 $0x3;
	[sflag:s18] =	ssyncadd.s32 $0xFFFFB400  }
0x1ff: {  	s12 =	simm.s32 $0xB600;
	_ =	swait.ge [sflag:s20], $0x128  }
0x200: {  	p0 =	seq.s32 s25, $0xF;
	s19 =	simm.s32 $0xB300;
	[sflag:s20] =	ssyncset.done $0x0  }
0x201: {  	s0 =	sadd.s32 @!p0 s10, s17;
	[sflag:s20] =	ssyncadd.s32 $0xFFFFFED8;
	s20 =	simm.s32 $0x80  }
0x202: {  	[tilespmem:s12], [sflag:$0x5] =	stream.indirect.gather [spmem:s3], $0x80, s19, s20, $0xb8;
	[tilespmem:$0x1DE00] =	vst v63  }
0x203: {  	s0 =	sshrl.u32 @!p0 s0, $0x3;
	s19 =	simm.s32 $0xF600;
	s20 =	simm.s32 $0xB380  }
0x204: {  	[tilespmem:s19], [sflag:$0x5] =	stream.indirect.gather [spmem:s3], $0x80, s20, s28, $0xb8;
	[tilespmem:$0x1DE00] =	vst v63  }
0x205: {  	s0 =	sadd.s32 @!p0 s5, s0;
	s12 =	simm.s32 @!p0 $0x0;
	s19 =	simm.s32 @!p0 $0xB000  }
0x206: {  	[tilespmem:s19], [sflag:$0x1] =	stream.linear.gather @!p0 [hbm4b:s0+s12], $0x128, $0x38;
	[tilespmem:$0x1DE00] =	vst v63  }
0x207: {  	s12 =	simm.s32 $0x14B00  }
0x208: {  	s29 =	simm.s32 $0x1D00;
	v0 =	vld [tilespmem:s12+$0x80]  }
0x209: {  	v1 =	vld [tilespmem:s29+$0x80]  }
0x20a: {  	v2 =	vld [tilespmem:s12+$0xFFFFFF80]  }
0x20b: {  	v3 =	vld [tilespmem:s29+$0xFFFFFF80]  }
0x20c: {  	v4 =	vld [tilespmem:s12+$0x0]  }
0x20d: {  	v5 =	vld [tilespmem:s29+$0x0]  }
0x20e: {  	v6 =	vld [tilespmem:s12+$0xFFFFFF00];
	v0 =	vadd.f32 v1, v0  }
0x20f: {  	v1 =	vld [tilespmem:s29+$0xFFFFFF00]  }
0x210: {  	[tilespmem:s12+$0x80] =	vst v0;
	v0 =	vld [tilespmem:s12+$0x90]  }
0x211: {  	v2 =	vadd.f32 v3, v2;
	v3 =	vld [tilespmem:s29+$0x90]  }
0x212: {  	v7 =	vld [tilespmem:s12+$0xFFFFFF10]  }
0x213: {  	[tilespmem:s12+$0xFFFFFF80] =	vst v2;
	v2 =	vadd.f32 v5, v4;
	v4 =	vld [tilespmem:s12+$0xFFFFFF90]  }
0x214: {  	v5 =	vld [tilespmem:s29+$0xFFFFFF90];
	v1 =	vadd.f32 v1, v6  }
0x215: {  	[tilespmem:s12+$0x0] =	vst v2;
	v2 =	vld [tilespmem:s12+$0x10]  }
0x216: {  	v6 =	vld [tilespmem:s29+$0x10];
	[tilespmem:s12+$0xFFFFFF00] =	vst v1;
	v0 =	vadd.f32 v3, v0  }
0x217: {  	v1 =	vld [tilespmem:s29+$0xFFFFFF10]  }
0x218: {  	[tilespmem:s12+$0x90] =	vst v0;
	v0 =	vld [tilespmem:s12+$0xA0]  }
0x219: {  	v3 =	vadd.f32 v5, v4;
	v4 =	vld [tilespmem:s29+$0xA0]  }
0x21a: {  	v5 =	vld [tilespmem:s12+$0xFFFFFF20]  }
0x21b: {  	[tilespmem:s12+$0xFFFFFF90] =	vst v3;
	v2 =	vadd.f32 v6, v2;
	v3 =	vld [tilespmem:s12+$0xFFFFFFA0]  }
0x21c: {  	v6 =	vld [tilespmem:s29+$0xFFFFFFA0];
	v1 =	vadd.f32 v1, v7  }
0x21d: {  	[tilespmem:s12+$0x10] =	vst v2;
	v2 =	vld [tilespmem:s12+$0x20]  }
0x21e: {  	v7 =	vld [tilespmem:s29+$0x20];
	[tilespmem:s12+$0xFFFFFF10] =	vst v1;
	v0 =	vadd.f32 v4, v0  }
0x21f: {  	v1 =	vld [tilespmem:s29+$0xFFFFFF20]  }
0x220: {  	[tilespmem:s12+$0xA0] =	vst v0;
	v0 =	vld [tilespmem:s12+$0xB0]  }
0x221: {  	v3 =	vadd.f32 v6, v3;
	v4 =	vld [tilespmem:s29+$0xB0]  }
0x222: {  	v6 =	vld [tilespmem:s12+$0xFFFFFF30]  }
0x223: {  	[tilespmem:s12+$0xFFFFFFA0] =	vst v3;
	v2 =	vadd.f32 v7, v2;
	v3 =	vld [tilespmem:s12+$0xFFFFFFB0]  }
0x224: {  	v7 =	vld [tilespmem:s29+$0xFFFFFFB0];
	v1 =	vadd.f32 v1, v5  }
0x225: {  	[tilespmem:s12+$0x20] =	vst v2;
	v2 =	vld [tilespmem:s12+$0x30]  }
0x226: {  	v5 =	vld [tilespmem:s29+$0x30];
	[tilespmem:s12+$0xFFFFFF20] =	vst v1;
	v0 =	vadd.f32 v4, v0  }
0x227: {  	v1 =	vld [tilespmem:s29+$0xFFFFFF30]  }
0x228: {  	[tilespmem:s12+$0xB0] =	vst v0;
	v0 =	vld [tilespmem:s12+$0xC0]  }
0x229: {  	v3 =	vadd.f32 v7, v3;
	v4 =	vld [tilespmem:s29+$0xC0]  }
0x22a: {  	v7 =	vld [tilespmem:s12+$0xFFFFFF40]  }
0x22b: {  	[tilespmem:s12+$0xFFFFFFB0] =	vst v3;
	v2 =	vadd.f32 v5, v2;
	v3 =	vld [tilespmem:s12+$0xFFFFFFC0]  }
0x22c: {  	v5 =	vld [tilespmem:s29+$0xFFFFFFC0];
	v1 =	vadd.f32 v1, v6  }
0x22d: {  	[tilespmem:s12+$0x30] =	vst v2;
	v2 =	vld [tilespmem:s12+$0x40]  }
0x22e: {  	v6 =	vld [tilespmem:s29+$0x40];
	[tilespmem:s12+$0xFFFFFF30] =	vst v1;
	v0 =	vadd.f32 v4, v0  }
0x22f: {  	v1 =	vld [tilespmem:s29+$0xFFFFFF40]  }
0x230: {  	[tilespmem:s12+$0xC0] =	vst v0;
	v0 =	vld [tilespmem:s12+$0xD0]  }
0x231: {  	v3 =	vadd.f32 v5, v3;
	v4 =	vld [tilespmem:s29+$0xD0]  }
0x232: {  	v5 =	vld [tilespmem:s12+$0xFFFFFF50]  }
0x233: {  	[tilespmem:s12+$0xFFFFFFC0] =	vst v3;
	v2 =	vadd.f32 v6, v2;
	v3 =	vld [tilespmem:s12+$0xFFFFFFD0]  }
0x234: {  	v6 =	vld [tilespmem:s29+$0xFFFFFFD0];
	v1 =	vadd.f32 v1, v7  }
0x235: {  	[tilespmem:s12+$0x40] =	vst v2;
	v2 =	vld [tilespmem:s12+$0x50]  }
0x236: {  	v7 =	vld [tilespmem:s29+$0x50];
	[tilespmem:s12+$0xFFFFFF40] =	vst v1;
	v0 =	vadd.f32 v4, v0  }
0x237: {  	v1 =	vld [tilespmem:s29+$0xFFFFFF50]  }
0x238: {  	[tilespmem:s12+$0xD0] =	vst v0;
	v0 =	vld [tilespmem:s12+$0xE0]  }
0x239: {  	v3 =	vadd.f32 v6, v3;
	v4 =	vld [tilespmem:s29+$0xE0]  }
0x23a: {  	v6 =	vld [tilespmem:s12+$0xFFFFFF60]  }
0x23b: {  	[tilespmem:s12+$0xFFFFFFD0] =	vst v3;
	v2 =	vadd.f32 v7, v2;
	v3 =	vld [tilespmem:s12+$0xFFFFFFE0]  }
0x23c: {  	v7 =	vld [tilespmem:s29+$0xFFFFFFE0];
	v1 =	vadd.f32 v1, v5  }
0x23d: {  	[tilespmem:s12+$0x50] =	vst v2;
	v2 =	vld [tilespmem:s12+$0x60]  }
0x23e: {  	v5 =	vld [tilespmem:s29+$0x60];
	[tilespmem:s12+$0xFFFFFF50] =	vst v1;
	v0 =	vadd.f32 v4, v0  }
0x23f: {  	v4 =	vld [tilespmem:s29+$0xFFFFFF60]  }
0x240: {  	v8 =	vld [tilespmem:s12+$0xF0];
	[tilespmem:s12+$0xE0] =	vst v0  }
0x241: {  	v1 =	vadd.f32 v7, v3;
	v7 =	vld [tilespmem:s29+$0xF0]  }
0x242: {  	v0 =	vld [tilespmem:s12+$0xFFFFFF70]  }
0x243: {  	[tilespmem:s12+$0xFFFFFFE0] =	vst v1;
	v2 =	vadd.f32 v5, v2;
	v1 =	vld [tilespmem:s12+$0xFFFFFFF0]  }
0x244: {  	v3 =	vld [tilespmem:s29+$0xFFFFFFF0];
	v4 =	vadd.f32 v4, v6  }
0x245: {  	[tilespmem:s12+$0x60] =	vst v2;
	v2 =	vld [tilespmem:s12+$0x70]  }
0x246: {  	[tilespmem:s12+$0xFFFFFF60] =	vst v4;
	v4 =	vld [tilespmem:s29+$0x70];
	v6 =	vadd.f32 v7, v8  }
0x247: {  	s31 =	simm.s32 $0x14D00;
	s20 =	simm.s32 $0x0;
	v5 =	vld [tilespmem:s29+$0xFFFFFF70]  }
.LBB2_9:
0x248: {  	v7 =	vld [tilespmem:s31+$0x80];
	[tilespmem:s12+$0xF0] =	vst v6;
	s29 =	sadd.s32 $0x200, s29  }
0x249: {  	s20 =	sadd.s32 $0x4, s20;
	v6 =	vld [tilespmem:s29+$0x80];
	v1 =	vadd.f32 v3, v1  }
0x24a: {  	p1 =	slt.u32 s20, $0x94;
	v3 =	vld [tilespmem:s29+$0xFFFFFF00]  }
0x24b: {  	v8 =	vld [tilespmem:s31+$0xFFFFFF80];
	[tilespmem:s12+$0xFFFFFFF0] =	vst v1;
	v1 =	vadd.f32 v4, v2  }
0x24c: {  	v2 =	vld [tilespmem:s29+$0xFFFFFF80];
	v0 =	vadd.f32 v5, v0  }
0x24d: {  	v4 =	vld [tilespmem:s31+$0x0];
	[tilespmem:s12+$0x70] =	vst v1  }
0x24e: {  	v1 =	vld [tilespmem:s29+$0x0];
	v5 =	vadd.f32 v6, v7;
	[tilespmem:s12+$0xFFFFFF70] =	vst v0;
	s12 =	smov.u32 s31  }
0x24f: {  	v0 =	vld [tilespmem:s31+$0xFFFFFF00]  }
0x250: {  	[tilespmem:s31+$0x80] =	vst v5;
	v5 =	vld [tilespmem:s31+$0x90]  }
0x251: {  	v2 =	vadd.f32 v2, v8;
	v6 =	vld [tilespmem:s29+$0x90]  }
0x252: {  	v7 =	vld [tilespmem:s31+$0xFFFFFF10]  }
0x253: {  	[tilespmem:s31+$0xFFFFFF80] =	vst v2;
	v2 =	vld [tilespmem:s31+$0xFFFFFF90];
	v1 =	vadd.f32 v1, v4  }
0x254: {  	v0 =	vadd.f32 v3, v0;
	v3 =	vld [tilespmem:s29+$0xFFFFFF90]  }
0x255: {  	[tilespmem:s31+$0x0] =	vst v1;
	v1 =	vld [tilespmem:s31+$0x10]  }
0x256: {  	[tilespmem:s31+$0xFFFFFF00] =	vst v0;
	v0 =	vld [tilespmem:s29+$0x10];
	v4 =	vadd.f32 v6, v5  }
0x257: {  	v5 =	vld [tilespmem:s29+$0xFFFFFF10]  }
0x258: {  	[tilespmem:s31+$0x90] =	vst v4;
	v4 =	vld [tilespmem:s31+$0xA0]  }
0x259: {  	v2 =	vadd.f32 v3, v2;
	v3 =	vld [tilespmem:s29+$0xA0]  }
0x25a: {  	v6 =	vld [tilespmem:s31+$0xFFFFFF20]  }
0x25b: {  	[tilespmem:s31+$0xFFFFFF90] =	vst v2;
	v2 =	vld [tilespmem:s31+$0xFFFFFFA0];
	v0 =	vadd.f32 v0, v1  }
0x25c: {  	v1 =	vadd.f32 v5, v7;
	v5 =	vld [tilespmem:s29+$0xFFFFFFA0]  }
0x25d: {  	[tilespmem:s31+$0x10] =	vst v0;
	v0 =	vld [tilespmem:s31+$0x20]  }
0x25e: {  	[tilespmem:s31+$0xFFFFFF10] =	vst v1;
	v1 =	vld [tilespmem:s29+$0x20];
	v3 =	vadd.f32 v3, v4  }
0x25f: {  	v4 =	vld [tilespmem:s29+$0xFFFFFF20]  }
0x260: {  	[tilespmem:s31+$0xA0] =	vst v3;
	v3 =	vld [tilespmem:s31+$0xB0]  }
0x261: {  	v2 =	vadd.f32 v5, v2;
	v5 =	vld [tilespmem:s29+$0xB0]  }
0x262: {  	v7 =	vld [tilespmem:s31+$0xFFFFFF30]  }
0x263: {  	[tilespmem:s31+$0xFFFFFFA0] =	vst v2;
	v2 =	vld [tilespmem:s31+$0xFFFFFFB0];
	v0 =	vadd.f32 v1, v0  }
0x264: {  	v1 =	vadd.f32 v4, v6;
	v4 =	vld [tilespmem:s29+$0xFFFFFFB0]  }
0x265: {  	[tilespmem:s31+$0x20] =	vst v0;
	v0 =	vld [tilespmem:s31+$0x30]  }
0x266: {  	[tilespmem:s31+$0xFFFFFF20] =	vst v1;
	v1 =	vld [tilespmem:s29+$0x30];
	v3 =	vadd.f32 v5, v3  }
0x267: {  	v5 =	vld [tilespmem:s29+$0xFFFFFF30]  }
0x268: {  	[tilespmem:s31+$0xB0] =	vst v3;
	v3 =	vld [tilespmem:s31+$0xC0]  }
0x269: {  	v2 =	vadd.f32 v4, v2;
	v4 =	vld [tilespmem:s29+$0xC0]  }
0x26a: {  	v6 =	vld [tilespmem:s31+$0xFFFFFF40]  }
0x26b: {  	[tilespmem:s31+$0xFFFFFFB0] =	vst v2;
	v2 =	vld [tilespmem:s31+$0xFFFFFFC0];
	v0 =	vadd.f32 v1, v0  }
0x26c: {  	v1 =	vadd.f32 v5, v7;
	v5 =	vld [tilespmem:s29+$0xFFFFFFC0]  }
0x26d: {  	[tilespmem:s31+$0x30] =	vst v0;
	v0 =	vld [tilespmem:s31+$0x40]  }
0x26e: {  	[tilespmem:s31+$0xFFFFFF30] =	vst v1;
	v1 =	vld [tilespmem:s29+$0x40];
	v3 =	vadd.f32 v4, v3  }
0x26f: {  	v4 =	vld [tilespmem:s29+$0xFFFFFF40]  }
0x270: {  	[tilespmem:s31+$0xC0] =	vst v3;
	v3 =	vld [tilespmem:s31+$0xD0]  }
0x271: {  	v2 =	vadd.f32 v5, v2;
	v5 =	vld [tilespmem:s29+$0xD0]  }
0x272: {  	v7 =	vld [tilespmem:s31+$0xFFFFFF50]  }
0x273: {  	[tilespmem:s31+$0xFFFFFFC0] =	vst v2;
	v2 =	vld [tilespmem:s31+$0xFFFFFFD0];
	v0 =	vadd.f32 v1, v0  }
0x274: {  	v1 =	vadd.f32 v4, v6;
	v4 =	vld [tilespmem:s29+$0xFFFFFFD0]  }
0x275: {  	[tilespmem:s31+$0x40] =	vst v0;
	v0 =	vld [tilespmem:s31+$0x50]  }
0x276: {  	[tilespmem:s31+$0xFFFFFF40] =	vst v1;
	v1 =	vld [tilespmem:s29+$0x50];
	v3 =	vadd.f32 v5, v3  }
0x277: {  	v5 =	vld [tilespmem:s29+$0xFFFFFF50]  }
0x278: {  	[tilespmem:s31+$0xD0] =	vst v3;
	v3 =	vld [tilespmem:s31+$0xE0]  }
0x279: {  	v2 =	vadd.f32 v4, v2;
	v4 =	vld [tilespmem:s29+$0xE0]  }
0x27a: {  	v6 =	vld [tilespmem:s31+$0xFFFFFF60]  }
0x27b: {  	[tilespmem:s31+$0xFFFFFFD0] =	vst v2;
	v2 =	vld [tilespmem:s31+$0xFFFFFFE0];
	v0 =	vadd.f32 v1, v0  }
0x27c: {  	v1 =	vadd.f32 v5, v7;
	v5 =	vld [tilespmem:s29+$0xFFFFFFE0]  }
0x27d: {  	[tilespmem:s31+$0x50] =	vst v0;
	v7 =	vld [tilespmem:s31+$0x60]  }
0x27e: {  	[tilespmem:s31+$0xFFFFFF50] =	vst v1;
	v8 =	vld [tilespmem:s29+$0x60];
	v0 =	vadd.f32 v4, v3  }
0x27f: {  	v3 =	vld [tilespmem:s29+$0xFFFFFF60]  }
0x280: {  	[tilespmem:s31+$0xE0] =	vst v0;
	v9 =	vld [tilespmem:s31+$0xF0]  }
0x281: {  	v1 =	vadd.f32 v5, v2;
	v5 =	vld [tilespmem:s29+$0xF0]  }
0x282: {  	v0 =	vld [tilespmem:s31+$0xFFFFFF70]  }
.Ltmp3:
0x283: {  	[tilespmem:s31+$0xFFFFFFE0] =	vst v1;
	v1 =	vld [tilespmem:s31+$0xFFFFFFF0];
	v2 =	vadd.f32 v8, v7;
	(pc) =	sbr.rel @p1 .LBB2_9-.Ltmp3, $4  }
0x284: {  	v4 =	vadd.f32 v3, v6;
	v3 =	vld [tilespmem:s29+$0xFFFFFFF0]  }
0x285: {  	[tilespmem:s31+$0x60] =	vst v2;
	v2 =	vld [tilespmem:s31+$0x70]  }
0x286: {  	[tilespmem:s31+$0xFFFFFF60] =	vst v4;
	v4 =	vld [tilespmem:s29+$0x70];
	v6 =	vadd.f32 v5, v9  }
0x287: {  	s31 =	sadd.s32 $0x200, s31;
	v5 =	vld [tilespmem:s29+$0xFFFFFF70]  }
0x288: {  	_ =	sdelay $0x1  }
0x289: {  	v1 =	vadd.f32 v3, v1  }
0x28a: {  	[tilespmem:s12+$0xF0] =	vst v6;
	v2 =	vadd.f32 v4, v2  }
0x28b: {  	s0 =	sadd.s32 s10, s9;
	[tilespmem:s12+$0xFFFFFFF0] =	vst v1;
	v0 =	vadd.f32 v5, v0  }
0x28c: {  	s10 =	sshll.u32 s0, $0x4;
	[tilespmem:s12+$0x70] =	vst v2  }
0x28d: {  	s31 =	simm.s32 $0x0;
	s0 =	sadd.s32 s2, s10;
	[tilespmem:s12+$0xFFFFFF70] =	vst v0  }
0x28e: {  	[hbm4b:s0+s31] =	stream.linear.scatter [tilespmem:s26], [sflag:$0xB], $0x4C00, $0x38;
	[tilespmem:$0x1DE00] =	vst v63  }
0x28f: {  	_ =	swait.ge [sflag:s22], $0x3400  }
0x290: {  	[sflag:s22] =	ssyncset.done $0x0  }
0x291: {  	[sflag:s22] =	ssyncadd.s32 $0xFFFFCC00  }
0x292: {  	_ =	swait.ge [sflag:s22], $0x1400  }
0x293: {  	[sflag:s22] =	ssyncset.done $0x0  }
0x294: {  	[sflag:s22] =	ssyncadd.s32 $0xFFFFEC00  }
0x295: {  	_ =	swait.ge [sflag:s23], $0x4800  }
0x296: {  	[sflag:s23] =	ssyncset.done $0x0  }
0x297: {  	s19 =	simm.s32 $0xB398;
	s12 =	simm.s32 $0x10200;
	[sflag:s23] =	ssyncadd.s32 $0xFFFFB800  }
0x298: {  	[tilespmem:s12], [sflag:$0x6] =	stream.indirect.gather [spmem:s3], $0x80, s19, s30, $0xb8;
	[tilespmem:$0x1DE00] =	vst v63  }
0x299: {  	s20 =	simm.s32 $0x13600;
	s31 =	simm.s32 $0xB400;
	s12 =	simm.s32 $0x0  }
0x29a: {  	[tilespmem:s20], [sflag:$0x6] =	stream.indirect.gather [spmem:s3], $0x80, s31, s21, $0xb8;
	[tilespmem:$0x1DE00] =	vst v63  }
0x29b: {  	v0 =	vld [tilespmem:s12+$0x19600]  }
0x29c: {  	v1 =	vld [tilespmem:s12+$0x6800]  }
0x29d: {  	v2 =	vld [tilespmem:s12+$0x19610]  }
0x29e: {  	v3 =	vld [tilespmem:s12+$0x6810]  }
0x29f: {  	v4 =	vld [tilespmem:s12+$0x19620]  }
0x2a0: {  	v5 =	vld [tilespmem:s12+$0x6820]  }
0x2a1: {  	v6 =	vld [tilespmem:s12+$0x6830]  }
0x2a2: {  	v7 =	vld [tilespmem:s12+$0x197F0]  }
0x2a3: {  	v8 =	vld [tilespmem:s12+$0x69F0]  }
0x2a4: {  	v9 =	vld [tilespmem:s12+$0x6860]  }
0x2a5: {  	v10 =	vld [tilespmem:s12+$0x19680]  }
0x2a6: {  	v11 =	vld [tilespmem:s12+$0x6880]  }
0x2a7: {  	v12 =	vld [tilespmem:s12+$0x19690]  }
0x2a8: {  	v13 =	vld [tilespmem:s12+$0x6890]  }
0x2a9: {  	v14 =	vld [tilespmem:s12+$0x196A0]  }
0x2aa: {  	v45 =	vld [tilespmem:s12+$0x196B0]  }
0x2ab: {  	v15 =	vld [tilespmem:s12+$0x19670]  }
0x2ac: {  	v47 =	vld [tilespmem:s12+$0x196C0]  }
0x2ad: {  	v48 =	vld [tilespmem:s12+$0x68C0]  }
0x2ae: {  	v16 =	vld [tilespmem:s12+$0x6870]  }
0x2af: {  	v49 =	vld [tilespmem:s12+$0x196D0]  }
0x2b0: {  	v17 =	vld [tilespmem:s12+$0x68D0]  }
0x2b1: {  	v18 =	vld [tilespmem:s12+$0x19700]  }
0x2b2: {  	v19 =	vld [tilespmem:s12+$0x6900]  }
0x2b3: {  	v20 =	vld [tilespmem:s12+$0x19710]  }
0x2b4: {  	v21 =	vld [tilespmem:s12+$0x6910]  }
0x2b5: {  	v22 =	vld [tilespmem:s12+$0x19720]  }
0x2b6: {  	v50 =	vld [tilespmem:s12+$0x6920]  }
0x2b7: {  	v51 =	vld [tilespmem:s12+$0x19730]  }
0x2b8: {  	v23 =	vld [tilespmem:s12+$0x196E0]  }
0x2b9: {  	v53 =	vld [tilespmem:s12+$0x19740]  }
0x2ba: {  	v0 =	vadd.f32 v1, v0;
	v1 =	vld [tilespmem:s12+$0x19630]  }
0x2bb: {  	v54 =	vld [tilespmem:s12+$0x6940]  }
0x2bc: {  	v55 =	vld [tilespmem:s12+$0x68E0]  }
0x2bd: {  	v56 =	vld [tilespmem:s12+$0x19750];
	v10 =	vadd.f32 v11, v10  }
0x2be: {  	v46 =	vadd.f32 v13, v12;
	[tilespmem:s12+$0x19600] =	vst v0;
	v0 =	vadd.f32 v3, v2;
	v2 =	vld [tilespmem:s12+$0x19640]  }
0x2bf: {  	[tilespmem:s12+$0x19680] =	vst v10;
	v1 =	vadd.f32 v6, v1;
	v6 =	vld [tilespmem:s12+$0x68A0]  }
0x2c0: {  	v18 =	vadd.f32 v19, v18;
	v3 =	vld [tilespmem:s12+$0x6840];
	[tilespmem:s12+$0x19690] =	vst v46  }
0x2c1: {  	v52 =	vadd.f32 v21, v20;
	[tilespmem:s12+$0x19610] =	vst v0;
	v0 =	vadd.f32 v5, v4;
	v4 =	vld [tilespmem:s12+$0x19650]  }
0x2c2: {  	[tilespmem:s12+$0x19700] =	vst v18;
	v5 =	vld [tilespmem:s12+$0x6850]  }
0x2c3: {  	v57 =	vld [tilespmem:s12+$0x196F0];
	v7 =	vadd.f32 v8, v7;
	[tilespmem:s12+$0x19710] =	vst v52  }
0x2c4: {  	[tilespmem:s12+$0x19620] =	vst v0;
	v0 =	vld [tilespmem:s12+$0x19660];
	v6 =	vadd.f32 v6, v14  }
0x2c5: {  	v58 =	vld [tilespmem:s12+$0x19760];
	[tilespmem:s12+$0x197F0] =	vst v7  }
0x2c6: {  	v2 =	vadd.f32 v3, v2;
	[tilespmem:s12+$0x196A0] =	vst v6;
	v6 =	vld [tilespmem:s12+$0x6930]  }
0x2c7: {  	[tilespmem:s12+$0x19630] =	vst v1;
	v1 =	vld [tilespmem:s12+$0x68B0];
	v4 =	vadd.f32 v5, v4  }
0x2c8: {  	v59 =	vld [tilespmem:s12+$0x6960];
	[tilespmem:s12+$0x19640] =	vst v2;
	v14 =	vadd.f32 v50, v22  }
0x2c9: {  	v5 =	vld [tilespmem:s12+$0x19780];
	v0 =	vadd.f32 v9, v0;
	[tilespmem:s12+$0x19650] =	vst v4  }
0x2ca: {  	v2 =	vld [tilespmem:s12+$0x6980];
	v4 =	vadd.f32 v16, v15;
	[tilespmem:s12+$0x19720] =	vst v14  }
0x2cb: {  	v60 =	vld [tilespmem:s12+$0x6990];
	[tilespmem:s12+$0x19660] =	vst v0;
	v6 =	vadd.f32 v6, v51  }
0x2cc: {  	v7 =	vld [tilespmem:s12+$0x19790];
	v1 =	vadd.f32 v1, v45;
	[tilespmem:s12+$0x19670] =	vst v4  }
0x2cd: {  	v0 =	vadd.f32 v48, v47;
	[tilespmem:s12+$0x19730] =	vst v6;
	v6 =	vld [tilespmem:s12+$0x68F0]  }
0x2ce: {  	v61 =	vld [tilespmem:s12+$0x197A0];
	v4 =	vadd.f32 v17, v49;
	[tilespmem:s12+$0x196B0] =	vst v1  }
0x2cf: {  	v63 =	vld [tilespmem:s12+$0x6970];
	v2 =	vadd.f32 v2, v5;
	[tilespmem:s12+$0x196C0] =	vst v0  }
0x2d0: {  	v1 =	vld [tilespmem:s12+$0x6950];
	v0 =	vadd.f32 v55, v23;
	[tilespmem:s12+$0x196D0] =	vst v4  }
0x2d1: {  	v3 =	vld [tilespmem:s12+$0x19770];
	[tilespmem:s12+$0x19780] =	vst v2;
	v2 =	vadd.f32 v60, v7  }
0x2d2: {  	v62 =	vld [tilespmem:s12+$0x69A0];
	[tilespmem:s12+$0x196E0] =	vst v0;
	v0 =	vadd.f32 v6, v57  }
0x2d3: {  	v5 =	vld [tilespmem:s12+$0x69B0];
	[tilespmem:s12+$0x19790] =	vst v2;
	v6 =	vadd.f32 v54, v53  }
0x2d4: {  	v4 =	vld [tilespmem:s12+$0x197B0];
	v7 =	vadd.f32 v59, v58;
	[tilespmem:s12+$0x196F0] =	vst v0  }
0x2d5: {  	v0 =	vld [tilespmem:s12+$0x197C0];
	[tilespmem:s12+$0x19740] =	vst v6;
	v6 =	vadd.f32 v1, v56  }
0x2d6: {  	[tilespmem:s12+$0x19760] =	vst v7;
	v7 =	vadd.f32 v63, v3;
	v1 =	vld [tilespmem:s12+$0x69C0]  }
0x2d7: {  	v2 =	vld [tilespmem:s12+$0x197D0];
	[tilespmem:s12+$0x19750] =	vst v6;
	v6 =	vadd.f32 v62, v61  }
0x2d8: {  	v3 =	vld [tilespmem:s12+$0x69D0];
	[tilespmem:s12+$0x19770] =	vst v7  }
0x2d9: {  	s29 =	simm.s32 $0x800;
	s20 =	simm.s32 $0x98;
	v5 =	vadd.f32 v5, v4;
	v4 =	vld [tilespmem:s12+$0x197E0];
	[tilespmem:s12+$0x197A0] =	vst v6  }
.LBB2_11:
0x2da: {  	s0 =	sshra.s32 s29, $0x2;
	v6 =	vld [tilespmem:s12+$0x69E0]  }
0x2db: {  	s20 =	sadd.s32 $0x4, s20;
	v7 =	vld [tilespmem:s0+$0x197F0];
	[tilespmem:s12+$0x197B0] =	vst v5;
	v0 =	vadd.f32 v1, v0  }
0x2dc: {  	p1 =	slt.u32 s20, $0x124;
	v1 =	vld [tilespmem:s0+$0x69F0]  }
0x2dd: {  	v5 =	vld [tilespmem:s0+$0x19600];
	[tilespmem:s12+$0x197C0] =	vst v0;
	v0 =	vadd.f32 v3, v2  }
0x2de: {  	v2 =	vld [tilespmem:s0+$0x6800]  }
0x2df: {  	v3 =	vld [tilespmem:s0+$0x19610];
	[tilespmem:s12+$0x197D0] =	vst v0;
	v0 =	vadd.f32 v6, v4  }
0x2e0: {  	v4 =	vld [tilespmem:s0+$0x6810]  }
0x2e1: {  	v6 =	vld [tilespmem:s0+$0x19620];
	v1 =	vadd.f32 v1, v7;
	[tilespmem:s12+$0x197E0] =	vst v0;
	s12 =	smov.u32 s0  }
0x2e2: {  	v0 =	vld [tilespmem:s12+$0x6820]  }
0x2e3: {  	v2 =	vadd.f32 v2, v5;
	v5 =	vld [tilespmem:s12+$0x19630];
	[tilespmem:s12+$0x197F0] =	vst v1  }
0x2e4: {  	v1 =	vld [tilespmem:s12+$0x6830]  }
0x2e5: {  	[tilespmem:s12+$0x19600] =	vst v2;
	v2 =	vadd.f32 v4, v3;
	v3 =	vld [tilespmem:s12+$0x19640]  }
0x2e6: {  	v4 =	vld [tilespmem:s12+$0x6840]  }
0x2e7: {  	[tilespmem:s12+$0x19610] =	vst v2;
	v0 =	vadd.f32 v0, v6;
	v2 =	vld [tilespmem:s12+$0x19650]  }
0x2e8: {  	v6 =	vld [tilespmem:s12+$0x6850]  }
0x2e9: {  	[tilespmem:s12+$0x19620] =	vst v0;
	v0 =	vadd.f32 v1, v5;
	v1 =	vld [tilespmem:s12+$0x19660]  }
0x2ea: {  	v5 =	vld [tilespmem:s12+$0x6860]  }
0x2eb: {  	[tilespmem:s12+$0x19630] =	vst v0;
	v0 =	vadd.f32 v4, v3;
	v3 =	vld [tilespmem:s12+$0x19670]  }
0x2ec: {  	v4 =	vld [tilespmem:s12+$0x6870]  }
0x2ed: {  	[tilespmem:s12+$0x19640] =	vst v0;
	v0 =	vadd.f32 v6, v2;
	v2 =	vld [tilespmem:s12+$0x19680]  }
0x2ee: {  	v6 =	vld [tilespmem:s12+$0x6880]  }
0x2ef: {  	[tilespmem:s12+$0x19650] =	vst v0;
	v0 =	vadd.f32 v5, v1;
	v1 =	vld [tilespmem:s12+$0x19690]  }
0x2f0: {  	v5 =	vld [tilespmem:s12+$0x6890]  }
0x2f1: {  	[tilespmem:s12+$0x19660] =	vst v0;
	v0 =	vadd.f32 v4, v3;
	v3 =	vld [tilespmem:s12+$0x196A0]  }
0x2f2: {  	v4 =	vld [tilespmem:s12+$0x68A0]  }
0x2f3: {  	[tilespmem:s12+$0x19670] =	vst v0;
	v0 =	vadd.f32 v6, v2;
	v2 =	vld [tilespmem:s12+$0x196B0]  }
0x2f4: {  	v6 =	vld [tilespmem:s12+$0x68B0]  }
0x2f5: {  	[tilespmem:s12+$0x19680] =	vst v0;
	v0 =	vadd.f32 v5, v1;
	v1 =	vld [tilespmem:s12+$0x196C0]  }
0x2f6: {  	v5 =	vld [tilespmem:s12+$0x68C0]  }
0x2f7: {  	[tilespmem:s12+$0x19690] =	vst v0;
	v0 =	vadd.f32 v4, v3;
	v3 =	vld [tilespmem:s12+$0x196D0]  }
0x2f8: {  	v4 =	vld [tilespmem:s12+$0x68D0]  }
0x2f9: {  	[tilespmem:s12+$0x196A0] =	vst v0;
	v0 =	vadd.f32 v6, v2;
	v2 =	vld [tilespmem:s12+$0x196E0]  }
0x2fa: {  	v6 =	vld [tilespmem:s12+$0x68E0]  }
0x2fb: {  	[tilespmem:s12+$0x196B0] =	vst v0;
	v0 =	vadd.f32 v5, v1;
	v1 =	vld [tilespmem:s12+$0x196F0]  }
0x2fc: {  	v5 =	vld [tilespmem:s12+$0x68F0]  }
0x2fd: {  	[tilespmem:s12+$0x196C0] =	vst v0;
	v0 =	vadd.f32 v4, v3;
	v3 =	vld [tilespmem:s12+$0x19700]  }
0x2fe: {  	v4 =	vld [tilespmem:s12+$0x6900]  }
0x2ff: {  	[tilespmem:s12+$0x196D0] =	vst v0;
	v0 =	vadd.f32 v6, v2;
	v2 =	vld [tilespmem:s12+$0x19710]  }
0x300: {  	v6 =	vld [tilespmem:s12+$0x6910]  }
0x301: {  	[tilespmem:s12+$0x196E0] =	vst v0;
	v0 =	vadd.f32 v5, v1;
	v1 =	vld [tilespmem:s12+$0x19720]  }
0x302: {  	v5 =	vld [tilespmem:s12+$0x6920]  }
0x303: {  	[tilespmem:s12+$0x196F0] =	vst v0;
	v0 =	vadd.f32 v4, v3;
	v3 =	vld [tilespmem:s12+$0x19730]  }
0x304: {  	v4 =	vld [tilespmem:s12+$0x6930]  }
0x305: {  	[tilespmem:s12+$0x19700] =	vst v0;
	v0 =	vadd.f32 v6, v2;
	v2 =	vld [tilespmem:s12+$0x19740]  }
0x306: {  	v6 =	vld [tilespmem:s12+$0x6940]  }
0x307: {  	[tilespmem:s12+$0x19710] =	vst v0;
	v0 =	vadd.f32 v5, v1;
	v1 =	vld [tilespmem:s12+$0x19750]  }
0x308: {  	v5 =	vld [tilespmem:s12+$0x6950]  }
0x309: {  	[tilespmem:s12+$0x19720] =	vst v0;
	v0 =	vadd.f32 v4, v3;
	v3 =	vld [tilespmem:s12+$0x19760]  }
0x30a: {  	v4 =	vld [tilespmem:s12+$0x6960]  }
0x30b: {  	[tilespmem:s12+$0x19730] =	vst v0;
	v0 =	vadd.f32 v6, v2;
	v2 =	vld [tilespmem:s12+$0x19770]  }
0x30c: {  	v6 =	vld [tilespmem:s12+$0x6970]  }
0x30d: {  	[tilespmem:s12+$0x19740] =	vst v0;
	v0 =	vadd.f32 v5, v1;
	v1 =	vld [tilespmem:s12+$0x19780]  }
0x30e: {  	v5 =	vld [tilespmem:s12+$0x6980]  }
0x30f: {  	[tilespmem:s12+$0x19750] =	vst v0;
	v0 =	vadd.f32 v4, v3;
	v3 =	vld [tilespmem:s12+$0x19790]  }
0x310: {  	v4 =	vld [tilespmem:s12+$0x6990]  }
0x311: {  	[tilespmem:s12+$0x19760] =	vst v0;
	v0 =	vadd.f32 v6, v2;
	v2 =	vld [tilespmem:s12+$0x197A0]  }
0x312: {  	v6 =	vld [tilespmem:s12+$0x69A0]  }
0x313: {  	[tilespmem:s12+$0x19770] =	vst v0;
	v0 =	vadd.f32 v5, v1;
	v5 =	vld [tilespmem:s12+$0x197B0]  }
0x314: {  	v7 =	vld [tilespmem:s12+$0x69B0]  }
.Ltmp4:
0x315: {  	[tilespmem:s12+$0x19780] =	vst v0;
	v3 =	vadd.f32 v4, v3;
	v0 =	vld [tilespmem:s12+$0x197C0];
	(pc) =	sbr.rel @p1 .LBB2_11-.Ltmp4, $4  }
0x316: {  	v1 =	vld [tilespmem:s12+$0x69C0]  }
0x317: {  	[tilespmem:s12+$0x19790] =	vst v3;
	v4 =	vadd.f32 v6, v2;
	v2 =	vld [tilespmem:s12+$0x197D0]  }
0x318: {  	v3 =	vld [tilespmem:s12+$0x69D0]  }
0x319: {  	s29 =	sadd.s32 $0x800, s29;
	[tilespmem:s12+$0x197A0] =	vst v4;
	v5 =	vadd.f32 v7, v5;
	v4 =	vld [tilespmem:s12+$0x197E0]  }
0x31a: {  	v6 =	vld [tilespmem:s12+$0x69E0];
	_ =	sdelay $0x2  }
0x31b: {  	v0 =	vadd.f32 v1, v0  }
0x31c: {  	[tilespmem:s12+$0x197B0] =	vst v5;
	v1 =	vadd.f32 v3, v2  }
0x31d: {  	[tilespmem:s12+$0x197C0] =	vst v0;
	v0 =	vadd.f32 v6, v4  }
0x31e: {  	[tilespmem:s12+$0x197D0] =	vst v1  }
0x31f: {  	s0 =	sadd.s32 s10, s16;
	[tilespmem:s12+$0x197E0] =	vst v0  }
0x320: {  	[hbm4b:s0+s4] =	stream.linear.scatter [tilespmem:s8], [sflag:$0xC], $0x4800, $0x38;
	[tilespmem:$0x1DE00] =	vst v63  }
0x321: {  	_ =	swait.ge [sflag:s24], $0x4000  }
0x322: {  	[sflag:s24] =	ssyncset.done $0x0  }
0x323: {  	[sflag:s24] =	ssyncadd.s32 $0xFFFFC000  }
0x324: {  	_ =	swait.ge [sflag:s24], $0xC00  }
0x325: {  	[sflag:s24] =	ssyncset.done $0x0  }
0x326: {  	[sflag:s24] =	ssyncadd.s32 $0xFFFFF400  }
0x327: {  	_ =	swait.ge [sflag:s11], $0x4C00  }
0x328: {  	s6 =	sor.u32 $0x1, s6;
	[sflag:s11] =	ssyncset.done $0x0  }
0x329: {  	s10 =	simm.s32 $0x4;
	p1 =	sgt.u32 s6, $0x1E;
	[sflag:s11] =	ssyncadd.s32 $0xFFFFB400  }
0x32a: {  	s0 =	smul.u32 @!p1 $0x4A00, s6;
	_ =	swait.ge [sflag:s10], $0x128  }
0x32b: {  	s19 =	simm.s32 $0xB480;
	[sflag:s10] =	ssyncset.done $0x0  }
0x32c: {  	s12 =	simm.s32 $0x80;
	s0 =	sadd.s32 @!p1 s0, s15;
	[sflag:s10] =	ssyncadd.s32 $0xFFFFFED8  }
0x32d: {  	[tilespmem:s26], [sflag:$0x7] =	stream.indirect.gather [spmem:s3], $0x80, s19, s12, $0xb8;
	[tilespmem:$0x1DE00] =	vst v63  }
0x32e: {  	s20 =	simm.s32 $0x18A00;
	s31 =	simm.s32 $0xB500;
	s0 =	sshrl.u32 @!p1 s0, $0x3  }
0x32f: {  	[tilespmem:s20], [sflag:$0x7] =	stream.indirect.gather [spmem:s3], $0x80, s31, s28, $0xb8;
	[tilespmem:$0x1DE00] =	vst v63  }
0x330: {  	s0 =	sadd.s32 @!p1 s5, s0;
	s10 =	simm.s32 @!p1 $0x0;
	s12 =	simm.s32 @!p1 $0xB180  }
0x331: {  	[tilespmem:s12], [sflag:$0x2] =	stream.linear.gather @!p1 [hbm4b:s0+s10], $0x128, $0x38;
	[tilespmem:$0x1DE00] =	vst v63  }
0x332: {  	s12 =	simm.s32 $0xB700  }
0x333: {  	s10 =	simm.s32 $0x1D00;
	v0 =	vld [tilespmem:s12+$0x80]  }
0x334: {  	v1 =	vld [tilespmem:s10+$0x80]  }
0x335: {  	v2 =	vld [tilespmem:s12+$0xFFFFFF80]  }
0x336: {  	v3 =	vld [tilespmem:s10+$0xFFFFFF80]  }
0x337: {  	v4 =	vld [tilespmem:s12+$0x0]  }
0x338: {  	v5 =	vld [tilespmem:s10+$0x0]  }
0x339: {  	v6 =	vld [tilespmem:s12+$0xFFFFFF00];
	v0 =	vadd.f32 v1, v0  }
0x33a: {  	v1 =	vld [tilespmem:s10+$0xFFFFFF00]  }
0x33b: {  	[tilespmem:s12+$0x80] =	vst v0;
	v0 =	vld [tilespmem:s12+$0x90]  }
0x33c: {  	v2 =	vadd.f32 v3, v2;
	v3 =	vld [tilespmem:s10+$0x90]  }
0x33d: {  	v7 =	vld [tilespmem:s12+$0xFFFFFF10]  }
0x33e: {  	[tilespmem:s12+$0xFFFFFF80] =	vst v2;
	v2 =	vadd.f32 v5, v4;
	v4 =	vld [tilespmem:s12+$0xFFFFFF90]  }
0x33f: {  	v5 =	vld [tilespmem:s10+$0xFFFFFF90];
	v1 =	vadd.f32 v1, v6  }
0x340: {  	[tilespmem:s12+$0x0] =	vst v2;
	v2 =	vld [tilespmem:s12+$0x10]  }
0x341: {  	v6 =	vld [tilespmem:s10+$0x10];
	[tilespmem:s12+$0xFFFFFF00] =	vst v1;
	v0 =	vadd.f32 v3, v0  }
0x342: {  	v1 =	vld [tilespmem:s10+$0xFFFFFF10]  }
0x343: {  	[tilespmem:s12+$0x90] =	vst v0;
	v0 =	vld [tilespmem:s12+$0xA0]  }
0x344: {  	v3 =	vadd.f32 v5, v4;
	v4 =	vld [tilespmem:s10+$0xA0]  }
0x345: {  	v5 =	vld [tilespmem:s12+$0xFFFFFF20]  }
0x346: {  	[tilespmem:s12+$0xFFFFFF90] =	vst v3;
	v2 =	vadd.f32 v6, v2;
	v3 =	vld [tilespmem:s12+$0xFFFFFFA0]  }
0x347: {  	v6 =	vld [tilespmem:s10+$0xFFFFFFA0];
	v1 =	vadd.f32 v1, v7  }
0x348: {  	[tilespmem:s12+$0x10] =	vst v2;
	v2 =	vld [tilespmem:s12+$0x20]  }
0x349: {  	v7 =	vld [tilespmem:s10+$0x20];
	[tilespmem:s12+$0xFFFFFF10] =	vst v1;
	v0 =	vadd.f32 v4, v0  }
0x34a: {  	v1 =	vld [tilespmem:s10+$0xFFFFFF20]  }
0x34b: {  	[tilespmem:s12+$0xA0] =	vst v0;
	v0 =	vld [tilespmem:s12+$0xB0]  }
0x34c: {  	v3 =	vadd.f32 v6, v3;
	v4 =	vld [tilespmem:s10+$0xB0]  }
0x34d: {  	v6 =	vld [tilespmem:s12+$0xFFFFFF30]  }
0x34e: {  	[tilespmem:s12+$0xFFFFFFA0] =	vst v3;
	v2 =	vadd.f32 v7, v2;
	v3 =	vld [tilespmem:s12+$0xFFFFFFB0]  }
0x34f: {  	v7 =	vld [tilespmem:s10+$0xFFFFFFB0];
	v1 =	vadd.f32 v1, v5  }
0x350: {  	[tilespmem:s12+$0x20] =	vst v2;
	v2 =	vld [tilespmem:s12+$0x30]  }
0x351: {  	v5 =	vld [tilespmem:s10+$0x30];
	[tilespmem:s12+$0xFFFFFF20] =	vst v1;
	v0 =	vadd.f32 v4, v0  }
0x352: {  	v1 =	vld [tilespmem:s10+$0xFFFFFF30]  }
0x353: {  	[tilespmem:s12+$0xB0] =	vst v0;
	v0 =	vld [tilespmem:s12+$0xC0]  }
0x354: {  	v3 =	vadd.f32 v7, v3;
	v4 =	vld [tilespmem:s10+$0xC0]  }
0x355: {  	v7 =	vld [tilespmem:s12+$0xFFFFFF40]  }
0x356: {  	[tilespmem:s12+$0xFFFFFFB0] =	vst v3;
	v2 =	vadd.f32 v5, v2;
	v3 =	vld [tilespmem:s12+$0xFFFFFFC0]  }
0x357: {  	v5 =	vld [tilespmem:s10+$0xFFFFFFC0];
	v1 =	vadd.f32 v1, v6  }
0x358: {  	[tilespmem:s12+$0x30] =	vst v2;
	v2 =	vld [tilespmem:s12+$0x40]  }
0x359: {  	v6 =	vld [tilespmem:s10+$0x40];
	[tilespmem:s12+$0xFFFFFF30] =	vst v1;
	v0 =	vadd.f32 v4, v0  }
0x35a: {  	v1 =	vld [tilespmem:s10+$0xFFFFFF40]  }
0x35b: {  	[tilespmem:s12+$0xC0] =	vst v0;
	v0 =	vld [tilespmem:s12+$0xD0]  }
0x35c: {  	v3 =	vadd.f32 v5, v3;
	v4 =	vld [tilespmem:s10+$0xD0]  }
0x35d: {  	v5 =	vld [tilespmem:s12+$0xFFFFFF50]  }
0x35e: {  	[tilespmem:s12+$0xFFFFFFC0] =	vst v3;
	v2 =	vadd.f32 v6, v2;
	v3 =	vld [tilespmem:s12+$0xFFFFFFD0]  }
0x35f: {  	v6 =	vld [tilespmem:s10+$0xFFFFFFD0];
	v1 =	vadd.f32 v1, v7  }
0x360: {  	[tilespmem:s12+$0x40] =	vst v2;
	v2 =	vld [tilespmem:s12+$0x50]  }
0x361: {  	v7 =	vld [tilespmem:s10+$0x50];
	[tilespmem:s12+$0xFFFFFF40] =	vst v1;
	v0 =	vadd.f32 v4, v0  }
0x362: {  	v1 =	vld [tilespmem:s10+$0xFFFFFF50]  }
0x363: {  	[tilespmem:s12+$0xD0] =	vst v0;
	v0 =	vld [tilespmem:s12+$0xE0]  }
0x364: {  	v3 =	vadd.f32 v6, v3;
	v4 =	vld [tilespmem:s10+$0xE0]  }
0x365: {  	v6 =	vld [tilespmem:s12+$0xFFFFFF60]  }
0x366: {  	[tilespmem:s12+$0xFFFFFFD0] =	vst v3;
	v2 =	vadd.f32 v7, v2;
	v3 =	vld [tilespmem:s12+$0xFFFFFFE0]  }
0x367: {  	v7 =	vld [tilespmem:s10+$0xFFFFFFE0];
	v1 =	vadd.f32 v1, v5  }
0x368: {  	[tilespmem:s12+$0x50] =	vst v2;
	v2 =	vld [tilespmem:s12+$0x60]  }
0x369: {  	v5 =	vld [tilespmem:s10+$0x60];
	[tilespmem:s12+$0xFFFFFF50] =	vst v1;
	v0 =	vadd.f32 v4, v0  }
0x36a: {  	v4 =	vld [tilespmem:s10+$0xFFFFFF60]  }
0x36b: {  	v8 =	vld [tilespmem:s12+$0xF0];
	[tilespmem:s12+$0xE0] =	vst v0  }
0x36c: {  	v1 =	vadd.f32 v7, v3;
	v7 =	vld [tilespmem:s10+$0xF0]  }
0x36d: {  	v0 =	vld [tilespmem:s12+$0xFFFFFF70]  }
0x36e: {  	[tilespmem:s12+$0xFFFFFFE0] =	vst v1;
	v2 =	vadd.f32 v5, v2;
	v1 =	vld [tilespmem:s12+$0xFFFFFFF0]  }
0x36f: {  	v3 =	vld [tilespmem:s10+$0xFFFFFFF0];
	v4 =	vadd.f32 v4, v6  }
0x370: {  	[tilespmem:s12+$0x60] =	vst v2;
	v2 =	vld [tilespmem:s12+$0x70]  }
0x371: {  	[tilespmem:s12+$0xFFFFFF60] =	vst v4;
	v4 =	vld [tilespmem:s10+$0x70];
	v6 =	vadd.f32 v7, v8  }
0x372: {  	s29 =	simm.s32 $0xB900;
	s20 =	simm.s32 $0x0;
	v5 =	vld [tilespmem:s10+$0xFFFFFF70]  }
.LBB2_13:
0x373: {  	v7 =	vld [tilespmem:s29+$0x80];
	[tilespmem:s12+$0xF0] =	vst v6;
	s10 =	sadd.s32 $0x200, s10  }
0x374: {  	s20 =	sadd.s32 $0x4, s20;
	v6 =	vld [tilespmem:s10+$0x80];
	v1 =	vadd.f32 v3, v1  }
0x375: {  	p2 =	slt.u32 s20, $0x94;
	v3 =	vld [tilespmem:s10+$0xFFFFFF00]  }
0x376: {  	v8 =	vld [tilespmem:s29+$0xFFFFFF80];
	[tilespmem:s12+$0xFFFFFFF0] =	vst v1;
	v1 =	vadd.f32 v4, v2  }
0x377: {  	v2 =	vld [tilespmem:s10+$0xFFFFFF80];
	v0 =	vadd.f32 v5, v0  }
0x378: {  	v4 =	vld [tilespmem:s29+$0x0];
	[tilespmem:s12+$0x70] =	vst v1  }
0x379: {  	v1 =	vld [tilespmem:s10+$0x0];
	v5 =	vadd.f32 v6, v7;
	[tilespmem:s12+$0xFFFFFF70] =	vst v0;
	s12 =	smov.u32 s29  }
0x37a: {  	v0 =	vld [tilespmem:s29+$0xFFFFFF00]  }
0x37b: {  	[tilespmem:s29+$0x80] =	vst v5;
	v5 =	vld [tilespmem:s29+$0x90]  }
0x37c: {  	v2 =	vadd.f32 v2, v8;
	v6 =	vld [tilespmem:s10+$0x90]  }
0x37d: {  	v7 =	vld [tilespmem:s29+$0xFFFFFF10]  }
0x37e: {  	[tilespmem:s29+$0xFFFFFF80] =	vst v2;
	v2 =	vld [tilespmem:s29+$0xFFFFFF90];
	v1 =	vadd.f32 v1, v4  }
0x37f: {  	v0 =	vadd.f32 v3, v0;
	v3 =	vld [tilespmem:s10+$0xFFFFFF90]  }
0x380: {  	[tilespmem:s29+$0x0] =	vst v1;
	v1 =	vld [tilespmem:s29+$0x10]  }
0x381: {  	[tilespmem:s29+$0xFFFFFF00] =	vst v0;
	v0 =	vld [tilespmem:s10+$0x10];
	v4 =	vadd.f32 v6, v5  }
0x382: {  	v5 =	vld [tilespmem:s10+$0xFFFFFF10]  }
0x383: {  	[tilespmem:s29+$0x90] =	vst v4;
	v4 =	vld [tilespmem:s29+$0xA0]  }
0x384: {  	v2 =	vadd.f32 v3, v2;
	v3 =	vld [tilespmem:s10+$0xA0]  }
0x385: {  	v6 =	vld [tilespmem:s29+$0xFFFFFF20]  }
0x386: {  	[tilespmem:s29+$0xFFFFFF90] =	vst v2;
	v2 =	vld [tilespmem:s29+$0xFFFFFFA0];
	v0 =	vadd.f32 v0, v1  }
0x387: {  	v1 =	vadd.f32 v5, v7;
	v5 =	vld [tilespmem:s10+$0xFFFFFFA0]  }
0x388: {  	[tilespmem:s29+$0x10] =	vst v0;
	v0 =	vld [tilespmem:s29+$0x20]  }
0x389: {  	[tilespmem:s29+$0xFFFFFF10] =	vst v1;
	v1 =	vld [tilespmem:s10+$0x20];
	v3 =	vadd.f32 v3, v4  }
0x38a: {  	v4 =	vld [tilespmem:s10+$0xFFFFFF20]  }
0x38b: {  	[tilespmem:s29+$0xA0] =	vst v3;
	v3 =	vld [tilespmem:s29+$0xB0]  }
0x38c: {  	v2 =	vadd.f32 v5, v2;
	v5 =	vld [tilespmem:s10+$0xB0]  }
0x38d: {  	v7 =	vld [tilespmem:s29+$0xFFFFFF30]  }
0x38e: {  	[tilespmem:s29+$0xFFFFFFA0] =	vst v2;
	v2 =	vld [tilespmem:s29+$0xFFFFFFB0];
	v0 =	vadd.f32 v1, v0  }
0x38f: {  	v1 =	vadd.f32 v4, v6;
	v4 =	vld [tilespmem:s10+$0xFFFFFFB0]  }
0x390: {  	[tilespmem:s29+$0x20] =	vst v0;
	v0 =	vld [tilespmem:s29+$0x30]  }
0x391: {  	[tilespmem:s29+$0xFFFFFF20] =	vst v1;
	v1 =	vld [tilespmem:s10+$0x30];
	v3 =	vadd.f32 v5, v3  }
0x392: {  	v5 =	vld [tilespmem:s10+$0xFFFFFF30]  }
0x393: {  	[tilespmem:s29+$0xB0] =	vst v3;
	v3 =	vld [tilespmem:s29+$0xC0]  }
0x394: {  	v2 =	vadd.f32 v4, v2;
	v4 =	vld [tilespmem:s10+$0xC0]  }
0x395: {  	v6 =	vld [tilespmem:s29+$0xFFFFFF40]  }
0x396: {  	[tilespmem:s29+$0xFFFFFFB0] =	vst v2;
	v2 =	vld [tilespmem:s29+$0xFFFFFFC0];
	v0 =	vadd.f32 v1, v0  }
0x397: {  	v1 =	vadd.f32 v5, v7;
	v5 =	vld [tilespmem:s10+$0xFFFFFFC0]  }
0x398: {  	[tilespmem:s29+$0x30] =	vst v0;
	v0 =	vld [tilespmem:s29+$0x40]  }
0x399: {  	[tilespmem:s29+$0xFFFFFF30] =	vst v1;
	v1 =	vld [tilespmem:s10+$0x40];
	v3 =	vadd.f32 v4, v3  }
0x39a: {  	v4 =	vld [tilespmem:s10+$0xFFFFFF40]  }
0x39b: {  	[tilespmem:s29+$0xC0] =	vst v3;
	v3 =	vld [tilespmem:s29+$0xD0]  }
0x39c: {  	v2 =	vadd.f32 v5, v2;
	v5 =	vld [tilespmem:s10+$0xD0]  }
0x39d: {  	v7 =	vld [tilespmem:s29+$0xFFFFFF50]  }
0x39e: {  	[tilespmem:s29+$0xFFFFFFC0] =	vst v2;
	v2 =	vld [tilespmem:s29+$0xFFFFFFD0];
	v0 =	vadd.f32 v1, v0  }
0x39f: {  	v1 =	vadd.f32 v4, v6;
	v4 =	vld [tilespmem:s10+$0xFFFFFFD0]  }
0x3a0: {  	[tilespmem:s29+$0x40] =	vst v0;
	v0 =	vld [tilespmem:s29+$0x50]  }
0x3a1: {  	[tilespmem:s29+$0xFFFFFF40] =	vst v1;
	v1 =	vld [tilespmem:s10+$0x50];
	v3 =	vadd.f32 v5, v3  }
0x3a2: {  	v5 =	vld [tilespmem:s10+$0xFFFFFF50]  }
0x3a3: {  	[tilespmem:s29+$0xD0] =	vst v3;
	v3 =	vld [tilespmem:s29+$0xE0]  }
0x3a4: {  	v2 =	vadd.f32 v4, v2;
	v4 =	vld [tilespmem:s10+$0xE0]  }
0x3a5: {  	v6 =	vld [tilespmem:s29+$0xFFFFFF60]  }
0x3a6: {  	[tilespmem:s29+$0xFFFFFFD0] =	vst v2;
	v2 =	vld [tilespmem:s29+$0xFFFFFFE0];
	v0 =	vadd.f32 v1, v0  }
0x3a7: {  	v1 =	vadd.f32 v5, v7;
	v5 =	vld [tilespmem:s10+$0xFFFFFFE0]  }
0x3a8: {  	[tilespmem:s29+$0x50] =	vst v0;
	v7 =	vld [tilespmem:s29+$0x60]  }
0x3a9: {  	[tilespmem:s29+$0xFFFFFF50] =	vst v1;
	v8 =	vld [tilespmem:s10+$0x60];
	v0 =	vadd.f32 v4, v3  }
0x3aa: {  	v3 =	vld [tilespmem:s10+$0xFFFFFF60]  }
0x3ab: {  	[tilespmem:s29+$0xE0] =	vst v0;
	v9 =	vld [tilespmem:s29+$0xF0]  }
0x3ac: {  	v1 =	vadd.f32 v5, v2;
	v5 =	vld [tilespmem:s10+$0xF0]  }
0x3ad: {  	v0 =	vld [tilespmem:s29+$0xFFFFFF70]  }
.Ltmp5:
0x3ae: {  	[tilespmem:s29+$0xFFFFFFE0] =	vst v1;
	v1 =	vld [tilespmem:s29+$0xFFFFFFF0];
	v2 =	vadd.f32 v8, v7;
	(pc) =	sbr.rel @p2 .LBB2_13-.Ltmp5, $4  }
0x3af: {  	v4 =	vadd.f32 v3, v6;
	v3 =	vld [tilespmem:s10+$0xFFFFFFF0]  }
0x3b0: {  	[tilespmem:s29+$0x60] =	vst v2;
	v2 =	vld [tilespmem:s29+$0x70]  }
0x3b1: {  	[tilespmem:s29+$0xFFFFFF60] =	vst v4;
	v4 =	vld [tilespmem:s10+$0x70];
	v6 =	vadd.f32 v5, v9  }
0x3b2: {  	s29 =	sadd.s32 $0x200, s29;
	v5 =	vld [tilespmem:s10+$0xFFFFFF70]  }
0x3b3: {  	_ =	sdelay $0x1  }
0x3b4: {  	s6 =	smul.u32 $0x4A00, s6;
	v1 =	vadd.f32 v3, v1  }
0x3b5: {  	[tilespmem:s12+$0xF0] =	vst v6;
	v2 =	vadd.f32 v4, v2  }
0x3b6: {  	s0 =	sadd.s32 s7, s6;
	[tilespmem:s12+$0xFFFFFFF0] =	vst v1;
	v0 =	vadd.f32 v5, v0  }
0x3b7: {  	s10 =	sshll.u32 s0, $0x4;
	[tilespmem:s12+$0x70] =	vst v2  }
0x3b8: {  	s31 =	simm.s32 $0x0;
	s19 =	simm.s32 $0xB600;
	s0 =	sadd.s32 s2, s10;
	[tilespmem:s12+$0xFFFFFF70] =	vst v0  }
0x3b9: {  	[hbm4b:s0+s31] =	stream.linear.scatter [tilespmem:s19], [sflag:$0x9], $0x4C00, $0x38;
	[tilespmem:$0x1DE00] =	vst v63  }
0x3ba: {  	_ =	swait.ge [sflag:s13], $0x3400  }
0x3bb: {  	[sflag:s13] =	ssyncset.done $0x0  }
0x3bc: {  	[sflag:s13] =	ssyncadd.s32 $0xFFFFCC00  }
0x3bd: {  	_ =	swait.ge [sflag:s13], $0x1400  }
0x3be: {  	[sflag:s13] =	ssyncset.done $0x0  }
0x3bf: {  	[sflag:s13] =	ssyncadd.s32 $0xFFFFEC00  }
0x3c0: {  	_ =	swait.ge [sflag:s1], $0x4800  }
0x3c1: {  	[sflag:s1] =	ssyncset.done $0x0  }
0x3c2: {  	s19 =	simm.s32 $0xB518;
	[sflag:s1] =	ssyncadd.s32 $0xFFFFB800  }
0x3c3: {  	[tilespmem:s8], [sflag:$0x8] =	stream.indirect.gather [spmem:s3], $0x80, s19, s30, $0xb8;
	[tilespmem:$0x1DE00] =	vst v63  }
0x3c4: {  	s20 =	simm.s32 $0x1CA00;
	s12 =	simm.s32 $0x0;
	s31 =	simm.s32 $0xB580  }
0x3c5: {  	[tilespmem:s20], [sflag:$0x8] =	stream.indirect.gather [spmem:s3], $0x80, s31, s21, $0xb8;
	[tilespmem:$0x1DE00] =	vst v63  }
0x3c6: {  	v0 =	vld [tilespmem:s12+$0x10200]  }
0x3c7: {  	v1 =	vld [tilespmem:s12+$0x6800]  }
0x3c8: {  	v2 =	vld [tilespmem:s12+$0x10210]  }
0x3c9: {  	v3 =	vld [tilespmem:s12+$0x6810]  }
0x3ca: {  	v4 =	vld [tilespmem:s12+$0x10220]  }
0x3cb: {  	v5 =	vld [tilespmem:s12+$0x6820]  }
0x3cc: {  	v6 =	vld [tilespmem:s12+$0x6830]  }
0x3cd: {  	v7 =	vld [tilespmem:s12+$0x103F0]  }
0x3ce: {  	v8 =	vld [tilespmem:s12+$0x69F0]  }
0x3cf: {  	v9 =	vld [tilespmem:s12+$0x6860]  }
0x3d0: {  	v10 =	vld [tilespmem:s12+$0x10280]  }
0x3d1: {  	v11 =	vld [tilespmem:s12+$0x6880]  }
0x3d2: {  	v12 =	vld [tilespmem:s12+$0x10290]  }
0x3d3: {  	v13 =	vld [tilespmem:s12+$0x6890]  }
0x3d4: {  	v14 =	vld [tilespmem:s12+$0x102A0]  }
0x3d5: {  	v45 =	vld [tilespmem:s12+$0x102B0]  }
0x3d6: {  	v15 =	vld [tilespmem:s12+$0x10270]  }
0x3d7: {  	v47 =	vld [tilespmem:s12+$0x102C0]  }
0x3d8: {  	v48 =	vld [tilespmem:s12+$0x68C0]  }
0x3d9: {  	v16 =	vld [tilespmem:s12+$0x6870]  }
0x3da: {  	v49 =	vld [tilespmem:s12+$0x102D0]  }
0x3db: {  	v17 =	vld [tilespmem:s12+$0x68D0]  }
0x3dc: {  	v18 =	vld [tilespmem:s12+$0x10300]  }
0x3dd: {  	v19 =	vld [tilespmem:s12+$0x6900]  }
0x3de: {  	v20 =	vld [tilespmem:s12+$0x10310]  }
0x3df: {  	v21 =	vld [tilespmem:s12+$0x6910]  }
0x3e0: {  	v22 =	vld [tilespmem:s12+$0x10320]  }
0x3e1: {  	v50 =	vld [tilespmem:s12+$0x6920]  }
0x3e2: {  	v51 =	vld [tilespmem:s12+$0x10330]  }
0x3e3: {  	v23 =	vld [tilespmem:s12+$0x102E0]  }
0x3e4: {  	v53 =	vld [tilespmem:s12+$0x10340]  }
0x3e5: {  	v0 =	vadd.f32 v1, v0;
	v1 =	vld [tilespmem:s12+$0x10230]  }
0x3e6: {  	v54 =	vld [tilespmem:s12+$0x6940]  }
0x3e7: {  	v55 =	vld [tilespmem:s12+$0x68E0]  }
0x3e8: {  	v56 =	vld [tilespmem:s12+$0x10350];
	v10 =	vadd.f32 v11, v10  }
0x3e9: {  	v46 =	vadd.f32 v13, v12;
	[tilespmem:s12+$0x10200] =	vst v0;
	v0 =	vadd.f32 v3, v2;
	v2 =	vld [tilespmem:s12+$0x10240]  }
0x3ea: {  	[tilespmem:s12+$0x10280] =	vst v10;
	v1 =	vadd.f32 v6, v1;
	v6 =	vld [tilespmem:s12+$0x68A0]  }
0x3eb: {  	v18 =	vadd.f32 v19, v18;
	v3 =	vld [tilespmem:s12+$0x6840];
	[tilespmem:s12+$0x10290] =	vst v46  }
0x3ec: {  	v52 =	vadd.f32 v21, v20;
	[tilespmem:s12+$0x10210] =	vst v0;
	v0 =	vadd.f32 v5, v4;
	v4 =	vld [tilespmem:s12+$0x10250]  }
0x3ed: {  	[tilespmem:s12+$0x10300] =	vst v18;
	v5 =	vld [tilespmem:s12+$0x6850]  }
0x3ee: {  	v57 =	vld [tilespmem:s12+$0x102F0];
	v7 =	vadd.f32 v8, v7;
	[tilespmem:s12+$0x10310] =	vst v52  }
0x3ef: {  	[tilespmem:s12+$0x10220] =	vst v0;
	v0 =	vld [tilespmem:s12+$0x10260];
	v6 =	vadd.f32 v6, v14  }
0x3f0: {  	v58 =	vld [tilespmem:s12+$0x10360];
	[tilespmem:s12+$0x103F0] =	vst v7  }
0x3f1: {  	v2 =	vadd.f32 v3, v2;
	[tilespmem:s12+$0x102A0] =	vst v6;
	v6 =	vld [tilespmem:s12+$0x6930]  }
0x3f2: {  	[tilespmem:s12+$0x10230] =	vst v1;
	v1 =	vld [tilespmem:s12+$0x68B0];
	v4 =	vadd.f32 v5, v4  }
0x3f3: {  	v59 =	vld [tilespmem:s12+$0x6960];
	[tilespmem:s12+$0x10240] =	vst v2;
	v14 =	vadd.f32 v50, v22  }
0x3f4: {  	v5 =	vld [tilespmem:s12+$0x10380];
	v0 =	vadd.f32 v9, v0;
	[tilespmem:s12+$0x10250] =	vst v4  }
0x3f5: {  	v2 =	vld [tilespmem:s12+$0x6980];
	v4 =	vadd.f32 v16, v15;
	[tilespmem:s12+$0x10320] =	vst v14  }
0x3f6: {  	v60 =	vld [tilespmem:s12+$0x6990];
	[tilespmem:s12+$0x10260] =	vst v0;
	v6 =	vadd.f32 v6, v51  }
0x3f7: {  	v7 =	vld [tilespmem:s12+$0x10390];
	v1 =	vadd.f32 v1, v45;
	[tilespmem:s12+$0x10270] =	vst v4  }
0x3f8: {  	v0 =	vadd.f32 v48, v47;
	[tilespmem:s12+$0x10330] =	vst v6;
	v6 =	vld [tilespmem:s12+$0x68F0]  }
0x3f9: {  	v61 =	vld [tilespmem:s12+$0x103A0];
	v4 =	vadd.f32 v17, v49;
	[tilespmem:s12+$0x102B0] =	vst v1  }
0x3fa: {  	v63 =	vld [tilespmem:s12+$0x6970];
	v2 =	vadd.f32 v2, v5;
	[tilespmem:s12+$0x102C0] =	vst v0  }
0x3fb: {  	v1 =	vld [tilespmem:s12+$0x6950];
	v0 =	vadd.f32 v55, v23;
	[tilespmem:s12+$0x102D0] =	vst v4  }
0x3fc: {  	v3 =	vld [tilespmem:s12+$0x10370];
	[tilespmem:s12+$0x10380] =	vst v2;
	v2 =	vadd.f32 v60, v7  }
0x3fd: {  	v62 =	vld [tilespmem:s12+$0x69A0];
	[tilespmem:s12+$0x102E0] =	vst v0;
	v0 =	vadd.f32 v6, v57  }
0x3fe: {  	v5 =	vld [tilespmem:s12+$0x69B0];
	[tilespmem:s12+$0x10390] =	vst v2;
	v6 =	vadd.f32 v54, v53  }
0x3ff: {  	v4 =	vld [tilespmem:s12+$0x103B0];
	v7 =	vadd.f32 v59, v58;
	[tilespmem:s12+$0x102F0] =	vst v0  }
0x400: {  	v0 =	vld [tilespmem:s12+$0x103C0];
	[tilespmem:s12+$0x10340] =	vst v6;
	v6 =	vadd.f32 v1, v56  }
0x401: {  	[tilespmem:s12+$0x10360] =	vst v7;
	v7 =	vadd.f32 v63, v3;
	v1 =	vld [tilespmem:s12+$0x69C0]  }
0x402: {  	v2 =	vld [tilespmem:s12+$0x103D0];
	[tilespmem:s12+$0x10350] =	vst v6;
	v6 =	vadd.f32 v62, v61  }
0x403: {  	v3 =	vld [tilespmem:s12+$0x69D0];
	[tilespmem:s12+$0x10370] =	vst v7  }
0x404: {  	s29 =	simm.s32 $0x800;
	s20 =	simm.s32 $0x98;
	v5 =	vadd.f32 v5, v4;
	v4 =	vld [tilespmem:s12+$0x103E0];
	[tilespmem:s12+$0x103A0] =	vst v6  }
.LBB2_15:
0x405: {  	s0 =	sshra.s32 s29, $0x2;
	v6 =	vld [tilespmem:s12+$0x69E0]  }
0x406: {  	s20 =	sadd.s32 $0x4, s20;
	v7 =	vld [tilespmem:s0+$0x103F0];
	[tilespmem:s12+$0x103B0] =	vst v5;
	v0 =	vadd.f32 v1, v0  }
0x407: {  	p2 =	slt.u32 s20, $0x124;
	v1 =	vld [tilespmem:s0+$0x69F0]  }
0x408: {  	v5 =	vld [tilespmem:s0+$0x10200];
	[tilespmem:s12+$0x103C0] =	vst v0;
	v0 =	vadd.f32 v3, v2  }
0x409: {  	v2 =	vld [tilespmem:s0+$0x6800]  }
0x40a: {  	v3 =	vld [tilespmem:s0+$0x10210];
	[tilespmem:s12+$0x103D0] =	vst v0;
	v0 =	vadd.f32 v6, v4  }
0x40b: {  	v4 =	vld [tilespmem:s0+$0x6810]  }
0x40c: {  	v6 =	vld [tilespmem:s0+$0x10220];
	v1 =	vadd.f32 v1, v7;
	[tilespmem:s12+$0x103E0] =	vst v0;
	s12 =	smov.u32 s0  }
0x40d: {  	v0 =	vld [tilespmem:s12+$0x6820]  }
0x40e: {  	v2 =	vadd.f32 v2, v5;
	v5 =	vld [tilespmem:s12+$0x10230];
	[tilespmem:s12+$0x103F0] =	vst v1  }
0x40f: {  	v1 =	vld [tilespmem:s12+$0x6830]  }
0x410: {  	[tilespmem:s12+$0x10200] =	vst v2;
	v2 =	vadd.f32 v4, v3;
	v3 =	vld [tilespmem:s12+$0x10240]  }
0x411: {  	v4 =	vld [tilespmem:s12+$0x6840]  }
0x412: {  	[tilespmem:s12+$0x10210] =	vst v2;
	v0 =	vadd.f32 v0, v6;
	v2 =	vld [tilespmem:s12+$0x10250]  }
0x413: {  	v6 =	vld [tilespmem:s12+$0x6850]  }
0x414: {  	[tilespmem:s12+$0x10220] =	vst v0;
	v0 =	vadd.f32 v1, v5;
	v1 =	vld [tilespmem:s12+$0x10260]  }
0x415: {  	v5 =	vld [tilespmem:s12+$0x6860]  }
0x416: {  	[tilespmem:s12+$0x10230] =	vst v0;
	v0 =	vadd.f32 v4, v3;
	v3 =	vld [tilespmem:s12+$0x10270]  }
0x417: {  	v4 =	vld [tilespmem:s12+$0x6870]  }
0x418: {  	[tilespmem:s12+$0x10240] =	vst v0;
	v0 =	vadd.f32 v6, v2;
	v2 =	vld [tilespmem:s12+$0x10280]  }
0x419: {  	v6 =	vld [tilespmem:s12+$0x6880]  }
0x41a: {  	[tilespmem:s12+$0x10250] =	vst v0;
	v0 =	vadd.f32 v5, v1;
	v1 =	vld [tilespmem:s12+$0x10290]  }
0x41b: {  	v5 =	vld [tilespmem:s12+$0x6890]  }
0x41c: {  	[tilespmem:s12+$0x10260] =	vst v0;
	v0 =	vadd.f32 v4, v3;
	v3 =	vld [tilespmem:s12+$0x102A0]  }
0x41d: {  	v4 =	vld [tilespmem:s12+$0x68A0]  }
0x41e: {  	[tilespmem:s12+$0x10270] =	vst v0;
	v0 =	vadd.f32 v6, v2;
	v2 =	vld [tilespmem:s12+$0x102B0]  }
0x41f: {  	v6 =	vld [tilespmem:s12+$0x68B0]  }
0x420: {  	[tilespmem:s12+$0x10280] =	vst v0;
	v0 =	vadd.f32 v5, v1;
	v1 =	vld [tilespmem:s12+$0x102C0]  }
0x421: {  	v5 =	vld [tilespmem:s12+$0x68C0]  }
0x422: {  	[tilespmem:s12+$0x10290] =	vst v0;
	v0 =	vadd.f32 v4, v3;
	v3 =	vld [tilespmem:s12+$0x102D0]  }
0x423: {  	v4 =	vld [tilespmem:s12+$0x68D0]  }
0x424: {  	[tilespmem:s12+$0x102A0] =	vst v0;
	v0 =	vadd.f32 v6, v2;
	v2 =	vld [tilespmem:s12+$0x102E0]  }
0x425: {  	v6 =	vld [tilespmem:s12+$0x68E0]  }
0x426: {  	[tilespmem:s12+$0x102B0] =	vst v0;
	v0 =	vadd.f32 v5, v1;
	v1 =	vld [tilespmem:s12+$0x102F0]  }
0x427: {  	v5 =	vld [tilespmem:s12+$0x68F0]  }
0x428: {  	[tilespmem:s12+$0x102C0] =	vst v0;
	v0 =	vadd.f32 v4, v3;
	v3 =	vld [tilespmem:s12+$0x10300]  }
0x429: {  	v4 =	vld [tilespmem:s12+$0x6900]  }
0x42a: {  	[tilespmem:s12+$0x102D0] =	vst v0;
	v0 =	vadd.f32 v6, v2;
	v2 =	vld [tilespmem:s12+$0x10310]  }
0x42b: {  	v6 =	vld [tilespmem:s12+$0x6910]  }
0x42c: {  	[tilespmem:s12+$0x102E0] =	vst v0;
	v0 =	vadd.f32 v5, v1;
	v1 =	vld [tilespmem:s12+$0x10320]  }
0x42d: {  	v5 =	vld [tilespmem:s12+$0x6920]  }
0x42e: {  	[tilespmem:s12+$0x102F0] =	vst v0;
	v0 =	vadd.f32 v4, v3;
	v3 =	vld [tilespmem:s12+$0x10330]  }
0x42f: {  	v4 =	vld [tilespmem:s12+$0x6930]  }
0x430: {  	[tilespmem:s12+$0x10300] =	vst v0;
	v0 =	vadd.f32 v6, v2;
	v2 =	vld [tilespmem:s12+$0x10340]  }
0x431: {  	v6 =	vld [tilespmem:s12+$0x6940]  }
0x432: {  	[tilespmem:s12+$0x10310] =	vst v0;
	v0 =	vadd.f32 v5, v1;
	v1 =	vld [tilespmem:s12+$0x10350]  }
0x433: {  	v5 =	vld [tilespmem:s12+$0x6950]  }
0x434: {  	[tilespmem:s12+$0x10320] =	vst v0;
	v0 =	vadd.f32 v4, v3;
	v3 =	vld [tilespmem:s12+$0x10360]  }
0x435: {  	v4 =	vld [tilespmem:s12+$0x6960]  }
0x436: {  	[tilespmem:s12+$0x10330] =	vst v0;
	v0 =	vadd.f32 v6, v2;
	v2 =	vld [tilespmem:s12+$0x10370]  }
0x437: {  	v6 =	vld [tilespmem:s12+$0x6970]  }
0x438: {  	[tilespmem:s12+$0x10340] =	vst v0;
	v0 =	vadd.f32 v5, v1;
	v1 =	vld [tilespmem:s12+$0x10380]  }
0x439: {  	v5 =	vld [tilespmem:s12+$0x6980]  }
0x43a: {  	[tilespmem:s12+$0x10350] =	vst v0;
	v0 =	vadd.f32 v4, v3;
	v3 =	vld [tilespmem:s12+$0x10390]  }
0x43b: {  	v4 =	vld [tilespmem:s12+$0x6990]  }
0x43c: {  	[tilespmem:s12+$0x10360] =	vst v0;
	v0 =	vadd.f32 v6, v2;
	v2 =	vld [tilespmem:s12+$0x103A0]  }
0x43d: {  	v6 =	vld [tilespmem:s12+$0x69A0]  }
0x43e: {  	[tilespmem:s12+$0x10370] =	vst v0;
	v0 =	vadd.f32 v5, v1;
	v5 =	vld [tilespmem:s12+$0x103B0]  }
0x43f: {  	v7 =	vld [tilespmem:s12+$0x69B0]  }
.Ltmp6:
0x440: {  	[tilespmem:s12+$0x10380] =	vst v0;
	v3 =	vadd.f32 v4, v3;
	v0 =	vld [tilespmem:s12+$0x103C0];
	(pc) =	sbr.rel @p2 .LBB2_15-.Ltmp6, $4  }
0x441: {  	v1 =	vld [tilespmem:s12+$0x69C0]  }
0x442: {  	[tilespmem:s12+$0x10390] =	vst v3;
	v4 =	vadd.f32 v6, v2;
	v2 =	vld [tilespmem:s12+$0x103D0]  }
0x443: {  	v3 =	vld [tilespmem:s12+$0x69D0]  }
0x444: {  	s29 =	sadd.s32 $0x800, s29;
	[tilespmem:s12+$0x103A0] =	vst v4;
	v5 =	vadd.f32 v7, v5;
	v4 =	vld [tilespmem:s12+$0x103E0]  }
0x445: {  	v6 =	vld [tilespmem:s12+$0x69E0];
	_ =	sdelay $0x2  }
0x446: {  	v0 =	vadd.f32 v1, v0  }
0x447: {  	[tilespmem:s12+$0x103B0] =	vst v5;
	v1 =	vadd.f32 v3, v2  }
0x448: {  	[tilespmem:s12+$0x103C0] =	vst v0;
	v0 =	vadd.f32 v6, v4  }
0x449: {  	[tilespmem:s12+$0x103D0] =	vst v1  }
0x44a: {  	s0 =	sadd.s32 s10, s16;
	s31 =	simm.s32 $0x10200;
	[tilespmem:s12+$0x103E0] =	vst v0  }
0x44b: {  	[hbm4b:s0+s4] =	stream.linear.scatter [tilespmem:s31], [sflag:$0xA], $0x4800, $0x38;
	[tilespmem:$0x1DE00] =	vst v63  }
0x44c: {  	_ =	swait.ge [sflag:s14], $0x4000  }
0x44d: {  	[sflag:s14] =	ssyncset.done $0x0  }
0x44e: {  	[sflag:s14] =	ssyncadd.s32 $0xFFFFC000  }
0x44f: {  	_ =	swait.ge [sflag:s14], $0xC00  }
0x450: {  	[sflag:s14] =	ssyncset.done $0x0  }
0x451: {  	s0 =	simm.s32 @!p1 $0x9;
	[sflag:s14] =	ssyncadd.s32 $0xFFFFF400  }
0x452: {  	_ =	swait.ge @!p1 [sflag:s0], $0x4C00  }
0x453: {  	[sflag:s0] =	ssyncset.done @!p1 $0x0  }
0x454: {  	[sflag:s0] =	ssyncadd.s32 @!p1 $0xFFFFB400;
	s0 =	simm.s32 @!p1 $0x1  }
0x455: {  	_ =	swait.ge @!p1 [sflag:s0], $0x128  }
0x456: {  	s10 =	simm.s32 @!p1 $0xB000;
	[sflag:s0] =	ssyncset.done @!p1 $0x0  }
0x457: {  	s12 =	simm.s32 @!p1 $0xB600;
	[sflag:s0] =	ssyncadd.s32 @!p1 $0xFFFFFED8;
	s0 =	simm.s32 @!p1 $0x80  }
0x458: {  	[tilespmem:s12], [sflag:$0x5] =	stream.indirect.gather @!p1 [spmem:s3], $0x80, s10, s0, $0xb8;
	[tilespmem:$0x1DE00] =	vst v63  }
0x459: {  	s0 =	simm.s32 @!p1 $0x18;
	s10 =	simm.s32 @!p1 $0xB080;
	s12 =	simm.s32 @!p1 $0xF600  }
0x45a: {  	[tilespmem:s12], [sflag:$0x5] =	stream.indirect.gather @!p1 [spmem:s3], $0x80, s10, s0, $0xb8;
	[tilespmem:$0x1DE00] =	vst v63  }
0x45b: {  	s0 =	sadd.s32 @!p0 s6, s17  }
0x45c: {  	s0 =	sshrl.u32 @!p0 s0, $0x3  }
0x45d: {  	s10 =	simm.s32 @!p0 $0x0;
	s12 =	simm.s32 @!p0 $0xB300;
	s0 =	sadd.s32 @!p0 s5, s0  }
0x45e: {  	[tilespmem:s12], [sflag:$0x3] =	stream.linear.gather @!p0 [hbm4b:s0+s10], $0x128, $0x38;
	[tilespmem:$0x1DE00] =	vst v63  }
0x45f: {  	s10 =	simm.s32 $0x14B00  }
0x460: {  	s12 =	simm.s32 $0x1D00;
	v0 =	vld [tilespmem:s10+$0x80]  }
0x461: {  	v1 =	vld [tilespmem:s12+$0x80]  }
0x462: {  	v2 =	vld [tilespmem:s10+$0xFFFFFF80]  }
0x463: {  	v3 =	vld [tilespmem:s12+$0xFFFFFF80]  }
0x464: {  	v4 =	vld [tilespmem:s10+$0x0]  }
0x465: {  	v5 =	vld [tilespmem:s12+$0x0]  }
0x466: {  	v6 =	vld [tilespmem:s10+$0xFFFFFF00];
	v0 =	vadd.f32 v1, v0  }
0x467: {  	v1 =	vld [tilespmem:s12+$0xFFFFFF00]  }
0x468: {  	[tilespmem:s10+$0x80] =	vst v0;
	v0 =	vld [tilespmem:s10+$0x90]  }
0x469: {  	v2 =	vadd.f32 v3, v2;
	v3 =	vld [tilespmem:s12+$0x90]  }
0x46a: {  	v7 =	vld [tilespmem:s10+$0xFFFFFF10]  }
0x46b: {  	[tilespmem:s10+$0xFFFFFF80] =	vst v2;
	v2 =	vadd.f32 v5, v4;
	v4 =	vld [tilespmem:s10+$0xFFFFFF90]  }
0x46c: {  	v5 =	vld [tilespmem:s12+$0xFFFFFF90];
	v1 =	vadd.f32 v1, v6  }
0x46d: {  	[tilespmem:s10+$0x0] =	vst v2;
	v2 =	vld [tilespmem:s10+$0x10]  }
0x46e: {  	v6 =	vld [tilespmem:s12+$0x10];
	[tilespmem:s10+$0xFFFFFF00] =	vst v1;
	v0 =	vadd.f32 v3, v0  }
0x46f: {  	v1 =	vld [tilespmem:s12+$0xFFFFFF10]  }
0x470: {  	[tilespmem:s10+$0x90] =	vst v0;
	v0 =	vld [tilespmem:s10+$0xA0]  }
0x471: {  	v3 =	vadd.f32 v5, v4;
	v4 =	vld [tilespmem:s12+$0xA0]  }
0x472: {  	v5 =	vld [tilespmem:s10+$0xFFFFFF20]  }
0x473: {  	[tilespmem:s10+$0xFFFFFF90] =	vst v3;
	v2 =	vadd.f32 v6, v2;
	v3 =	vld [tilespmem:s10+$0xFFFFFFA0]  }
0x474: {  	v6 =	vld [tilespmem:s12+$0xFFFFFFA0];
	v1 =	vadd.f32 v1, v7  }
0x475: {  	[tilespmem:s10+$0x10] =	vst v2;
	v2 =	vld [tilespmem:s10+$0x20]  }
0x476: {  	v7 =	vld [tilespmem:s12+$0x20];
	[tilespmem:s10+$0xFFFFFF10] =	vst v1;
	v0 =	vadd.f32 v4, v0  }
0x477: {  	v1 =	vld [tilespmem:s12+$0xFFFFFF20]  }
0x478: {  	[tilespmem:s10+$0xA0] =	vst v0;
	v0 =	vld [tilespmem:s10+$0xB0]  }
0x479: {  	v3 =	vadd.f32 v6, v3;
	v4 =	vld [tilespmem:s12+$0xB0]  }
0x47a: {  	v6 =	vld [tilespmem:s10+$0xFFFFFF30]  }
0x47b: {  	[tilespmem:s10+$0xFFFFFFA0] =	vst v3;
	v2 =	vadd.f32 v7, v2;
	v3 =	vld [tilespmem:s10+$0xFFFFFFB0]  }
0x47c: {  	v7 =	vld [tilespmem:s12+$0xFFFFFFB0];
	v1 =	vadd.f32 v1, v5  }
0x47d: {  	[tilespmem:s10+$0x20] =	vst v2;
	v2 =	vld [tilespmem:s10+$0x30]  }
0x47e: {  	v5 =	vld [tilespmem:s12+$0x30];
	[tilespmem:s10+$0xFFFFFF20] =	vst v1;
	v0 =	vadd.f32 v4, v0  }
0x47f: {  	v1 =	vld [tilespmem:s12+$0xFFFFFF30]  }
0x480: {  	[tilespmem:s10+$0xB0] =	vst v0;
	v0 =	vld [tilespmem:s10+$0xC0]  }
0x481: {  	v3 =	vadd.f32 v7, v3;
	v4 =	vld [tilespmem:s12+$0xC0]  }
0x482: {  	v7 =	vld [tilespmem:s10+$0xFFFFFF40]  }
0x483: {  	[tilespmem:s10+$0xFFFFFFB0] =	vst v3;
	v2 =	vadd.f32 v5, v2;
	v3 =	vld [tilespmem:s10+$0xFFFFFFC0]  }
0x484: {  	v5 =	vld [tilespmem:s12+$0xFFFFFFC0];
	v1 =	vadd.f32 v1, v6  }
0x485: {  	[tilespmem:s10+$0x30] =	vst v2;
	v2 =	vld [tilespmem:s10+$0x40]  }
0x486: {  	v6 =	vld [tilespmem:s12+$0x40];
	[tilespmem:s10+$0xFFFFFF30] =	vst v1;
	v0 =	vadd.f32 v4, v0  }
0x487: {  	v1 =	vld [tilespmem:s12+$0xFFFFFF40]  }
0x488: {  	[tilespmem:s10+$0xC0] =	vst v0;
	v0 =	vld [tilespmem:s10+$0xD0]  }
0x489: {  	v3 =	vadd.f32 v5, v3;
	v4 =	vld [tilespmem:s12+$0xD0]  }
0x48a: {  	v5 =	vld [tilespmem:s10+$0xFFFFFF50]  }
0x48b: {  	[tilespmem:s10+$0xFFFFFFC0] =	vst v3;
	v2 =	vadd.f32 v6, v2;
	v3 =	vld [tilespmem:s10+$0xFFFFFFD0]  }
0x48c: {  	v6 =	vld [tilespmem:s12+$0xFFFFFFD0];
	v1 =	vadd.f32 v1, v7  }
0x48d: {  	[tilespmem:s10+$0x40] =	vst v2;
	v2 =	vld [tilespmem:s10+$0x50]  }
0x48e: {  	v7 =	vld [tilespmem:s12+$0x50];
	[tilespmem:s10+$0xFFFFFF40] =	vst v1;
	v0 =	vadd.f32 v4, v0  }
0x48f: {  	v1 =	vld [tilespmem:s12+$0xFFFFFF50]  }
0x490: {  	[tilespmem:s10+$0xD0] =	vst v0;
	v0 =	vld [tilespmem:s10+$0xE0]  }
0x491: {  	v3 =	vadd.f32 v6, v3;
	v4 =	vld [tilespmem:s12+$0xE0]  }
0x492: {  	v6 =	vld [tilespmem:s10+$0xFFFFFF60]  }
0x493: {  	[tilespmem:s10+$0xFFFFFFD0] =	vst v3;
	v2 =	vadd.f32 v7, v2;
	v3 =	vld [tilespmem:s10+$0xFFFFFFE0]  }
0x494: {  	v7 =	vld [tilespmem:s12+$0xFFFFFFE0];
	v1 =	vadd.f32 v1, v5  }
0x495: {  	[tilespmem:s10+$0x50] =	vst v2;
	v2 =	vld [tilespmem:s10+$0x60]  }
0x496: {  	v5 =	vld [tilespmem:s12+$0x60];
	[tilespmem:s10+$0xFFFFFF50] =	vst v1;
	v0 =	vadd.f32 v4, v0  }
0x497: {  	v4 =	vld [tilespmem:s12+$0xFFFFFF60]  }
0x498: {  	v8 =	vld [tilespmem:s10+$0xF0];
	[tilespmem:s10+$0xE0] =	vst v0  }
0x499: {  	v1 =	vadd.f32 v7, v3;
	v7 =	vld [tilespmem:s12+$0xF0]  }
0x49a: {  	v0 =	vld [tilespmem:s10+$0xFFFFFF70]  }
0x49b: {  	[tilespmem:s10+$0xFFFFFFE0] =	vst v1;
	v2 =	vadd.f32 v5, v2;
	v1 =	vld [tilespmem:s10+$0xFFFFFFF0]  }
0x49c: {  	v3 =	vld [tilespmem:s12+$0xFFFFFFF0];
	v4 =	vadd.f32 v4, v6  }
0x49d: {  	[tilespmem:s10+$0x60] =	vst v2;
	v2 =	vld [tilespmem:s10+$0x70]  }
0x49e: {  	[tilespmem:s10+$0xFFFFFF60] =	vst v4;
	v4 =	vld [tilespmem:s12+$0x70];
	v6 =	vadd.f32 v7, v8  }
0x49f: {  	s20 =	simm.s32 $0x0;
	s29 =	simm.s32 $0x14D00;
	v5 =	vld [tilespmem:s12+$0xFFFFFF70]  }
.LBB2_17:
0x4a0: {  	v7 =	vld [tilespmem:s29+$0x80];
	[tilespmem:s10+$0xF0] =	vst v6;
	s12 =	sadd.s32 $0x200, s12  }
0x4a1: {  	s20 =	sadd.s32 $0x4, s20;
	v6 =	vld [tilespmem:s12+$0x80];
	v1 =	vadd.f32 v3, v1  }
0x4a2: {  	p0 =	slt.u32 s20, $0x94;
	v3 =	vld [tilespmem:s12+$0xFFFFFF00]  }
0x4a3: {  	v8 =	vld [tilespmem:s29+$0xFFFFFF80];
	[tilespmem:s10+$0xFFFFFFF0] =	vst v1;
	v1 =	vadd.f32 v4, v2  }
0x4a4: {  	v2 =	vld [tilespmem:s12+$0xFFFFFF80];
	v0 =	vadd.f32 v5, v0  }
0x4a5: {  	v4 =	vld [tilespmem:s29+$0x0];
	[tilespmem:s10+$0x70] =	vst v1  }
0x4a6: {  	v1 =	vld [tilespmem:s12+$0x0];
	v5 =	vadd.f32 v6, v7;
	[tilespmem:s10+$0xFFFFFF70] =	vst v0;
	s10 =	smov.u32 s29  }
0x4a7: {  	v0 =	vld [tilespmem:s29+$0xFFFFFF00]  }
0x4a8: {  	[tilespmem:s29+$0x80] =	vst v5;
	v5 =	vld [tilespmem:s29+$0x90]  }
0x4a9: {  	v2 =	vadd.f32 v2, v8;
	v6 =	vld [tilespmem:s12+$0x90]  }
0x4aa: {  	v7 =	vld [tilespmem:s29+$0xFFFFFF10]  }
0x4ab: {  	[tilespmem:s29+$0xFFFFFF80] =	vst v2;
	v2 =	vld [tilespmem:s29+$0xFFFFFF90];
	v1 =	vadd.f32 v1, v4  }
0x4ac: {  	v0 =	vadd.f32 v3, v0;
	v3 =	vld [tilespmem:s12+$0xFFFFFF90]  }
0x4ad: {  	[tilespmem:s29+$0x0] =	vst v1;
	v1 =	vld [tilespmem:s29+$0x10]  }
0x4ae: {  	[tilespmem:s29+$0xFFFFFF00] =	vst v0;
	v0 =	vld [tilespmem:s12+$0x10];
	v4 =	vadd.f32 v6, v5  }
0x4af: {  	v5 =	vld [tilespmem:s12+$0xFFFFFF10]  }
0x4b0: {  	[tilespmem:s29+$0x90] =	vst v4;
	v4 =	vld [tilespmem:s29+$0xA0]  }
0x4b1: {  	v2 =	vadd.f32 v3, v2;
	v3 =	vld [tilespmem:s12+$0xA0]  }
0x4b2: {  	v6 =	vld [tilespmem:s29+$0xFFFFFF20]  }
0x4b3: {  	[tilespmem:s29+$0xFFFFFF90] =	vst v2;
	v2 =	vld [tilespmem:s29+$0xFFFFFFA0];
	v0 =	vadd.f32 v0, v1  }
0x4b4: {  	v1 =	vadd.f32 v5, v7;
	v5 =	vld [tilespmem:s12+$0xFFFFFFA0]  }
0x4b5: {  	[tilespmem:s29+$0x10] =	vst v0;
	v0 =	vld [tilespmem:s29+$0x20]  }
0x4b6: {  	[tilespmem:s29+$0xFFFFFF10] =	vst v1;
	v1 =	vld [tilespmem:s12+$0x20];
	v3 =	vadd.f32 v3, v4  }
0x4b7: {  	v4 =	vld [tilespmem:s12+$0xFFFFFF20]  }
0x4b8: {  	[tilespmem:s29+$0xA0] =	vst v3;
	v3 =	vld [tilespmem:s29+$0xB0]  }
0x4b9: {  	v2 =	vadd.f32 v5, v2;
	v5 =	vld [tilespmem:s12+$0xB0]  }
0x4ba: {  	v7 =	vld [tilespmem:s29+$0xFFFFFF30]  }
0x4bb: {  	[tilespmem:s29+$0xFFFFFFA0] =	vst v2;
	v2 =	vld [tilespmem:s29+$0xFFFFFFB0];
	v0 =	vadd.f32 v1, v0  }
0x4bc: {  	v1 =	vadd.f32 v4, v6;
	v4 =	vld [tilespmem:s12+$0xFFFFFFB0]  }
0x4bd: {  	[tilespmem:s29+$0x20] =	vst v0;
	v0 =	vld [tilespmem:s29+$0x30]  }
0x4be: {  	[tilespmem:s29+$0xFFFFFF20] =	vst v1;
	v1 =	vld [tilespmem:s12+$0x30];
	v3 =	vadd.f32 v5, v3  }
0x4bf: {  	v5 =	vld [tilespmem:s12+$0xFFFFFF30]  }
0x4c0: {  	[tilespmem:s29+$0xB0] =	vst v3;
	v3 =	vld [tilespmem:s29+$0xC0]  }
0x4c1: {  	v2 =	vadd.f32 v4, v2;
	v4 =	vld [tilespmem:s12+$0xC0]  }
0x4c2: {  	v6 =	vld [tilespmem:s29+$0xFFFFFF40]  }
0x4c3: {  	[tilespmem:s29+$0xFFFFFFB0] =	vst v2;
	v2 =	vld [tilespmem:s29+$0xFFFFFFC0];
	v0 =	vadd.f32 v1, v0  }
0x4c4: {  	v1 =	vadd.f32 v5, v7;
	v5 =	vld [tilespmem:s12+$0xFFFFFFC0]  }
0x4c5: {  	[tilespmem:s29+$0x30] =	vst v0;
	v0 =	vld [tilespmem:s29+$0x40]  }
0x4c6: {  	[tilespmem:s29+$0xFFFFFF30] =	vst v1;
	v1 =	vld [tilespmem:s12+$0x40];
	v3 =	vadd.f32 v4, v3  }
0x4c7: {  	v4 =	vld [tilespmem:s12+$0xFFFFFF40]  }
0x4c8: {  	[tilespmem:s29+$0xC0] =	vst v3;
	v3 =	vld [tilespmem:s29+$0xD0]  }
0x4c9: {  	v2 =	vadd.f32 v5, v2;
	v5 =	vld [tilespmem:s12+$0xD0]  }
0x4ca: {  	v7 =	vld [tilespmem:s29+$0xFFFFFF50]  }
0x4cb: {  	[tilespmem:s29+$0xFFFFFFC0] =	vst v2;
	v2 =	vld [tilespmem:s29+$0xFFFFFFD0];
	v0 =	vadd.f32 v1, v0  }
0x4cc: {  	v1 =	vadd.f32 v4, v6;
	v4 =	vld [tilespmem:s12+$0xFFFFFFD0]  }
0x4cd: {  	[tilespmem:s29+$0x40] =	vst v0;
	v0 =	vld [tilespmem:s29+$0x50]  }
0x4ce: {  	[tilespmem:s29+$0xFFFFFF40] =	vst v1;
	v1 =	vld [tilespmem:s12+$0x50];
	v3 =	vadd.f32 v5, v3  }
0x4cf: {  	v5 =	vld [tilespmem:s12+$0xFFFFFF50]  }
0x4d0: {  	[tilespmem:s29+$0xD0] =	vst v3;
	v3 =	vld [tilespmem:s29+$0xE0]  }
0x4d1: {  	v2 =	vadd.f32 v4, v2;
	v4 =	vld [tilespmem:s12+$0xE0]  }
0x4d2: {  	v6 =	vld [tilespmem:s29+$0xFFFFFF60]  }
0x4d3: {  	[tilespmem:s29+$0xFFFFFFD0] =	vst v2;
	v2 =	vld [tilespmem:s29+$0xFFFFFFE0];
	v0 =	vadd.f32 v1, v0  }
0x4d4: {  	v1 =	vadd.f32 v5, v7;
	v5 =	vld [tilespmem:s12+$0xFFFFFFE0]  }
0x4d5: {  	[tilespmem:s29+$0x50] =	vst v0;
	v7 =	vld [tilespmem:s29+$0x60]  }
0x4d6: {  	[tilespmem:s29+$0xFFFFFF50] =	vst v1;
	v8 =	vld [tilespmem:s12+$0x60];
	v0 =	vadd.f32 v4, v3  }
0x4d7: {  	v3 =	vld [tilespmem:s12+$0xFFFFFF60]  }
0x4d8: {  	[tilespmem:s29+$0xE0] =	vst v0;
	v9 =	vld [tilespmem:s29+$0xF0]  }
0x4d9: {  	v1 =	vadd.f32 v5, v2;
	v5 =	vld [tilespmem:s12+$0xF0]  }
0x4da: {  	v0 =	vld [tilespmem:s29+$0xFFFFFF70]  }
.Ltmp7:
0x4db: {  	[tilespmem:s29+$0xFFFFFFE0] =	vst v1;
	v1 =	vld [tilespmem:s29+$0xFFFFFFF0];
	v2 =	vadd.f32 v8, v7;
	(pc) =	sbr.rel @p0 .LBB2_17-.Ltmp7, $4  }
0x4dc: {  	v4 =	vadd.f32 v3, v6;
	v3 =	vld [tilespmem:s12+$0xFFFFFFF0]  }
0x4dd: {  	[tilespmem:s29+$0x60] =	vst v2;
	v2 =	vld [tilespmem:s29+$0x70]  }
0x4de: {  	[tilespmem:s29+$0xFFFFFF60] =	vst v4;
	v4 =	vld [tilespmem:s12+$0x70];
	v6 =	vadd.f32 v5, v9  }
0x4df: {  	s29 =	sadd.s32 $0x200, s29;
	v5 =	vld [tilespmem:s12+$0xFFFFFF70]  }
0x4e0: {  	_ =	sdelay $0x1  }
0x4e1: {  	v1 =	vadd.f32 v3, v1  }
0x4e2: {  	[tilespmem:s10+$0xF0] =	vst v6;
	v2 =	vadd.f32 v4, v2  }
0x4e3: {  	s0 =	sadd.s32 s6, s9;
	[tilespmem:s10+$0xFFFFFFF0] =	vst v1;
	v0 =	vadd.f32 v5, v0  }
0x4e4: {  	s6 =	sshll.u32 s0, $0x4;
	[tilespmem:s10+$0x70] =	vst v2  }
0x4e5: {  	s0 =	sadd.s32 s2, s6;
	[tilespmem:s10+$0xFFFFFF70] =	vst v0  }
0x4e6: {  	[hbm4b:s0+s4] =	stream.linear.scatter [tilespmem:s26], [sflag:$0xB], $0x4C00, $0x38;
	[tilespmem:$0x1DE00] =	vst v63  }
0x4e7: {  	_ =	swait.ge [sflag:s22], $0x3400  }
0x4e8: {  	[sflag:s22] =	ssyncset.done $0x0  }
0x4e9: {  	[sflag:s22] =	ssyncadd.s32 $0xFFFFCC00  }
0x4ea: {  	_ =	swait.ge [sflag:s22], $0x1400  }
0x4eb: {  	[sflag:s22] =	ssyncset.done $0x0  }
0x4ec: {  	s0 =	simm.s32 @!p1 $0xA;
	[sflag:s22] =	ssyncadd.s32 $0xFFFFEC00  }
0x4ed: {  	_ =	swait.ge @!p1 [sflag:s0], $0x4800  }
0x4ee: {  	s12 =	simm.s32 @!p1 $0x10200;
	[sflag:s0] =	ssyncset.done @!p1 $0x0  }
0x4ef: {  	s10 =	simm.s32 @!p1 $0xB098;
	[sflag:s0] =	ssyncadd.s32 @!p1 $0xFFFFB800;
	s0 =	simm.s32 @!p1 $0x68  }
0x4f0: {  	[tilespmem:s12], [sflag:$0x6] =	stream.indirect.gather @!p1 [spmem:s3], $0x80, s10, s0, $0xb8;
	[tilespmem:$0x1DE00] =	vst v63  }
0x4f1: {  	s0 =	simm.s32 @!p1 $0x28;
	s10 =	simm.s32 @!p1 $0xB100;
	s12 =	simm.s32 @!p1 $0x13600  }
0x4f2: {  	[tilespmem:s12], [sflag:$0x6] =	stream.indirect.gather @!p1 [spmem:s3], $0x80, s10, s0, $0xb8;
	[tilespmem:$0x1DE00] =	vst v63  }
0x4f3: {  	s10 =	simm.s32 $0x0  }
0x4f4: {  	v0 =	vld [tilespmem:s10+$0x19600]  }
0x4f5: {  	v1 =	vld [tilespmem:s10+$0x6800]  }
0x4f6: {  	v2 =	vld [tilespmem:s10+$0x19610]  }
0x4f7: {  	v3 =	vld [tilespmem:s10+$0x6810]  }
0x4f8: {  	v4 =	vld [tilespmem:s10+$0x19620]  }
0x4f9: {  	v5 =	vld [tilespmem:s10+$0x6820]  }
0x4fa: {  	v6 =	vld [tilespmem:s10+$0x6830]  }
0x4fb: {  	v7 =	vld [tilespmem:s10+$0x197F0]  }
0x4fc: {  	v8 =	vld [tilespmem:s10+$0x69F0]  }
0x4fd: {  	v9 =	vld [tilespmem:s10+$0x6860]  }
0x4fe: {  	v10 =	vld [tilespmem:s10+$0x19680]  }
0x4ff: {  	v11 =	vld [tilespmem:s10+$0x6880]  }
0x500: {  	v12 =	vld [tilespmem:s10+$0x19690]  }
0x501: {  	v13 =	vld [tilespmem:s10+$0x6890]  }
0x502: {  	v14 =	vld [tilespmem:s10+$0x196A0]  }
0x503: {  	v45 =	vld [tilespmem:s10+$0x196B0]  }
0x504: {  	v15 =	vld [tilespmem:s10+$0x19670]  }
0x505: {  	v47 =	vld [tilespmem:s10+$0x196C0]  }
0x506: {  	v48 =	vld [tilespmem:s10+$0x68C0]  }
0x507: {  	v16 =	vld [tilespmem:s10+$0x6870]  }
0x508: {  	v49 =	vld [tilespmem:s10+$0x196D0]  }
0x509: {  	v17 =	vld [tilespmem:s10+$0x68D0]  }
0x50a: {  	v18 =	vld [tilespmem:s10+$0x19700]  }
0x50b: {  	v19 =	vld [tilespmem:s10+$0x6900]  }
0x50c: {  	v20 =	vld [tilespmem:s10+$0x19710]  }
0x50d: {  	v21 =	vld [tilespmem:s10+$0x6910]  }
0x50e: {  	v22 =	vld [tilespmem:s10+$0x19720]  }
0x50f: {  	v50 =	vld [tilespmem:s10+$0x6920]  }
0x510: {  	v51 =	vld [tilespmem:s10+$0x19730]  }
0x511: {  	v23 =	vld [tilespmem:s10+$0x196E0]  }
0x512: {  	v53 =	vld [tilespmem:s10+$0x19740]  }
0x513: {  	v0 =	vadd.f32 v1, v0;
	v1 =	vld [tilespmem:s10+$0x19630]  }
0x514: {  	v54 =	vld [tilespmem:s10+$0x6940]  }
0x515: {  	v55 =	vld [tilespmem:s10+$0x68E0]  }
0x516: {  	v56 =	vld [tilespmem:s10+$0x19750];
	v10 =	vadd.f32 v11, v10  }
0x517: {  	v46 =	vadd.f32 v13, v12;
	[tilespmem:s10+$0x19600] =	vst v0;
	v0 =	vadd.f32 v3, v2;
	v2 =	vld [tilespmem:s10+$0x19640]  }
0x518: {  	[tilespmem:s10+$0x19680] =	vst v10;
	v1 =	vadd.f32 v6, v1;
	v6 =	vld [tilespmem:s10+$0x68A0]  }
0x519: {  	v18 =	vadd.f32 v19, v18;
	v3 =	vld [tilespmem:s10+$0x6840];
	[tilespmem:s10+$0x19690] =	vst v46  }
0x51a: {  	v52 =	vadd.f32 v21, v20;
	[tilespmem:s10+$0x19610] =	vst v0;
	v0 =	vadd.f32 v5, v4;
	v4 =	vld [tilespmem:s10+$0x19650]  }
0x51b: {  	[tilespmem:s10+$0x19700] =	vst v18;
	v5 =	vld [tilespmem:s10+$0x6850]  }
0x51c: {  	v57 =	vld [tilespmem:s10+$0x196F0];
	v7 =	vadd.f32 v8, v7;
	[tilespmem:s10+$0x19710] =	vst v52  }
0x51d: {  	[tilespmem:s10+$0x19620] =	vst v0;
	v0 =	vld [tilespmem:s10+$0x19660];
	v6 =	vadd.f32 v6, v14  }
0x51e: {  	v58 =	vld [tilespmem:s10+$0x19760];
	[tilespmem:s10+$0x197F0] =	vst v7  }
0x51f: {  	v2 =	vadd.f32 v3, v2;
	[tilespmem:s10+$0x196A0] =	vst v6;
	v6 =	vld [tilespmem:s10+$0x6930]  }
0x520: {  	[tilespmem:s10+$0x19630] =	vst v1;
	v1 =	vld [tilespmem:s10+$0x68B0];
	v4 =	vadd.f32 v5, v4  }
0x521: {  	v59 =	vld [tilespmem:s10+$0x6960];
	[tilespmem:s10+$0x19640] =	vst v2;
	v14 =	vadd.f32 v50, v22  }
0x522: {  	v5 =	vld [tilespmem:s10+$0x19780];
	v0 =	vadd.f32 v9, v0;
	[tilespmem:s10+$0x19650] =	vst v4  }
0x523: {  	v2 =	vld [tilespmem:s10+$0x6980];
	v4 =	vadd.f32 v16, v15;
	[tilespmem:s10+$0x19720] =	vst v14  }
0x524: {  	v60 =	vld [tilespmem:s10+$0x6990];
	[tilespmem:s10+$0x19660] =	vst v0;
	v6 =	vadd.f32 v6, v51  }
0x525: {  	v7 =	vld [tilespmem:s10+$0x19790];
	v1 =	vadd.f32 v1, v45;
	[tilespmem:s10+$0x19670] =	vst v4  }
0x526: {  	v0 =	vadd.f32 v48, v47;
	[tilespmem:s10+$0x19730] =	vst v6;
	v6 =	vld [tilespmem:s10+$0x68F0]  }
0x527: {  	v61 =	vld [tilespmem:s10+$0x197A0];
	v4 =	vadd.f32 v17, v49;
	[tilespmem:s10+$0x196B0] =	vst v1  }
0x528: {  	v63 =	vld [tilespmem:s10+$0x6970];
	v2 =	vadd.f32 v2, v5;
	[tilespmem:s10+$0x196C0] =	vst v0  }
0x529: {  	v1 =	vld [tilespmem:s10+$0x6950];
	v0 =	vadd.f32 v55, v23;
	[tilespmem:s10+$0x196D0] =	vst v4  }
0x52a: {  	v3 =	vld [tilespmem:s10+$0x19770];
	[tilespmem:s10+$0x19780] =	vst v2;
	v2 =	vadd.f32 v60, v7  }
0x52b: {  	v62 =	vld [tilespmem:s10+$0x69A0];
	[tilespmem:s10+$0x196E0] =	vst v0;
	v0 =	vadd.f32 v6, v57  }
0x52c: {  	v5 =	vld [tilespmem:s10+$0x69B0];
	[tilespmem:s10+$0x19790] =	vst v2;
	v6 =	vadd.f32 v54, v53  }
0x52d: {  	v4 =	vld [tilespmem:s10+$0x197B0];
	v7 =	vadd.f32 v59, v58;
	[tilespmem:s10+$0x196F0] =	vst v0  }
0x52e: {  	v0 =	vld [tilespmem:s10+$0x197C0];
	[tilespmem:s10+$0x19740] =	vst v6;
	v6 =	vadd.f32 v1, v56  }
0x52f: {  	[tilespmem:s10+$0x19760] =	vst v7;
	v7 =	vadd.f32 v63, v3;
	v1 =	vld [tilespmem:s10+$0x69C0]  }
0x530: {  	v2 =	vld [tilespmem:s10+$0x197D0];
	[tilespmem:s10+$0x19750] =	vst v6;
	v6 =	vadd.f32 v62, v61  }
0x531: {  	v3 =	vld [tilespmem:s10+$0x69D0];
	[tilespmem:s10+$0x19770] =	vst v7  }
0x532: {  	s20 =	simm.s32 $0x800;
	s12 =	simm.s32 $0x98;
	v5 =	vadd.f32 v5, v4;
	v4 =	vld [tilespmem:s10+$0x197E0];
	[tilespmem:s10+$0x197A0] =	vst v6  }
.LBB2_19:
0x533: {  	s0 =	sshra.s32 s20, $0x2;
	v6 =	vld [tilespmem:s10+$0x69E0]  }
0x534: {  	s12 =	sadd.s32 $0x4, s12;
	v7 =	vld [tilespmem:s0+$0x197F0];
	[tilespmem:s10+$0x197B0] =	vst v5;
	v0 =	vadd.f32 v1, v0  }
0x535: {  	p0 =	slt.u32 s12, $0x124;
	v1 =	vld [tilespmem:s0+$0x69F0]  }
0x536: {  	v5 =	vld [tilespmem:s0+$0x19600];
	[tilespmem:s10+$0x197C0] =	vst v0;
	v0 =	vadd.f32 v3, v2  }
0x537: {  	v2 =	vld [tilespmem:s0+$0x6800]  }
0x538: {  	v3 =	vld [tilespmem:s0+$0x19610];
	[tilespmem:s10+$0x197D0] =	vst v0;
	v0 =	vadd.f32 v6, v4  }
0x539: {  	v4 =	vld [tilespmem:s0+$0x6810]  }
0x53a: {  	v6 =	vld [tilespmem:s0+$0x19620];
	v1 =	vadd.f32 v1, v7;
	[tilespmem:s10+$0x197E0] =	vst v0;
	s10 =	smov.u32 s0  }
0x53b: {  	v0 =	vld [tilespmem:s10+$0x6820]  }
0x53c: {  	v2 =	vadd.f32 v2, v5;
	v5 =	vld [tilespmem:s10+$0x19630];
	[tilespmem:s10+$0x197F0] =	vst v1  }
0x53d: {  	v1 =	vld [tilespmem:s10+$0x6830]  }
0x53e: {  	[tilespmem:s10+$0x19600] =	vst v2;
	v2 =	vadd.f32 v4, v3;
	v3 =	vld [tilespmem:s10+$0x19640]  }
0x53f: {  	v4 =	vld [tilespmem:s10+$0x6840]  }
0x540: {  	[tilespmem:s10+$0x19610] =	vst v2;
	v0 =	vadd.f32 v0, v6;
	v2 =	vld [tilespmem:s10+$0x19650]  }
0x541: {  	v6 =	vld [tilespmem:s10+$0x6850]  }
0x542: {  	[tilespmem:s10+$0x19620] =	vst v0;
	v0 =	vadd.f32 v1, v5;
	v1 =	vld [tilespmem:s10+$0x19660]  }
0x543: {  	v5 =	vld [tilespmem:s10+$0x6860]  }
0x544: {  	[tilespmem:s10+$0x19630] =	vst v0;
	v0 =	vadd.f32 v4, v3;
	v3 =	vld [tilespmem:s10+$0x19670]  }
0x545: {  	v4 =	vld [tilespmem:s10+$0x6870]  }
0x546: {  	[tilespmem:s10+$0x19640] =	vst v0;
	v0 =	vadd.f32 v6, v2;
	v2 =	vld [tilespmem:s10+$0x19680]  }
0x547: {  	v6 =	vld [tilespmem:s10+$0x6880]  }
0x548: {  	[tilespmem:s10+$0x19650] =	vst v0;
	v0 =	vadd.f32 v5, v1;
	v1 =	vld [tilespmem:s10+$0x19690]  }
0x549: {  	v5 =	vld [tilespmem:s10+$0x6890]  }
0x54a: {  	[tilespmem:s10+$0x19660] =	vst v0;
	v0 =	vadd.f32 v4, v3;
	v3 =	vld [tilespmem:s10+$0x196A0]  }
0x54b: {  	v4 =	vld [tilespmem:s10+$0x68A0]  }
0x54c: {  	[tilespmem:s10+$0x19670] =	vst v0;
	v0 =	vadd.f32 v6, v2;
	v2 =	vld [tilespmem:s10+$0x196B0]  }
0x54d: {  	v6 =	vld [tilespmem:s10+$0x68B0]  }
0x54e: {  	[tilespmem:s10+$0x19680] =	vst v0;
	v0 =	vadd.f32 v5, v1;
	v1 =	vld [tilespmem:s10+$0x196C0]  }
0x54f: {  	v5 =	vld [tilespmem:s10+$0x68C0]  }
0x550: {  	[tilespmem:s10+$0x19690] =	vst v0;
	v0 =	vadd.f32 v4, v3;
	v3 =	vld [tilespmem:s10+$0x196D0]  }
0x551: {  	v4 =	vld [tilespmem:s10+$0x68D0]  }
0x552: {  	[tilespmem:s10+$0x196A0] =	vst v0;
	v0 =	vadd.f32 v6, v2;
	v2 =	vld [tilespmem:s10+$0x196E0]  }
0x553: {  	v6 =	vld [tilespmem:s10+$0x68E0]  }
0x554: {  	[tilespmem:s10+$0x196B0] =	vst v0;
	v0 =	vadd.f32 v5, v1;
	v1 =	vld [tilespmem:s10+$0x196F0]  }
0x555: {  	v5 =	vld [tilespmem:s10+$0x68F0]  }
0x556: {  	[tilespmem:s10+$0x196C0] =	vst v0;
	v0 =	vadd.f32 v4, v3;
	v3 =	vld [tilespmem:s10+$0x19700]  }
0x557: {  	v4 =	vld [tilespmem:s10+$0x6900]  }
0x558: {  	[tilespmem:s10+$0x196D0] =	vst v0;
	v0 =	vadd.f32 v6, v2;
	v2 =	vld [tilespmem:s10+$0x19710]  }
0x559: {  	v6 =	vld [tilespmem:s10+$0x6910]  }
0x55a: {  	[tilespmem:s10+$0x196E0] =	vst v0;
	v0 =	vadd.f32 v5, v1;
	v1 =	vld [tilespmem:s10+$0x19720]  }
0x55b: {  	v5 =	vld [tilespmem:s10+$0x6920]  }
0x55c: {  	[tilespmem:s10+$0x196F0] =	vst v0;
	v0 =	vadd.f32 v4, v3;
	v3 =	vld [tilespmem:s10+$0x19730]  }
0x55d: {  	v4 =	vld [tilespmem:s10+$0x6930]  }
0x55e: {  	[tilespmem:s10+$0x19700] =	vst v0;
	v0 =	vadd.f32 v6, v2;
	v2 =	vld [tilespmem:s10+$0x19740]  }
0x55f: {  	v6 =	vld [tilespmem:s10+$0x6940]  }
0x560: {  	[tilespmem:s10+$0x19710] =	vst v0;
	v0 =	vadd.f32 v5, v1;
	v1 =	vld [tilespmem:s10+$0x19750]  }
0x561: {  	v5 =	vld [tilespmem:s10+$0x6950]  }
0x562: {  	[tilespmem:s10+$0x19720] =	vst v0;
	v0 =	vadd.f32 v4, v3;
	v3 =	vld [tilespmem:s10+$0x19760]  }
0x563: {  	v4 =	vld [tilespmem:s10+$0x6960]  }
0x564: {  	[tilespmem:s10+$0x19730] =	vst v0;
	v0 =	vadd.f32 v6, v2;
	v2 =	vld [tilespmem:s10+$0x19770]  }
0x565: {  	v6 =	vld [tilespmem:s10+$0x6970]  }
0x566: {  	[tilespmem:s10+$0x19740] =	vst v0;
	v0 =	vadd.f32 v5, v1;
	v1 =	vld [tilespmem:s10+$0x19780]  }
0x567: {  	v5 =	vld [tilespmem:s10+$0x6980]  }
0x568: {  	[tilespmem:s10+$0x19750] =	vst v0;
	v0 =	vadd.f32 v4, v3;
	v3 =	vld [tilespmem:s10+$0x19790]  }
0x569: {  	v4 =	vld [tilespmem:s10+$0x6990]  }
0x56a: {  	[tilespmem:s10+$0x19760] =	vst v0;
	v0 =	vadd.f32 v6, v2;
	v2 =	vld [tilespmem:s10+$0x197A0]  }
0x56b: {  	v6 =	vld [tilespmem:s10+$0x69A0]  }
0x56c: {  	[tilespmem:s10+$0x19770] =	vst v0;
	v0 =	vadd.f32 v5, v1;
	v5 =	vld [tilespmem:s10+$0x197B0]  }
0x56d: {  	v7 =	vld [tilespmem:s10+$0x69B0]  }
.Ltmp8:
0x56e: {  	[tilespmem:s10+$0x19780] =	vst v0;
	v3 =	vadd.f32 v4, v3;
	v0 =	vld [tilespmem:s10+$0x197C0];
	(pc) =	sbr.rel @p0 .LBB2_19-.Ltmp8, $4  }
0x56f: {  	v1 =	vld [tilespmem:s10+$0x69C0]  }
0x570: {  	[tilespmem:s10+$0x19790] =	vst v3;
	v4 =	vadd.f32 v6, v2;
	v2 =	vld [tilespmem:s10+$0x197D0]  }
0x571: {  	v3 =	vld [tilespmem:s10+$0x69D0]  }
0x572: {  	s20 =	sadd.s32 $0x800, s20;
	[tilespmem:s10+$0x197A0] =	vst v4;
	v5 =	vadd.f32 v7, v5;
	v4 =	vld [tilespmem:s10+$0x197E0]  }
0x573: {  	v6 =	vld [tilespmem:s10+$0x69E0];
	_ =	sdelay $0x1  }
0x574: {  	s25 =	sadd.s32 $0x1, s25  }
0x575: {  	v0 =	vadd.f32 v1, v0;
	p0 =	sne.s32 s25, $0x10  }
.Ltmp9:
0x576: {  	[tilespmem:s10+$0x197B0] =	vst v5;
	v62 =	vadd.f32 v3, v2;
	(pc) =	sbr.rel @p0 .LBB2_4-.Ltmp9, $4  }
0x577: {  	[tilespmem:s10+$0x197C0] =	vst v0;
	v63 =	vadd.f32 v6, v4  }
0x578: {  	[tilespmem:s10+$0x197D0] =	vst v62  }
0x579: {  	s0 =	sadd.s32 s6, s16;
	[tilespmem:s10+$0x197E0] =	vst v63  }
0x57a: {  	[hbm4b:s0+s4] =	stream.linear.scatter [tilespmem:s8], [sflag:$0xC], $0x4800, $0x38;
	[tilespmem:$0x1DE00] =	vst v63  }
0x57b: {  	_ =	swait.ge [sflag:s18], $0x4C00  }
0x57c: {  	[sflag:s18] =	ssyncset.done $0x0  }
0x57d: {  	[sflag:s18] =	ssyncadd.s32 $0xFFFFB400  }
0x57e: {  	_ =	swait.ge [sflag:s23], $0x4800  }
0x57f: {  	[sflag:s23] =	ssyncset.done $0x0  }
0x580: {  	[sflag:s23] =	ssyncadd.s32 $0xFFFFB800  }
0x581: {  	_ =	swait.ge [sflag:s11], $0x4C00  }
0x582: {  	[sflag:s11] =	ssyncset.done $0x0  }
0x583: {  	[sflag:s11] =	ssyncadd.s32 $0xFFFFB400  }
0x584: {  	_ =	swait.ge [sflag:s1], $0x4800  }
0x585: {  	s6 =	rddreg [dreg:$0xe]  }
0x586: {  	s0 =	rddreg [dreg:$0xc];
	s6 =	sadd.s32 $0x1, s6  }
0x587: {  	p0 =	sne.s32 s6, s0  }
.Ltmp10:
0x588: {  	_ = 	snop;
	(pc) =	sbr.rel @p0 .LBB2_1-.Ltmp10, $3  }
0x589: {  	_ =	sdelay $0x1  }
0x58a: {  	[sflag:s1] =	ssyncset.done $0x0  }
0x58b: {  	s12 =	simm.s32 $0x1;
	s19 =	simm.s32 $0x2;
	[sflag:s1] =	ssyncadd.s32 $0xFFFFB800  }
0x58c: {  	_ =	sfence.sel $0x180000  }
0x58d: {  	[bflag:$0x0] =	sbarrier.arrive $0xFFFF  }
0x58e: {  	_ =	strace $0x90000047  }
0x58f: {  	s0 =	stileid.u32;
	[bflag:$0x2] =	sbarrier.arrive $0xFFFF  }
0x590: {  	p0 =	sne.s32 s0, $0x0;
	s0 =	rddreg [dreg:$0x4]  }
0x591: {  	s0 =	sadd.s32 @!p0 $0x100000, s0  }
0x592: {  	[sflag:s0] =	ssyncadd.tile.s32 @!p0 $0x1;
	_ =	shalt  }
.Lfunc_end2:
_tile_overlayer_lowered:
.L_overlay_start_2:
0x593: {  	(tag) =	ssettag $0x2  }
0x594: {  	s0 =	rddreg [dreg:$0x0];
	s2 =	stileid.u32  }
0x595: {  	s1 =	rddreg [dreg:$0x1];
	p0 =	sne.s32 s2, $0x0  }
0x596: {  	s3 =	rddreg [dreg:$0x2];
	[bflag:$0x3] =	sbarrier.arrive $0xFFFF;
	s2 =	simm.s32 @!p0 $0x1C0D  }
0x597: {  	[timem:s3], [sflag:s2] =	dma.local @!p0 [hbm:s0], s1  }
0x598: {  	s0 =	simm.s32 @!p0 $0xD  }
0x599: {  	_ =	swait.ge @!p0 [sflag:s0], s1  }
0x59a: {  	s1 =	ssub.s32 @!p0 $0x0, s1;
	[sflag:s0] =	ssyncset.done @!p0 $0x0  }
0x59b: {  	[sflag:s0] =	ssyncadd.s32 @!p0 s1  }
0x59c: {  	[bflag:$0x3] =	sbarrier.arrive $0xFFFF  }
0x59d: {  	_ =	shalt  }

</sc_bundles>
